<compile_context>
chip_gen: v7x
topology: tpu7x:2x2x1
jax: 0.10.2.dev20260603
libtpu: 0.0.44.dev20260713+nightly
codegen_flags: <defaults>
</compile_context>

<pallas_src>
import functools

import jax
import jax.numpy as jnp
from jax import lax
from jax.experimental import pallas as pl
from jax.experimental.pallas import tpu as pltpu
from jax.experimental.pallas import tpu_sc as plsc

_N_DIS = 4096
_N_GENE = 8192
_N_CAT = _N_DIS + _N_GENE
_E = 262144
_D = 256
_HD = 128
_OUT = 64
_ROW_BLK = 256
_C = 128
_NS = 16
_EPS = _E // _NS
_NROW = _EPS // _C
_NPH = 4
_PROW = _NROW // _NPH
_GS = _N_GENE // _NS
_DS = _N_DIS // _NS


def _mesh():
    return plsc.VectorSubcoreMesh(core_axis_name="c", subcore_axis_name="s")


def _sc_seg(tcat, scat, dcat, zer):

    @functools.partial(
        pl.kernel,
        out_type=jax.ShapeDtypeStruct((_N_CAT, _HD), jnp.float32),
        mesh=_mesh(),
        scratch_types=[
            pltpu.VMEM((_PROW, _C), jnp.int32),
            pltpu.VMEM((_PROW, _C), jnp.int32),
            pltpu.VMEM((_C, _HD), jnp.float32),
            pltpu.VMEM((_C, _HD), jnp.float32),
            pltpu.VMEM((_C, _HD), jnp.float32),
            pltpu.VMEM_SHARED((_N_GENE, _HD), jnp.float32),
            pltpu.SemaphoreType.DMA,
            pltpu.SemaphoreType.DMA,
            pltpu.SemaphoreType.DMA,
            pltpu.SemaphoreType.DMA,
            pltpu.SemaphoreType.DMA,
            pltpu.SemaphoreType.DMA,
        ],
    )
    def k(tr, sr, dr, zr, out,
          idx_s, idx_d, gbuf0, gbuf1, gbuf2, acc,
          gsem0, gsem1, gsem2, ssem0, ssem1, ssem2):
        c = lax.axis_index("c")
        s = lax.axis_index("s")
        bufs = (gbuf0, gbuf1, gbuf2)
        gsems = (gsem0, gsem1, gsem2)
        ssems = (ssem0, ssem1, ssem2)

        pltpu.sync_copy(zr, acc.at[pl.ds(s * _GS, _GS)])
        plsc.subcore_barrier()

        def gwait(k_, row):
            pltpu.make_async_copy(tr.at[idx_s.at[row]], bufs[k_],
                                  gsems[k_]).wait()

        def sissue(k_, row):
            pltpu.async_copy(bufs[k_], acc.at[idx_d.at[row]], ssems[k_],
                             add=True)

        def swait(k_, row):
            pltpu.make_async_copy(bufs[k_], acc.at[idx_d.at[row]],
                                  ssems[k_]).wait()

        def gissue(k_, row):
            pltpu.async_copy(tr.at[idx_s.at[row]], bufs[k_], gsems[k_])

        for phase in range(_NPH):
            off = c * (_E // _C) + s * _NROW + phase * _PROW
            pltpu.sync_copy(sr.at[pl.ds(off, _PROW)], idx_s)
            pltpu.sync_copy(dr.at[pl.ds(off, _PROW)], idx_d)
            gissue(0, 0)
            gissue(1, 1)
            gwait(0, 0); sissue(0, 0); gissue(2, 2)
            gwait(1, 1); sissue(1, 1); swait(0, 0); gissue(0, 3)
            gwait(2, 2); sissue(2, 2); swait(1, 1); gissue(1, 4)

            def body(i, carry):
                base = 3 + 3 * i
                for k_ in range(3):
                    a = base + k_
                    m = (k_ + 2) % 3
                    gwait(k_, a)
                    sissue(k_, a)
                    swait(m, a - 1)
                    gissue(m, a + 2)
                return carry

            lax.fori_loop(0, (_PROW - 5) // 3, body, 0)
            gwait(0, _PROW - 2); sissue(0, _PROW - 2); swait(2, _PROW - 3)
            gwait(1, _PROW - 1); sissue(1, _PROW - 1); swait(0, _PROW - 2)
            swait(1, _PROW - 1)

        plsc.subcore_barrier()

        @pl.when(c == 0)
        def _():
            pltpu.sync_copy(acc.at[pl.ds(s * _GS, _GS)],
                            out.at[pl.ds(_N_DIS + s * _GS, _GS)])

        @pl.when(c == 1)
        def _():
            pltpu.sync_copy(acc.at[pl.ds(s * _DS, _DS)],
                            out.at[pl.ds(s * _DS, _DS)])

    return k(tcat, scat, dcat, zer)


def _sc_counts(dcat, ones_r, zer):

    @functools.partial(
        pl.kernel,
        out_type=jax.ShapeDtypeStruct((_N_CAT, _HD), jnp.float32),
        mesh=_mesh(),
        scratch_types=[
            pltpu.VMEM((_NROW, _C), jnp.int32),
            pltpu.VMEM((_C, _HD), jnp.float32),
            pltpu.VMEM_SHARED((_N_GENE, _HD), jnp.float32),
            pltpu.SemaphoreType.DMA,
        ],
    )
    def k(dr, onesr, zr, cnt, idx_d, obuf, acc, ssem):
        c = lax.axis_index("c")
        s = lax.axis_index("s")
        pltpu.sync_copy(zr, acc.at[pl.ds(s * _GS, _GS)])
        pltpu.sync_copy(onesr, obuf)
        pltpu.sync_copy(dr.at[pl.ds(c * (_E // _C) + s * _NROW, _NROW)], idx_d)
        plsc.subcore_barrier()

        def body(i, carry):
            pltpu.async_copy(obuf, acc.at[idx_d.at[i]], ssem, add=True)
            return carry

        lax.fori_loop(0, _NROW, body, 0)

        def drain(i, carry):
            pltpu.make_async_copy(obuf, acc.at[idx_d.at[0]], ssem).wait()
            return carry

        lax.fori_loop(0, _NROW, drain, 0)
        plsc.subcore_barrier()

        @pl.when(c == 0)
        def _():
            pltpu.sync_copy(acc.at[pl.ds(s * _GS, _GS)],
                            cnt.at[pl.ds(_N_DIS + s * _GS, _GS)])

        @pl.when(c == 1)
        def _():
            pltpu.sync_copy(acc.at[pl.ds(s * _DS, _DS)],
                            cnt.at[pl.ds(s * _DS, _DS)])

    return k(dcat, ones_r, zer)


def _compose_body(wl1dg_ref, wr1dg_ref, b1dg_ref, wl1gd_ref, wr1gd_ref,
                  b1gd_ref, wl2dg_ref, wr2dg_ref, b2dg_ref, wl2gd_ref,
                  wr2gd_ref, b2gd_ref, wmud_ref, bmud_ref, wmug_ref,
                  bmug_ref, wqd_ref, wxg_ref, bxg_ref, wqg_ref, wxd_ref,
                  bxd_ref):
    dot = functools.partial(jnp.dot, preferred_element_type=jnp.float32)
    a_d = dot(wl2gd_ref[...], wmud_ref[...])
    b_g = dot(wr2dg_ref[...], wmug_ref[...])
    c_g = dot(b2dg_ref[...], wmug_ref[...]) + bmug_ref[...]
    a_g = dot(wl2dg_ref[...], wmug_ref[...])
    b_d = dot(wr2gd_ref[...], wmud_ref[...])
    c_d = dot(b2gd_ref[...], wmud_ref[...]) + bmud_ref[...]

    wqd_ref[:, :_OUT] = dot(wl1dg_ref[...], a_d)
    wqd_ref[:, _OUT:] = dot(wl1dg_ref[...], b_g)
    wxg_ref[:, :_OUT] = dot(wr1dg_ref[...], a_d)
    wxg_ref[:, _OUT:] = dot(wr1dg_ref[...], b_g)
    bxg_ref[:, :_OUT] = dot(b1dg_ref[...], a_d)
    bxg_ref[:, _OUT:] = dot(b1dg_ref[...], b_g) + c_g

    wqg_ref[:, :_OUT] = dot(wl1gd_ref[...], a_g)
    wqg_ref[:, _OUT:] = dot(wl1gd_ref[...], b_d)
    wxd_ref[:, :_OUT] = dot(wr1gd_ref[...], a_g)
    wxd_ref[:, _OUT:] = dot(wr1gd_ref[...], b_d)
    bxd_ref[:, :_OUT] = dot(b1gd_ref[...], a_g)
    bxd_ref[:, _OUT:] = dot(b1gd_ref[...], b_d) + c_d


def _compose(wl1dg, wr1dg, b1dg, wl1gd, wr1gd, b1gd,
             wl2dg, wr2dg, b2dg, wl2gd, wr2gd, b2gd,
             wmud, bmud, wmug, bmug):
    full = lambda shp: pl.BlockSpec(shp, lambda: tuple(0 for _ in shp))
    mat = full((_D, _D))
    row = full((1, _D))
    omat = full((_D, _HD))
    orow = full((1, _HD))
    return pl.pallas_call(
        _compose_body,
        grid=(),
        in_specs=[mat, mat, row, mat, mat, row,
                  mat, mat, row, mat, mat, row,
                  full((_D, _OUT)), full((1, _OUT)),
                  full((_D, _OUT)), full((1, _OUT))],
        out_specs=[omat, omat, orow, omat, omat, orow],
        out_shape=[
            jax.ShapeDtypeStruct((_D, _HD), jnp.float32),
            jax.ShapeDtypeStruct((_D, _HD), jnp.float32),
            jax.ShapeDtypeStruct((1, _HD), jnp.float32),
            jax.ShapeDtypeStruct((_D, _HD), jnp.float32),
            jax.ShapeDtypeStruct((_D, _HD), jnp.float32),
            jax.ShapeDtypeStruct((1, _HD), jnp.float32),
        ],
    )(wl1dg, wr1dg, b1dg.reshape(1, _D), wl1gd, wr1gd, b1gd.reshape(1, _D),
      wl2dg, wr2dg, b2dg.reshape(1, _D), wl2gd, wr2gd, b2gd.reshape(1, _D),
      wmud, bmud.reshape(1, _OUT), wmug, bmug.reshape(1, _OUT))


def _proj_body(x_ref, wq_ref, wx_ref, bx_ref, q_ref, x_out_ref):
    q_ref[...] = jnp.dot(x_ref[...], wq_ref[...],
                         preferred_element_type=jnp.float32)
    x_out_ref[...] = (
        jnp.dot(x_ref[...], wx_ref[...], preferred_element_type=jnp.float32)
        + bx_ref[...]
    )


def _proj(x, wq, wx, bx):
    n = x.shape[0]
    grid = (n // _ROW_BLK,)
    blk = pl.BlockSpec((_ROW_BLK, _D), lambda i: (i, 0))
    oblk = pl.BlockSpec((_ROW_BLK, _HD), lambda i: (i, 0))
    return pl.pallas_call(
        _proj_body,
        grid=grid,
        in_specs=[blk,
                  pl.BlockSpec((_D, _HD), lambda i: (0, 0)),
                  pl.BlockSpec((_D, _HD), lambda i: (0, 0)),
                  pl.BlockSpec((1, _HD), lambda i: (0, 0))],
        out_specs=[oblk, oblk],
        out_shape=[jax.ShapeDtypeStruct((n, _HD), jnp.float32),
                   jax.ShapeDtypeStruct((n, _HD), jnp.float32)],
    )(x, wq, wx, bx)


def _tu_body(r_ref, c_ref, x_ref, o_ref):
    inv = 1.0 / jnp.maximum(c_ref[...], 1.0)
    o_ref[...] = r_ref[...] * inv + x_ref[...]


def _tu(r1, cnt, xcat):
    grid = (_N_CAT // _ROW_BLK,)
    blk = pl.BlockSpec((_ROW_BLK, _HD), lambda i: (i, 0))
    return pl.pallas_call(
        _tu_body,
        grid=grid,
        in_specs=[blk, blk, blk],
        out_specs=blk,
        out_shape=jax.ShapeDtypeStruct((_N_CAT, _HD), jnp.float32),
    )(r1, cnt, xcat)


def _decoder_body(sd_ref, cd_ref, tud_ref, sg_ref, cg_ref, tug_ref, o_ref):
    inv_d = 1.0 / jnp.maximum(cd_ref[:, :_OUT], 1.0)
    mu_d = sd_ref[:, :_OUT] * inv_d + tud_ref[:, _OUT:]
    inv_g = 1.0 / jnp.maximum(cg_ref[:, :_OUT], 1.0)
    mu_g = sg_ref[:, :_OUT] * inv_g + tug_ref[:, _OUT:]
    o_ref[...] = jax.lax.dot_general(
        mu_d, mu_g, (((1,), (1,)), ((), ())),
        preferred_element_type=jnp.float32)


def _decoder(s2, cnt, tu):
    bm, bn = 512, 1024
    grid = (_N_DIS // bm, _N_GENE // bn)
    dblk = pl.BlockSpec((bm, _HD), lambda i, j: (i, 0))
    gblk = pl.BlockSpec((bn, _HD), lambda i, j: (_N_DIS // bn + j, 0))
    return pl.pallas_call(
        _decoder_body,
        grid=grid,
        in_specs=[dblk, dblk, dblk, gblk, gblk, gblk],
        out_specs=pl.BlockSpec((bm, bn), lambda i, j: (i, j)),
        out_shape=jax.ShapeDtypeStruct((_N_DIS, _N_GENE), jnp.float32),
    )(s2, cnt, tu, s2, cnt, tu)


def kernel(x_disease, x_gene, edge_index_d2g, edge_index_g2d,
           W_l1_d2g, W_r1_d2g, b1_d2g, W_l1_g2d, W_r1_g2d, b1_g2d,
           W_l2_d2g, W_r2_d2g, b2_d2g, W_l2_g2d, W_r2_g2d, b2_g2d,
           W_mu_d, b_mu_d, W_lv_d, b_lv_d, W_mu_g, b_mu_g, W_lv_g, b_lv_g):
    s1, d1i = edge_index_d2g[0], edge_index_d2g[1]
    s2, d2i = edge_index_g2d[0], edge_index_g2d[1]
    scat = jnp.concatenate([s1, s2 + _N_DIS]).reshape(2 * _E // _C, _C)
    dcat = jnp.concatenate([d1i, d2i]).reshape(2 * _E // _C, _C)
    zer = jnp.zeros((_GS, _HD), jnp.float32)
    ones_r = jnp.ones((_C, _HD), jnp.float32)

    wqd, wxg, bxg, wqg, wxd, bxd = _compose(
        W_l1_d2g, W_r1_d2g, b1_d2g, W_l1_g2d, W_r1_g2d, b1_g2d,
        W_l2_d2g, W_r2_d2g, b2_d2g, W_l2_g2d, W_r2_g2d, b2_g2d,
        W_mu_d, b_mu_d, W_mu_g, b_mu_g)

    q_d, x_d = _proj(x_disease, wqd, wxd, bxd)
    q_g, x_g = _proj(x_gene, wqg, wxg, bxg)
    qcat = jnp.concatenate([q_d, q_g], axis=0)
    xcat = jnp.concatenate([x_d, x_g], axis=0)

    cnt = _sc_counts(dcat, ones_r, zer)
    r1 = _sc_seg(qcat, scat, dcat, zer)
    tu = _tu(r1, cnt, xcat)
    s2sum = _sc_seg(tu, scat, dcat, zer)
    return _decoder(s2sum, cnt, tu)

# --- scband reference (transcript-rebuilt; emitter-appended) ---
"""Pipeline reference for scband-hetero-vgae-86526411145905 (READ-ONLY COPY).

The authoritative reference and input builder live on the scoring server;
editing this copy changes nothing except your own understanding.
"""

import jax, jax.numpy as jnp
import numpy as np

N_DIS = 4096
N_GENE = 8192
E = 262144
IN_DIS = 256
IN_GENE = 256
H = 256
HV = 256
OUT = 64


def _glorot(k, fan_in, fan_out):
    return jax.random.normal(k, (fan_in, fan_out), jnp.float32) * (1.0 / np.sqrt(fan_in))


def setup_inputs(seed: int = 0):
    key = jax.random.key(seed)
    ks = jax.random.split(key, 20)
    inp = {}
    inp["x_disease"] = jax.random.normal(ks[0], (N_DIS, IN_DIS), jnp.float32)
    inp["x_gene"] = jax.random.normal(ks[1], (N_GENE, IN_GENE), jnp.float32)
    src = jax.random.randint(ks[2], (E,), 0, N_DIS, jnp.int32)
    dst = jax.random.randint(ks[3], (E,), 0, N_GENE, jnp.int32)
    inp["edge_index_d2g"] = jnp.stack([src, dst])
    src2 = jax.random.randint(ks[4], (E,), 0, N_GENE, jnp.int32)
    dst2 = jax.random.randint(ks[5], (E,), 0, N_DIS, jnp.int32)
    inp["edge_index_g2d"] = jnp.stack([src2, dst2])
    inp["W_l1_d2g"] = _glorot(ks[6], IN_DIS, H)
    inp["W_r1_d2g"] = _glorot(ks[7], IN_GENE, H)
    inp["b1_d2g"] = jnp.zeros((H,), jnp.float32)
    inp["W_l1_g2d"] = _glorot(ks[8], IN_GENE, H)
    inp["W_r1_g2d"] = _glorot(ks[9], IN_DIS, H)
    inp["b1_g2d"] = jnp.zeros((H,), jnp.float32)
    inp["W_l2_d2g"] = _glorot(ks[10], H, HV)
    inp["W_r2_d2g"] = _glorot(ks[11], H, HV)
    inp["b2_d2g"] = jnp.zeros((HV,), jnp.float32)
    inp["W_l2_g2d"] = _glorot(ks[12], H, HV)
    inp["W_r2_g2d"] = _glorot(ks[13], H, HV)
    inp["b2_g2d"] = jnp.zeros((HV,), jnp.float32)
    inp["W_mu_d"] = _glorot(ks[14], HV, OUT)
    inp["b_mu_d"] = jnp.zeros((OUT,), jnp.float32)
    inp["W_lv_d"] = _glorot(ks[15], HV, OUT)
    inp["b_lv_d"] = jnp.zeros((OUT,), jnp.float32)
    inp["W_mu_g"] = _glorot(ks[16], HV, OUT)
    inp["b_mu_g"] = jnp.zeros((OUT,), jnp.float32)
    inp["W_lv_g"] = _glorot(ks[17], HV, OUT)
    inp["b_lv_g"] = jnp.zeros((OUT,), jnp.float32)
    return inp


def _sage(x_src, x_dst, src, dst, n_dst, Wl, Wr, b):
    # bipartite SAGEConv (mean aggr): lin_l(mean_{j->i} x_src[j]) + lin_r(x_dst[i]) + b
    msg = jnp.take(x_src, src, axis=0)
    s = jax.ops.segment_sum(msg, dst, num_segments=n_dst)
    cnt = jax.ops.segment_sum(jnp.ones((src.shape[0],), jnp.float32), dst, num_segments=n_dst)
    mean = s / jnp.clip(cnt, 1.0)[:, None]
    return mean @ Wl + x_dst @ Wr + b


def reference(x_disease, x_gene, edge_index_d2g, edge_index_g2d,
              W_l1_d2g, W_r1_d2g, b1_d2g, W_l1_g2d, W_r1_g2d, b1_g2d,
              W_l2_d2g, W_r2_d2g, b2_d2g, W_l2_g2d, W_r2_g2d, b2_g2d,
              W_mu_d, b_mu_d, W_lv_d, b_lv_d, W_mu_g, b_mu_g, W_lv_g, b_lv_g):
    s1, d1i = edge_index_d2g[0], edge_index_d2g[1]
    s2, d2i = edge_index_g2d[0], edge_index_g2d[1]
    # HeteroConv layer 1 (aggr='sum' trivial: each dst type receives one relation)
    g1 = _sage(x_disease, x_gene, s1, d1i, N_GENE, W_l1_d2g, W_r1_d2g, b1_d2g)
    d1 = _sage(x_gene, x_disease, s2, d2i, N_DIS, W_l1_g2d, W_r1_g2d, b1_g2d)
    # HeteroConv layer 2
    g2 = _sage(d1, g1, s1, d1i, N_GENE, W_l2_d2g, W_r2_d2g, b2_d2g)
    d2 = _sage(g1, d1, s2, d2i, N_DIS, W_l2_g2d, W_r2_g2d, b2_g2d)
    mu_d = d2 @ W_mu_d + b_mu_d
    mu_g = g2 @ W_mu_g + b_mu_g
    logv_d = d2 @ W_lv_d + b_lv_d
    logv_g = g2 @ W_lv_g + b_lv_g
    # VGAE.reparametrize in eval mode returns mu (deterministic)
    z_d = mu_d
    z_g = mu_g
    adj = z_d @ z_g.T
    return adj

if __name__ == "__main__":
    import jax
    _d = setup_inputs()
    print(jax.jit(kernel)(*tuple(_d.values())))

</pallas_src>

<mosaic_0001>
#map = affine_map<(d0, d1) -> (0, 0)>
module attributes {stable_mosaic.version = 14 : i64} {
  func.func @k(%arg0: i32, %arg1: i32, %arg2: memref<12288x128xf32, #tpu.memory_space<hbm>>, %arg3: memref<4096x128xi32, #tpu.memory_space<hbm>>, %arg4: memref<4096x128xi32, #tpu.memory_space<hbm>>, %arg5: memref<512x128xf32, #tpu.memory_space<hbm>>, %arg6: memref<12288x128xf32, #tpu.memory_space<hbm>>, %arg7: memref<32x128xi32, #tpu.memory_space<vmem>>, %arg8: memref<32x128xi32, #tpu.memory_space<vmem>>, %arg9: memref<128x128xf32, #tpu.memory_space<vmem>>, %arg10: memref<128x128xf32, #tpu.memory_space<vmem>>, %arg11: memref<128x128xf32, #tpu.memory_space<vmem>>, %arg12: memref<8192x128xf32, #tpu.memory_space<vmem_shared>>, %arg13: memref<!tpu.dma_semaphore, #tpu.memory_space<semaphore_mem>>, %arg14: memref<!tpu.dma_semaphore, #tpu.memory_space<semaphore_mem>>, %arg15: memref<!tpu.dma_semaphore, #tpu.memory_space<semaphore_mem>>, %arg16: memref<!tpu.dma_semaphore, #tpu.memory_space<semaphore_mem>>, %arg17: memref<!tpu.dma_semaphore, #tpu.memory_space<semaphore_mem>>, %arg18: memref<!tpu.dma_semaphore, #tpu.memory_space<semaphore_mem>>) attributes {dimension_semantics = [#tpu.dimension_semantics<core_parallel>, #tpu.dimension_semantics<subcore_parallel>], iteration_bounds = array<i64: 2, 16>, scalar_prefetch = 0 : i64, scratch_operands = 12 : i64, tpu.core_type = #tpu.core_type<sc_vector_subcore>, window_params = [{transform_indices = #map}, {transform_indices = #map}, {transform_indices = #map}, {transform_indices = #map}, {transform_indices = #map}]} {
    %mul3A = arith.constant 512 : i32
    %mul3A_0 = arith.muli %arg1, %mul3A : i32
    "tpu.region"() ({
      %run_scoped3A = tpu.sem_alloc : memref<!tpu.dma_semaphore, #tpu.memory_space<semaphore_mem>>
      %dma_start3A_617 = arith.constant 0 : i32
      %dma_start3A_618 = tpu.memref_slice %arg12[%mul3A_0, %dma_start3A_617] : memref<8192x128xf32, #tpu.memory_space<vmem_shared>> -> memref<512x128xf32, #tpu.memory_space<vmem_shared>>
      tpu.enqueue_dma source(%arg5 : memref<512x128xf32, #tpu.memory_space<hbm>>) target(%dma_start3A_618 : memref<512x128xf32, #tpu.memory_space<vmem_shared>>) target_semaphore(%run_scoped3A : memref<!tpu.dma_semaphore, #tpu.memory_space<semaphore_mem>>)
      %dma_wait3A_619 = arith.constant 0 : i32
      %dma_wait3A_620 = tpu.memref_slice %arg12[%mul3A_0, %dma_wait3A_619] : memref<8192x128xf32, #tpu.memory_space<vmem_shared>> -> memref<512x128xf32, #tpu.memory_space<vmem_shared>>
      tpu.wait_dma2 semaphore(%run_scoped3A : memref<!tpu.dma_semaphore, #tpu.memory_space<semaphore_mem>>) src(%arg5 : memref<512x128xf32, #tpu.memory_space<hbm>>) dst(%dma_wait3A_620 : memref<512x128xf32, #tpu.memory_space<vmem_shared>>)
      tpu.yield
    }) : () -> ()
    %barrier3A = arith.constant 0 : index
    tpu.barrier barrier_id(%barrier3A)
    %mul3A_1 = arith.constant 2048 : i32
    %mul3A_2 = arith.muli %arg0, %mul3A_1 : i32
    %mul3A_3 = arith.constant 128 : i32
    %mul3A_4 = arith.muli %arg1, %mul3A_3 : i32
    %add3A = arith.addi %mul3A_2, %mul3A_4 : i32
    %add3A_5 = arith.constant 0 : i32
    %add3A_6 = arith.addi %add3A, %add3A_5 : i32
    "tpu.region"() ({
      %run_scoped3A = tpu.sem_alloc : memref<!tpu.dma_semaphore, #tpu.memory_space<semaphore_mem>>
      %dma_start3A_617 = arith.constant 0 : i32
      %dma_start3A_618 = tpu.memref_slice %arg3[%add3A_6, %dma_start3A_617] : memref<4096x128xi32, #tpu.memory_space<hbm>> -> memref<32x128xi32, #tpu.memory_space<hbm>>
      %dma_start3A_619 = arith.constant 0 : i32
      %dma_start3A_620 = tpu.memref_slice %arg3[%add3A_6, %dma_start3A_619] : memref<4096x128xi32, #tpu.memory_space<hbm>> -> memref<32x128xi32, #tpu.memory_space<hbm>>
      tpu.enqueue_dma source(%dma_start3A_620 : memref<32x128xi32, #tpu.memory_space<hbm>>) target(%arg7 : memref<32x128xi32, #tpu.memory_space<vmem>>) target_semaphore(%run_scoped3A : memref<!tpu.dma_semaphore, #tpu.memory_space<semaphore_mem>>)
      %dma_wait3A_621 = arith.constant 0 : i32
      %dma_wait3A_622 = tpu.memref_slice %arg3[%add3A_6, %dma_wait3A_621] : memref<4096x128xi32, #tpu.memory_space<hbm>> -> memref<32x128xi32, #tpu.memory_space<hbm>>
      %dma_wait3A_623 = arith.constant 0 : i32
      %dma_wait3A_624 = tpu.memref_slice %arg3[%add3A_6, %dma_wait3A_623] : memref<4096x128xi32, #tpu.memory_space<hbm>> -> memref<32x128xi32, #tpu.memory_space<hbm>>
      tpu.wait_dma2 semaphore(%run_scoped3A : memref<!tpu.dma_semaphore, #tpu.memory_space<semaphore_mem>>) src(%dma_wait3A_624 : memref<32x128xi32, #tpu.memory_space<hbm>>) dst(%arg7 : memref<32x128xi32, #tpu.memory_space<vmem>>)
      tpu.yield
    }) : () -> ()
    "tpu.region"() ({
      %run_scoped3A = tpu.sem_alloc : memref<!tpu.dma_semaphore, #tpu.memory_space<semaphore_mem>>
      %dma_start3A_617 = arith.constant 0 : i32
      %dma_start3A_618 = tpu.memref_slice %arg4[%add3A_6, %dma_start3A_617] : memref<4096x128xi32, #tpu.memory_space<hbm>> -> memref<32x128xi32, #tpu.memory_space<hbm>>
      %dma_start3A_619 = arith.constant 0 : i32
      %dma_start3A_620 = tpu.memref_slice %arg4[%add3A_6, %dma_start3A_619] : memref<4096x128xi32, #tpu.memory_space<hbm>> -> memref<32x128xi32, #tpu.memory_space<hbm>>
      tpu.enqueue_dma source(%dma_start3A_620 : memref<32x128xi32, #tpu.memory_space<hbm>>) target(%arg8 : memref<32x128xi32, #tpu.memory_space<vmem>>) target_semaphore(%run_scoped3A : memref<!tpu.dma_semaphore, #tpu.memory_space<semaphore_mem>>)
      %dma_wait3A_621 = arith.constant 0 : i32
      %dma_wait3A_622 = tpu.memref_slice %arg4[%add3A_6, %dma_wait3A_621] : memref<4096x128xi32, #tpu.memory_space<hbm>> -> memref<32x128xi32, #tpu.memory_space<hbm>>
      %dma_wait3A_623 = arith.constant 0 : i32
      %dma_wait3A_624 = tpu.memref_slice %arg4[%add3A_6, %dma_wait3A_623] : memref<4096x128xi32, #tpu.memory_space<hbm>> -> memref<32x128xi32, #tpu.memory_space<hbm>>
      tpu.wait_dma2 semaphore(%run_scoped3A : memref<!tpu.dma_semaphore, #tpu.memory_space<semaphore_mem>>) src(%dma_wait3A_624 : memref<32x128xi32, #tpu.memory_space<hbm>>) dst(%arg8 : memref<32x128xi32, #tpu.memory_space<vmem>>)
      tpu.yield
    }) : () -> ()
    %dma_start3A = arith.constant 0 : i32
    %dma_start3A_7 = arith.constant 0 : i32
    %dma_start3A_8 = tpu.memref_slice %arg7[%dma_start3A, %dma_start3A_7] : memref<32x128xi32, #tpu.memory_space<vmem>> -> memref<1x128xi32, #tpu.memory_space<vmem>>
    %dma_start3A_9 = tpu.memref_squeeze %dma_start3A_8 : memref<1x128xi32, #tpu.memory_space<vmem>> -> memref<128xi32, #tpu.memory_space<vmem>>
    %dma_start3A_10 = arith.constant 0 : i32
    %dma_start3A_11 = arith.constant 0 : i32
    %dma_start3A_12 = tpu.memref_slice %arg2[%dma_start3A_10, %dma_start3A_11] : memref<12288x128xf32, #tpu.memory_space<hbm>> -> memref<12288x128xf32, #tpu.memory_space<hbm>>
    tpu.enqueue_indirect_dma source(%dma_start3A_12 : memref<12288x128xf32, #tpu.memory_space<hbm>>) target(%arg9 : memref<128x128xf32, #tpu.memory_space<vmem>>) offsets(%dma_start3A_9 : memref<128xi32, #tpu.memory_space<vmem>>) semaphore(%arg13 : memref<!tpu.dma_semaphore, #tpu.memory_space<semaphore_mem>>)
    %dma_start3A_13 = arith.constant 1 : i32
    %dma_start3A_14 = arith.constant 0 : i32
    %dma_start3A_15 = tpu.memref_slice %arg7[%dma_start3A_13, %dma_start3A_14] : memref<32x128xi32, #tpu.memory_space<vmem>> -> memref<1x128xi32, #tpu.memory_space<vmem>>
    %dma_start3A_16 = tpu.memref_squeeze %dma_start3A_15 : memref<1x128xi32, #tpu.memory_space<vmem>> -> memref<128xi32, #tpu.memory_space<vmem>>
    %dma_start3A_17 = arith.constant 0 : i32
    %dma_start3A_18 = arith.constant 0 : i32
    %dma_start3A_19 = tpu.memref_slice %arg2[%dma_start3A_17, %dma_start3A_18] : memref<12288x128xf32, #tpu.memory_space<hbm>> -> memref<12288x128xf32, #tpu.memory_space<hbm>>
    tpu.enqueue_indirect_dma source(%dma_start3A_19 : memref<12288x128xf32, #tpu.memory_space<hbm>>) target(%arg10 : memref<128x128xf32, #tpu.memory_space<vmem>>) offsets(%dma_start3A_16 : memref<128xi32, #tpu.memory_space<vmem>>) semaphore(%arg14 : memref<!tpu.dma_semaphore, #tpu.memory_space<semaphore_mem>>)
    %dma_wait3A = arith.constant 0 : i32
    %dma_wait3A_20 = arith.constant 0 : i32
    %dma_wait3A_21 = tpu.memref_slice %arg7[%dma_wait3A, %dma_wait3A_20] : memref<32x128xi32, #tpu.memory_space<vmem>> -> memref<1x128xi32, #tpu.memory_space<vmem>>
    %dma_wait3A_22 = tpu.memref_squeeze %dma_wait3A_21 : memref<1x128xi32, #tpu.memory_space<vmem>> -> memref<128xi32, #tpu.memory_space<vmem>>
    %dma_wait3A_23 = arith.constant 0 : i32
    %dma_wait3A_24 = arith.constant 0 : i32
    %dma_wait3A_25 = tpu.memref_slice %arg2[%dma_wait3A_23, %dma_wait3A_24] : memref<12288x128xf32, #tpu.memory_space<hbm>> -> memref<12288x128xf32, #tpu.memory_space<hbm>>
    tpu.wait_indirect_dma semaphore(%arg13 : memref<!tpu.dma_semaphore, #tpu.memory_space<semaphore_mem>>) src(%dma_wait3A_25 : memref<12288x128xf32, #tpu.memory_space<hbm>>) dst(%arg9 : memref<128x128xf32, #tpu.memory_space<vmem>>)
    %dma_start3A_26 = arith.constant 0 : i32
    %dma_start3A_27 = arith.constant 0 : i32
    %dma_start3A_28 = tpu.memref_slice %arg8[%dma_start3A_26, %dma_start3A_27] : memref<32x128xi32, #tpu.memory_space<vmem>> -> memref<1x128xi32, #tpu.memory_space<vmem>>
    %dma_start3A_29 = tpu.memref_squeeze %dma_start3A_28 : memref<1x128xi32, #tpu.memory_space<vmem>> -> memref<128xi32, #tpu.memory_space<vmem>>
    %dma_start3A_30 = arith.constant 0 : i32
    %dma_start3A_31 = arith.constant 0 : i32
    %dma_start3A_32 = tpu.memref_slice %arg12[%dma_start3A_30, %dma_start3A_31] : memref<8192x128xf32, #tpu.memory_space<vmem_shared>> -> memref<8192x128xf32, #tpu.memory_space<vmem_shared>>
    tpu.enqueue_indirect_dma source(%arg9 : memref<128x128xf32, #tpu.memory_space<vmem>>) target(%dma_start3A_32 : memref<8192x128xf32, #tpu.memory_space<vmem_shared>>) offsets(%dma_start3A_29 : memref<128xi32, #tpu.memory_space<vmem>>) semaphore(%arg16 : memref<!tpu.dma_semaphore, #tpu.memory_space<semaphore_mem>>) {add = true}
    %dma_start3A_33 = arith.constant 2 : i32
    %dma_start3A_34 = arith.constant 0 : i32
    %dma_start3A_35 = tpu.memref_slice %arg7[%dma_start3A_33, %dma_start3A_34] : memref<32x128xi32, #tpu.memory_space<vmem>> -> memref<1x128xi32, #tpu.memory_space<vmem>>
    %dma_start3A_36 = tpu.memref_squeeze %dma_start3A_35 : memref<1x128xi32, #tpu.memory_space<vmem>> -> memref<128xi32, #tpu.memory_space<vmem>>
    %dma_start3A_37 = arith.constant 0 : i32
    %dma_start3A_38 = arith.constant 0 : i32
    %dma_start3A_39 = tpu.memref_slice %arg2[%dma_start3A_37, %dma_start3A_38] : memref<12288x128xf32, #tpu.memory_space<hbm>> -> memref<12288x128xf32, #tpu.memory_space<hbm>>
    tpu.enqueue_indirect_dma source(%dma_start3A_39 : memref<12288x128xf32, #tpu.memory_space<hbm>>) target(%arg11 : memref<128x128xf32, #tpu.memory_space<vmem>>) offsets(%dma_start3A_36 : memref<128xi32, #tpu.memory_space<vmem>>) semaphore(%arg15 : memref<!tpu.dma_semaphore, #tpu.memory_space<semaphore_mem>>)
    %dma_wait3A_40 = arith.constant 1 : i32
    %dma_wait3A_41 = arith.constant 0 : i32
    %dma_wait3A_42 = tpu.memref_slice %arg7[%dma_wait3A_40, %dma_wait3A_41] : memref<32x128xi32, #tpu.memory_space<vmem>> -> memref<1x128xi32, #tpu.memory_space<vmem>>
    %dma_wait3A_43 = tpu.memref_squeeze %dma_wait3A_42 : memref<1x128xi32, #tpu.memory_space<vmem>> -> memref<128xi32, #tpu.memory_space<vmem>>
    %dma_wait3A_44 = arith.constant 0 : i32
    %dma_wait3A_45 = arith.constant 0 : i32
    %dma_wait3A_46 = tpu.memref_slice %arg2[%dma_wait3A_44, %dma_wait3A_45] : memref<12288x128xf32, #tpu.memory_space<hbm>> -> memref<12288x128xf32, #tpu.memory_space<hbm>>
    tpu.wait_indirect_dma semaphore(%arg14 : memref<!tpu.dma_semaphore, #tpu.memory_space<semaphore_mem>>) src(%dma_wait3A_46 : memref<12288x128xf32, #tpu.memory_space<hbm>>) dst(%arg10 : memref<128x128xf32, #tpu.memory_space<vmem>>)
    %dma_start3A_47 = arith.constant 1 : i32
    %dma_start3A_48 = arith.constant 0 : i32
    %dma_start3A_49 = tpu.memref_slice %arg8[%dma_start3A_47, %dma_start3A_48] : memref<32x128xi32, #tpu.memory_space<vmem>> -> memref<1x128xi32, #tpu.memory_space<vmem>>
    %dma_start3A_50 = tpu.memref_squeeze %dma_start3A_49 : memref<1x128xi32, #tpu.memory_space<vmem>> -> memref<128xi32, #tpu.memory_space<vmem>>
    %dma_start3A_51 = arith.constant 0 : i32
    %dma_start3A_52 = arith.constant 0 : i32
    %dma_start3A_53 = tpu.memref_slice %arg12[%dma_start3A_51, %dma_start3A_52] : memref<8192x128xf32, #tpu.memory_space<vmem_shared>> -> memref<8192x128xf32, #tpu.memory_space<vmem_shared>>
    tpu.enqueue_indirect_dma source(%arg10 : memref<128x128xf32, #tpu.memory_space<vmem>>) target(%dma_start3A_53 : memref<8192x128xf32, #tpu.memory_space<vmem_shared>>) offsets(%dma_start3A_50 : memref<128xi32, #tpu.memory_space<vmem>>) semaphore(%arg17 : memref<!tpu.dma_semaphore, #tpu.memory_space<semaphore_mem>>) {add = true}
    %dma_wait3A_54 = arith.constant 0 : i32
    %dma_wait3A_55 = arith.constant 0 : i32
    %dma_wait3A_56 = tpu.memref_slice %arg8[%dma_wait3A_54, %dma_wait3A_55] : memref<32x128xi32, #tpu.memory_space<vmem>> -> memref<1x128xi32, #tpu.memory_space<vmem>>
    %dma_wait3A_57 = tpu.memref_squeeze %dma_wait3A_56 : memref<1x128xi32, #tpu.memory_space<vmem>> -> memref<128xi32, #tpu.memory_space<vmem>>
    %dma_wait3A_58 = arith.constant 0 : i32
    %dma_wait3A_59 = arith.constant 0 : i32
    %dma_wait3A_60 = tpu.memref_slice %arg12[%dma_wait3A_58, %dma_wait3A_59] : memref<8192x128xf32, #tpu.memory_space<vmem_shared>> -> memref<8192x128xf32, #tpu.memory_space<vmem_shared>>
    tpu.wait_indirect_dma semaphore(%arg16 : memref<!tpu.dma_semaphore, #tpu.memory_space<semaphore_mem>>) src(%arg9 : memref<128x128xf32, #tpu.memory_space<vmem>>) dst(%dma_wait3A_60 : memref<8192x128xf32, #tpu.memory_space<vmem_shared>>)
    %dma_start3A_61 = arith.constant 3 : i32
    %dma_start3A_62 = arith.constant 0 : i32
    %dma_start3A_63 = tpu.memref_slice %arg7[%dma_start3A_61, %dma_start3A_62] : memref<32x128xi32, #tpu.memory_space<vmem>> -> memref<1x128xi32, #tpu.memory_space<vmem>>
    %dma_start3A_64 = tpu.memref_squeeze %dma_start3A_63 : memref<1x128xi32, #tpu.memory_space<vmem>> -> memref<128xi32, #tpu.memory_space<vmem>>
    %dma_start3A_65 = arith.constant 0 : i32
    %dma_start3A_66 = arith.constant 0 : i32
    %dma_start3A_67 = tpu.memref_slice %arg2[%dma_start3A_65, %dma_start3A_66] : memref<12288x128xf32, #tpu.memory_space<hbm>> -> memref<12288x128xf32, #tpu.memory_space<hbm>>
    tpu.enqueue_indirect_dma source(%dma_start3A_67 : memref<12288x128xf32, #tpu.memory_space<hbm>>) target(%arg9 : memref<128x128xf32, #tpu.memory_space<vmem>>) offsets(%dma_start3A_64 : memref<128xi32, #tpu.memory_space<vmem>>) semaphore(%arg13 : memref<!tpu.dma_semaphore, #tpu.memory_space<semaphore_mem>>)
    %dma_wait3A_68 = arith.constant 2 : i32
    %dma_wait3A_69 = arith.constant 0 : i32
    %dma_wait3A_70 = tpu.memref_slice %arg7[%dma_wait3A_68, %dma_wait3A_69] : memref<32x128xi32, #tpu.memory_space<vmem>> -> memref<1x128xi32, #tpu.memory_space<vmem>>
    %dma_wait3A_71 = tpu.memref_squeeze %dma_wait3A_70 : memref<1x128xi32, #tpu.memory_space<vmem>> -> memref<128xi32, #tpu.memory_space<vmem>>
    %dma_wait3A_72 = arith.constant 0 : i32
    %dma_wait3A_73 = arith.constant 0 : i32
    %dma_wait3A_74 = tpu.memref_slice %arg2[%dma_wait3A_72, %dma_wait3A_73] : memref<12288x128xf32, #tpu.memory_space<hbm>> -> memref<12288x128xf32, #tpu.memory_space<hbm>>
    tpu.wait_indirect_dma semaphore(%arg15 : memref<!tpu.dma_semaphore, #tpu.memory_space<semaphore_mem>>) src(%dma_wait3A_74 : memref<12288x128xf32, #tpu.memory_space<hbm>>) dst(%arg11 : memref<128x128xf32, #tpu.memory_space<vmem>>)
    %dma_start3A_75 = arith.constant 2 : i32
    %dma_start3A_76 = arith.constant 0 : i32
    %dma_start3A_77 = tpu.memref_slice %arg8[%dma_start3A_75, %dma_start3A_76] : memref<32x128xi32, #tpu.memory_space<vmem>> -> memref<1x128xi32, #tpu.memory_space<vmem>>
    %dma_start3A_78 = tpu.memref_squeeze %dma_start3A_77 : memref<1x128xi32, #tpu.memory_space<vmem>> -> memref<128xi32, #tpu.memory_space<vmem>>
    %dma_start3A_79 = arith.constant 0 : i32
    %dma_start3A_80 = arith.constant 0 : i32
    %dma_start3A_81 = tpu.memref_slice %arg12[%dma_start3A_79, %dma_start3A_80] : memref<8192x128xf32, #tpu.memory_space<vmem_shared>> -> memref<8192x128xf32, #tpu.memory_space<vmem_shared>>
    tpu.enqueue_indirect_dma source(%arg11 : memref<128x128xf32, #tpu.memory_space<vmem>>) target(%dma_start3A_81 : memref<8192x128xf32, #tpu.memory_space<vmem_shared>>) offsets(%dma_start3A_78 : memref<128xi32, #tpu.memory_space<vmem>>) semaphore(%arg18 : memref<!tpu.dma_semaphore, #tpu.memory_space<semaphore_mem>>) {add = true}
    %dma_wait3A_82 = arith.constant 1 : i32
    %dma_wait3A_83 = arith.constant 0 : i32
    %dma_wait3A_84 = tpu.memref_slice %arg8[%dma_wait3A_82, %dma_wait3A_83] : memref<32x128xi32, #tpu.memory_space<vmem>> -> memref<1x128xi32, #tpu.memory_space<vmem>>
    %dma_wait3A_85 = tpu.memref_squeeze %dma_wait3A_84 : memref<1x128xi32, #tpu.memory_space<vmem>> -> memref<128xi32, #tpu.memory_space<vmem>>
    %dma_wait3A_86 = arith.constant 0 : i32
    %dma_wait3A_87 = arith.constant 0 : i32
    %dma_wait3A_88 = tpu.memref_slice %arg12[%dma_wait3A_86, %dma_wait3A_87] : memref<8192x128xf32, #tpu.memory_space<vmem_shared>> -> memref<8192x128xf32, #tpu.memory_space<vmem_shared>>
    tpu.wait_indirect_dma semaphore(%arg17 : memref<!tpu.dma_semaphore, #tpu.memory_space<semaphore_mem>>) src(%arg10 : memref<128x128xf32, #tpu.memory_space<vmem>>) dst(%dma_wait3A_88 : memref<8192x128xf32, #tpu.memory_space<vmem_shared>>)
    %dma_start3A_89 = arith.constant 4 : i32
    %dma_start3A_90 = arith.constant 0 : i32
    %dma_start3A_91 = tpu.memref_slice %arg7[%dma_start3A_89, %dma_start3A_90] : memref<32x128xi32, #tpu.memory_space<vmem>> -> memref<1x128xi32, #tpu.memory_space<vmem>>
    %dma_start3A_92 = tpu.memref_squeeze %dma_start3A_91 : memref<1x128xi32, #tpu.memory_space<vmem>> -> memref<128xi32, #tpu.memory_space<vmem>>
    %dma_start3A_93 = arith.constant 0 : i32
    %dma_start3A_94 = arith.constant 0 : i32
    %dma_start3A_95 = tpu.memref_slice %arg2[%dma_start3A_93, %dma_start3A_94] : memref<12288x128xf32, #tpu.memory_space<hbm>> -> memref<12288x128xf32, #tpu.memory_space<hbm>>
    tpu.enqueue_indirect_dma source(%dma_start3A_95 : memref<12288x128xf32, #tpu.memory_space<hbm>>) target(%arg10 : memref<128x128xf32, #tpu.memory_space<vmem>>) offsets(%dma_start3A_92 : memref<128xi32, #tpu.memory_space<vmem>>) semaphore(%arg14 : memref<!tpu.dma_semaphore, #tpu.memory_space<semaphore_mem>>)
    %scan3A = arith.constant 0 : i32
    %scan3A_96 = arith.constant 0 : i32
    %scan3A_97 = arith.constant 9 : i32
    %scan3A_98 = arith.addi %scan3A_96, %scan3A_97 : i32
    %scan3A_99 = arith.constant 1 : i32
    scf.for %scan3A_617 = %scan3A_96 to %scan3A_98 step %scan3A_99  : i32 {
      %mul3A_618 = arith.constant 3 : i32
      %mul3A_619 = arith.muli %mul3A_618, %scan3A_617 : i32
      %add3A_620 = arith.constant 3 : i32
      %add3A_621 = arith.addi %add3A_620, %mul3A_619 : i32
      %add3A_622 = arith.constant 0 : i32
      %add3A_623 = arith.addi %add3A_621, %add3A_622 : i32
      %dma_wait3A_624 = arith.constant 0 : i32
      %dma_wait3A_625 = tpu.memref_slice %arg7[%add3A_623, %dma_wait3A_624] : memref<32x128xi32, #tpu.memory_space<vmem>> -> memref<1x128xi32, #tpu.memory_space<vmem>>
      %dma_wait3A_626 = tpu.memref_squeeze %dma_wait3A_625 : memref<1x128xi32, #tpu.memory_space<vmem>> -> memref<128xi32, #tpu.memory_space<vmem>>
      %dma_wait3A_627 = arith.constant 0 : i32
      %dma_wait3A_628 = arith.constant 0 : i32
      %dma_wait3A_629 = tpu.memref_slice %arg2[%dma_wait3A_627, %dma_wait3A_628] : memref<12288x128xf32, #tpu.memory_space<hbm>> -> memref<12288x128xf32, #tpu.memory_space<hbm>>
      tpu.wait_indirect_dma semaphore(%arg13 : memref<!tpu.dma_semaphore, #tpu.memory_space<semaphore_mem>>) src(%dma_wait3A_629 : memref<12288x128xf32, #tpu.memory_space<hbm>>) dst(%arg9 : memref<128x128xf32, #tpu.memory_space<vmem>>)
      %dma_start3A_630 = arith.constant 0 : i32
      %dma_start3A_631 = tpu.memref_slice %arg8[%add3A_623, %dma_start3A_630] : memref<32x128xi32, #tpu.memory_space<vmem>> -> memref<1x128xi32, #tpu.memory_space<vmem>>
      %dma_start3A_632 = tpu.memref_squeeze %dma_start3A_631 : memref<1x128xi32, #tpu.memory_space<vmem>> -> memref<128xi32, #tpu.memory_space<vmem>>
      %dma_start3A_633 = arith.constant 0 : i32
      %dma_start3A_634 = arith.constant 0 : i32
      %dma_start3A_635 = tpu.memref_slice %arg12[%dma_start3A_633, %dma_start3A_634] : memref<8192x128xf32, #tpu.memory_space<vmem_shared>> -> memref<8192x128xf32, #tpu.memory_space<vmem_shared>>
      tpu.enqueue_indirect_dma source(%arg9 : memref<128x128xf32, #tpu.memory_space<vmem>>) target(%dma_start3A_635 : memref<8192x128xf32, #tpu.memory_space<vmem_shared>>) offsets(%dma_start3A_632 : memref<128xi32, #tpu.memory_space<vmem>>) semaphore(%arg16 : memref<!tpu.dma_semaphore, #tpu.memory_space<semaphore_mem>>) {add = true}
      %sub3A = arith.constant 1 : i32
      %sub3A_636 = arith.subi %add3A_623, %sub3A : i32
      %dma_wait3A_637 = arith.constant 0 : i32
      %dma_wait3A_638 = tpu.memref_slice %arg8[%sub3A_636, %dma_wait3A_637] : memref<32x128xi32, #tpu.memory_space<vmem>> -> memref<1x128xi32, #tpu.memory_space<vmem>>
      %dma_wait3A_639 = tpu.memref_squeeze %dma_wait3A_638 : memref<1x128xi32, #tpu.memory_space<vmem>> -> memref<128xi32, #tpu.memory_space<vmem>>
      %dma_wait3A_640 = arith.constant 0 : i32
      %dma_wait3A_641 = arith.constant 0 : i32
      %dma_wait3A_642 = tpu.memref_slice %arg12[%dma_wait3A_640, %dma_wait3A_641] : memref<8192x128xf32, #tpu.memory_space<vmem_shared>> -> memref<8192x128xf32, #tpu.memory_space<vmem_shared>>
      tpu.wait_indirect_dma semaphore(%arg18 : memref<!tpu.dma_semaphore, #tpu.memory_space<semaphore_mem>>) src(%arg11 : memref<128x128xf32, #tpu.memory_space<vmem>>) dst(%dma_wait3A_642 : memref<8192x128xf32, #tpu.memory_space<vmem_shared>>)
      %add3A_643 = arith.constant 2 : i32
      %add3A_644 = arith.addi %add3A_623, %add3A_643 : i32
      %dma_start3A_645 = arith.constant 0 : i32
      %dma_start3A_646 = tpu.memref_slice %arg7[%add3A_644, %dma_start3A_645] : memref<32x128xi32, #tpu.memory_space<vmem>> -> memref<1x128xi32, #tpu.memory_space<vmem>>
      %dma_start3A_647 = tpu.memref_squeeze %dma_start3A_646 : memref<1x128xi32, #tpu.memory_space<vmem>> -> memref<128xi32, #tpu.memory_space<vmem>>
      %dma_start3A_648 = arith.constant 0 : i32
      %dma_start3A_649 = arith.constant 0 : i32
      %dma_start3A_650 = tpu.memref_slice %arg2[%dma_start3A_648, %dma_start3A_649] : memref<12288x128xf32, #tpu.memory_space<hbm>> -> memref<12288x128xf32, #tpu.memory_space<hbm>>
      tpu.enqueue_indirect_dma source(%dma_start3A_650 : memref<12288x128xf32, #tpu.memory_space<hbm>>) target(%arg11 : memref<128x128xf32, #tpu.memory_space<vmem>>) offsets(%dma_start3A_647 : memref<128xi32, #tpu.memory_space<vmem>>) semaphore(%arg15 : memref<!tpu.dma_semaphore, #tpu.memory_space<semaphore_mem>>)
      %add3A_651 = arith.constant 1 : i32
      %add3A_652 = arith.addi %add3A_621, %add3A_651 : i32
      %dma_wait3A_653 = arith.constant 0 : i32
      %dma_wait3A_654 = tpu.memref_slice %arg7[%add3A_652, %dma_wait3A_653] : memref<32x128xi32, #tpu.memory_space<vmem>> -> memref<1x128xi32, #tpu.memory_space<vmem>>
      %dma_wait3A_655 = tpu.memref_squeeze %dma_wait3A_654 : memref<1x128xi32, #tpu.memory_space<vmem>> -> memref<128xi32, #tpu.memory_space<vmem>>
      %dma_wait3A_656 = arith.constant 0 : i32
      %dma_wait3A_657 = arith.constant 0 : i32
      %dma_wait3A_658 = tpu.memref_slice %arg2[%dma_wait3A_656, %dma_wait3A_657] : memref<12288x128xf32, #tpu.memory_space<hbm>> -> memref<12288x128xf32, #tpu.memory_space<hbm>>
      tpu.wait_indirect_dma semaphore(%arg14 : memref<!tpu.dma_semaphore, #tpu.memory_space<semaphore_mem>>) src(%dma_wait3A_658 : memref<12288x128xf32, #tpu.memory_space<hbm>>) dst(%arg10 : memref<128x128xf32, #tpu.memory_space<vmem>>)
      %dma_start3A_659 = arith.constant 0 : i32
      %dma_start3A_660 = tpu.memref_slice %arg8[%add3A_652, %dma_start3A_659] : memref<32x128xi32, #tpu.memory_space<vmem>> -> memref<1x128xi32, #tpu.memory_space<vmem>>
      %dma_start3A_661 = tpu.memref_squeeze %dma_start3A_660 : memref<1x128xi32, #tpu.memory_space<vmem>> -> memref<128xi32, #tpu.memory_space<vmem>>
      %dma_start3A_662 = arith.constant 0 : i32
      %dma_start3A_663 = arith.constant 0 : i32
      %dma_start3A_664 = tpu.memref_slice %arg12[%dma_start3A_662, %dma_start3A_663] : memref<8192x128xf32, #tpu.memory_space<vmem_shared>> -> memref<8192x128xf32, #tpu.memory_space<vmem_shared>>
      tpu.enqueue_indirect_dma source(%arg10 : memref<128x128xf32, #tpu.memory_space<vmem>>) target(%dma_start3A_664 : memref<8192x128xf32, #tpu.memory_space<vmem_shared>>) offsets(%dma_start3A_661 : memref<128xi32, #tpu.memory_space<vmem>>) semaphore(%arg17 : memref<!tpu.dma_semaphore, #tpu.memory_space<semaphore_mem>>) {add = true}
      %sub3A_665 = arith.constant 1 : i32
      %sub3A_666 = arith.subi %add3A_652, %sub3A_665 : i32
      %dma_wait3A_667 = arith.constant 0 : i32
      %dma_wait3A_668 = tpu.memref_slice %arg8[%sub3A_666, %dma_wait3A_667] : memref<32x128xi32, #tpu.memory_space<vmem>> -> memref<1x128xi32, #tpu.memory_space<vmem>>
      %dma_wait3A_669 = tpu.memref_squeeze %dma_wait3A_668 : memref<1x128xi32, #tpu.memory_space<vmem>> -> memref<128xi32, #tpu.memory_space<vmem>>
      %dma_wait3A_670 = arith.constant 0 : i32
      %dma_wait3A_671 = arith.constant 0 : i32
      %dma_wait3A_672 = tpu.memref_slice %arg12[%dma_wait3A_670, %dma_wait3A_671] : memref<8192x128xf32, #tpu.memory_space<vmem_shared>> -> memref<8192x128xf32, #tpu.memory_space<vmem_shared>>
      tpu.wait_indirect_dma semaphore(%arg16 : memref<!tpu.dma_semaphore, #tpu.memory_space<semaphore_mem>>) src(%arg9 : memref<128x128xf32, #tpu.memory_space<vmem>>) dst(%dma_wait3A_672 : memref<8192x128xf32, #tpu.memory_space<vmem_shared>>)
      %add3A_673 = arith.constant 2 : i32
      %add3A_674 = arith.addi %add3A_652, %add3A_673 : i32
      %dma_start3A_675 = arith.constant 0 : i32
      %dma_start3A_676 = tpu.memref_slice %arg7[%add3A_674, %dma_start3A_675] : memref<32x128xi32, #tpu.memory_space<vmem>> -> memref<1x128xi32, #tpu.memory_space<vmem>>
      %dma_start3A_677 = tpu.memref_squeeze %dma_start3A_676 : memref<1x128xi32, #tpu.memory_space<vmem>> -> memref<128xi32, #tpu.memory_space<vmem>>
      %dma_start3A_678 = arith.constant 0 : i32
      %dma_start3A_679 = arith.constant 0 : i32
      %dma_start3A_680 = tpu.memref_slice %arg2[%dma_start3A_678, %dma_start3A_679] : memref<12288x128xf32, #tpu.memory_space<hbm>> -> memref<12288x128xf32, #tpu.memory_space<hbm>>
      tpu.enqueue_indirect_dma source(%dma_start3A_680 : memref<12288x128xf32, #tpu.memory_space<hbm>>) target(%arg9 : memref<128x128xf32, #tpu.memory_space<vmem>>) offsets(%dma_start3A_677 : memref<128xi32, #tpu.memory_space<vmem>>) semaphore(%arg13 : memref<!tpu.dma_semaphore, #tpu.memory_space<semaphore_mem>>)
      %add3A_681 = arith.constant 2 : i32
      %add3A_682 = arith.addi %add3A_621, %add3A_681 : i32
      %dma_wait3A_683 = arith.constant 0 : i32
      %dma_wait3A_684 = tpu.memref_slice %arg7[%add3A_682, %dma_wait3A_683] : memref<32x128xi32, #tpu.memory_space<vmem>> -> memref<1x128xi32, #tpu.memory_space<vmem>>
      %dma_wait3A_685 = tpu.memref_squeeze %dma_wait3A_684 : memref<1x128xi32, #tpu.memory_space<vmem>> -> memref<128xi32, #tpu.memory_space<vmem>>
      %dma_wait3A_686 = arith.constant 0 : i32
      %dma_wait3A_687 = arith.constant 0 : i32
      %dma_wait3A_688 = tpu.memref_slice %arg2[%dma_wait3A_686, %dma_wait3A_687] : memref<12288x128xf32, #tpu.memory_space<hbm>> -> memref<12288x128xf32, #tpu.memory_space<hbm>>
      tpu.wait_indirect_dma semaphore(%arg15 : memref<!tpu.dma_semaphore, #tpu.memory_space<semaphore_mem>>) src(%dma_wait3A_688 : memref<12288x128xf32, #tpu.memory_space<hbm>>) dst(%arg11 : memref<128x128xf32, #tpu.memory_space<vmem>>)
      %dma_start3A_689 = arith.constant 0 : i32
      %dma_start3A_690 = tpu.memref_slice %arg8[%add3A_682, %dma_start3A_689] : memref<32x128xi32, #tpu.memory_space<vmem>> -> memref<1x128xi32, #tpu.memory_space<vmem>>
      %dma_start3A_691 = tpu.memref_squeeze %dma_start3A_690 : memref<1x128xi32, #tpu.memory_space<vmem>> -> memref<128xi32, #tpu.memory_space<vmem>>
      %dma_start3A_692 = arith.constant 0 : i32
      %dma_start3A_693 = arith.constant 0 : i32
      %dma_start3A_694 = tpu.memref_slice %arg12[%dma_start3A_692, %dma_start3A_693] : memref<8192x128xf32, #tpu.memory_space<vmem_shared>> -> memref<8192x128xf32, #tpu.memory_space<vmem_shared>>
      tpu.enqueue_indirect_dma source(%arg11 : memref<128x128xf32, #tpu.memory_space<vmem>>) target(%dma_start3A_694 : memref<8192x128xf32, #tpu.memory_space<vmem_shared>>) offsets(%dma_start3A_691 : memref<128xi32, #tpu.memory_space<vmem>>) semaphore(%arg18 : memref<!tpu.dma_semaphore, #tpu.memory_space<semaphore_mem>>) {add = true}
      %sub3A_695 = arith.constant 1 : i32
      %sub3A_696 = arith.subi %add3A_682, %sub3A_695 : i32
      %dma_wait3A_697 = arith.constant 0 : i32
      %dma_wait3A_698 = tpu.memref_slice %arg8[%sub3A_696, %dma_wait3A_697] : memref<32x128xi32, #tpu.memory_space<vmem>> -> memref<1x128xi32, #tpu.memory_space<vmem>>
      %dma_wait3A_699 = tpu.memref_squeeze %dma_wait3A_698 : memref<1x128xi32, #tpu.memory_space<vmem>> -> memref<128xi32, #tpu.memory_space<vmem>>
      %dma_wait3A_700 = arith.constant 0 : i32
      %dma_wait3A_701 = arith.constant 0 : i32
      %dma_wait3A_702 = tpu.memref_slice %arg12[%dma_wait3A_700, %dma_wait3A_701] : memref<8192x128xf32, #tpu.memory_space<vmem_shared>> -> memref<8192x128xf32, #tpu.memory_space<vmem_shared>>
      tpu.wait_indirect_dma semaphore(%arg17 : memref<!tpu.dma_semaphore, #tpu.memory_space<semaphore_mem>>) src(%arg10 : memref<128x128xf32, #tpu.memory_space<vmem>>) dst(%dma_wait3A_702 : memref<8192x128xf32, #tpu.memory_space<vmem_shared>>)
      %add3A_703 = arith.constant 2 : i32
      %add3A_704 = arith.addi %add3A_682, %add3A_703 : i32
      %dma_start3A_705 = arith.constant 0 : i32
      %dma_start3A_706 = tpu.memref_slice %arg7[%add3A_704, %dma_start3A_705] : memref<32x128xi32, #tpu.memory_space<vmem>> -> memref<1x128xi32, #tpu.memory_space<vmem>>
      %dma_start3A_707 = tpu.memref_squeeze %dma_start3A_706 : memref<1x128xi32, #tpu.memory_space<vmem>> -> memref<128xi32, #tpu.memory_space<vmem>>
      %dma_start3A_708 = arith.constant 0 : i32
      %dma_start3A_709 = arith.constant 0 : i32
      %dma_start3A_710 = tpu.memref_slice %arg2[%dma_start3A_708, %dma_start3A_709] : memref<12288x128xf32, #tpu.memory_space<hbm>> -> memref<12288x128xf32, #tpu.memory_space<hbm>>
      tpu.enqueue_indirect_dma source(%dma_start3A_710 : memref<12288x128xf32, #tpu.memory_space<hbm>>) target(%arg10 : memref<128x128xf32, #tpu.memory_space<vmem>>) offsets(%dma_start3A_707 : memref<128xi32, #tpu.memory_space<vmem>>) semaphore(%arg14 : memref<!tpu.dma_semaphore, #tpu.memory_space<semaphore_mem>>)
    }
    %scan3A_100 = arith.constant 9 : i32
    %dma_wait3A_101 = arith.constant 30 : i32
    %dma_wait3A_102 = arith.constant 0 : i32
    %dma_wait3A_103 = tpu.memref_slice %arg7[%dma_wait3A_101, %dma_wait3A_102] : memref<32x128xi32, #tpu.memory_space<vmem>> -> memref<1x128xi32, #tpu.memory_space<vmem>>
    %dma_wait3A_104 = tpu.memref_squeeze %dma_wait3A_103 : memref<1x128xi32, #tpu.memory_space<vmem>> -> memref<128xi32, #tpu.memory_space<vmem>>
    %dma_wait3A_105 = arith.constant 0 : i32
    %dma_wait3A_106 = arith.constant 0 : i32
    %dma_wait3A_107 = tpu.memref_slice %arg2[%dma_wait3A_105, %dma_wait3A_106] : memref<12288x128xf32, #tpu.memory_space<hbm>> -> memref<12288x128xf32, #tpu.memory_space<hbm>>
    tpu.wait_indirect_dma semaphore(%arg13 : memref<!tpu.dma_semaphore, #tpu.memory_space<semaphore_mem>>) src(%dma_wait3A_107 : memref<12288x128xf32, #tpu.memory_space<hbm>>) dst(%arg9 : memref<128x128xf32, #tpu.memory_space<vmem>>)
    %dma_start3A_108 = arith.constant 30 : i32
    %dma_start3A_109 = arith.constant 0 : i32
    %dma_start3A_110 = tpu.memref_slice %arg8[%dma_start3A_108, %dma_start3A_109] : memref<32x128xi32, #tpu.memory_space<vmem>> -> memref<1x128xi32, #tpu.memory_space<vmem>>
    %dma_start3A_111 = tpu.memref_squeeze %dma_start3A_110 : memref<1x128xi32, #tpu.memory_space<vmem>> -> memref<128xi32, #tpu.memory_space<vmem>>
    %dma_start3A_112 = arith.constant 0 : i32
    %dma_start3A_113 = arith.constant 0 : i32
    %dma_start3A_114 = tpu.memref_slice %arg12[%dma_start3A_112, %dma_start3A_113] : memref<8192x128xf32, #tpu.memory_space<vmem_shared>> -> memref<8192x128xf32, #tpu.memory_space<vmem_shared>>
    tpu.enqueue_indirect_dma source(%arg9 : memref<128x128xf32, #tpu.memory_space<vmem>>) target(%dma_start3A_114 : memref<8192x128xf32, #tpu.memory_space<vmem_shared>>) offsets(%dma_start3A_111 : memref<128xi32, #tpu.memory_space<vmem>>) semaphore(%arg16 : memref<!tpu.dma_semaphore, #tpu.memory_space<semaphore_mem>>) {add = true}
    %dma_wait3A_115 = arith.constant 29 : i32
    %dma_wait3A_116 = arith.constant 0 : i32
    %dma_wait3A_117 = tpu.memref_slice %arg8[%dma_wait3A_115, %dma_wait3A_116] : memref<32x128xi32, #tpu.memory_space<vmem>> -> memref<1x128xi32, #tpu.memory_space<vmem>>
    %dma_wait3A_118 = tpu.memref_squeeze %dma_wait3A_117 : memref<1x128xi32, #tpu.memory_space<vmem>> -> memref<128xi32, #tpu.memory_space<vmem>>
    %dma_wait3A_119 = arith.constant 0 : i32
    %dma_wait3A_120 = arith.constant 0 : i32
    %dma_wait3A_121 = tpu.memref_slice %arg12[%dma_wait3A_119, %dma_wait3A_120] : memref<8192x128xf32, #tpu.memory_space<vmem_shared>> -> memref<8192x128xf32, #tpu.memory_space<vmem_shared>>
    tpu.wait_indirect_dma semaphore(%arg18 : memref<!tpu.dma_semaphore, #tpu.memory_space<semaphore_mem>>) src(%arg11 : memref<128x128xf32, #tpu.memory_space<vmem>>) dst(%dma_wait3A_121 : memref<8192x128xf32, #tpu.memory_space<vmem_shared>>)
    %dma_wait3A_122 = arith.constant 31 : i32
    %dma_wait3A_123 = arith.constant 0 : i32
    %dma_wait3A_124 = tpu.memref_slice %arg7[%dma_wait3A_122, %dma_wait3A_123] : memref<32x128xi32, #tpu.memory_space<vmem>> -> memref<1x128xi32, #tpu.memory_space<vmem>>
    %dma_wait3A_125 = tpu.memref_squeeze %dma_wait3A_124 : memref<1x128xi32, #tpu.memory_space<vmem>> -> memref<128xi32, #tpu.memory_space<vmem>>
    %dma_wait3A_126 = arith.constant 0 : i32
    %dma_wait3A_127 = arith.constant 0 : i32
    %dma_wait3A_128 = tpu.memref_slice %arg2[%dma_wait3A_126, %dma_wait3A_127] : memref<12288x128xf32, #tpu.memory_space<hbm>> -> memref<12288x128xf32, #tpu.memory_space<hbm>>
    tpu.wait_indirect_dma semaphore(%arg14 : memref<!tpu.dma_semaphore, #tpu.memory_space<semaphore_mem>>) src(%dma_wait3A_128 : memref<12288x128xf32, #tpu.memory_space<hbm>>) dst(%arg10 : memref<128x128xf32, #tpu.memory_space<vmem>>)
    %dma_start3A_129 = arith.constant 31 : i32
    %dma_start3A_130 = arith.constant 0 : i32
    %dma_start3A_131 = tpu.memref_slice %arg8[%dma_start3A_129, %dma_start3A_130] : memref<32x128xi32, #tpu.memory_space<vmem>> -> memref<1x128xi32, #tpu.memory_space<vmem>>
    %dma_start3A_132 = tpu.memref_squeeze %dma_start3A_131 : memref<1x128xi32, #tpu.memory_space<vmem>> -> memref<128xi32, #tpu.memory_space<vmem>>
    %dma_start3A_133 = arith.constant 0 : i32
    %dma_start3A_134 = arith.constant 0 : i32
    %dma_start3A_135 = tpu.memref_slice %arg12[%dma_start3A_133, %dma_start3A_134] : memref<8192x128xf32, #tpu.memory_space<vmem_shared>> -> memref<8192x128xf32, #tpu.memory_space<vmem_shared>>
    tpu.enqueue_indirect_dma source(%arg10 : memref<128x128xf32, #tpu.memory_space<vmem>>) target(%dma_start3A_135 : memref<8192x128xf32, #tpu.memory_space<vmem_shared>>) offsets(%dma_start3A_132 : memref<128xi32, #tpu.memory_space<vmem>>) semaphore(%arg17 : memref<!tpu.dma_semaphore, #tpu.memory_space<semaphore_mem>>) {add = true}
    %dma_wait3A_136 = arith.constant 30 : i32
    %dma_wait3A_137 = arith.constant 0 : i32
    %dma_wait3A_138 = tpu.memref_slice %arg8[%dma_wait3A_136, %dma_wait3A_137] : memref<32x128xi32, #tpu.memory_space<vmem>> -> memref<1x128xi32, #tpu.memory_space<vmem>>
    %dma_wait3A_139 = tpu.memref_squeeze %dma_wait3A_138 : memref<1x128xi32, #tpu.memory_space<vmem>> -> memref<128xi32, #tpu.memory_space<vmem>>
    %dma_wait3A_140 = arith.constant 0 : i32
    %dma_wait3A_141 = arith.constant 0 : i32
    %dma_wait3A_142 = tpu.memref_slice %arg12[%dma_wait3A_140, %dma_wait3A_141] : memref<8192x128xf32, #tpu.memory_space<vmem_shared>> -> memref<8192x128xf32, #tpu.memory_space<vmem_shared>>
    tpu.wait_indirect_dma semaphore(%arg16 : memref<!tpu.dma_semaphore, #tpu.memory_space<semaphore_mem>>) src(%arg9 : memref<128x128xf32, #tpu.memory_space<vmem>>) dst(%dma_wait3A_142 : memref<8192x128xf32, #tpu.memory_space<vmem_shared>>)
    %dma_wait3A_143 = arith.constant 31 : i32
    %dma_wait3A_144 = arith.constant 0 : i32
    %dma_wait3A_145 = tpu.memref_slice %arg8[%dma_wait3A_143, %dma_wait3A_144] : memref<32x128xi32, #tpu.memory_space<vmem>> -> memref<1x128xi32, #tpu.memory_space<vmem>>
    %dma_wait3A_146 = tpu.memref_squeeze %dma_wait3A_145 : memref<1x128xi32, #tpu.memory_space<vmem>> -> memref<128xi32, #tpu.memory_space<vmem>>
    %dma_wait3A_147 = arith.constant 0 : i32
    %dma_wait3A_148 = arith.constant 0 : i32
    %dma_wait3A_149 = tpu.memref_slice %arg12[%dma_wait3A_147, %dma_wait3A_148] : memref<8192x128xf32, #tpu.memory_space<vmem_shared>> -> memref<8192x128xf32, #tpu.memory_space<vmem_shared>>
    tpu.wait_indirect_dma semaphore(%arg17 : memref<!tpu.dma_semaphore, #tpu.memory_space<semaphore_mem>>) src(%arg10 : memref<128x128xf32, #tpu.memory_space<vmem>>) dst(%dma_wait3A_149 : memref<8192x128xf32, #tpu.memory_space<vmem_shared>>)
    %mul3A_150 = arith.constant 2048 : i32
    %mul3A_151 = arith.muli %arg0, %mul3A_150 : i32
    %mul3A_152 = arith.constant 128 : i32
    %mul3A_153 = arith.muli %arg1, %mul3A_152 : i32
    %add3A_154 = arith.addi %mul3A_151, %mul3A_153 : i32
    %add3A_155 = arith.constant 32 : i32
    %add3A_156 = arith.addi %add3A_154, %add3A_155 : i32
    "tpu.region"() ({
      %run_scoped3A = tpu.sem_alloc : memref<!tpu.dma_semaphore, #tpu.memory_space<semaphore_mem>>
      %dma_start3A_617 = arith.constant 0 : i32
      %dma_start3A_618 = tpu.memref_slice %arg3[%add3A_156, %dma_start3A_617] : memref<4096x128xi32, #tpu.memory_space<hbm>> -> memref<32x128xi32, #tpu.memory_space<hbm>>
      %dma_start3A_619 = arith.constant 0 : i32
      %dma_start3A_620 = tpu.memref_slice %arg3[%add3A_156, %dma_start3A_619] : memref<4096x128xi32, #tpu.memory_space<hbm>> -> memref<32x128xi32, #tpu.memory_space<hbm>>
      tpu.enqueue_dma source(%dma_start3A_620 : memref<32x128xi32, #tpu.memory_space<hbm>>) target(%arg7 : memref<32x128xi32, #tpu.memory_space<vmem>>) target_semaphore(%run_scoped3A : memref<!tpu.dma_semaphore, #tpu.memory_space<semaphore_mem>>)
      %dma_wait3A_621 = arith.constant 0 : i32
      %dma_wait3A_622 = tpu.memref_slice %arg3[%add3A_156, %dma_wait3A_621] : memref<4096x128xi32, #tpu.memory_space<hbm>> -> memref<32x128xi32, #tpu.memory_space<hbm>>
      %dma_wait3A_623 = arith.constant 0 : i32
      %dma_wait3A_624 = tpu.memref_slice %arg3[%add3A_156, %dma_wait3A_623] : memref<4096x128xi32, #tpu.memory_space<hbm>> -> memref<32x128xi32, #tpu.memory_space<hbm>>
      tpu.wait_dma2 semaphore(%run_scoped3A : memref<!tpu.dma_semaphore, #tpu.memory_space<semaphore_mem>>) src(%dma_wait3A_624 : memref<32x128xi32, #tpu.memory_space<hbm>>) dst(%arg7 : memref<32x128xi32, #tpu.memory_space<vmem>>)
      tpu.yield
    }) : () -> ()
    "tpu.region"() ({
      %run_scoped3A = tpu.sem_alloc : memref<!tpu.dma_semaphore, #tpu.memory_space<semaphore_mem>>
      %dma_start3A_617 = arith.constant 0 : i32
      %dma_start3A_618 = tpu.memref_slice %arg4[%add3A_156, %dma_start3A_617] : memref<4096x128xi32, #tpu.memory_space<hbm>> -> memref<32x128xi32, #tpu.memory_space<hbm>>
      %dma_start3A_619 = arith.constant 0 : i32
      %dma_start3A_620 = tpu.memref_slice %arg4[%add3A_156, %dma_start3A_619] : memref<4096x128xi32, #tpu.memory_space<hbm>> -> memref<32x128xi32, #tpu.memory_space<hbm>>
      tpu.enqueue_dma source(%dma_start3A_620 : memref<32x128xi32, #tpu.memory_space<hbm>>) target(%arg8 : memref<32x128xi32, #tpu.memory_space<vmem>>) target_semaphore(%run_scoped3A : memref<!tpu.dma_semaphore, #tpu.memory_space<semaphore_mem>>)
      %dma_wait3A_621 = arith.constant 0 : i32
      %dma_wait3A_622 = tpu.memref_slice %arg4[%add3A_156, %dma_wait3A_621] : memref<4096x128xi32, #tpu.memory_space<hbm>> -> memref<32x128xi32, #tpu.memory_space<hbm>>
      %dma_wait3A_623 = arith.constant 0 : i32
      %dma_wait3A_624 = tpu.memref_slice %arg4[%add3A_156, %dma_wait3A_623] : memref<4096x128xi32, #tpu.memory_space<hbm>> -> memref<32x128xi32, #tpu.memory_space<hbm>>
      tpu.wait_dma2 semaphore(%run_scoped3A : memref<!tpu.dma_semaphore, #tpu.memory_space<semaphore_mem>>) src(%dma_wait3A_624 : memref<32x128xi32, #tpu.memory_space<hbm>>) dst(%arg8 : memref<32x128xi32, #tpu.memory_space<vmem>>)
      tpu.yield
    }) : () -> ()
    %dma_start3A_157 = arith.constant 0 : i32
    %dma_start3A_158 = arith.constant 0 : i32
    %dma_start3A_159 = tpu.memref_slice %arg7[%dma_start3A_157, %dma_start3A_158] : memref<32x128xi32, #tpu.memory_space<vmem>> -> memref<1x128xi32, #tpu.memory_space<vmem>>
    %dma_start3A_160 = tpu.memref_squeeze %dma_start3A_159 : memref<1x128xi32, #tpu.memory_space<vmem>> -> memref<128xi32, #tpu.memory_space<vmem>>
    %dma_start3A_161 = arith.constant 0 : i32
    %dma_start3A_162 = arith.constant 0 : i32
    %dma_start3A_163 = tpu.memref_slice %arg2[%dma_start3A_161, %dma_start3A_162] : memref<12288x128xf32, #tpu.memory_space<hbm>> -> memref<12288x128xf32, #tpu.memory_space<hbm>>
    tpu.enqueue_indirect_dma source(%dma_start3A_163 : memref<12288x128xf32, #tpu.memory_space<hbm>>) target(%arg9 : memref<128x128xf32, #tpu.memory_space<vmem>>) offsets(%dma_start3A_160 : memref<128xi32, #tpu.memory_space<vmem>>) semaphore(%arg13 : memref<!tpu.dma_semaphore, #tpu.memory_space<semaphore_mem>>)
    %dma_start3A_164 = arith.constant 1 : i32
    %dma_start3A_165 = arith.constant 0 : i32
    %dma_start3A_166 = tpu.memref_slice %arg7[%dma_start3A_164, %dma_start3A_165] : memref<32x128xi32, #tpu.memory_space<vmem>> -> memref<1x128xi32, #tpu.memory_space<vmem>>
    %dma_start3A_167 = tpu.memref_squeeze %dma_start3A_166 : memref<1x128xi32, #tpu.memory_space<vmem>> -> memref<128xi32, #tpu.memory_space<vmem>>
    %dma_start3A_168 = arith.constant 0 : i32
    %dma_start3A_169 = arith.constant 0 : i32
    %dma_start3A_170 = tpu.memref_slice %arg2[%dma_start3A_168, %dma_start3A_169] : memref<12288x128xf32, #tpu.memory_space<hbm>> -> memref<12288x128xf32, #tpu.memory_space<hbm>>
    tpu.enqueue_indirect_dma source(%dma_start3A_170 : memref<12288x128xf32, #tpu.memory_space<hbm>>) target(%arg10 : memref<128x128xf32, #tpu.memory_space<vmem>>) offsets(%dma_start3A_167 : memref<128xi32, #tpu.memory_space<vmem>>) semaphore(%arg14 : memref<!tpu.dma_semaphore, #tpu.memory_space<semaphore_mem>>)
    %dma_wait3A_171 = arith.constant 0 : i32
    %dma_wait3A_172 = arith.constant 0 : i32
    %dma_wait3A_173 = tpu.memref_slice %arg7[%dma_wait3A_171, %dma_wait3A_172] : memref<32x128xi32, #tpu.memory_space<vmem>> -> memref<1x128xi32, #tpu.memory_space<vmem>>
    %dma_wait3A_174 = tpu.memref_squeeze %dma_wait3A_173 : memref<1x128xi32, #tpu.memory_space<vmem>> -> memref<128xi32, #tpu.memory_space<vmem>>
    %dma_wait3A_175 = arith.constant 0 : i32
    %dma_wait3A_176 = arith.constant 0 : i32
    %dma_wait3A_177 = tpu.memref_slice %arg2[%dma_wait3A_175, %dma_wait3A_176] : memref<12288x128xf32, #tpu.memory_space<hbm>> -> memref<12288x128xf32, #tpu.memory_space<hbm>>
    tpu.wait_indirect_dma semaphore(%arg13 : memref<!tpu.dma_semaphore, #tpu.memory_space<semaphore_mem>>) src(%dma_wait3A_177 : memref<12288x128xf32, #tpu.memory_space<hbm>>) dst(%arg9 : memref<128x128xf32, #tpu.memory_space<vmem>>)
    %dma_start3A_178 = arith.constant 0 : i32
    %dma_start3A_179 = arith.constant 0 : i32
    %dma_start3A_180 = tpu.memref_slice %arg8[%dma_start3A_178, %dma_start3A_179] : memref<32x128xi32, #tpu.memory_space<vmem>> -> memref<1x128xi32, #tpu.memory_space<vmem>>
    %dma_start3A_181 = tpu.memref_squeeze %dma_start3A_180 : memref<1x128xi32, #tpu.memory_space<vmem>> -> memref<128xi32, #tpu.memory_space<vmem>>
    %dma_start3A_182 = arith.constant 0 : i32
    %dma_start3A_183 = arith.constant 0 : i32
    %dma_start3A_184 = tpu.memref_slice %arg12[%dma_start3A_182, %dma_start3A_183] : memref<8192x128xf32, #tpu.memory_space<vmem_shared>> -> memref<8192x128xf32, #tpu.memory_space<vmem_shared>>
    tpu.enqueue_indirect_dma source(%arg9 : memref<128x128xf32, #tpu.memory_space<vmem>>) target(%dma_start3A_184 : memref<8192x128xf32, #tpu.memory_space<vmem_shared>>) offsets(%dma_start3A_181 : memref<128xi32, #tpu.memory_space<vmem>>) semaphore(%arg16 : memref<!tpu.dma_semaphore, #tpu.memory_space<semaphore_mem>>) {add = true}
    %dma_start3A_185 = arith.constant 2 : i32
    %dma_start3A_186 = arith.constant 0 : i32
    %dma_start3A_187 = tpu.memref_slice %arg7[%dma_start3A_185, %dma_start3A_186] : memref<32x128xi32, #tpu.memory_space<vmem>> -> memref<1x128xi32, #tpu.memory_space<vmem>>
    %dma_start3A_188 = tpu.memref_squeeze %dma_start3A_187 : memref<1x128xi32, #tpu.memory_space<vmem>> -> memref<128xi32, #tpu.memory_space<vmem>>
    %dma_start3A_189 = arith.constant 0 : i32
    %dma_start3A_190 = arith.constant 0 : i32
    %dma_start3A_191 = tpu.memref_slice %arg2[%dma_start3A_189, %dma_start3A_190] : memref<12288x128xf32, #tpu.memory_space<hbm>> -> memref<12288x128xf32, #tpu.memory_space<hbm>>
    tpu.enqueue_indirect_dma source(%dma_start3A_191 : memref<12288x128xf32, #tpu.memory_space<hbm>>) target(%arg11 : memref<128x128xf32, #tpu.memory_space<vmem>>) offsets(%dma_start3A_188 : memref<128xi32, #tpu.memory_space<vmem>>) semaphore(%arg15 : memref<!tpu.dma_semaphore, #tpu.memory_space<semaphore_mem>>)
    %dma_wait3A_192 = arith.constant 1 : i32
    %dma_wait3A_193 = arith.constant 0 : i32
    %dma_wait3A_194 = tpu.memref_slice %arg7[%dma_wait3A_192, %dma_wait3A_193] : memref<32x128xi32, #tpu.memory_space<vmem>> -> memref<1x128xi32, #tpu.memory_space<vmem>>
    %dma_wait3A_195 = tpu.memref_squeeze %dma_wait3A_194 : memref<1x128xi32, #tpu.memory_space<vmem>> -> memref<128xi32, #tpu.memory_space<vmem>>
    %dma_wait3A_196 = arith.constant 0 : i32
    %dma_wait3A_197 = arith.constant 0 : i32
    %dma_wait3A_198 = tpu.memref_slice %arg2[%dma_wait3A_196, %dma_wait3A_197] : memref<12288x128xf32, #tpu.memory_space<hbm>> -> memref<12288x128xf32, #tpu.memory_space<hbm>>
    tpu.wait_indirect_dma semaphore(%arg14 : memref<!tpu.dma_semaphore, #tpu.memory_space<semaphore_mem>>) src(%dma_wait3A_198 : memref<12288x128xf32, #tpu.memory_space<hbm>>) dst(%arg10 : memref<128x128xf32, #tpu.memory_space<vmem>>)
    %dma_start3A_199 = arith.constant 1 : i32
    %dma_start3A_200 = arith.constant 0 : i32
    %dma_start3A_201 = tpu.memref_slice %arg8[%dma_start3A_199, %dma_start3A_200] : memref<32x128xi32, #tpu.memory_space<vmem>> -> memref<1x128xi32, #tpu.memory_space<vmem>>
    %dma_start3A_202 = tpu.memref_squeeze %dma_start3A_201 : memref<1x128xi32, #tpu.memory_space<vmem>> -> memref<128xi32, #tpu.memory_space<vmem>>
    %dma_start3A_203 = arith.constant 0 : i32
    %dma_start3A_204 = arith.constant 0 : i32
    %dma_start3A_205 = tpu.memref_slice %arg12[%dma_start3A_203, %dma_start3A_204] : memref<8192x128xf32, #tpu.memory_space<vmem_shared>> -> memref<8192x128xf32, #tpu.memory_space<vmem_shared>>
    tpu.enqueue_indirect_dma source(%arg10 : memref<128x128xf32, #tpu.memory_space<vmem>>) target(%dma_start3A_205 : memref<8192x128xf32, #tpu.memory_space<vmem_shared>>) offsets(%dma_start3A_202 : memref<128xi32, #tpu.memory_space<vmem>>) semaphore(%arg17 : memref<!tpu.dma_semaphore, #tpu.memory_space<semaphore_mem>>) {add = true}
    %dma_wait3A_206 = arith.constant 0 : i32
    %dma_wait3A_207 = arith.constant 0 : i32
    %dma_wait3A_208 = tpu.memref_slice %arg8[%dma_wait3A_206, %dma_wait3A_207] : memref<32x128xi32, #tpu.memory_space<vmem>> -> memref<1x128xi32, #tpu.memory_space<vmem>>
    %dma_wait3A_209 = tpu.memref_squeeze %dma_wait3A_208 : memref<1x128xi32, #tpu.memory_space<vmem>> -> memref<128xi32, #tpu.memory_space<vmem>>
    %dma_wait3A_210 = arith.constant 0 : i32
    %dma_wait3A_211 = arith.constant 0 : i32
    %dma_wait3A_212 = tpu.memref_slice %arg12[%dma_wait3A_210, %dma_wait3A_211] : memref<8192x128xf32, #tpu.memory_space<vmem_shared>> -> memref<8192x128xf32, #tpu.memory_space<vmem_shared>>
    tpu.wait_indirect_dma semaphore(%arg16 : memref<!tpu.dma_semaphore, #tpu.memory_space<semaphore_mem>>) src(%arg9 : memref<128x128xf32, #tpu.memory_space<vmem>>) dst(%dma_wait3A_212 : memref<8192x128xf32, #tpu.memory_space<vmem_shared>>)
    %dma_start3A_213 = arith.constant 3 : i32
    %dma_start3A_214 = arith.constant 0 : i32
    %dma_start3A_215 = tpu.memref_slice %arg7[%dma_start3A_213, %dma_start3A_214] : memref<32x128xi32, #tpu.memory_space<vmem>> -> memref<1x128xi32, #tpu.memory_space<vmem>>
    %dma_start3A_216 = tpu.memref_squeeze %dma_start3A_215 : memref<1x128xi32, #tpu.memory_space<vmem>> -> memref<128xi32, #tpu.memory_space<vmem>>
    %dma_start3A_217 = arith.constant 0 : i32
    %dma_start3A_218 = arith.constant 0 : i32
    %dma_start3A_219 = tpu.memref_slice %arg2[%dma_start3A_217, %dma_start3A_218] : memref<12288x128xf32, #tpu.memory_space<hbm>> -> memref<12288x128xf32, #tpu.memory_space<hbm>>
    tpu.enqueue_indirect_dma source(%dma_start3A_219 : memref<12288x128xf32, #tpu.memory_space<hbm>>) target(%arg9 : memref<128x128xf32, #tpu.memory_space<vmem>>) offsets(%dma_start3A_216 : memref<128xi32, #tpu.memory_space<vmem>>) semaphore(%arg13 : memref<!tpu.dma_semaphore, #tpu.memory_space<semaphore_mem>>)
    %dma_wait3A_220 = arith.constant 2 : i32
    %dma_wait3A_221 = arith.constant 0 : i32
    %dma_wait3A_222 = tpu.memref_slice %arg7[%dma_wait3A_220, %dma_wait3A_221] : memref<32x128xi32, #tpu.memory_space<vmem>> -> memref<1x128xi32, #tpu.memory_space<vmem>>
    %dma_wait3A_223 = tpu.memref_squeeze %dma_wait3A_222 : memref<1x128xi32, #tpu.memory_space<vmem>> -> memref<128xi32, #tpu.memory_space<vmem>>
    %dma_wait3A_224 = arith.constant 0 : i32
    %dma_wait3A_225 = arith.constant 0 : i32
    %dma_wait3A_226 = tpu.memref_slice %arg2[%dma_wait3A_224, %dma_wait3A_225] : memref<12288x128xf32, #tpu.memory_space<hbm>> -> memref<12288x128xf32, #tpu.memory_space<hbm>>
    tpu.wait_indirect_dma semaphore(%arg15 : memref<!tpu.dma_semaphore, #tpu.memory_space<semaphore_mem>>) src(%dma_wait3A_226 : memref<12288x128xf32, #tpu.memory_space<hbm>>) dst(%arg11 : memref<128x128xf32, #tpu.memory_space<vmem>>)
    %dma_start3A_227 = arith.constant 2 : i32
    %dma_start3A_228 = arith.constant 0 : i32
    %dma_start3A_229 = tpu.memref_slice %arg8[%dma_start3A_227, %dma_start3A_228] : memref<32x128xi32, #tpu.memory_space<vmem>> -> memref<1x128xi32, #tpu.memory_space<vmem>>
    %dma_start3A_230 = tpu.memref_squeeze %dma_start3A_229 : memref<1x128xi32, #tpu.memory_space<vmem>> -> memref<128xi32, #tpu.memory_space<vmem>>
    %dma_start3A_231 = arith.constant 0 : i32
    %dma_start3A_232 = arith.constant 0 : i32
    %dma_start3A_233 = tpu.memref_slice %arg12[%dma_start3A_231, %dma_start3A_232] : memref<8192x128xf32, #tpu.memory_space<vmem_shared>> -> memref<8192x128xf32, #tpu.memory_space<vmem_shared>>
    tpu.enqueue_indirect_dma source(%arg11 : memref<128x128xf32, #tpu.memory_space<vmem>>) target(%dma_start3A_233 : memref<8192x128xf32, #tpu.memory_space<vmem_shared>>) offsets(%dma_start3A_230 : memref<128xi32, #tpu.memory_space<vmem>>) semaphore(%arg18 : memref<!tpu.dma_semaphore, #tpu.memory_space<semaphore_mem>>) {add = true}
    %dma_wait3A_234 = arith.constant 1 : i32
    %dma_wait3A_235 = arith.constant 0 : i32
    %dma_wait3A_236 = tpu.memref_slice %arg8[%dma_wait3A_234, %dma_wait3A_235] : memref<32x128xi32, #tpu.memory_space<vmem>> -> memref<1x128xi32, #tpu.memory_space<vmem>>
    %dma_wait3A_237 = tpu.memref_squeeze %dma_wait3A_236 : memref<1x128xi32, #tpu.memory_space<vmem>> -> memref<128xi32, #tpu.memory_space<vmem>>
    %dma_wait3A_238 = arith.constant 0 : i32
    %dma_wait3A_239 = arith.constant 0 : i32
    %dma_wait3A_240 = tpu.memref_slice %arg12[%dma_wait3A_238, %dma_wait3A_239] : memref<8192x128xf32, #tpu.memory_space<vmem_shared>> -> memref<8192x128xf32, #tpu.memory_space<vmem_shared>>
    tpu.wait_indirect_dma semaphore(%arg17 : memref<!tpu.dma_semaphore, #tpu.memory_space<semaphore_mem>>) src(%arg10 : memref<128x128xf32, #tpu.memory_space<vmem>>) dst(%dma_wait3A_240 : memref<8192x128xf32, #tpu.memory_space<vmem_shared>>)
    %dma_start3A_241 = arith.constant 4 : i32
    %dma_start3A_242 = arith.constant 0 : i32
    %dma_start3A_243 = tpu.memref_slice %arg7[%dma_start3A_241, %dma_start3A_242] : memref<32x128xi32, #tpu.memory_space<vmem>> -> memref<1x128xi32, #tpu.memory_space<vmem>>
    %dma_start3A_244 = tpu.memref_squeeze %dma_start3A_243 : memref<1x128xi32, #tpu.memory_space<vmem>> -> memref<128xi32, #tpu.memory_space<vmem>>
    %dma_start3A_245 = arith.constant 0 : i32
    %dma_start3A_246 = arith.constant 0 : i32
    %dma_start3A_247 = tpu.memref_slice %arg2[%dma_start3A_245, %dma_start3A_246] : memref<12288x128xf32, #tpu.memory_space<hbm>> -> memref<12288x128xf32, #tpu.memory_space<hbm>>
    tpu.enqueue_indirect_dma source(%dma_start3A_247 : memref<12288x128xf32, #tpu.memory_space<hbm>>) target(%arg10 : memref<128x128xf32, #tpu.memory_space<vmem>>) offsets(%dma_start3A_244 : memref<128xi32, #tpu.memory_space<vmem>>) semaphore(%arg14 : memref<!tpu.dma_semaphore, #tpu.memory_space<semaphore_mem>>)
    %scan3A_248 = arith.constant 0 : i32
    %scan3A_249 = arith.constant 0 : i32
    %scan3A_250 = arith.constant 9 : i32
    %scan3A_251 = arith.addi %scan3A_249, %scan3A_250 : i32
    %scan3A_252 = arith.constant 1 : i32
    scf.for %scan3A_617 = %scan3A_249 to %scan3A_251 step %scan3A_252  : i32 {
      %mul3A_618 = arith.constant 3 : i32
      %mul3A_619 = arith.muli %mul3A_618, %scan3A_617 : i32
      %add3A_620 = arith.constant 3 : i32
      %add3A_621 = arith.addi %add3A_620, %mul3A_619 : i32
      %add3A_622 = arith.constant 0 : i32
      %add3A_623 = arith.addi %add3A_621, %add3A_622 : i32
      %dma_wait3A_624 = arith.constant 0 : i32
      %dma_wait3A_625 = tpu.memref_slice %arg7[%add3A_623, %dma_wait3A_624] : memref<32x128xi32, #tpu.memory_space<vmem>> -> memref<1x128xi32, #tpu.memory_space<vmem>>
      %dma_wait3A_626 = tpu.memref_squeeze %dma_wait3A_625 : memref<1x128xi32, #tpu.memory_space<vmem>> -> memref<128xi32, #tpu.memory_space<vmem>>
      %dma_wait3A_627 = arith.constant 0 : i32
      %dma_wait3A_628 = arith.constant 0 : i32
      %dma_wait3A_629 = tpu.memref_slice %arg2[%dma_wait3A_627, %dma_wait3A_628] : memref<12288x128xf32, #tpu.memory_space<hbm>> -> memref<12288x128xf32, #tpu.memory_space<hbm>>
      tpu.wait_indirect_dma semaphore(%arg13 : memref<!tpu.dma_semaphore, #tpu.memory_space<semaphore_mem>>) src(%dma_wait3A_629 : memref<12288x128xf32, #tpu.memory_space<hbm>>) dst(%arg9 : memref<128x128xf32, #tpu.memory_space<vmem>>)
      %dma_start3A_630 = arith.constant 0 : i32
      %dma_start3A_631 = tpu.memref_slice %arg8[%add3A_623, %dma_start3A_630] : memref<32x128xi32, #tpu.memory_space<vmem>> -> memref<1x128xi32, #tpu.memory_space<vmem>>
      %dma_start3A_632 = tpu.memref_squeeze %dma_start3A_631 : memref<1x128xi32, #tpu.memory_space<vmem>> -> memref<128xi32, #tpu.memory_space<vmem>>
      %dma_start3A_633 = arith.constant 0 : i32
      %dma_start3A_634 = arith.constant 0 : i32
      %dma_start3A_635 = tpu.memref_slice %arg12[%dma_start3A_633, %dma_start3A_634] : memref<8192x128xf32, #tpu.memory_space<vmem_shared>> -> memref<8192x128xf32, #tpu.memory_space<vmem_shared>>
      tpu.enqueue_indirect_dma source(%arg9 : memref<128x128xf32, #tpu.memory_space<vmem>>) target(%dma_start3A_635 : memref<8192x128xf32, #tpu.memory_space<vmem_shared>>) offsets(%dma_start3A_632 : memref<128xi32, #tpu.memory_space<vmem>>) semaphore(%arg16 : memref<!tpu.dma_semaphore, #tpu.memory_space<semaphore_mem>>) {add = true}
      %sub3A = arith.constant 1 : i32
      %sub3A_636 = arith.subi %add3A_623, %sub3A : i32
      %dma_wait3A_637 = arith.constant 0 : i32
      %dma_wait3A_638 = tpu.memref_slice %arg8[%sub3A_636, %dma_wait3A_637] : memref<32x128xi32, #tpu.memory_space<vmem>> -> memref<1x128xi32, #tpu.memory_space<vmem>>
      %dma_wait3A_639 = tpu.memref_squeeze %dma_wait3A_638 : memref<1x128xi32, #tpu.memory_space<vmem>> -> memref<128xi32, #tpu.memory_space<vmem>>
      %dma_wait3A_640 = arith.constant 0 : i32
      %dma_wait3A_641 = arith.constant 0 : i32
      %dma_wait3A_642 = tpu.memref_slice %arg12[%dma_wait3A_640, %dma_wait3A_641] : memref<8192x128xf32, #tpu.memory_space<vmem_shared>> -> memref<8192x128xf32, #tpu.memory_space<vmem_shared>>
      tpu.wait_indirect_dma semaphore(%arg18 : memref<!tpu.dma_semaphore, #tpu.memory_space<semaphore_mem>>) src(%arg11 : memref<128x128xf32, #tpu.memory_space<vmem>>) dst(%dma_wait3A_642 : memref<8192x128xf32, #tpu.memory_space<vmem_shared>>)
      %add3A_643 = arith.constant 2 : i32
      %add3A_644 = arith.addi %add3A_623, %add3A_643 : i32
      %dma_start3A_645 = arith.constant 0 : i32
      %dma_start3A_646 = tpu.memref_slice %arg7[%add3A_644, %dma_start3A_645] : memref<32x128xi32, #tpu.memory_space<vmem>> -> memref<1x128xi32, #tpu.memory_space<vmem>>
      %dma_start3A_647 = tpu.memref_squeeze %dma_start3A_646 : memref<1x128xi32, #tpu.memory_space<vmem>> -> memref<128xi32, #tpu.memory_space<vmem>>
      %dma_start3A_648 = arith.constant 0 : i32
      %dma_start3A_649 = arith.constant 0 : i32
      %dma_start3A_650 = tpu.memref_slice %arg2[%dma_start3A_648, %dma_start3A_649] : memref<12288x128xf32, #tpu.memory_space<hbm>> -> memref<12288x128xf32, #tpu.memory_space<hbm>>
      tpu.enqueue_indirect_dma source(%dma_start3A_650 : memref<12288x128xf32, #tpu.memory_space<hbm>>) target(%arg11 : memref<128x128xf32, #tpu.memory_space<vmem>>) offsets(%dma_start3A_647 : memref<128xi32, #tpu.memory_space<vmem>>) semaphore(%arg15 : memref<!tpu.dma_semaphore, #tpu.memory_space<semaphore_mem>>)
      %add3A_651 = arith.constant 1 : i32
      %add3A_652 = arith.addi %add3A_621, %add3A_651 : i32
      %dma_wait3A_653 = arith.constant 0 : i32
      %dma_wait3A_654 = tpu.memref_slice %arg7[%add3A_652, %dma_wait3A_653] : memref<32x128xi32, #tpu.memory_space<vmem>> -> memref<1x128xi32, #tpu.memory_space<vmem>>
      %dma_wait3A_655 = tpu.memref_squeeze %dma_wait3A_654 : memref<1x128xi32, #tpu.memory_space<vmem>> -> memref<128xi32, #tpu.memory_space<vmem>>
      %dma_wait3A_656 = arith.constant 0 : i32
      %dma_wait3A_657 = arith.constant 0 : i32
      %dma_wait3A_658 = tpu.memref_slice %arg2[%dma_wait3A_656, %dma_wait3A_657] : memref<12288x128xf32, #tpu.memory_space<hbm>> -> memref<12288x128xf32, #tpu.memory_space<hbm>>
      tpu.wait_indirect_dma semaphore(%arg14 : memref<!tpu.dma_semaphore, #tpu.memory_space<semaphore_mem>>) src(%dma_wait3A_658 : memref<12288x128xf32, #tpu.memory_space<hbm>>) dst(%arg10 : memref<128x128xf32, #tpu.memory_space<vmem>>)
      %dma_start3A_659 = arith.constant 0 : i32
      %dma_start3A_660 = tpu.memref_slice %arg8[%add3A_652, %dma_start3A_659] : memref<32x128xi32, #tpu.memory_space<vmem>> -> memref<1x128xi32, #tpu.memory_space<vmem>>
      %dma_start3A_661 = tpu.memref_squeeze %dma_start3A_660 : memref<1x128xi32, #tpu.memory_space<vmem>> -> memref<128xi32, #tpu.memory_space<vmem>>
      %dma_start3A_662 = arith.constant 0 : i32
      %dma_start3A_663 = arith.constant 0 : i32
      %dma_start3A_664 = tpu.memref_slice %arg12[%dma_start3A_662, %dma_start3A_663] : memref<8192x128xf32, #tpu.memory_space<vmem_shared>> -> memref<8192x128xf32, #tpu.memory_space<vmem_shared>>
      tpu.enqueue_indirect_dma source(%arg10 : memref<128x128xf32, #tpu.memory_space<vmem>>) target(%dma_start3A_664 : memref<8192x128xf32, #tpu.memory_space<vmem_shared>>) offsets(%dma_start3A_661 : memref<128xi32, #tpu.memory_space<vmem>>) semaphore(%arg17 : memref<!tpu.dma_semaphore, #tpu.memory_space<semaphore_mem>>) {add = true}
      %sub3A_665 = arith.constant 1 : i32
      %sub3A_666 = arith.subi %add3A_652, %sub3A_665 : i32
      %dma_wait3A_667 = arith.constant 0 : i32
      %dma_wait3A_668 = tpu.memref_slice %arg8[%sub3A_666, %dma_wait3A_667] : memref<32x128xi32, #tpu.memory_space<vmem>> -> memref<1x128xi32, #tpu.memory_space<vmem>>
      %dma_wait3A_669 = tpu.memref_squeeze %dma_wait3A_668 : memref<1x128xi32, #tpu.memory_space<vmem>> -> memref<128xi32, #tpu.memory_space<vmem>>
      %dma_wait3A_670 = arith.constant 0 : i32
      %dma_wait3A_671 = arith.constant 0 : i32
      %dma_wait3A_672 = tpu.memref_slice %arg12[%dma_wait3A_670, %dma_wait3A_671] : memref<8192x128xf32, #tpu.memory_space<vmem_shared>> -> memref<8192x128xf32, #tpu.memory_space<vmem_shared>>
      tpu.wait_indirect_dma semaphore(%arg16 : memref<!tpu.dma_semaphore, #tpu.memory_space<semaphore_mem>>) src(%arg9 : memref<128x128xf32, #tpu.memory_space<vmem>>) dst(%dma_wait3A_672 : memref<8192x128xf32, #tpu.memory_space<vmem_shared>>)
      %add3A_673 = arith.constant 2 : i32
      %add3A_674 = arith.addi %add3A_652, %add3A_673 : i32
      %dma_start3A_675 = arith.constant 0 : i32
      %dma_start3A_676 = tpu.memref_slice %arg7[%add3A_674, %dma_start3A_675] : memref<32x128xi32, #tpu.memory_space<vmem>> -> memref<1x128xi32, #tpu.memory_space<vmem>>
      %dma_start3A_677 = tpu.memref_squeeze %dma_start3A_676 : memref<1x128xi32, #tpu.memory_space<vmem>> -> memref<128xi32, #tpu.memory_space<vmem>>
      %dma_start3A_678 = arith.constant 0 : i32
      %dma_start3A_679 = arith.constant 0 : i32
      %dma_start3A_680 = tpu.memref_slice %arg2[%dma_start3A_678, %dma_start3A_679] : memref<12288x128xf32, #tpu.memory_space<hbm>> -> memref<12288x128xf32, #tpu.memory_space<hbm>>
      tpu.enqueue_indirect_dma source(%dma_start3A_680 : memref<12288x128xf32, #tpu.memory_space<hbm>>) target(%arg9 : memref<128x128xf32, #tpu.memory_space<vmem>>) offsets(%dma_start3A_677 : memref<128xi32, #tpu.memory_space<vmem>>) semaphore(%arg13 : memref<!tpu.dma_semaphore, #tpu.memory_space<semaphore_mem>>)
      %add3A_681 = arith.constant 2 : i32
      %add3A_682 = arith.addi %add3A_621, %add3A_681 : i32
      %dma_wait3A_683 = arith.constant 0 : i32
      %dma_wait3A_684 = tpu.memref_slice %arg7[%add3A_682, %dma_wait3A_683] : memref<32x128xi32, #tpu.memory_space<vmem>> -> memref<1x128xi32, #tpu.memory_space<vmem>>
      %dma_wait3A_685 = tpu.memref_squeeze %dma_wait3A_684 : memref<1x128xi32, #tpu.memory_space<vmem>> -> memref<128xi32, #tpu.memory_space<vmem>>
      %dma_wait3A_686 = arith.constant 0 : i32
      %dma_wait3A_687 = arith.constant 0 : i32
      %dma_wait3A_688 = tpu.memref_slice %arg2[%dma_wait3A_686, %dma_wait3A_687] : memref<12288x128xf32, #tpu.memory_space<hbm>> -> memref<12288x128xf32, #tpu.memory_space<hbm>>
      tpu.wait_indirect_dma semaphore(%arg15 : memref<!tpu.dma_semaphore, #tpu.memory_space<semaphore_mem>>) src(%dma_wait3A_688 : memref<12288x128xf32, #tpu.memory_space<hbm>>) dst(%arg11 : memref<128x128xf32, #tpu.memory_space<vmem>>)
      %dma_start3A_689 = arith.constant 0 : i32
      %dma_start3A_690 = tpu.memref_slice %arg8[%add3A_682, %dma_start3A_689] : memref<32x128xi32, #tpu.memory_space<vmem>> -> memref<1x128xi32, #tpu.memory_space<vmem>>
      %dma_start3A_691 = tpu.memref_squeeze %dma_start3A_690 : memref<1x128xi32, #tpu.memory_space<vmem>> -> memref<128xi32, #tpu.memory_space<vmem>>
      %dma_start3A_692 = arith.constant 0 : i32
      %dma_start3A_693 = arith.constant 0 : i32
      %dma_start3A_694 = tpu.memref_slice %arg12[%dma_start3A_692, %dma_start3A_693] : memref<8192x128xf32, #tpu.memory_space<vmem_shared>> -> memref<8192x128xf32, #tpu.memory_space<vmem_shared>>
      tpu.enqueue_indirect_dma source(%arg11 : memref<128x128xf32, #tpu.memory_space<vmem>>) target(%dma_start3A_694 : memref<8192x128xf32, #tpu.memory_space<vmem_shared>>) offsets(%dma_start3A_691 : memref<128xi32, #tpu.memory_space<vmem>>) semaphore(%arg18 : memref<!tpu.dma_semaphore, #tpu.memory_space<semaphore_mem>>) {add = true}
      %sub3A_695 = arith.constant 1 : i32
      %sub3A_696 = arith.subi %add3A_682, %sub3A_695 : i32
      %dma_wait3A_697 = arith.constant 0 : i32
      %dma_wait3A_698 = tpu.memref_slice %arg8[%sub3A_696, %dma_wait3A_697] : memref<32x128xi32, #tpu.memory_space<vmem>> -> memref<1x128xi32, #tpu.memory_space<vmem>>
      %dma_wait3A_699 = tpu.memref_squeeze %dma_wait3A_698 : memref<1x128xi32, #tpu.memory_space<vmem>> -> memref<128xi32, #tpu.memory_space<vmem>>
      %dma_wait3A_700 = arith.constant 0 : i32
      %dma_wait3A_701 = arith.constant 0 : i32
      %dma_wait3A_702 = tpu.memref_slice %arg12[%dma_wait3A_700, %dma_wait3A_701] : memref<8192x128xf32, #tpu.memory_space<vmem_shared>> -> memref<8192x128xf32, #tpu.memory_space<vmem_shared>>
      tpu.wait_indirect_dma semaphore(%arg17 : memref<!tpu.dma_semaphore, #tpu.memory_space<semaphore_mem>>) src(%arg10 : memref<128x128xf32, #tpu.memory_space<vmem>>) dst(%dma_wait3A_702 : memref<8192x128xf32, #tpu.memory_space<vmem_shared>>)
      %add3A_703 = arith.constant 2 : i32
      %add3A_704 = arith.addi %add3A_682, %add3A_703 : i32
      %dma_start3A_705 = arith.constant 0 : i32
      %dma_start3A_706 = tpu.memref_slice %arg7[%add3A_704, %dma_start3A_705] : memref<32x128xi32, #tpu.memory_space<vmem>> -> memref<1x128xi32, #tpu.memory_space<vmem>>
      %dma_start3A_707 = tpu.memref_squeeze %dma_start3A_706 : memref<1x128xi32, #tpu.memory_space<vmem>> -> memref<128xi32, #tpu.memory_space<vmem>>
      %dma_start3A_708 = arith.constant 0 : i32
      %dma_start3A_709 = arith.constant 0 : i32
      %dma_start3A_710 = tpu.memref_slice %arg2[%dma_start3A_708, %dma_start3A_709] : memref<12288x128xf32, #tpu.memory_space<hbm>> -> memref<12288x128xf32, #tpu.memory_space<hbm>>
      tpu.enqueue_indirect_dma source(%dma_start3A_710 : memref<12288x128xf32, #tpu.memory_space<hbm>>) target(%arg10 : memref<128x128xf32, #tpu.memory_space<vmem>>) offsets(%dma_start3A_707 : memref<128xi32, #tpu.memory_space<vmem>>) semaphore(%arg14 : memref<!tpu.dma_semaphore, #tpu.memory_space<semaphore_mem>>)
    }
    %scan3A_253 = arith.constant 9 : i32
    %dma_wait3A_254 = arith.constant 30 : i32
    %dma_wait3A_255 = arith.constant 0 : i32
    %dma_wait3A_256 = tpu.memref_slice %arg7[%dma_wait3A_254, %dma_wait3A_255] : memref<32x128xi32, #tpu.memory_space<vmem>> -> memref<1x128xi32, #tpu.memory_space<vmem>>
    %dma_wait3A_257 = tpu.memref_squeeze %dma_wait3A_256 : memref<1x128xi32, #tpu.memory_space<vmem>> -> memref<128xi32, #tpu.memory_space<vmem>>
    %dma_wait3A_258 = arith.constant 0 : i32
    %dma_wait3A_259 = arith.constant 0 : i32
    %dma_wait3A_260 = tpu.memref_slice %arg2[%dma_wait3A_258, %dma_wait3A_259] : memref<12288x128xf32, #tpu.memory_space<hbm>> -> memref<12288x128xf32, #tpu.memory_space<hbm>>
    tpu.wait_indirect_dma semaphore(%arg13 : memref<!tpu.dma_semaphore, #tpu.memory_space<semaphore_mem>>) src(%dma_wait3A_260 : memref<12288x128xf32, #tpu.memory_space<hbm>>) dst(%arg9 : memref<128x128xf32, #tpu.memory_space<vmem>>)
    %dma_start3A_261 = arith.constant 30 : i32
    %dma_start3A_262 = arith.constant 0 : i32
    %dma_start3A_263 = tpu.memref_slice %arg8[%dma_start3A_261, %dma_start3A_262] : memref<32x128xi32, #tpu.memory_space<vmem>> -> memref<1x128xi32, #tpu.memory_space<vmem>>
    %dma_start3A_264 = tpu.memref_squeeze %dma_start3A_263 : memref<1x128xi32, #tpu.memory_space<vmem>> -> memref<128xi32, #tpu.memory_space<vmem>>
    %dma_start3A_265 = arith.constant 0 : i32
    %dma_start3A_266 = arith.constant 0 : i32
    %dma_start3A_267 = tpu.memref_slice %arg12[%dma_start3A_265, %dma_start3A_266] : memref<8192x128xf32, #tpu.memory_space<vmem_shared>> -> memref<8192x128xf32, #tpu.memory_space<vmem_shared>>
    tpu.enqueue_indirect_dma source(%arg9 : memref<128x128xf32, #tpu.memory_space<vmem>>) target(%dma_start3A_267 : memref<8192x128xf32, #tpu.memory_space<vmem_shared>>) offsets(%dma_start3A_264 : memref<128xi32, #tpu.memory_space<vmem>>) semaphore(%arg16 : memref<!tpu.dma_semaphore, #tpu.memory_space<semaphore_mem>>) {add = true}
    %dma_wait3A_268 = arith.constant 29 : i32
    %dma_wait3A_269 = arith.constant 0 : i32
    %dma_wait3A_270 = tpu.memref_slice %arg8[%dma_wait3A_268, %dma_wait3A_269] : memref<32x128xi32, #tpu.memory_space<vmem>> -> memref<1x128xi32, #tpu.memory_space<vmem>>
    %dma_wait3A_271 = tpu.memref_squeeze %dma_wait3A_270 : memref<1x128xi32, #tpu.memory_space<vmem>> -> memref<128xi32, #tpu.memory_space<vmem>>
    %dma_wait3A_272 = arith.constant 0 : i32
    %dma_wait3A_273 = arith.constant 0 : i32
    %dma_wait3A_274 = tpu.memref_slice %arg12[%dma_wait3A_272, %dma_wait3A_273] : memref<8192x128xf32, #tpu.memory_space<vmem_shared>> -> memref<8192x128xf32, #tpu.memory_space<vmem_shared>>
    tpu.wait_indirect_dma semaphore(%arg18 : memref<!tpu.dma_semaphore, #tpu.memory_space<semaphore_mem>>) src(%arg11 : memref<128x128xf32, #tpu.memory_space<vmem>>) dst(%dma_wait3A_274 : memref<8192x128xf32, #tpu.memory_space<vmem_shared>>)
    %dma_wait3A_275 = arith.constant 31 : i32
    %dma_wait3A_276 = arith.constant 0 : i32
    %dma_wait3A_277 = tpu.memref_slice %arg7[%dma_wait3A_275, %dma_wait3A_276] : memref<32x128xi32, #tpu.memory_space<vmem>> -> memref<1x128xi32, #tpu.memory_space<vmem>>
    %dma_wait3A_278 = tpu.memref_squeeze %dma_wait3A_277 : memref<1x128xi32, #tpu.memory_space<vmem>> -> memref<128xi32, #tpu.memory_space<vmem>>
    %dma_wait3A_279 = arith.constant 0 : i32
    %dma_wait3A_280 = arith.constant 0 : i32
    %dma_wait3A_281 = tpu.memref_slice %arg2[%dma_wait3A_279, %dma_wait3A_280] : memref<12288x128xf32, #tpu.memory_space<hbm>> -> memref<12288x128xf32, #tpu.memory_space<hbm>>
    tpu.wait_indirect_dma semaphore(%arg14 : memref<!tpu.dma_semaphore, #tpu.memory_space<semaphore_mem>>) src(%dma_wait3A_281 : memref<12288x128xf32, #tpu.memory_space<hbm>>) dst(%arg10 : memref<128x128xf32, #tpu.memory_space<vmem>>)
    %dma_start3A_282 = arith.constant 31 : i32
    %dma_start3A_283 = arith.constant 0 : i32
    %dma_start3A_284 = tpu.memref_slice %arg8[%dma_start3A_282, %dma_start3A_283] : memref<32x128xi32, #tpu.memory_space<vmem>> -> memref<1x128xi32, #tpu.memory_space<vmem>>
    %dma_start3A_285 = tpu.memref_squeeze %dma_start3A_284 : memref<1x128xi32, #tpu.memory_space<vmem>> -> memref<128xi32, #tpu.memory_space<vmem>>
    %dma_start3A_286 = arith.constant 0 : i32
    %dma_start3A_287 = arith.constant 0 : i32
    %dma_start3A_288 = tpu.memref_slice %arg12[%dma_start3A_286, %dma_start3A_287] : memref<8192x128xf32, #tpu.memory_space<vmem_shared>> -> memref<8192x128xf32, #tpu.memory_space<vmem_shared>>
    tpu.enqueue_indirect_dma source(%arg10 : memref<128x128xf32, #tpu.memory_space<vmem>>) target(%dma_start3A_288 : memref<8192x128xf32, #tpu.memory_space<vmem_shared>>) offsets(%dma_start3A_285 : memref<128xi32, #tpu.memory_space<vmem>>) semaphore(%arg17 : memref<!tpu.dma_semaphore, #tpu.memory_space<semaphore_mem>>) {add = true}
    %dma_wait3A_289 = arith.constant 30 : i32
    %dma_wait3A_290 = arith.constant 0 : i32
    %dma_wait3A_291 = tpu.memref_slice %arg8[%dma_wait3A_289, %dma_wait3A_290] : memref<32x128xi32, #tpu.memory_space<vmem>> -> memref<1x128xi32, #tpu.memory_space<vmem>>
    %dma_wait3A_292 = tpu.memref_squeeze %dma_wait3A_291 : memref<1x128xi32, #tpu.memory_space<vmem>> -> memref<128xi32, #tpu.memory_space<vmem>>
    %dma_wait3A_293 = arith.constant 0 : i32
    %dma_wait3A_294 = arith.constant 0 : i32
    %dma_wait3A_295 = tpu.memref_slice %arg12[%dma_wait3A_293, %dma_wait3A_294] : memref<8192x128xf32, #tpu.memory_space<vmem_shared>> -> memref<8192x128xf32, #tpu.memory_space<vmem_shared>>
    tpu.wait_indirect_dma semaphore(%arg16 : memref<!tpu.dma_semaphore, #tpu.memory_space<semaphore_mem>>) src(%arg9 : memref<128x128xf32, #tpu.memory_space<vmem>>) dst(%dma_wait3A_295 : memref<8192x128xf32, #tpu.memory_space<vmem_shared>>)
    %dma_wait3A_296 = arith.constant 31 : i32
    %dma_wait3A_297 = arith.constant 0 : i32
    %dma_wait3A_298 = tpu.memref_slice %arg8[%dma_wait3A_296, %dma_wait3A_297] : memref<32x128xi32, #tpu.memory_space<vmem>> -> memref<1x128xi32, #tpu.memory_space<vmem>>
    %dma_wait3A_299 = tpu.memref_squeeze %dma_wait3A_298 : memref<1x128xi32, #tpu.memory_space<vmem>> -> memref<128xi32, #tpu.memory_space<vmem>>
    %dma_wait3A_300 = arith.constant 0 : i32
    %dma_wait3A_301 = arith.constant 0 : i32
    %dma_wait3A_302 = tpu.memref_slice %arg12[%dma_wait3A_300, %dma_wait3A_301] : memref<8192x128xf32, #tpu.memory_space<vmem_shared>> -> memref<8192x128xf32, #tpu.memory_space<vmem_shared>>
    tpu.wait_indirect_dma semaphore(%arg17 : memref<!tpu.dma_semaphore, #tpu.memory_space<semaphore_mem>>) src(%arg10 : memref<128x128xf32, #tpu.memory_space<vmem>>) dst(%dma_wait3A_302 : memref<8192x128xf32, #tpu.memory_space<vmem_shared>>)
    %mul3A_303 = arith.constant 2048 : i32
    %mul3A_304 = arith.muli %arg0, %mul3A_303 : i32
    %mul3A_305 = arith.constant 128 : i32
    %mul3A_306 = arith.muli %arg1, %mul3A_305 : i32
    %add3A_307 = arith.addi %mul3A_304, %mul3A_306 : i32
    %add3A_308 = arith.constant 64 : i32
    %add3A_309 = arith.addi %add3A_307, %add3A_308 : i32
    "tpu.region"() ({
      %run_scoped3A = tpu.sem_alloc : memref<!tpu.dma_semaphore, #tpu.memory_space<semaphore_mem>>
      %dma_start3A_617 = arith.constant 0 : i32
      %dma_start3A_618 = tpu.memref_slice %arg3[%add3A_309, %dma_start3A_617] : memref<4096x128xi32, #tpu.memory_space<hbm>> -> memref<32x128xi32, #tpu.memory_space<hbm>>
      %dma_start3A_619 = arith.constant 0 : i32
      %dma_start3A_620 = tpu.memref_slice %arg3[%add3A_309, %dma_start3A_619] : memref<4096x128xi32, #tpu.memory_space<hbm>> -> memref<32x128xi32, #tpu.memory_space<hbm>>
      tpu.enqueue_dma source(%dma_start3A_620 : memref<32x128xi32, #tpu.memory_space<hbm>>) target(%arg7 : memref<32x128xi32, #tpu.memory_space<vmem>>) target_semaphore(%run_scoped3A : memref<!tpu.dma_semaphore, #tpu.memory_space<semaphore_mem>>)
      %dma_wait3A_621 = arith.constant 0 : i32
      %dma_wait3A_622 = tpu.memref_slice %arg3[%add3A_309, %dma_wait3A_621] : memref<4096x128xi32, #tpu.memory_space<hbm>> -> memref<32x128xi32, #tpu.memory_space<hbm>>
      %dma_wait3A_623 = arith.constant 0 : i32
      %dma_wait3A_624 = tpu.memref_slice %arg3[%add3A_309, %dma_wait3A_623] : memref<4096x128xi32, #tpu.memory_space<hbm>> -> memref<32x128xi32, #tpu.memory_space<hbm>>
      tpu.wait_dma2 semaphore(%run_scoped3A : memref<!tpu.dma_semaphore, #tpu.memory_space<semaphore_mem>>) src(%dma_wait3A_624 : memref<32x128xi32, #tpu.memory_space<hbm>>) dst(%arg7 : memref<32x128xi32, #tpu.memory_space<vmem>>)
      tpu.yield
    }) : () -> ()
    "tpu.region"() ({
      %run_scoped3A = tpu.sem_alloc : memref<!tpu.dma_semaphore, #tpu.memory_space<semaphore_mem>>
      %dma_start3A_617 = arith.constant 0 : i32
      %dma_start3A_618 = tpu.memref_slice %arg4[%add3A_309, %dma_start3A_617] : memref<4096x128xi32, #tpu.memory_space<hbm>> -> memref<32x128xi32, #tpu.memory_space<hbm>>
      %dma_start3A_619 = arith.constant 0 : i32
      %dma_start3A_620 = tpu.memref_slice %arg4[%add3A_309, %dma_start3A_619] : memref<4096x128xi32, #tpu.memory_space<hbm>> -> memref<32x128xi32, #tpu.memory_space<hbm>>
      tpu.enqueue_dma source(%dma_start3A_620 : memref<32x128xi32, #tpu.memory_space<hbm>>) target(%arg8 : memref<32x128xi32, #tpu.memory_space<vmem>>) target_semaphore(%run_scoped3A : memref<!tpu.dma_semaphore, #tpu.memory_space<semaphore_mem>>)
      %dma_wait3A_621 = arith.constant 0 : i32
      %dma_wait3A_622 = tpu.memref_slice %arg4[%add3A_309, %dma_wait3A_621] : memref<4096x128xi32, #tpu.memory_space<hbm>> -> memref<32x128xi32, #tpu.memory_space<hbm>>
      %dma_wait3A_623 = arith.constant 0 : i32
      %dma_wait3A_624 = tpu.memref_slice %arg4[%add3A_309, %dma_wait3A_623] : memref<4096x128xi32, #tpu.memory_space<hbm>> -> memref<32x128xi32, #tpu.memory_space<hbm>>
      tpu.wait_dma2 semaphore(%run_scoped3A : memref<!tpu.dma_semaphore, #tpu.memory_space<semaphore_mem>>) src(%dma_wait3A_624 : memref<32x128xi32, #tpu.memory_space<hbm>>) dst(%arg8 : memref<32x128xi32, #tpu.memory_space<vmem>>)
      tpu.yield
    }) : () -> ()
    %dma_start3A_310 = arith.constant 0 : i32
    %dma_start3A_311 = arith.constant 0 : i32
    %dma_start3A_312 = tpu.memref_slice %arg7[%dma_start3A_310, %dma_start3A_311] : memref<32x128xi32, #tpu.memory_space<vmem>> -> memref<1x128xi32, #tpu.memory_space<vmem>>
    %dma_start3A_313 = tpu.memref_squeeze %dma_start3A_312 : memref<1x128xi32, #tpu.memory_space<vmem>> -> memref<128xi32, #tpu.memory_space<vmem>>
    %dma_start3A_314 = arith.constant 0 : i32
    %dma_start3A_315 = arith.constant 0 : i32
    %dma_start3A_316 = tpu.memref_slice %arg2[%dma_start3A_314, %dma_start3A_315] : memref<12288x128xf32, #tpu.memory_space<hbm>> -> memref<12288x128xf32, #tpu.memory_space<hbm>>
    tpu.enqueue_indirect_dma source(%dma_start3A_316 : memref<12288x128xf32, #tpu.memory_space<hbm>>) target(%arg9 : memref<128x128xf32, #tpu.memory_space<vmem>>) offsets(%dma_start3A_313 : memref<128xi32, #tpu.memory_space<vmem>>) semaphore(%arg13 : memref<!tpu.dma_semaphore, #tpu.memory_space<semaphore_mem>>)
    %dma_start3A_317 = arith.constant 1 : i32
    %dma_start3A_318 = arith.constant 0 : i32
    %dma_start3A_319 = tpu.memref_slice %arg7[%dma_start3A_317, %dma_start3A_318] : memref<32x128xi32, #tpu.memory_space<vmem>> -> memref<1x128xi32, #tpu.memory_space<vmem>>
    %dma_start3A_320 = tpu.memref_squeeze %dma_start3A_319 : memref<1x128xi32, #tpu.memory_space<vmem>> -> memref<128xi32, #tpu.memory_space<vmem>>
    %dma_start3A_321 = arith.constant 0 : i32
    %dma_start3A_322 = arith.constant 0 : i32
    %dma_start3A_323 = tpu.memref_slice %arg2[%dma_start3A_321, %dma_start3A_322] : memref<12288x128xf32, #tpu.memory_space<hbm>> -> memref<12288x128xf32, #tpu.memory_space<hbm>>
    tpu.enqueue_indirect_dma source(%dma_start3A_323 : memref<12288x128xf32, #tpu.memory_space<hbm>>) target(%arg10 : memref<128x128xf32, #tpu.memory_space<vmem>>) offsets(%dma_start3A_320 : memref<128xi32, #tpu.memory_space<vmem>>) semaphore(%arg14 : memref<!tpu.dma_semaphore, #tpu.memory_space<semaphore_mem>>)
    %dma_wait3A_324 = arith.constant 0 : i32
    %dma_wait3A_325 = arith.constant 0 : i32
    %dma_wait3A_326 = tpu.memref_slice %arg7[%dma_wait3A_324, %dma_wait3A_325] : memref<32x128xi32, #tpu.memory_space<vmem>> -> memref<1x128xi32, #tpu.memory_space<vmem>>
    %dma_wait3A_327 = tpu.memref_squeeze %dma_wait3A_326 : memref<1x128xi32, #tpu.memory_space<vmem>> -> memref<128xi32, #tpu.memory_space<vmem>>
    %dma_wait3A_328 = arith.constant 0 : i32
    %dma_wait3A_329 = arith.constant 0 : i32
    %dma_wait3A_330 = tpu.memref_slice %arg2[%dma_wait3A_328, %dma_wait3A_329] : memref<12288x128xf32, #tpu.memory_space<hbm>> -> memref<12288x128xf32, #tpu.memory_space<hbm>>
    tpu.wait_indirect_dma semaphore(%arg13 : memref<!tpu.dma_semaphore, #tpu.memory_space<semaphore_mem>>) src(%dma_wait3A_330 : memref<12288x128xf32, #tpu.memory_space<hbm>>) dst(%arg9 : memref<128x128xf32, #tpu.memory_space<vmem>>)
    %dma_start3A_331 = arith.constant 0 : i32
    %dma_start3A_332 = arith.constant 0 : i32
    %dma_start3A_333 = tpu.memref_slice %arg8[%dma_start3A_331, %dma_start3A_332] : memref<32x128xi32, #tpu.memory_space<vmem>> -> memref<1x128xi32, #tpu.memory_space<vmem>>
    %dma_start3A_334 = tpu.memref_squeeze %dma_start3A_333 : memref<1x128xi32, #tpu.memory_space<vmem>> -> memref<128xi32, #tpu.memory_space<vmem>>
    %dma_start3A_335 = arith.constant 0 : i32
    %dma_start3A_336 = arith.constant 0 : i32
    %dma_start3A_337 = tpu.memref_slice %arg12[%dma_start3A_335, %dma_start3A_336] : memref<8192x128xf32, #tpu.memory_space<vmem_shared>> -> memref<8192x128xf32, #tpu.memory_space<vmem_shared>>
    tpu.enqueue_indirect_dma source(%arg9 : memref<128x128xf32, #tpu.memory_space<vmem>>) target(%dma_start3A_337 : memref<8192x128xf32, #tpu.memory_space<vmem_shared>>) offsets(%dma_start3A_334 : memref<128xi32, #tpu.memory_space<vmem>>) semaphore(%arg16 : memref<!tpu.dma_semaphore, #tpu.memory_space<semaphore_mem>>) {add = true}
    %dma_start3A_338 = arith.constant 2 : i32
    %dma_start3A_339 = arith.constant 0 : i32
    %dma_start3A_340 = tpu.memref_slice %arg7[%dma_start3A_338, %dma_start3A_339] : memref<32x128xi32, #tpu.memory_space<vmem>> -> memref<1x128xi32, #tpu.memory_space<vmem>>
    %dma_start3A_341 = tpu.memref_squeeze %dma_start3A_340 : memref<1x128xi32, #tpu.memory_space<vmem>> -> memref<128xi32, #tpu.memory_space<vmem>>
    %dma_start3A_342 = arith.constant 0 : i32
    %dma_start3A_343 = arith.constant 0 : i32
    %dma_start3A_344 = tpu.memref_slice %arg2[%dma_start3A_342, %dma_start3A_343] : memref<12288x128xf32, #tpu.memory_space<hbm>> -> memref<12288x128xf32, #tpu.memory_space<hbm>>
    tpu.enqueue_indirect_dma source(%dma_start3A_344 : memref<12288x128xf32, #tpu.memory_space<hbm>>) target(%arg11 : memref<128x128xf32, #tpu.memory_space<vmem>>) offsets(%dma_start3A_341 : memref<128xi32, #tpu.memory_space<vmem>>) semaphore(%arg15 : memref<!tpu.dma_semaphore, #tpu.memory_space<semaphore_mem>>)
    %dma_wait3A_345 = arith.constant 1 : i32
    %dma_wait3A_346 = arith.constant 0 : i32
    %dma_wait3A_347 = tpu.memref_slice %arg7[%dma_wait3A_345, %dma_wait3A_346] : memref<32x128xi32, #tpu.memory_space<vmem>> -> memref<1x128xi32, #tpu.memory_space<vmem>>
    %dma_wait3A_348 = tpu.memref_squeeze %dma_wait3A_347 : memref<1x128xi32, #tpu.memory_space<vmem>> -> memref<128xi32, #tpu.memory_space<vmem>>
    %dma_wait3A_349 = arith.constant 0 : i32
    %dma_wait3A_350 = arith.constant 0 : i32
    %dma_wait3A_351 = tpu.memref_slice %arg2[%dma_wait3A_349, %dma_wait3A_350] : memref<12288x128xf32, #tpu.memory_space<hbm>> -> memref<12288x128xf32, #tpu.memory_space<hbm>>
    tpu.wait_indirect_dma semaphore(%arg14 : memref<!tpu.dma_semaphore, #tpu.memory_space<semaphore_mem>>) src(%dma_wait3A_351 : memref<12288x128xf32, #tpu.memory_space<hbm>>) dst(%arg10 : memref<128x128xf32, #tpu.memory_space<vmem>>)
    %dma_start3A_352 = arith.constant 1 : i32
    %dma_start3A_353 = arith.constant 0 : i32
    %dma_start3A_354 = tpu.memref_slice %arg8[%dma_start3A_352, %dma_start3A_353] : memref<32x128xi32, #tpu.memory_space<vmem>> -> memref<1x128xi32, #tpu.memory_space<vmem>>
    %dma_start3A_355 = tpu.memref_squeeze %dma_start3A_354 : memref<1x128xi32, #tpu.memory_space<vmem>> -> memref<128xi32, #tpu.memory_space<vmem>>
    %dma_start3A_356 = arith.constant 0 : i32
    %dma_start3A_357 = arith.constant 0 : i32
    %dma_start3A_358 = tpu.memref_slice %arg12[%dma_start3A_356, %dma_start3A_357] : memref<8192x128xf32, #tpu.memory_space<vmem_shared>> -> memref<8192x128xf32, #tpu.memory_space<vmem_shared>>
    tpu.enqueue_indirect_dma source(%arg10 : memref<128x128xf32, #tpu.memory_space<vmem>>) target(%dma_start3A_358 : memref<8192x128xf32, #tpu.memory_space<vmem_shared>>) offsets(%dma_start3A_355 : memref<128xi32, #tpu.memory_space<vmem>>) semaphore(%arg17 : memref<!tpu.dma_semaphore, #tpu.memory_space<semaphore_mem>>) {add = true}
    %dma_wait3A_359 = arith.constant 0 : i32
    %dma_wait3A_360 = arith.constant 0 : i32
    %dma_wait3A_361 = tpu.memref_slice %arg8[%dma_wait3A_359, %dma_wait3A_360] : memref<32x128xi32, #tpu.memory_space<vmem>> -> memref<1x128xi32, #tpu.memory_space<vmem>>
    %dma_wait3A_362 = tpu.memref_squeeze %dma_wait3A_361 : memref<1x128xi32, #tpu.memory_space<vmem>> -> memref<128xi32, #tpu.memory_space<vmem>>
    %dma_wait3A_363 = arith.constant 0 : i32
    %dma_wait3A_364 = arith.constant 0 : i32
    %dma_wait3A_365 = tpu.memref_slice %arg12[%dma_wait3A_363, %dma_wait3A_364] : memref<8192x128xf32, #tpu.memory_space<vmem_shared>> -> memref<8192x128xf32, #tpu.memory_space<vmem_shared>>
    tpu.wait_indirect_dma semaphore(%arg16 : memref<!tpu.dma_semaphore, #tpu.memory_space<semaphore_mem>>) src(%arg9 : memref<128x128xf32, #tpu.memory_space<vmem>>) dst(%dma_wait3A_365 : memref<8192x128xf32, #tpu.memory_space<vmem_shared>>)
    %dma_start3A_366 = arith.constant 3 : i32
    %dma_start3A_367 = arith.constant 0 : i32
    %dma_start3A_368 = tpu.memref_slice %arg7[%dma_start3A_366, %dma_start3A_367] : memref<32x128xi32, #tpu.memory_space<vmem>> -> memref<1x128xi32, #tpu.memory_space<vmem>>
    %dma_start3A_369 = tpu.memref_squeeze %dma_start3A_368 : memref<1x128xi32, #tpu.memory_space<vmem>> -> memref<128xi32, #tpu.memory_space<vmem>>
    %dma_start3A_370 = arith.constant 0 : i32
    %dma_start3A_371 = arith.constant 0 : i32
    %dma_start3A_372 = tpu.memref_slice %arg2[%dma_start3A_370, %dma_start3A_371] : memref<12288x128xf32, #tpu.memory_space<hbm>> -> memref<12288x128xf32, #tpu.memory_space<hbm>>
    tpu.enqueue_indirect_dma source(%dma_start3A_372 : memref<12288x128xf32, #tpu.memory_space<hbm>>) target(%arg9 : memref<128x128xf32, #tpu.memory_space<vmem>>) offsets(%dma_start3A_369 : memref<128xi32, #tpu.memory_space<vmem>>) semaphore(%arg13 : memref<!tpu.dma_semaphore, #tpu.memory_space<semaphore_mem>>)
    %dma_wait3A_373 = arith.constant 2 : i32
    %dma_wait3A_374 = arith.constant 0 : i32
    %dma_wait3A_375 = tpu.memref_slice %arg7[%dma_wait3A_373, %dma_wait3A_374] : memref<32x128xi32, #tpu.memory_space<vmem>> -> memref<1x128xi32, #tpu.memory_space<vmem>>
    %dma_wait3A_376 = tpu.memref_squeeze %dma_wait3A_375 : memref<1x128xi32, #tpu.memory_space<vmem>> -> memref<128xi32, #tpu.memory_space<vmem>>
    %dma_wait3A_377 = arith.constant 0 : i32
    %dma_wait3A_378 = arith.constant 0 : i32
    %dma_wait3A_379 = tpu.memref_slice %arg2[%dma_wait3A_377, %dma_wait3A_378] : memref<12288x128xf32, #tpu.memory_space<hbm>> -> memref<12288x128xf32, #tpu.memory_space<hbm>>
    tpu.wait_indirect_dma semaphore(%arg15 : memref<!tpu.dma_semaphore, #tpu.memory_space<semaphore_mem>>) src(%dma_wait3A_379 : memref<12288x128xf32, #tpu.memory_space<hbm>>) dst(%arg11 : memref<128x128xf32, #tpu.memory_space<vmem>>)
    %dma_start3A_380 = arith.constant 2 : i32
    %dma_start3A_381 = arith.constant 0 : i32
    %dma_start3A_382 = tpu.memref_slice %arg8[%dma_start3A_380, %dma_start3A_381] : memref<32x128xi32, #tpu.memory_space<vmem>> -> memref<1x128xi32, #tpu.memory_space<vmem>>
    %dma_start3A_383 = tpu.memref_squeeze %dma_start3A_382 : memref<1x128xi32, #tpu.memory_space<vmem>> -> memref<128xi32, #tpu.memory_space<vmem>>
    %dma_start3A_384 = arith.constant 0 : i32
    %dma_start3A_385 = arith.constant 0 : i32
    %dma_start3A_386 = tpu.memref_slice %arg12[%dma_start3A_384, %dma_start3A_385] : memref<8192x128xf32, #tpu.memory_space<vmem_shared>> -> memref<8192x128xf32, #tpu.memory_space<vmem_shared>>
    tpu.enqueue_indirect_dma source(%arg11 : memref<128x128xf32, #tpu.memory_space<vmem>>) target(%dma_start3A_386 : memref<8192x128xf32, #tpu.memory_space<vmem_shared>>) offsets(%dma_start3A_383 : memref<128xi32, #tpu.memory_space<vmem>>) semaphore(%arg18 : memref<!tpu.dma_semaphore, #tpu.memory_space<semaphore_mem>>) {add = true}
    %dma_wait3A_387 = arith.constant 1 : i32
    %dma_wait3A_388 = arith.constant 0 : i32
    %dma_wait3A_389 = tpu.memref_slice %arg8[%dma_wait3A_387, %dma_wait3A_388] : memref<32x128xi32, #tpu.memory_space<vmem>> -> memref<1x128xi32, #tpu.memory_space<vmem>>
    %dma_wait3A_390 = tpu.memref_squeeze %dma_wait3A_389 : memref<1x128xi32, #tpu.memory_space<vmem>> -> memref<128xi32, #tpu.memory_space<vmem>>
    %dma_wait3A_391 = arith.constant 0 : i32
    %dma_wait3A_392 = arith.constant 0 : i32
    %dma_wait3A_393 = tpu.memref_slice %arg12[%dma_wait3A_391, %dma_wait3A_392] : memref<8192x128xf32, #tpu.memory_space<vmem_shared>> -> memref<8192x128xf32, #tpu.memory_space<vmem_shared>>
    tpu.wait_indirect_dma semaphore(%arg17 : memref<!tpu.dma_semaphore, #tpu.memory_space<semaphore_mem>>) src(%arg10 : memref<128x128xf32, #tpu.memory_space<vmem>>) dst(%dma_wait3A_393 : memref<8192x128xf32, #tpu.memory_space<vmem_shared>>)
    %dma_start3A_394 = arith.constant 4 : i32
    %dma_start3A_395 = arith.constant 0 : i32
    %dma_start3A_396 = tpu.memref_slice %arg7[%dma_start3A_394, %dma_start3A_395] : memref<32x128xi32, #tpu.memory_space<vmem>> -> memref<1x128xi32, #tpu.memory_space<vmem>>
    %dma_start3A_397 = tpu.memref_squeeze %dma_start3A_396 : memref<1x128xi32, #tpu.memory_space<vmem>> -> memref<128xi32, #tpu.memory_space<vmem>>
    %dma_start3A_398 = arith.constant 0 : i32
    %dma_start3A_399 = arith.constant 0 : i32
    %dma_start3A_400 = tpu.memref_slice %arg2[%dma_start3A_398, %dma_start3A_399] : memref<12288x128xf32, #tpu.memory_space<hbm>> -> memref<12288x128xf32, #tpu.memory_space<hbm>>
    tpu.enqueue_indirect_dma source(%dma_start3A_400 : memref<12288x128xf32, #tpu.memory_space<hbm>>) target(%arg10 : memref<128x128xf32, #tpu.memory_space<vmem>>) offsets(%dma_start3A_397 : memref<128xi32, #tpu.memory_space<vmem>>) semaphore(%arg14 : memref<!tpu.dma_semaphore, #tpu.memory_space<semaphore_mem>>)
    %scan3A_401 = arith.constant 0 : i32
    %scan3A_402 = arith.constant 0 : i32
    %scan3A_403 = arith.constant 9 : i32
    %scan3A_404 = arith.addi %scan3A_402, %scan3A_403 : i32
    %scan3A_405 = arith.constant 1 : i32
    scf.for %scan3A_617 = %scan3A_402 to %scan3A_404 step %scan3A_405  : i32 {
      %mul3A_618 = arith.constant 3 : i32
      %mul3A_619 = arith.muli %mul3A_618, %scan3A_617 : i32
      %add3A_620 = arith.constant 3 : i32
      %add3A_621 = arith.addi %add3A_620, %mul3A_619 : i32
      %add3A_622 = arith.constant 0 : i32
      %add3A_623 = arith.addi %add3A_621, %add3A_622 : i32
      %dma_wait3A_624 = arith.constant 0 : i32
      %dma_wait3A_625 = tpu.memref_slice %arg7[%add3A_623, %dma_wait3A_624] : memref<32x128xi32, #tpu.memory_space<vmem>> -> memref<1x128xi32, #tpu.memory_space<vmem>>
      %dma_wait3A_626 = tpu.memref_squeeze %dma_wait3A_625 : memref<1x128xi32, #tpu.memory_space<vmem>> -> memref<128xi32, #tpu.memory_space<vmem>>
      %dma_wait3A_627 = arith.constant 0 : i32
      %dma_wait3A_628 = arith.constant 0 : i32
      %dma_wait3A_629 = tpu.memref_slice %arg2[%dma_wait3A_627, %dma_wait3A_628] : memref<12288x128xf32, #tpu.memory_space<hbm>> -> memref<12288x128xf32, #tpu.memory_space<hbm>>
      tpu.wait_indirect_dma semaphore(%arg13 : memref<!tpu.dma_semaphore, #tpu.memory_space<semaphore_mem>>) src(%dma_wait3A_629 : memref<12288x128xf32, #tpu.memory_space<hbm>>) dst(%arg9 : memref<128x128xf32, #tpu.memory_space<vmem>>)
      %dma_start3A_630 = arith.constant 0 : i32
      %dma_start3A_631 = tpu.memref_slice %arg8[%add3A_623, %dma_start3A_630] : memref<32x128xi32, #tpu.memory_space<vmem>> -> memref<1x128xi32, #tpu.memory_space<vmem>>
      %dma_start3A_632 = tpu.memref_squeeze %dma_start3A_631 : memref<1x128xi32, #tpu.memory_space<vmem>> -> memref<128xi32, #tpu.memory_space<vmem>>
      %dma_start3A_633 = arith.constant 0 : i32
      %dma_start3A_634 = arith.constant 0 : i32
      %dma_start3A_635 = tpu.memref_slice %arg12[%dma_start3A_633, %dma_start3A_634] : memref<8192x128xf32, #tpu.memory_space<vmem_shared>> -> memref<8192x128xf32, #tpu.memory_space<vmem_shared>>
      tpu.enqueue_indirect_dma source(%arg9 : memref<128x128xf32, #tpu.memory_space<vmem>>) target(%dma_start3A_635 : memref<8192x128xf32, #tpu.memory_space<vmem_shared>>) offsets(%dma_start3A_632 : memref<128xi32, #tpu.memory_space<vmem>>) semaphore(%arg16 : memref<!tpu.dma_semaphore, #tpu.memory_space<semaphore_mem>>) {add = true}
      %sub3A = arith.constant 1 : i32
      %sub3A_636 = arith.subi %add3A_623, %sub3A : i32
      %dma_wait3A_637 = arith.constant 0 : i32
      %dma_wait3A_638 = tpu.memref_slice %arg8[%sub3A_636, %dma_wait3A_637] : memref<32x128xi32, #tpu.memory_space<vmem>> -> memref<1x128xi32, #tpu.memory_space<vmem>>
      %dma_wait3A_639 = tpu.memref_squeeze %dma_wait3A_638 : memref<1x128xi32, #tpu.memory_space<vmem>> -> memref<128xi32, #tpu.memory_space<vmem>>
      %dma_wait3A_640 = arith.constant 0 : i32
      %dma_wait3A_641 = arith.constant 0 : i32
      %dma_wait3A_642 = tpu.memref_slice %arg12[%dma_wait3A_640, %dma_wait3A_641] : memref<8192x128xf32, #tpu.memory_space<vmem_shared>> -> memref<8192x128xf32, #tpu.memory_space<vmem_shared>>
      tpu.wait_indirect_dma semaphore(%arg18 : memref<!tpu.dma_semaphore, #tpu.memory_space<semaphore_mem>>) src(%arg11 : memref<128x128xf32, #tpu.memory_space<vmem>>) dst(%dma_wait3A_642 : memref<8192x128xf32, #tpu.memory_space<vmem_shared>>)
      %add3A_643 = arith.constant 2 : i32
      %add3A_644 = arith.addi %add3A_623, %add3A_643 : i32
      %dma_start3A_645 = arith.constant 0 : i32
      %dma_start3A_646 = tpu.memref_slice %arg7[%add3A_644, %dma_start3A_645] : memref<32x128xi32, #tpu.memory_space<vmem>> -> memref<1x128xi32, #tpu.memory_space<vmem>>
      %dma_start3A_647 = tpu.memref_squeeze %dma_start3A_646 : memref<1x128xi32, #tpu.memory_space<vmem>> -> memref<128xi32, #tpu.memory_space<vmem>>
      %dma_start3A_648 = arith.constant 0 : i32
      %dma_start3A_649 = arith.constant 0 : i32
      %dma_start3A_650 = tpu.memref_slice %arg2[%dma_start3A_648, %dma_start3A_649] : memref<12288x128xf32, #tpu.memory_space<hbm>> -> memref<12288x128xf32, #tpu.memory_space<hbm>>
      tpu.enqueue_indirect_dma source(%dma_start3A_650 : memref<12288x128xf32, #tpu.memory_space<hbm>>) target(%arg11 : memref<128x128xf32, #tpu.memory_space<vmem>>) offsets(%dma_start3A_647 : memref<128xi32, #tpu.memory_space<vmem>>) semaphore(%arg15 : memref<!tpu.dma_semaphore, #tpu.memory_space<semaphore_mem>>)
      %add3A_651 = arith.constant 1 : i32
      %add3A_652 = arith.addi %add3A_621, %add3A_651 : i32
      %dma_wait3A_653 = arith.constant 0 : i32
      %dma_wait3A_654 = tpu.memref_slice %arg7[%add3A_652, %dma_wait3A_653] : memref<32x128xi32, #tpu.memory_space<vmem>> -> memref<1x128xi32, #tpu.memory_space<vmem>>
      %dma_wait3A_655 = tpu.memref_squeeze %dma_wait3A_654 : memref<1x128xi32, #tpu.memory_space<vmem>> -> memref<128xi32, #tpu.memory_space<vmem>>
      %dma_wait3A_656 = arith.constant 0 : i32
      %dma_wait3A_657 = arith.constant 0 : i32
      %dma_wait3A_658 = tpu.memref_slice %arg2[%dma_wait3A_656, %dma_wait3A_657] : memref<12288x128xf32, #tpu.memory_space<hbm>> -> memref<12288x128xf32, #tpu.memory_space<hbm>>
      tpu.wait_indirect_dma semaphore(%arg14 : memref<!tpu.dma_semaphore, #tpu.memory_space<semaphore_mem>>) src(%dma_wait3A_658 : memref<12288x128xf32, #tpu.memory_space<hbm>>) dst(%arg10 : memref<128x128xf32, #tpu.memory_space<vmem>>)
      %dma_start3A_659 = arith.constant 0 : i32
      %dma_start3A_660 = tpu.memref_slice %arg8[%add3A_652, %dma_start3A_659] : memref<32x128xi32, #tpu.memory_space<vmem>> -> memref<1x128xi32, #tpu.memory_space<vmem>>
      %dma_start3A_661 = tpu.memref_squeeze %dma_start3A_660 : memref<1x128xi32, #tpu.memory_space<vmem>> -> memref<128xi32, #tpu.memory_space<vmem>>
      %dma_start3A_662 = arith.constant 0 : i32
      %dma_start3A_663 = arith.constant 0 : i32
      %dma_start3A_664 = tpu.memref_slice %arg12[%dma_start3A_662, %dma_start3A_663] : memref<8192x128xf32, #tpu.memory_space<vmem_shared>> -> memref<8192x128xf32, #tpu.memory_space<vmem_shared>>
      tpu.enqueue_indirect_dma source(%arg10 : memref<128x128xf32, #tpu.memory_space<vmem>>) target(%dma_start3A_664 : memref<8192x128xf32, #tpu.memory_space<vmem_shared>>) offsets(%dma_start3A_661 : memref<128xi32, #tpu.memory_space<vmem>>) semaphore(%arg17 : memref<!tpu.dma_semaphore, #tpu.memory_space<semaphore_mem>>) {add = true}
      %sub3A_665 = arith.constant 1 : i32
      %sub3A_666 = arith.subi %add3A_652, %sub3A_665 : i32
      %dma_wait3A_667 = arith.constant 0 : i32
      %dma_wait3A_668 = tpu.memref_slice %arg8[%sub3A_666, %dma_wait3A_667] : memref<32x128xi32, #tpu.memory_space<vmem>> -> memref<1x128xi32, #tpu.memory_space<vmem>>
      %dma_wait3A_669 = tpu.memref_squeeze %dma_wait3A_668 : memref<1x128xi32, #tpu.memory_space<vmem>> -> memref<128xi32, #tpu.memory_space<vmem>>
      %dma_wait3A_670 = arith.constant 0 : i32
      %dma_wait3A_671 = arith.constant 0 : i32
      %dma_wait3A_672 = tpu.memref_slice %arg12[%dma_wait3A_670, %dma_wait3A_671] : memref<8192x128xf32, #tpu.memory_space<vmem_shared>> -> memref<8192x128xf32, #tpu.memory_space<vmem_shared>>
      tpu.wait_indirect_dma semaphore(%arg16 : memref<!tpu.dma_semaphore, #tpu.memory_space<semaphore_mem>>) src(%arg9 : memref<128x128xf32, #tpu.memory_space<vmem>>) dst(%dma_wait3A_672 : memref<8192x128xf32, #tpu.memory_space<vmem_shared>>)
      %add3A_673 = arith.constant 2 : i32
      %add3A_674 = arith.addi %add3A_652, %add3A_673 : i32
      %dma_start3A_675 = arith.constant 0 : i32
      %dma_start3A_676 = tpu.memref_slice %arg7[%add3A_674, %dma_start3A_675] : memref<32x128xi32, #tpu.memory_space<vmem>> -> memref<1x128xi32, #tpu.memory_space<vmem>>
      %dma_start3A_677 = tpu.memref_squeeze %dma_start3A_676 : memref<1x128xi32, #tpu.memory_space<vmem>> -> memref<128xi32, #tpu.memory_space<vmem>>
      %dma_start3A_678 = arith.constant 0 : i32
      %dma_start3A_679 = arith.constant 0 : i32
      %dma_start3A_680 = tpu.memref_slice %arg2[%dma_start3A_678, %dma_start3A_679] : memref<12288x128xf32, #tpu.memory_space<hbm>> -> memref<12288x128xf32, #tpu.memory_space<hbm>>
      tpu.enqueue_indirect_dma source(%dma_start3A_680 : memref<12288x128xf32, #tpu.memory_space<hbm>>) target(%arg9 : memref<128x128xf32, #tpu.memory_space<vmem>>) offsets(%dma_start3A_677 : memref<128xi32, #tpu.memory_space<vmem>>) semaphore(%arg13 : memref<!tpu.dma_semaphore, #tpu.memory_space<semaphore_mem>>)
      %add3A_681 = arith.constant 2 : i32
      %add3A_682 = arith.addi %add3A_621, %add3A_681 : i32
      %dma_wait3A_683 = arith.constant 0 : i32
      %dma_wait3A_684 = tpu.memref_slice %arg7[%add3A_682, %dma_wait3A_683] : memref<32x128xi32, #tpu.memory_space<vmem>> -> memref<1x128xi32, #tpu.memory_space<vmem>>
      %dma_wait3A_685 = tpu.memref_squeeze %dma_wait3A_684 : memref<1x128xi32, #tpu.memory_space<vmem>> -> memref<128xi32, #tpu.memory_space<vmem>>
      %dma_wait3A_686 = arith.constant 0 : i32
      %dma_wait3A_687 = arith.constant 0 : i32
      %dma_wait3A_688 = tpu.memref_slice %arg2[%dma_wait3A_686, %dma_wait3A_687] : memref<12288x128xf32, #tpu.memory_space<hbm>> -> memref<12288x128xf32, #tpu.memory_space<hbm>>
      tpu.wait_indirect_dma semaphore(%arg15 : memref<!tpu.dma_semaphore, #tpu.memory_space<semaphore_mem>>) src(%dma_wait3A_688 : memref<12288x128xf32, #tpu.memory_space<hbm>>) dst(%arg11 : memref<128x128xf32, #tpu.memory_space<vmem>>)
      %dma_start3A_689 = arith.constant 0 : i32
      %dma_start3A_690 = tpu.memref_slice %arg8[%add3A_682, %dma_start3A_689] : memref<32x128xi32, #tpu.memory_space<vmem>> -> memref<1x128xi32, #tpu.memory_space<vmem>>
      %dma_start3A_691 = tpu.memref_squeeze %dma_start3A_690 : memref<1x128xi32, #tpu.memory_space<vmem>> -> memref<128xi32, #tpu.memory_space<vmem>>
      %dma_start3A_692 = arith.constant 0 : i32
      %dma_start3A_693 = arith.constant 0 : i32
      %dma_start3A_694 = tpu.memref_slice %arg12[%dma_start3A_692, %dma_start3A_693] : memref<8192x128xf32, #tpu.memory_space<vmem_shared>> -> memref<8192x128xf32, #tpu.memory_space<vmem_shared>>
      tpu.enqueue_indirect_dma source(%arg11 : memref<128x128xf32, #tpu.memory_space<vmem>>) target(%dma_start3A_694 : memref<8192x128xf32, #tpu.memory_space<vmem_shared>>) offsets(%dma_start3A_691 : memref<128xi32, #tpu.memory_space<vmem>>) semaphore(%arg18 : memref<!tpu.dma_semaphore, #tpu.memory_space<semaphore_mem>>) {add = true}
      %sub3A_695 = arith.constant 1 : i32
      %sub3A_696 = arith.subi %add3A_682, %sub3A_695 : i32
      %dma_wait3A_697 = arith.constant 0 : i32
      %dma_wait3A_698 = tpu.memref_slice %arg8[%sub3A_696, %dma_wait3A_697] : memref<32x128xi32, #tpu.memory_space<vmem>> -> memref<1x128xi32, #tpu.memory_space<vmem>>
      %dma_wait3A_699 = tpu.memref_squeeze %dma_wait3A_698 : memref<1x128xi32, #tpu.memory_space<vmem>> -> memref<128xi32, #tpu.memory_space<vmem>>
      %dma_wait3A_700 = arith.constant 0 : i32
      %dma_wait3A_701 = arith.constant 0 : i32
      %dma_wait3A_702 = tpu.memref_slice %arg12[%dma_wait3A_700, %dma_wait3A_701] : memref<8192x128xf32, #tpu.memory_space<vmem_shared>> -> memref<8192x128xf32, #tpu.memory_space<vmem_shared>>
      tpu.wait_indirect_dma semaphore(%arg17 : memref<!tpu.dma_semaphore, #tpu.memory_space<semaphore_mem>>) src(%arg10 : memref<128x128xf32, #tpu.memory_space<vmem>>) dst(%dma_wait3A_702 : memref<8192x128xf32, #tpu.memory_space<vmem_shared>>)
      %add3A_703 = arith.constant 2 : i32
      %add3A_704 = arith.addi %add3A_682, %add3A_703 : i32
      %dma_start3A_705 = arith.constant 0 : i32
      %dma_start3A_706 = tpu.memref_slice %arg7[%add3A_704, %dma_start3A_705] : memref<32x128xi32, #tpu.memory_space<vmem>> -> memref<1x128xi32, #tpu.memory_space<vmem>>
      %dma_start3A_707 = tpu.memref_squeeze %dma_start3A_706 : memref<1x128xi32, #tpu.memory_space<vmem>> -> memref<128xi32, #tpu.memory_space<vmem>>
      %dma_start3A_708 = arith.constant 0 : i32
      %dma_start3A_709 = arith.constant 0 : i32
      %dma_start3A_710 = tpu.memref_slice %arg2[%dma_start3A_708, %dma_start3A_709] : memref<12288x128xf32, #tpu.memory_space<hbm>> -> memref<12288x128xf32, #tpu.memory_space<hbm>>
      tpu.enqueue_indirect_dma source(%dma_start3A_710 : memref<12288x128xf32, #tpu.memory_space<hbm>>) target(%arg10 : memref<128x128xf32, #tpu.memory_space<vmem>>) offsets(%dma_start3A_707 : memref<128xi32, #tpu.memory_space<vmem>>) semaphore(%arg14 : memref<!tpu.dma_semaphore, #tpu.memory_space<semaphore_mem>>)
    }
    %scan3A_406 = arith.constant 9 : i32
    %dma_wait3A_407 = arith.constant 30 : i32
    %dma_wait3A_408 = arith.constant 0 : i32
    %dma_wait3A_409 = tpu.memref_slice %arg7[%dma_wait3A_407, %dma_wait3A_408] : memref<32x128xi32, #tpu.memory_space<vmem>> -> memref<1x128xi32, #tpu.memory_space<vmem>>
    %dma_wait3A_410 = tpu.memref_squeeze %dma_wait3A_409 : memref<1x128xi32, #tpu.memory_space<vmem>> -> memref<128xi32, #tpu.memory_space<vmem>>
    %dma_wait3A_411 = arith.constant 0 : i32
    %dma_wait3A_412 = arith.constant 0 : i32
    %dma_wait3A_413 = tpu.memref_slice %arg2[%dma_wait3A_411, %dma_wait3A_412] : memref<12288x128xf32, #tpu.memory_space<hbm>> -> memref<12288x128xf32, #tpu.memory_space<hbm>>
    tpu.wait_indirect_dma semaphore(%arg13 : memref<!tpu.dma_semaphore, #tpu.memory_space<semaphore_mem>>) src(%dma_wait3A_413 : memref<12288x128xf32, #tpu.memory_space<hbm>>) dst(%arg9 : memref<128x128xf32, #tpu.memory_space<vmem>>)
    %dma_start3A_414 = arith.constant 30 : i32
    %dma_start3A_415 = arith.constant 0 : i32
    %dma_start3A_416 = tpu.memref_slice %arg8[%dma_start3A_414, %dma_start3A_415] : memref<32x128xi32, #tpu.memory_space<vmem>> -> memref<1x128xi32, #tpu.memory_space<vmem>>
    %dma_start3A_417 = tpu.memref_squeeze %dma_start3A_416 : memref<1x128xi32, #tpu.memory_space<vmem>> -> memref<128xi32, #tpu.memory_space<vmem>>
    %dma_start3A_418 = arith.constant 0 : i32
    %dma_start3A_419 = arith.constant 0 : i32
    %dma_start3A_420 = tpu.memref_slice %arg12[%dma_start3A_418, %dma_start3A_419] : memref<8192x128xf32, #tpu.memory_space<vmem_shared>> -> memref<8192x128xf32, #tpu.memory_space<vmem_shared>>
    tpu.enqueue_indirect_dma source(%arg9 : memref<128x128xf32, #tpu.memory_space<vmem>>) target(%dma_start3A_420 : memref<8192x128xf32, #tpu.memory_space<vmem_shared>>) offsets(%dma_start3A_417 : memref<128xi32, #tpu.memory_space<vmem>>) semaphore(%arg16 : memref<!tpu.dma_semaphore, #tpu.memory_space<semaphore_mem>>) {add = true}
    %dma_wait3A_421 = arith.constant 29 : i32
    %dma_wait3A_422 = arith.constant 0 : i32
    %dma_wait3A_423 = tpu.memref_slice %arg8[%dma_wait3A_421, %dma_wait3A_422] : memref<32x128xi32, #tpu.memory_space<vmem>> -> memref<1x128xi32, #tpu.memory_space<vmem>>
    %dma_wait3A_424 = tpu.memref_squeeze %dma_wait3A_423 : memref<1x128xi32, #tpu.memory_space<vmem>> -> memref<128xi32, #tpu.memory_space<vmem>>
    %dma_wait3A_425 = arith.constant 0 : i32
    %dma_wait3A_426 = arith.constant 0 : i32
    %dma_wait3A_427 = tpu.memref_slice %arg12[%dma_wait3A_425, %dma_wait3A_426] : memref<8192x128xf32, #tpu.memory_space<vmem_shared>> -> memref<8192x128xf32, #tpu.memory_space<vmem_shared>>
    tpu.wait_indirect_dma semaphore(%arg18 : memref<!tpu.dma_semaphore, #tpu.memory_space<semaphore_mem>>) src(%arg11 : memref<128x128xf32, #tpu.memory_space<vmem>>) dst(%dma_wait3A_427 : memref<8192x128xf32, #tpu.memory_space<vmem_shared>>)
    %dma_wait3A_428 = arith.constant 31 : i32
    %dma_wait3A_429 = arith.constant 0 : i32
    %dma_wait3A_430 = tpu.memref_slice %arg7[%dma_wait3A_428, %dma_wait3A_429] : memref<32x128xi32, #tpu.memory_space<vmem>> -> memref<1x128xi32, #tpu.memory_space<vmem>>
    %dma_wait3A_431 = tpu.memref_squeeze %dma_wait3A_430 : memref<1x128xi32, #tpu.memory_space<vmem>> -> memref<128xi32, #tpu.memory_space<vmem>>
    %dma_wait3A_432 = arith.constant 0 : i32
    %dma_wait3A_433 = arith.constant 0 : i32
    %dma_wait3A_434 = tpu.memref_slice %arg2[%dma_wait3A_432, %dma_wait3A_433] : memref<12288x128xf32, #tpu.memory_space<hbm>> -> memref<12288x128xf32, #tpu.memory_space<hbm>>
    tpu.wait_indirect_dma semaphore(%arg14 : memref<!tpu.dma_semaphore, #tpu.memory_space<semaphore_mem>>) src(%dma_wait3A_434 : memref<12288x128xf32, #tpu.memory_space<hbm>>) dst(%arg10 : memref<128x128xf32, #tpu.memory_space<vmem>>)
    %dma_start3A_435 = arith.constant 31 : i32
    %dma_start3A_436 = arith.constant 0 : i32
    %dma_start3A_437 = tpu.memref_slice %arg8[%dma_start3A_435, %dma_start3A_436] : memref<32x128xi32, #tpu.memory_space<vmem>> -> memref<1x128xi32, #tpu.memory_space<vmem>>
    %dma_start3A_438 = tpu.memref_squeeze %dma_start3A_437 : memref<1x128xi32, #tpu.memory_space<vmem>> -> memref<128xi32, #tpu.memory_space<vmem>>
    %dma_start3A_439 = arith.constant 0 : i32
    %dma_start3A_440 = arith.constant 0 : i32
    %dma_start3A_441 = tpu.memref_slice %arg12[%dma_start3A_439, %dma_start3A_440] : memref<8192x128xf32, #tpu.memory_space<vmem_shared>> -> memref<8192x128xf32, #tpu.memory_space<vmem_shared>>
    tpu.enqueue_indirect_dma source(%arg10 : memref<128x128xf32, #tpu.memory_space<vmem>>) target(%dma_start3A_441 : memref<8192x128xf32, #tpu.memory_space<vmem_shared>>) offsets(%dma_start3A_438 : memref<128xi32, #tpu.memory_space<vmem>>) semaphore(%arg17 : memref<!tpu.dma_semaphore, #tpu.memory_space<semaphore_mem>>) {add = true}
    %dma_wait3A_442 = arith.constant 30 : i32
    %dma_wait3A_443 = arith.constant 0 : i32
    %dma_wait3A_444 = tpu.memref_slice %arg8[%dma_wait3A_442, %dma_wait3A_443] : memref<32x128xi32, #tpu.memory_space<vmem>> -> memref<1x128xi32, #tpu.memory_space<vmem>>
    %dma_wait3A_445 = tpu.memref_squeeze %dma_wait3A_444 : memref<1x128xi32, #tpu.memory_space<vmem>> -> memref<128xi32, #tpu.memory_space<vmem>>
    %dma_wait3A_446 = arith.constant 0 : i32
    %dma_wait3A_447 = arith.constant 0 : i32
    %dma_wait3A_448 = tpu.memref_slice %arg12[%dma_wait3A_446, %dma_wait3A_447] : memref<8192x128xf32, #tpu.memory_space<vmem_shared>> -> memref<8192x128xf32, #tpu.memory_space<vmem_shared>>
    tpu.wait_indirect_dma semaphore(%arg16 : memref<!tpu.dma_semaphore, #tpu.memory_space<semaphore_mem>>) src(%arg9 : memref<128x128xf32, #tpu.memory_space<vmem>>) dst(%dma_wait3A_448 : memref<8192x128xf32, #tpu.memory_space<vmem_shared>>)
    %dma_wait3A_449 = arith.constant 31 : i32
    %dma_wait3A_450 = arith.constant 0 : i32
    %dma_wait3A_451 = tpu.memref_slice %arg8[%dma_wait3A_449, %dma_wait3A_450] : memref<32x128xi32, #tpu.memory_space<vmem>> -> memref<1x128xi32, #tpu.memory_space<vmem>>
    %dma_wait3A_452 = tpu.memref_squeeze %dma_wait3A_451 : memref<1x128xi32, #tpu.memory_space<vmem>> -> memref<128xi32, #tpu.memory_space<vmem>>
    %dma_wait3A_453 = arith.constant 0 : i32
    %dma_wait3A_454 = arith.constant 0 : i32
    %dma_wait3A_455 = tpu.memref_slice %arg12[%dma_wait3A_453, %dma_wait3A_454] : memref<8192x128xf32, #tpu.memory_space<vmem_shared>> -> memref<8192x128xf32, #tpu.memory_space<vmem_shared>>
    tpu.wait_indirect_dma semaphore(%arg17 : memref<!tpu.dma_semaphore, #tpu.memory_space<semaphore_mem>>) src(%arg10 : memref<128x128xf32, #tpu.memory_space<vmem>>) dst(%dma_wait3A_455 : memref<8192x128xf32, #tpu.memory_space<vmem_shared>>)
    %mul3A_456 = arith.constant 2048 : i32
    %mul3A_457 = arith.muli %arg0, %mul3A_456 : i32
    %mul3A_458 = arith.constant 128 : i32
    %mul3A_459 = arith.muli %arg1, %mul3A_458 : i32
    %add3A_460 = arith.addi %mul3A_457, %mul3A_459 : i32
    %add3A_461 = arith.constant 96 : i32
    %add3A_462 = arith.addi %add3A_460, %add3A_461 : i32
    "tpu.region"() ({
      %run_scoped3A = tpu.sem_alloc : memref<!tpu.dma_semaphore, #tpu.memory_space<semaphore_mem>>
      %dma_start3A_617 = arith.constant 0 : i32
      %dma_start3A_618 = tpu.memref_slice %arg3[%add3A_462, %dma_start3A_617] : memref<4096x128xi32, #tpu.memory_space<hbm>> -> memref<32x128xi32, #tpu.memory_space<hbm>>
      %dma_start3A_619 = arith.constant 0 : i32
      %dma_start3A_620 = tpu.memref_slice %arg3[%add3A_462, %dma_start3A_619] : memref<4096x128xi32, #tpu.memory_space<hbm>> -> memref<32x128xi32, #tpu.memory_space<hbm>>
      tpu.enqueue_dma source(%dma_start3A_620 : memref<32x128xi32, #tpu.memory_space<hbm>>) target(%arg7 : memref<32x128xi32, #tpu.memory_space<vmem>>) target_semaphore(%run_scoped3A : memref<!tpu.dma_semaphore, #tpu.memory_space<semaphore_mem>>)
      %dma_wait3A_621 = arith.constant 0 : i32
      %dma_wait3A_622 = tpu.memref_slice %arg3[%add3A_462, %dma_wait3A_621] : memref<4096x128xi32, #tpu.memory_space<hbm>> -> memref<32x128xi32, #tpu.memory_space<hbm>>
      %dma_wait3A_623 = arith.constant 0 : i32
      %dma_wait3A_624 = tpu.memref_slice %arg3[%add3A_462, %dma_wait3A_623] : memref<4096x128xi32, #tpu.memory_space<hbm>> -> memref<32x128xi32, #tpu.memory_space<hbm>>
      tpu.wait_dma2 semaphore(%run_scoped3A : memref<!tpu.dma_semaphore, #tpu.memory_space<semaphore_mem>>) src(%dma_wait3A_624 : memref<32x128xi32, #tpu.memory_space<hbm>>) dst(%arg7 : memref<32x128xi32, #tpu.memory_space<vmem>>)
      tpu.yield
    }) : () -> ()
    "tpu.region"() ({
      %run_scoped3A = tpu.sem_alloc : memref<!tpu.dma_semaphore, #tpu.memory_space<semaphore_mem>>
      %dma_start3A_617 = arith.constant 0 : i32
      %dma_start3A_618 = tpu.memref_slice %arg4[%add3A_462, %dma_start3A_617] : memref<4096x128xi32, #tpu.memory_space<hbm>> -> memref<32x128xi32, #tpu.memory_space<hbm>>
      %dma_start3A_619 = arith.constant 0 : i32
      %dma_start3A_620 = tpu.memref_slice %arg4[%add3A_462, %dma_start3A_619] : memref<4096x128xi32, #tpu.memory_space<hbm>> -> memref<32x128xi32, #tpu.memory_space<hbm>>
      tpu.enqueue_dma source(%dma_start3A_620 : memref<32x128xi32, #tpu.memory_space<hbm>>) target(%arg8 : memref<32x128xi32, #tpu.memory_space<vmem>>) target_semaphore(%run_scoped3A : memref<!tpu.dma_semaphore, #tpu.memory_space<semaphore_mem>>)
      %dma_wait3A_621 = arith.constant 0 : i32
      %dma_wait3A_622 = tpu.memref_slice %arg4[%add3A_462, %dma_wait3A_621] : memref<4096x128xi32, #tpu.memory_space<hbm>> -> memref<32x128xi32, #tpu.memory_space<hbm>>
      %dma_wait3A_623 = arith.constant 0 : i32
      %dma_wait3A_624 = tpu.memref_slice %arg4[%add3A_462, %dma_wait3A_623] : memref<4096x128xi32, #tpu.memory_space<hbm>> -> memref<32x128xi32, #tpu.memory_space<hbm>>
      tpu.wait_dma2 semaphore(%run_scoped3A : memref<!tpu.dma_semaphore, #tpu.memory_space<semaphore_mem>>) src(%dma_wait3A_624 : memref<32x128xi32, #tpu.memory_space<hbm>>) dst(%arg8 : memref<32x128xi32, #tpu.memory_space<vmem>>)
      tpu.yield
    }) : () -> ()
    %dma_start3A_463 = arith.constant 0 : i32
    %dma_start3A_464 = arith.constant 0 : i32
    %dma_start3A_465 = tpu.memref_slice %arg7[%dma_start3A_463, %dma_start3A_464] : memref<32x128xi32, #tpu.memory_space<vmem>> -> memref<1x128xi32, #tpu.memory_space<vmem>>
    %dma_start3A_466 = tpu.memref_squeeze %dma_start3A_465 : memref<1x128xi32, #tpu.memory_space<vmem>> -> memref<128xi32, #tpu.memory_space<vmem>>
    %dma_start3A_467 = arith.constant 0 : i32
    %dma_start3A_468 = arith.constant 0 : i32
    %dma_start3A_469 = tpu.memref_slice %arg2[%dma_start3A_467, %dma_start3A_468] : memref<12288x128xf32, #tpu.memory_space<hbm>> -> memref<12288x128xf32, #tpu.memory_space<hbm>>
    tpu.enqueue_indirect_dma source(%dma_start3A_469 : memref<12288x128xf32, #tpu.memory_space<hbm>>) target(%arg9 : memref<128x128xf32, #tpu.memory_space<vmem>>) offsets(%dma_start3A_466 : memref<128xi32, #tpu.memory_space<vmem>>) semaphore(%arg13 : memref<!tpu.dma_semaphore, #tpu.memory_space<semaphore_mem>>)
    %dma_start3A_470 = arith.constant 1 : i32
    %dma_start3A_471 = arith.constant 0 : i32
    %dma_start3A_472 = tpu.memref_slice %arg7[%dma_start3A_470, %dma_start3A_471] : memref<32x128xi32, #tpu.memory_space<vmem>> -> memref<1x128xi32, #tpu.memory_space<vmem>>
    %dma_start3A_473 = tpu.memref_squeeze %dma_start3A_472 : memref<1x128xi32, #tpu.memory_space<vmem>> -> memref<128xi32, #tpu.memory_space<vmem>>
    %dma_start3A_474 = arith.constant 0 : i32
    %dma_start3A_475 = arith.constant 0 : i32
    %dma_start3A_476 = tpu.memref_slice %arg2[%dma_start3A_474, %dma_start3A_475] : memref<12288x128xf32, #tpu.memory_space<hbm>> -> memref<12288x128xf32, #tpu.memory_space<hbm>>
    tpu.enqueue_indirect_dma source(%dma_start3A_476 : memref<12288x128xf32, #tpu.memory_space<hbm>>) target(%arg10 : memref<128x128xf32, #tpu.memory_space<vmem>>) offsets(%dma_start3A_473 : memref<128xi32, #tpu.memory_space<vmem>>) semaphore(%arg14 : memref<!tpu.dma_semaphore, #tpu.memory_space<semaphore_mem>>)
    %dma_wait3A_477 = arith.constant 0 : i32
    %dma_wait3A_478 = arith.constant 0 : i32
    %dma_wait3A_479 = tpu.memref_slice %arg7[%dma_wait3A_477, %dma_wait3A_478] : memref<32x128xi32, #tpu.memory_space<vmem>> -> memref<1x128xi32, #tpu.memory_space<vmem>>
    %dma_wait3A_480 = tpu.memref_squeeze %dma_wait3A_479 : memref<1x128xi32, #tpu.memory_space<vmem>> -> memref<128xi32, #tpu.memory_space<vmem>>
    %dma_wait3A_481 = arith.constant 0 : i32
    %dma_wait3A_482 = arith.constant 0 : i32
    %dma_wait3A_483 = tpu.memref_slice %arg2[%dma_wait3A_481, %dma_wait3A_482] : memref<12288x128xf32, #tpu.memory_space<hbm>> -> memref<12288x128xf32, #tpu.memory_space<hbm>>
    tpu.wait_indirect_dma semaphore(%arg13 : memref<!tpu.dma_semaphore, #tpu.memory_space<semaphore_mem>>) src(%dma_wait3A_483 : memref<12288x128xf32, #tpu.memory_space<hbm>>) dst(%arg9 : memref<128x128xf32, #tpu.memory_space<vmem>>)
    %dma_start3A_484 = arith.constant 0 : i32
    %dma_start3A_485 = arith.constant 0 : i32
    %dma_start3A_486 = tpu.memref_slice %arg8[%dma_start3A_484, %dma_start3A_485] : memref<32x128xi32, #tpu.memory_space<vmem>> -> memref<1x128xi32, #tpu.memory_space<vmem>>
    %dma_start3A_487 = tpu.memref_squeeze %dma_start3A_486 : memref<1x128xi32, #tpu.memory_space<vmem>> -> memref<128xi32, #tpu.memory_space<vmem>>
    %dma_start3A_488 = arith.constant 0 : i32
    %dma_start3A_489 = arith.constant 0 : i32
    %dma_start3A_490 = tpu.memref_slice %arg12[%dma_start3A_488, %dma_start3A_489] : memref<8192x128xf32, #tpu.memory_space<vmem_shared>> -> memref<8192x128xf32, #tpu.memory_space<vmem_shared>>
    tpu.enqueue_indirect_dma source(%arg9 : memref<128x128xf32, #tpu.memory_space<vmem>>) target(%dma_start3A_490 : memref<8192x128xf32, #tpu.memory_space<vmem_shared>>) offsets(%dma_start3A_487 : memref<128xi32, #tpu.memory_space<vmem>>) semaphore(%arg16 : memref<!tpu.dma_semaphore, #tpu.memory_space<semaphore_mem>>) {add = true}
    %dma_start3A_491 = arith.constant 2 : i32
    %dma_start3A_492 = arith.constant 0 : i32
    %dma_start3A_493 = tpu.memref_slice %arg7[%dma_start3A_491, %dma_start3A_492] : memref<32x128xi32, #tpu.memory_space<vmem>> -> memref<1x128xi32, #tpu.memory_space<vmem>>
    %dma_start3A_494 = tpu.memref_squeeze %dma_start3A_493 : memref<1x128xi32, #tpu.memory_space<vmem>> -> memref<128xi32, #tpu.memory_space<vmem>>
    %dma_start3A_495 = arith.constant 0 : i32
    %dma_start3A_496 = arith.constant 0 : i32
    %dma_start3A_497 = tpu.memref_slice %arg2[%dma_start3A_495, %dma_start3A_496] : memref<12288x128xf32, #tpu.memory_space<hbm>> -> memref<12288x128xf32, #tpu.memory_space<hbm>>
    tpu.enqueue_indirect_dma source(%dma_start3A_497 : memref<12288x128xf32, #tpu.memory_space<hbm>>) target(%arg11 : memref<128x128xf32, #tpu.memory_space<vmem>>) offsets(%dma_start3A_494 : memref<128xi32, #tpu.memory_space<vmem>>) semaphore(%arg15 : memref<!tpu.dma_semaphore, #tpu.memory_space<semaphore_mem>>)
    %dma_wait3A_498 = arith.constant 1 : i32
    %dma_wait3A_499 = arith.constant 0 : i32
    %dma_wait3A_500 = tpu.memref_slice %arg7[%dma_wait3A_498, %dma_wait3A_499] : memref<32x128xi32, #tpu.memory_space<vmem>> -> memref<1x128xi32, #tpu.memory_space<vmem>>
    %dma_wait3A_501 = tpu.memref_squeeze %dma_wait3A_500 : memref<1x128xi32, #tpu.memory_space<vmem>> -> memref<128xi32, #tpu.memory_space<vmem>>
    %dma_wait3A_502 = arith.constant 0 : i32
    %dma_wait3A_503 = arith.constant 0 : i32
    %dma_wait3A_504 = tpu.memref_slice %arg2[%dma_wait3A_502, %dma_wait3A_503] : memref<12288x128xf32, #tpu.memory_space<hbm>> -> memref<12288x128xf32, #tpu.memory_space<hbm>>
    tpu.wait_indirect_dma semaphore(%arg14 : memref<!tpu.dma_semaphore, #tpu.memory_space<semaphore_mem>>) src(%dma_wait3A_504 : memref<12288x128xf32, #tpu.memory_space<hbm>>) dst(%arg10 : memref<128x128xf32, #tpu.memory_space<vmem>>)
    %dma_start3A_505 = arith.constant 1 : i32
    %dma_start3A_506 = arith.constant 0 : i32
    %dma_start3A_507 = tpu.memref_slice %arg8[%dma_start3A_505, %dma_start3A_506] : memref<32x128xi32, #tpu.memory_space<vmem>> -> memref<1x128xi32, #tpu.memory_space<vmem>>
    %dma_start3A_508 = tpu.memref_squeeze %dma_start3A_507 : memref<1x128xi32, #tpu.memory_space<vmem>> -> memref<128xi32, #tpu.memory_space<vmem>>
    %dma_start3A_509 = arith.constant 0 : i32
    %dma_start3A_510 = arith.constant 0 : i32
    %dma_start3A_511 = tpu.memref_slice %arg12[%dma_start3A_509, %dma_start3A_510] : memref<8192x128xf32, #tpu.memory_space<vmem_shared>> -> memref<8192x128xf32, #tpu.memory_space<vmem_shared>>
    tpu.enqueue_indirect_dma source(%arg10 : memref<128x128xf32, #tpu.memory_space<vmem>>) target(%dma_start3A_511 : memref<8192x128xf32, #tpu.memory_space<vmem_shared>>) offsets(%dma_start3A_508 : memref<128xi32, #tpu.memory_space<vmem>>) semaphore(%arg17 : memref<!tpu.dma_semaphore, #tpu.memory_space<semaphore_mem>>) {add = true}
    %dma_wait3A_512 = arith.constant 0 : i32
    %dma_wait3A_513 = arith.constant 0 : i32
    %dma_wait3A_514 = tpu.memref_slice %arg8[%dma_wait3A_512, %dma_wait3A_513] : memref<32x128xi32, #tpu.memory_space<vmem>> -> memref<1x128xi32, #tpu.memory_space<vmem>>
    %dma_wait3A_515 = tpu.memref_squeeze %dma_wait3A_514 : memref<1x128xi32, #tpu.memory_space<vmem>> -> memref<128xi32, #tpu.memory_space<vmem>>
    %dma_wait3A_516 = arith.constant 0 : i32
    %dma_wait3A_517 = arith.constant 0 : i32
    %dma_wait3A_518 = tpu.memref_slice %arg12[%dma_wait3A_516, %dma_wait3A_517] : memref<8192x128xf32, #tpu.memory_space<vmem_shared>> -> memref<8192x128xf32, #tpu.memory_space<vmem_shared>>
    tpu.wait_indirect_dma semaphore(%arg16 : memref<!tpu.dma_semaphore, #tpu.memory_space<semaphore_mem>>) src(%arg9 : memref<128x128xf32, #tpu.memory_space<vmem>>) dst(%dma_wait3A_518 : memref<8192x128xf32, #tpu.memory_space<vmem_shared>>)
    %dma_start3A_519 = arith.constant 3 : i32
    %dma_start3A_520 = arith.constant 0 : i32
    %dma_start3A_521 = tpu.memref_slice %arg7[%dma_start3A_519, %dma_start3A_520] : memref<32x128xi32, #tpu.memory_space<vmem>> -> memref<1x128xi32, #tpu.memory_space<vmem>>
    %dma_start3A_522 = tpu.memref_squeeze %dma_start3A_521 : memref<1x128xi32, #tpu.memory_space<vmem>> -> memref<128xi32, #tpu.memory_space<vmem>>
    %dma_start3A_523 = arith.constant 0 : i32
    %dma_start3A_524 = arith.constant 0 : i32
    %dma_start3A_525 = tpu.memref_slice %arg2[%dma_start3A_523, %dma_start3A_524] : memref<12288x128xf32, #tpu.memory_space<hbm>> -> memref<12288x128xf32, #tpu.memory_space<hbm>>
    tpu.enqueue_indirect_dma source(%dma_start3A_525 : memref<12288x128xf32, #tpu.memory_space<hbm>>) target(%arg9 : memref<128x128xf32, #tpu.memory_space<vmem>>) offsets(%dma_start3A_522 : memref<128xi32, #tpu.memory_space<vmem>>) semaphore(%arg13 : memref<!tpu.dma_semaphore, #tpu.memory_space<semaphore_mem>>)
    %dma_wait3A_526 = arith.constant 2 : i32
    %dma_wait3A_527 = arith.constant 0 : i32
    %dma_wait3A_528 = tpu.memref_slice %arg7[%dma_wait3A_526, %dma_wait3A_527] : memref<32x128xi32, #tpu.memory_space<vmem>> -> memref<1x128xi32, #tpu.memory_space<vmem>>
    %dma_wait3A_529 = tpu.memref_squeeze %dma_wait3A_528 : memref<1x128xi32, #tpu.memory_space<vmem>> -> memref<128xi32, #tpu.memory_space<vmem>>
    %dma_wait3A_530 = arith.constant 0 : i32
    %dma_wait3A_531 = arith.constant 0 : i32
    %dma_wait3A_532 = tpu.memref_slice %arg2[%dma_wait3A_530, %dma_wait3A_531] : memref<12288x128xf32, #tpu.memory_space<hbm>> -> memref<12288x128xf32, #tpu.memory_space<hbm>>
    tpu.wait_indirect_dma semaphore(%arg15 : memref<!tpu.dma_semaphore, #tpu.memory_space<semaphore_mem>>) src(%dma_wait3A_532 : memref<12288x128xf32, #tpu.memory_space<hbm>>) dst(%arg11 : memref<128x128xf32, #tpu.memory_space<vmem>>)
    %dma_start3A_533 = arith.constant 2 : i32
    %dma_start3A_534 = arith.constant 0 : i32
    %dma_start3A_535 = tpu.memref_slice %arg8[%dma_start3A_533, %dma_start3A_534] : memref<32x128xi32, #tpu.memory_space<vmem>> -> memref<1x128xi32, #tpu.memory_space<vmem>>
    %dma_start3A_536 = tpu.memref_squeeze %dma_start3A_535 : memref<1x128xi32, #tpu.memory_space<vmem>> -> memref<128xi32, #tpu.memory_space<vmem>>
    %dma_start3A_537 = arith.constant 0 : i32
    %dma_start3A_538 = arith.constant 0 : i32
    %dma_start3A_539 = tpu.memref_slice %arg12[%dma_start3A_537, %dma_start3A_538] : memref<8192x128xf32, #tpu.memory_space<vmem_shared>> -> memref<8192x128xf32, #tpu.memory_space<vmem_shared>>
    tpu.enqueue_indirect_dma source(%arg11 : memref<128x128xf32, #tpu.memory_space<vmem>>) target(%dma_start3A_539 : memref<8192x128xf32, #tpu.memory_space<vmem_shared>>) offsets(%dma_start3A_536 : memref<128xi32, #tpu.memory_space<vmem>>) semaphore(%arg18 : memref<!tpu.dma_semaphore, #tpu.memory_space<semaphore_mem>>) {add = true}
    %dma_wait3A_540 = arith.constant 1 : i32
    %dma_wait3A_541 = arith.constant 0 : i32
    %dma_wait3A_542 = tpu.memref_slice %arg8[%dma_wait3A_540, %dma_wait3A_541] : memref<32x128xi32, #tpu.memory_space<vmem>> -> memref<1x128xi32, #tpu.memory_space<vmem>>
    %dma_wait3A_543 = tpu.memref_squeeze %dma_wait3A_542 : memref<1x128xi32, #tpu.memory_space<vmem>> -> memref<128xi32, #tpu.memory_space<vmem>>
    %dma_wait3A_544 = arith.constant 0 : i32
    %dma_wait3A_545 = arith.constant 0 : i32
    %dma_wait3A_546 = tpu.memref_slice %arg12[%dma_wait3A_544, %dma_wait3A_545] : memref<8192x128xf32, #tpu.memory_space<vmem_shared>> -> memref<8192x128xf32, #tpu.memory_space<vmem_shared>>
    tpu.wait_indirect_dma semaphore(%arg17 : memref<!tpu.dma_semaphore, #tpu.memory_space<semaphore_mem>>) src(%arg10 : memref<128x128xf32, #tpu.memory_space<vmem>>) dst(%dma_wait3A_546 : memref<8192x128xf32, #tpu.memory_space<vmem_shared>>)
    %dma_start3A_547 = arith.constant 4 : i32
    %dma_start3A_548 = arith.constant 0 : i32
    %dma_start3A_549 = tpu.memref_slice %arg7[%dma_start3A_547, %dma_start3A_548] : memref<32x128xi32, #tpu.memory_space<vmem>> -> memref<1x128xi32, #tpu.memory_space<vmem>>
    %dma_start3A_550 = tpu.memref_squeeze %dma_start3A_549 : memref<1x128xi32, #tpu.memory_space<vmem>> -> memref<128xi32, #tpu.memory_space<vmem>>
    %dma_start3A_551 = arith.constant 0 : i32
    %dma_start3A_552 = arith.constant 0 : i32
    %dma_start3A_553 = tpu.memref_slice %arg2[%dma_start3A_551, %dma_start3A_552] : memref<12288x128xf32, #tpu.memory_space<hbm>> -> memref<12288x128xf32, #tpu.memory_space<hbm>>
    tpu.enqueue_indirect_dma source(%dma_start3A_553 : memref<12288x128xf32, #tpu.memory_space<hbm>>) target(%arg10 : memref<128x128xf32, #tpu.memory_space<vmem>>) offsets(%dma_start3A_550 : memref<128xi32, #tpu.memory_space<vmem>>) semaphore(%arg14 : memref<!tpu.dma_semaphore, #tpu.memory_space<semaphore_mem>>)
    %scan3A_554 = arith.constant 0 : i32
    %scan3A_555 = arith.constant 0 : i32
    %scan3A_556 = arith.constant 9 : i32
    %scan3A_557 = arith.addi %scan3A_555, %scan3A_556 : i32
    %scan3A_558 = arith.constant 1 : i32
    scf.for %scan3A_617 = %scan3A_555 to %scan3A_557 step %scan3A_558  : i32 {
      %mul3A_618 = arith.constant 3 : i32
      %mul3A_619 = arith.muli %mul3A_618, %scan3A_617 : i32
      %add3A_620 = arith.constant 3 : i32
      %add3A_621 = arith.addi %add3A_620, %mul3A_619 : i32
      %add3A_622 = arith.constant 0 : i32
      %add3A_623 = arith.addi %add3A_621, %add3A_622 : i32
      %dma_wait3A_624 = arith.constant 0 : i32
      %dma_wait3A_625 = tpu.memref_slice %arg7[%add3A_623, %dma_wait3A_624] : memref<32x128xi32, #tpu.memory_space<vmem>> -> memref<1x128xi32, #tpu.memory_space<vmem>>
      %dma_wait3A_626 = tpu.memref_squeeze %dma_wait3A_625 : memref<1x128xi32, #tpu.memory_space<vmem>> -> memref<128xi32, #tpu.memory_space<vmem>>
      %dma_wait3A_627 = arith.constant 0 : i32
      %dma_wait3A_628 = arith.constant 0 : i32
      %dma_wait3A_629 = tpu.memref_slice %arg2[%dma_wait3A_627, %dma_wait3A_628] : memref<12288x128xf32, #tpu.memory_space<hbm>> -> memref<12288x128xf32, #tpu.memory_space<hbm>>
      tpu.wait_indirect_dma semaphore(%arg13 : memref<!tpu.dma_semaphore, #tpu.memory_space<semaphore_mem>>) src(%dma_wait3A_629 : memref<12288x128xf32, #tpu.memory_space<hbm>>) dst(%arg9 : memref<128x128xf32, #tpu.memory_space<vmem>>)
      %dma_start3A_630 = arith.constant 0 : i32
      %dma_start3A_631 = tpu.memref_slice %arg8[%add3A_623, %dma_start3A_630] : memref<32x128xi32, #tpu.memory_space<vmem>> -> memref<1x128xi32, #tpu.memory_space<vmem>>
      %dma_start3A_632 = tpu.memref_squeeze %dma_start3A_631 : memref<1x128xi32, #tpu.memory_space<vmem>> -> memref<128xi32, #tpu.memory_space<vmem>>
      %dma_start3A_633 = arith.constant 0 : i32
      %dma_start3A_634 = arith.constant 0 : i32
      %dma_start3A_635 = tpu.memref_slice %arg12[%dma_start3A_633, %dma_start3A_634] : memref<8192x128xf32, #tpu.memory_space<vmem_shared>> -> memref<8192x128xf32, #tpu.memory_space<vmem_shared>>
      tpu.enqueue_indirect_dma source(%arg9 : memref<128x128xf32, #tpu.memory_space<vmem>>) target(%dma_start3A_635 : memref<8192x128xf32, #tpu.memory_space<vmem_shared>>) offsets(%dma_start3A_632 : memref<128xi32, #tpu.memory_space<vmem>>) semaphore(%arg16 : memref<!tpu.dma_semaphore, #tpu.memory_space<semaphore_mem>>) {add = true}
      %sub3A = arith.constant 1 : i32
      %sub3A_636 = arith.subi %add3A_623, %sub3A : i32
      %dma_wait3A_637 = arith.constant 0 : i32
      %dma_wait3A_638 = tpu.memref_slice %arg8[%sub3A_636, %dma_wait3A_637] : memref<32x128xi32, #tpu.memory_space<vmem>> -> memref<1x128xi32, #tpu.memory_space<vmem>>
      %dma_wait3A_639 = tpu.memref_squeeze %dma_wait3A_638 : memref<1x128xi32, #tpu.memory_space<vmem>> -> memref<128xi32, #tpu.memory_space<vmem>>
      %dma_wait3A_640 = arith.constant 0 : i32
      %dma_wait3A_641 = arith.constant 0 : i32
      %dma_wait3A_642 = tpu.memref_slice %arg12[%dma_wait3A_640, %dma_wait3A_641] : memref<8192x128xf32, #tpu.memory_space<vmem_shared>> -> memref<8192x128xf32, #tpu.memory_space<vmem_shared>>
      tpu.wait_indirect_dma semaphore(%arg18 : memref<!tpu.dma_semaphore, #tpu.memory_space<semaphore_mem>>) src(%arg11 : memref<128x128xf32, #tpu.memory_space<vmem>>) dst(%dma_wait3A_642 : memref<8192x128xf32, #tpu.memory_space<vmem_shared>>)
      %add3A_643 = arith.constant 2 : i32
      %add3A_644 = arith.addi %add3A_623, %add3A_643 : i32
      %dma_start3A_645 = arith.constant 0 : i32
      %dma_start3A_646 = tpu.memref_slice %arg7[%add3A_644, %dma_start3A_645] : memref<32x128xi32, #tpu.memory_space<vmem>> -> memref<1x128xi32, #tpu.memory_space<vmem>>
      %dma_start3A_647 = tpu.memref_squeeze %dma_start3A_646 : memref<1x128xi32, #tpu.memory_space<vmem>> -> memref<128xi32, #tpu.memory_space<vmem>>
      %dma_start3A_648 = arith.constant 0 : i32
      %dma_start3A_649 = arith.constant 0 : i32
      %dma_start3A_650 = tpu.memref_slice %arg2[%dma_start3A_648, %dma_start3A_649] : memref<12288x128xf32, #tpu.memory_space<hbm>> -> memref<12288x128xf32, #tpu.memory_space<hbm>>
      tpu.enqueue_indirect_dma source(%dma_start3A_650 : memref<12288x128xf32, #tpu.memory_space<hbm>>) target(%arg11 : memref<128x128xf32, #tpu.memory_space<vmem>>) offsets(%dma_start3A_647 : memref<128xi32, #tpu.memory_space<vmem>>) semaphore(%arg15 : memref<!tpu.dma_semaphore, #tpu.memory_space<semaphore_mem>>)
      %add3A_651 = arith.constant 1 : i32
      %add3A_652 = arith.addi %add3A_621, %add3A_651 : i32
      %dma_wait3A_653 = arith.constant 0 : i32
      %dma_wait3A_654 = tpu.memref_slice %arg7[%add3A_652, %dma_wait3A_653] : memref<32x128xi32, #tpu.memory_space<vmem>> -> memref<1x128xi32, #tpu.memory_space<vmem>>
      %dma_wait3A_655 = tpu.memref_squeeze %dma_wait3A_654 : memref<1x128xi32, #tpu.memory_space<vmem>> -> memref<128xi32, #tpu.memory_space<vmem>>
      %dma_wait3A_656 = arith.constant 0 : i32
      %dma_wait3A_657 = arith.constant 0 : i32
      %dma_wait3A_658 = tpu.memref_slice %arg2[%dma_wait3A_656, %dma_wait3A_657] : memref<12288x128xf32, #tpu.memory_space<hbm>> -> memref<12288x128xf32, #tpu.memory_space<hbm>>
      tpu.wait_indirect_dma semaphore(%arg14 : memref<!tpu.dma_semaphore, #tpu.memory_space<semaphore_mem>>) src(%dma_wait3A_658 : memref<12288x128xf32, #tpu.memory_space<hbm>>) dst(%arg10 : memref<128x128xf32, #tpu.memory_space<vmem>>)
      %dma_start3A_659 = arith.constant 0 : i32
      %dma_start3A_660 = tpu.memref_slice %arg8[%add3A_652, %dma_start3A_659] : memref<32x128xi32, #tpu.memory_space<vmem>> -> memref<1x128xi32, #tpu.memory_space<vmem>>
      %dma_start3A_661 = tpu.memref_squeeze %dma_start3A_660 : memref<1x128xi32, #tpu.memory_space<vmem>> -> memref<128xi32, #tpu.memory_space<vmem>>
      %dma_start3A_662 = arith.constant 0 : i32
      %dma_start3A_663 = arith.constant 0 : i32
      %dma_start3A_664 = tpu.memref_slice %arg12[%dma_start3A_662, %dma_start3A_663] : memref<8192x128xf32, #tpu.memory_space<vmem_shared>> -> memref<8192x128xf32, #tpu.memory_space<vmem_shared>>
      tpu.enqueue_indirect_dma source(%arg10 : memref<128x128xf32, #tpu.memory_space<vmem>>) target(%dma_start3A_664 : memref<8192x128xf32, #tpu.memory_space<vmem_shared>>) offsets(%dma_start3A_661 : memref<128xi32, #tpu.memory_space<vmem>>) semaphore(%arg17 : memref<!tpu.dma_semaphore, #tpu.memory_space<semaphore_mem>>) {add = true}
      %sub3A_665 = arith.constant 1 : i32
      %sub3A_666 = arith.subi %add3A_652, %sub3A_665 : i32
      %dma_wait3A_667 = arith.constant 0 : i32
      %dma_wait3A_668 = tpu.memref_slice %arg8[%sub3A_666, %dma_wait3A_667] : memref<32x128xi32, #tpu.memory_space<vmem>> -> memref<1x128xi32, #tpu.memory_space<vmem>>
      %dma_wait3A_669 = tpu.memref_squeeze %dma_wait3A_668 : memref<1x128xi32, #tpu.memory_space<vmem>> -> memref<128xi32, #tpu.memory_space<vmem>>
      %dma_wait3A_670 = arith.constant 0 : i32
      %dma_wait3A_671 = arith.constant 0 : i32
      %dma_wait3A_672 = tpu.memref_slice %arg12[%dma_wait3A_670, %dma_wait3A_671] : memref<8192x128xf32, #tpu.memory_space<vmem_shared>> -> memref<8192x128xf32, #tpu.memory_space<vmem_shared>>
      tpu.wait_indirect_dma semaphore(%arg16 : memref<!tpu.dma_semaphore, #tpu.memory_space<semaphore_mem>>) src(%arg9 : memref<128x128xf32, #tpu.memory_space<vmem>>) dst(%dma_wait3A_672 : memref<8192x128xf32, #tpu.memory_space<vmem_shared>>)
      %add3A_673 = arith.constant 2 : i32
      %add3A_674 = arith.addi %add3A_652, %add3A_673 : i32
      %dma_start3A_675 = arith.constant 0 : i32
      %dma_start3A_676 = tpu.memref_slice %arg7[%add3A_674, %dma_start3A_675] : memref<32x128xi32, #tpu.memory_space<vmem>> -> memref<1x128xi32, #tpu.memory_space<vmem>>
      %dma_start3A_677 = tpu.memref_squeeze %dma_start3A_676 : memref<1x128xi32, #tpu.memory_space<vmem>> -> memref<128xi32, #tpu.memory_space<vmem>>
      %dma_start3A_678 = arith.constant 0 : i32
      %dma_start3A_679 = arith.constant 0 : i32
      %dma_start3A_680 = tpu.memref_slice %arg2[%dma_start3A_678, %dma_start3A_679] : memref<12288x128xf32, #tpu.memory_space<hbm>> -> memref<12288x128xf32, #tpu.memory_space<hbm>>
      tpu.enqueue_indirect_dma source(%dma_start3A_680 : memref<12288x128xf32, #tpu.memory_space<hbm>>) target(%arg9 : memref<128x128xf32, #tpu.memory_space<vmem>>) offsets(%dma_start3A_677 : memref<128xi32, #tpu.memory_space<vmem>>) semaphore(%arg13 : memref<!tpu.dma_semaphore, #tpu.memory_space<semaphore_mem>>)
      %add3A_681 = arith.constant 2 : i32
      %add3A_682 = arith.addi %add3A_621, %add3A_681 : i32
      %dma_wait3A_683 = arith.constant 0 : i32
      %dma_wait3A_684 = tpu.memref_slice %arg7[%add3A_682, %dma_wait3A_683] : memref<32x128xi32, #tpu.memory_space<vmem>> -> memref<1x128xi32, #tpu.memory_space<vmem>>
      %dma_wait3A_685 = tpu.memref_squeeze %dma_wait3A_684 : memref<1x128xi32, #tpu.memory_space<vmem>> -> memref<128xi32, #tpu.memory_space<vmem>>
      %dma_wait3A_686 = arith.constant 0 : i32
      %dma_wait3A_687 = arith.constant 0 : i32
      %dma_wait3A_688 = tpu.memref_slice %arg2[%dma_wait3A_686, %dma_wait3A_687] : memref<12288x128xf32, #tpu.memory_space<hbm>> -> memref<12288x128xf32, #tpu.memory_space<hbm>>
      tpu.wait_indirect_dma semaphore(%arg15 : memref<!tpu.dma_semaphore, #tpu.memory_space<semaphore_mem>>) src(%dma_wait3A_688 : memref<12288x128xf32, #tpu.memory_space<hbm>>) dst(%arg11 : memref<128x128xf32, #tpu.memory_space<vmem>>)
      %dma_start3A_689 = arith.constant 0 : i32
      %dma_start3A_690 = tpu.memref_slice %arg8[%add3A_682, %dma_start3A_689] : memref<32x128xi32, #tpu.memory_space<vmem>> -> memref<1x128xi32, #tpu.memory_space<vmem>>
      %dma_start3A_691 = tpu.memref_squeeze %dma_start3A_690 : memref<1x128xi32, #tpu.memory_space<vmem>> -> memref<128xi32, #tpu.memory_space<vmem>>
      %dma_start3A_692 = arith.constant 0 : i32
      %dma_start3A_693 = arith.constant 0 : i32
      %dma_start3A_694 = tpu.memref_slice %arg12[%dma_start3A_692, %dma_start3A_693] : memref<8192x128xf32, #tpu.memory_space<vmem_shared>> -> memref<8192x128xf32, #tpu.memory_space<vmem_shared>>
      tpu.enqueue_indirect_dma source(%arg11 : memref<128x128xf32, #tpu.memory_space<vmem>>) target(%dma_start3A_694 : memref<8192x128xf32, #tpu.memory_space<vmem_shared>>) offsets(%dma_start3A_691 : memref<128xi32, #tpu.memory_space<vmem>>) semaphore(%arg18 : memref<!tpu.dma_semaphore, #tpu.memory_space<semaphore_mem>>) {add = true}
      %sub3A_695 = arith.constant 1 : i32
      %sub3A_696 = arith.subi %add3A_682, %sub3A_695 : i32
      %dma_wait3A_697 = arith.constant 0 : i32
      %dma_wait3A_698 = tpu.memref_slice %arg8[%sub3A_696, %dma_wait3A_697] : memref<32x128xi32, #tpu.memory_space<vmem>> -> memref<1x128xi32, #tpu.memory_space<vmem>>
      %dma_wait3A_699 = tpu.memref_squeeze %dma_wait3A_698 : memref<1x128xi32, #tpu.memory_space<vmem>> -> memref<128xi32, #tpu.memory_space<vmem>>
      %dma_wait3A_700 = arith.constant 0 : i32
      %dma_wait3A_701 = arith.constant 0 : i32
      %dma_wait3A_702 = tpu.memref_slice %arg12[%dma_wait3A_700, %dma_wait3A_701] : memref<8192x128xf32, #tpu.memory_space<vmem_shared>> -> memref<8192x128xf32, #tpu.memory_space<vmem_shared>>
      tpu.wait_indirect_dma semaphore(%arg17 : memref<!tpu.dma_semaphore, #tpu.memory_space<semaphore_mem>>) src(%arg10 : memref<128x128xf32, #tpu.memory_space<vmem>>) dst(%dma_wait3A_702 : memref<8192x128xf32, #tpu.memory_space<vmem_shared>>)
      %add3A_703 = arith.constant 2 : i32
      %add3A_704 = arith.addi %add3A_682, %add3A_703 : i32
      %dma_start3A_705 = arith.constant 0 : i32
      %dma_start3A_706 = tpu.memref_slice %arg7[%add3A_704, %dma_start3A_705] : memref<32x128xi32, #tpu.memory_space<vmem>> -> memref<1x128xi32, #tpu.memory_space<vmem>>
      %dma_start3A_707 = tpu.memref_squeeze %dma_start3A_706 : memref<1x128xi32, #tpu.memory_space<vmem>> -> memref<128xi32, #tpu.memory_space<vmem>>
      %dma_start3A_708 = arith.constant 0 : i32
      %dma_start3A_709 = arith.constant 0 : i32
      %dma_start3A_710 = tpu.memref_slice %arg2[%dma_start3A_708, %dma_start3A_709] : memref<12288x128xf32, #tpu.memory_space<hbm>> -> memref<12288x128xf32, #tpu.memory_space<hbm>>
      tpu.enqueue_indirect_dma source(%dma_start3A_710 : memref<12288x128xf32, #tpu.memory_space<hbm>>) target(%arg10 : memref<128x128xf32, #tpu.memory_space<vmem>>) offsets(%dma_start3A_707 : memref<128xi32, #tpu.memory_space<vmem>>) semaphore(%arg14 : memref<!tpu.dma_semaphore, #tpu.memory_space<semaphore_mem>>)
    }
    %scan3A_559 = arith.constant 9 : i32
    %dma_wait3A_560 = arith.constant 30 : i32
    %dma_wait3A_561 = arith.constant 0 : i32
    %dma_wait3A_562 = tpu.memref_slice %arg7[%dma_wait3A_560, %dma_wait3A_561] : memref<32x128xi32, #tpu.memory_space<vmem>> -> memref<1x128xi32, #tpu.memory_space<vmem>>
    %dma_wait3A_563 = tpu.memref_squeeze %dma_wait3A_562 : memref<1x128xi32, #tpu.memory_space<vmem>> -> memref<128xi32, #tpu.memory_space<vmem>>
    %dma_wait3A_564 = arith.constant 0 : i32
    %dma_wait3A_565 = arith.constant 0 : i32
    %dma_wait3A_566 = tpu.memref_slice %arg2[%dma_wait3A_564, %dma_wait3A_565] : memref<12288x128xf32, #tpu.memory_space<hbm>> -> memref<12288x128xf32, #tpu.memory_space<hbm>>
    tpu.wait_indirect_dma semaphore(%arg13 : memref<!tpu.dma_semaphore, #tpu.memory_space<semaphore_mem>>) src(%dma_wait3A_566 : memref<12288x128xf32, #tpu.memory_space<hbm>>) dst(%arg9 : memref<128x128xf32, #tpu.memory_space<vmem>>)
    %dma_start3A_567 = arith.constant 30 : i32
    %dma_start3A_568 = arith.constant 0 : i32
    %dma_start3A_569 = tpu.memref_slice %arg8[%dma_start3A_567, %dma_start3A_568] : memref<32x128xi32, #tpu.memory_space<vmem>> -> memref<1x128xi32, #tpu.memory_space<vmem>>
    %dma_start3A_570 = tpu.memref_squeeze %dma_start3A_569 : memref<1x128xi32, #tpu.memory_space<vmem>> -> memref<128xi32, #tpu.memory_space<vmem>>
    %dma_start3A_571 = arith.constant 0 : i32
    %dma_start3A_572 = arith.constant 0 : i32
    %dma_start3A_573 = tpu.memref_slice %arg12[%dma_start3A_571, %dma_start3A_572] : memref<8192x128xf32, #tpu.memory_space<vmem_shared>> -> memref<8192x128xf32, #tpu.memory_space<vmem_shared>>
    tpu.enqueue_indirect_dma source(%arg9 : memref<128x128xf32, #tpu.memory_space<vmem>>) target(%dma_start3A_573 : memref<8192x128xf32, #tpu.memory_space<vmem_shared>>) offsets(%dma_start3A_570 : memref<128xi32, #tpu.memory_space<vmem>>) semaphore(%arg16 : memref<!tpu.dma_semaphore, #tpu.memory_space<semaphore_mem>>) {add = true}
    %dma_wait3A_574 = arith.constant 29 : i32
    %dma_wait3A_575 = arith.constant 0 : i32
    %dma_wait3A_576 = tpu.memref_slice %arg8[%dma_wait3A_574, %dma_wait3A_575] : memref<32x128xi32, #tpu.memory_space<vmem>> -> memref<1x128xi32, #tpu.memory_space<vmem>>
    %dma_wait3A_577 = tpu.memref_squeeze %dma_wait3A_576 : memref<1x128xi32, #tpu.memory_space<vmem>> -> memref<128xi32, #tpu.memory_space<vmem>>
    %dma_wait3A_578 = arith.constant 0 : i32
    %dma_wait3A_579 = arith.constant 0 : i32
    %dma_wait3A_580 = tpu.memref_slice %arg12[%dma_wait3A_578, %dma_wait3A_579] : memref<8192x128xf32, #tpu.memory_space<vmem_shared>> -> memref<8192x128xf32, #tpu.memory_space<vmem_shared>>
    tpu.wait_indirect_dma semaphore(%arg18 : memref<!tpu.dma_semaphore, #tpu.memory_space<semaphore_mem>>) src(%arg11 : memref<128x128xf32, #tpu.memory_space<vmem>>) dst(%dma_wait3A_580 : memref<8192x128xf32, #tpu.memory_space<vmem_shared>>)
    %dma_wait3A_581 = arith.constant 31 : i32
    %dma_wait3A_582 = arith.constant 0 : i32
    %dma_wait3A_583 = tpu.memref_slice %arg7[%dma_wait3A_581, %dma_wait3A_582] : memref<32x128xi32, #tpu.memory_space<vmem>> -> memref<1x128xi32, #tpu.memory_space<vmem>>
    %dma_wait3A_584 = tpu.memref_squeeze %dma_wait3A_583 : memref<1x128xi32, #tpu.memory_space<vmem>> -> memref<128xi32, #tpu.memory_space<vmem>>
    %dma_wait3A_585 = arith.constant 0 : i32
    %dma_wait3A_586 = arith.constant 0 : i32
    %dma_wait3A_587 = tpu.memref_slice %arg2[%dma_wait3A_585, %dma_wait3A_586] : memref<12288x128xf32, #tpu.memory_space<hbm>> -> memref<12288x128xf32, #tpu.memory_space<hbm>>
    tpu.wait_indirect_dma semaphore(%arg14 : memref<!tpu.dma_semaphore, #tpu.memory_space<semaphore_mem>>) src(%dma_wait3A_587 : memref<12288x128xf32, #tpu.memory_space<hbm>>) dst(%arg10 : memref<128x128xf32, #tpu.memory_space<vmem>>)
    %dma_start3A_588 = arith.constant 31 : i32
    %dma_start3A_589 = arith.constant 0 : i32
    %dma_start3A_590 = tpu.memref_slice %arg8[%dma_start3A_588, %dma_start3A_589] : memref<32x128xi32, #tpu.memory_space<vmem>> -> memref<1x128xi32, #tpu.memory_space<vmem>>
    %dma_start3A_591 = tpu.memref_squeeze %dma_start3A_590 : memref<1x128xi32, #tpu.memory_space<vmem>> -> memref<128xi32, #tpu.memory_space<vmem>>
    %dma_start3A_592 = arith.constant 0 : i32
    %dma_start3A_593 = arith.constant 0 : i32
    %dma_start3A_594 = tpu.memref_slice %arg12[%dma_start3A_592, %dma_start3A_593] : memref<8192x128xf32, #tpu.memory_space<vmem_shared>> -> memref<8192x128xf32, #tpu.memory_space<vmem_shared>>
    tpu.enqueue_indirect_dma source(%arg10 : memref<128x128xf32, #tpu.memory_space<vmem>>) target(%dma_start3A_594 : memref<8192x128xf32, #tpu.memory_space<vmem_shared>>) offsets(%dma_start3A_591 : memref<128xi32, #tpu.memory_space<vmem>>) semaphore(%arg17 : memref<!tpu.dma_semaphore, #tpu.memory_space<semaphore_mem>>) {add = true}
    %dma_wait3A_595 = arith.constant 30 : i32
    %dma_wait3A_596 = arith.constant 0 : i32
    %dma_wait3A_597 = tpu.memref_slice %arg8[%dma_wait3A_595, %dma_wait3A_596] : memref<32x128xi32, #tpu.memory_space<vmem>> -> memref<1x128xi32, #tpu.memory_space<vmem>>
    %dma_wait3A_598 = tpu.memref_squeeze %dma_wait3A_597 : memref<1x128xi32, #tpu.memory_space<vmem>> -> memref<128xi32, #tpu.memory_space<vmem>>
    %dma_wait3A_599 = arith.constant 0 : i32
    %dma_wait3A_600 = arith.constant 0 : i32
    %dma_wait3A_601 = tpu.memref_slice %arg12[%dma_wait3A_599, %dma_wait3A_600] : memref<8192x128xf32, #tpu.memory_space<vmem_shared>> -> memref<8192x128xf32, #tpu.memory_space<vmem_shared>>
    tpu.wait_indirect_dma semaphore(%arg16 : memref<!tpu.dma_semaphore, #tpu.memory_space<semaphore_mem>>) src(%arg9 : memref<128x128xf32, #tpu.memory_space<vmem>>) dst(%dma_wait3A_601 : memref<8192x128xf32, #tpu.memory_space<vmem_shared>>)
    %dma_wait3A_602 = arith.constant 31 : i32
    %dma_wait3A_603 = arith.constant 0 : i32
    %dma_wait3A_604 = tpu.memref_slice %arg8[%dma_wait3A_602, %dma_wait3A_603] : memref<32x128xi32, #tpu.memory_space<vmem>> -> memref<1x128xi32, #tpu.memory_space<vmem>>
    %dma_wait3A_605 = tpu.memref_squeeze %dma_wait3A_604 : memref<1x128xi32, #tpu.memory_space<vmem>> -> memref<128xi32, #tpu.memory_space<vmem>>
    %dma_wait3A_606 = arith.constant 0 : i32
    %dma_wait3A_607 = arith.constant 0 : i32
    %dma_wait3A_608 = tpu.memref_slice %arg12[%dma_wait3A_606, %dma_wait3A_607] : memref<8192x128xf32, #tpu.memory_space<vmem_shared>> -> memref<8192x128xf32, #tpu.memory_space<vmem_shared>>
    tpu.wait_indirect_dma semaphore(%arg17 : memref<!tpu.dma_semaphore, #tpu.memory_space<semaphore_mem>>) src(%arg10 : memref<128x128xf32, #tpu.memory_space<vmem>>) dst(%dma_wait3A_608 : memref<8192x128xf32, #tpu.memory_space<vmem_shared>>)
    %barrier3A_609 = arith.constant 0 : index
    tpu.barrier barrier_id(%barrier3A_609)
    %eq3A = arith.constant 0 : i32
    %eq3A_610 = arith.cmpi eq, %arg0, %eq3A : i32
    %convert_element_type3A = arith.extui %eq3A_610 : i1 to i32
    %cond3A = arith.constant 0 : i32
    %cond3A_611 = arith.cmpi ne, %convert_element_type3A, %cond3A : i32
    scf.if %cond3A_611 {
      %mul3A_617 = arith.constant 512 : i32
      %mul3A_618 = arith.muli %arg1, %mul3A_617 : i32
      %mul3A_619 = arith.constant 512 : i32
      %mul3A_620 = arith.muli %arg1, %mul3A_619 : i32
      %add3A_621 = arith.constant 4096 : i32
      %add3A_622 = arith.addi %add3A_621, %mul3A_620 : i32
      "tpu.region"() ({
        %run_scoped3A = tpu.sem_alloc : memref<!tpu.dma_semaphore, #tpu.memory_space<semaphore_mem>>
        %dma_start3A_623 = arith.constant 0 : i32
        %dma_start3A_624 = tpu.memref_slice %arg6[%add3A_622, %dma_start3A_623] : memref<12288x128xf32, #tpu.memory_space<hbm>> -> memref<512x128xf32, #tpu.memory_space<hbm>>
        %dma_start3A_625 = arith.constant 0 : i32
        %dma_start3A_626 = tpu.memref_slice %arg12[%mul3A_618, %dma_start3A_625] : memref<8192x128xf32, #tpu.memory_space<vmem_shared>> -> memref<512x128xf32, #tpu.memory_space<vmem_shared>>
        tpu.enqueue_dma source(%dma_start3A_626 : memref<512x128xf32, #tpu.memory_space<vmem_shared>>) target(%dma_start3A_624 : memref<512x128xf32, #tpu.memory_space<hbm>>) target_semaphore(%run_scoped3A : memref<!tpu.dma_semaphore, #tpu.memory_space<semaphore_mem>>)
        %dma_wait3A_627 = arith.constant 0 : i32
        %dma_wait3A_628 = tpu.memref_slice %arg6[%add3A_622, %dma_wait3A_627] : memref<12288x128xf32, #tpu.memory_space<hbm>> -> memref<512x128xf32, #tpu.memory_space<hbm>>
        %dma_wait3A_629 = arith.constant 0 : i32
        %dma_wait3A_630 = tpu.memref_slice %arg12[%mul3A_618, %dma_wait3A_629] : memref<8192x128xf32, #tpu.memory_space<vmem_shared>> -> memref<512x128xf32, #tpu.memory_space<vmem_shared>>
        tpu.wait_dma2 semaphore(%run_scoped3A : memref<!tpu.dma_semaphore, #tpu.memory_space<semaphore_mem>>) src(%dma_wait3A_630 : memref<512x128xf32, #tpu.memory_space<vmem_shared>>) dst(%dma_wait3A_628 : memref<512x128xf32, #tpu.memory_space<hbm>>)
        tpu.yield
      }) : () -> ()
    } else {
    }
    %eq3A_612 = arith.constant 1 : i32
    %eq3A_613 = arith.cmpi eq, %arg0, %eq3A_612 : i32
    %convert_element_type3A_614 = arith.extui %eq3A_613 : i1 to i32
    %cond3A_615 = arith.constant 0 : i32
    %cond3A_616 = arith.cmpi ne, %convert_element_type3A_614, %cond3A_615 : i32
    scf.if %cond3A_616 {
      %mul3A_617 = arith.constant 256 : i32
      %mul3A_618 = arith.muli %arg1, %mul3A_617 : i32
      %mul3A_619 = arith.constant 256 : i32
      %mul3A_620 = arith.muli %arg1, %mul3A_619 : i32
      "tpu.region"() ({
        %run_scoped3A = tpu.sem_alloc : memref<!tpu.dma_semaphore, #tpu.memory_space<semaphore_mem>>
        %dma_start3A_621 = arith.constant 0 : i32
        %dma_start3A_622 = tpu.memref_slice %arg6[%mul3A_620, %dma_start3A_621] : memref<12288x128xf32, #tpu.memory_space<hbm>> -> memref<256x128xf32, #tpu.memory_space<hbm>>
        %dma_start3A_623 = arith.constant 0 : i32
        %dma_start3A_624 = tpu.memref_slice %arg12[%mul3A_618, %dma_start3A_623] : memref<8192x128xf32, #tpu.memory_space<vmem_shared>> -> memref<256x128xf32, #tpu.memory_space<vmem_shared>>
        tpu.enqueue_dma source(%dma_start3A_624 : memref<256x128xf32, #tpu.memory_space<vmem_shared>>) target(%dma_start3A_622 : memref<256x128xf32, #tpu.memory_space<hbm>>) target_semaphore(%run_scoped3A : memref<!tpu.dma_semaphore, #tpu.memory_space<semaphore_mem>>)
        %dma_wait3A_625 = arith.constant 0 : i32
        %dma_wait3A_626 = tpu.memref_slice %arg6[%mul3A_620, %dma_wait3A_625] : memref<12288x128xf32, #tpu.memory_space<hbm>> -> memref<256x128xf32, #tpu.memory_space<hbm>>
        %dma_wait3A_627 = arith.constant 0 : i32
        %dma_wait3A_628 = tpu.memref_slice %arg12[%mul3A_618, %dma_wait3A_627] : memref<8192x128xf32, #tpu.memory_space<vmem_shared>> -> memref<256x128xf32, #tpu.memory_space<vmem_shared>>
        tpu.wait_dma2 semaphore(%run_scoped3A : memref<!tpu.dma_semaphore, #tpu.memory_space<semaphore_mem>>) src(%dma_wait3A_628 : memref<256x128xf32, #tpu.memory_space<vmem_shared>>) dst(%dma_wait3A_626 : memref<256x128xf32, #tpu.memory_space<hbm>>)
        tpu.yield
      }) : () -> ()
    } else {
    }
    return
  }
}

#map = affine_map<(d0, d1) -> (0, 0)>
module attributes {stable_mosaic.version = 14 : i64} {
  func.func @k(%arg0: i32, %arg1: i32, %arg2: memref<4096x128xi32, #tpu.memory_space<hbm>>, %arg3: memref<128x128xf32, #tpu.memory_space<hbm>>, %arg4: memref<512x128xf32, #tpu.memory_space<hbm>>, %arg5: memref<12288x128xf32, #tpu.memory_space<hbm>>, %arg6: memref<128x128xi32, #tpu.memory_space<vmem>>, %arg7: memref<128x128xf32, #tpu.memory_space<vmem>>, %arg8: memref<8192x128xf32, #tpu.memory_space<vmem_shared>>, %arg9: memref<!tpu.dma_semaphore, #tpu.memory_space<semaphore_mem>>) attributes {dimension_semantics = [#tpu.dimension_semantics<core_parallel>, #tpu.dimension_semantics<subcore_parallel>], iteration_bounds = array<i64: 2, 16>, scalar_prefetch = 0 : i64, scratch_operands = 4 : i64, tpu.core_type = #tpu.core_type<sc_vector_subcore>, window_params = [{transform_indices = #map}, {transform_indices = #map}, {transform_indices = #map}, {transform_indices = #map}]} {
    %mul3A = arith.constant 512 : i32
    %mul3A_0 = arith.muli %arg1, %mul3A : i32
    "tpu.region"() ({
      %run_scoped3A = tpu.sem_alloc : memref<!tpu.dma_semaphore, #tpu.memory_space<semaphore_mem>>
      %dma_start3A = arith.constant 0 : i32
      %dma_start3A_24 = tpu.memref_slice %arg8[%mul3A_0, %dma_start3A] : memref<8192x128xf32, #tpu.memory_space<vmem_shared>> -> memref<512x128xf32, #tpu.memory_space<vmem_shared>>
      tpu.enqueue_dma source(%arg4 : memref<512x128xf32, #tpu.memory_space<hbm>>) target(%dma_start3A_24 : memref<512x128xf32, #tpu.memory_space<vmem_shared>>) target_semaphore(%run_scoped3A : memref<!tpu.dma_semaphore, #tpu.memory_space<semaphore_mem>>)
      %dma_wait3A = arith.constant 0 : i32
      %dma_wait3A_25 = tpu.memref_slice %arg8[%mul3A_0, %dma_wait3A] : memref<8192x128xf32, #tpu.memory_space<vmem_shared>> -> memref<512x128xf32, #tpu.memory_space<vmem_shared>>
      tpu.wait_dma2 semaphore(%run_scoped3A : memref<!tpu.dma_semaphore, #tpu.memory_space<semaphore_mem>>) src(%arg4 : memref<512x128xf32, #tpu.memory_space<hbm>>) dst(%dma_wait3A_25 : memref<512x128xf32, #tpu.memory_space<vmem_shared>>)
      tpu.yield
    }) : () -> ()
    "tpu.region"() ({
      %run_scoped3A = tpu.sem_alloc : memref<!tpu.dma_semaphore, #tpu.memory_space<semaphore_mem>>
      tpu.enqueue_dma source(%arg3 : memref<128x128xf32, #tpu.memory_space<hbm>>) target(%arg7 : memref<128x128xf32, #tpu.memory_space<vmem>>) target_semaphore(%run_scoped3A : memref<!tpu.dma_semaphore, #tpu.memory_space<semaphore_mem>>)
      tpu.wait_dma2 semaphore(%run_scoped3A : memref<!tpu.dma_semaphore, #tpu.memory_space<semaphore_mem>>) src(%arg3 : memref<128x128xf32, #tpu.memory_space<hbm>>) dst(%arg7 : memref<128x128xf32, #tpu.memory_space<vmem>>)
      tpu.yield
    }) : () -> ()
    %mul3A_1 = arith.constant 2048 : i32
    %mul3A_2 = arith.muli %arg0, %mul3A_1 : i32
    %mul3A_3 = arith.constant 128 : i32
    %mul3A_4 = arith.muli %arg1, %mul3A_3 : i32
    %add3A = arith.addi %mul3A_2, %mul3A_4 : i32
    "tpu.region"() ({
      %run_scoped3A = tpu.sem_alloc : memref<!tpu.dma_semaphore, #tpu.memory_space<semaphore_mem>>
      %dma_start3A = arith.constant 0 : i32
      %dma_start3A_24 = tpu.memref_slice %arg2[%add3A, %dma_start3A] : memref<4096x128xi32, #tpu.memory_space<hbm>> -> memref<128x128xi32, #tpu.memory_space<hbm>>
      %dma_start3A_25 = arith.constant 0 : i32
      %dma_start3A_26 = tpu.memref_slice %arg2[%add3A, %dma_start3A_25] : memref<4096x128xi32, #tpu.memory_space<hbm>> -> memref<128x128xi32, #tpu.memory_space<hbm>>
      tpu.enqueue_dma source(%dma_start3A_26 : memref<128x128xi32, #tpu.memory_space<hbm>>) target(%arg6 : memref<128x128xi32, #tpu.memory_space<vmem>>) target_semaphore(%run_scoped3A : memref<!tpu.dma_semaphore, #tpu.memory_space<semaphore_mem>>)
      %dma_wait3A = arith.constant 0 : i32
      %dma_wait3A_27 = tpu.memref_slice %arg2[%add3A, %dma_wait3A] : memref<4096x128xi32, #tpu.memory_space<hbm>> -> memref<128x128xi32, #tpu.memory_space<hbm>>
      %dma_wait3A_28 = arith.constant 0 : i32
      %dma_wait3A_29 = tpu.memref_slice %arg2[%add3A, %dma_wait3A_28] : memref<4096x128xi32, #tpu.memory_space<hbm>> -> memref<128x128xi32, #tpu.memory_space<hbm>>
      tpu.wait_dma2 semaphore(%run_scoped3A : memref<!tpu.dma_semaphore, #tpu.memory_space<semaphore_mem>>) src(%dma_wait3A_29 : memref<128x128xi32, #tpu.memory_space<hbm>>) dst(%arg6 : memref<128x128xi32, #tpu.memory_space<vmem>>)
      tpu.yield
    }) : () -> ()
    %barrier3A = arith.constant 0 : index
    tpu.barrier barrier_id(%barrier3A)
    %scan3A = arith.constant 0 : i32
    %scan3A_5 = arith.constant 0 : i32
    %scan3A_6 = arith.constant 128 : i32
    %scan3A_7 = arith.addi %scan3A_5, %scan3A_6 : i32
    %scan3A_8 = arith.constant 1 : i32
    scf.for %scan3A_24 = %scan3A_5 to %scan3A_7 step %scan3A_8  : i32 {
      %dma_start3A = arith.constant 0 : i32
      %dma_start3A_25 = tpu.memref_slice %arg6[%scan3A_24, %dma_start3A] : memref<128x128xi32, #tpu.memory_space<vmem>> -> memref<1x128xi32, #tpu.memory_space<vmem>>
      %dma_start3A_26 = tpu.memref_squeeze %dma_start3A_25 : memref<1x128xi32, #tpu.memory_space<vmem>> -> memref<128xi32, #tpu.memory_space<vmem>>
      %dma_start3A_27 = arith.constant 0 : i32
      %dma_start3A_28 = arith.constant 0 : i32
      %dma_start3A_29 = tpu.memref_slice %arg8[%dma_start3A_27, %dma_start3A_28] : memref<8192x128xf32, #tpu.memory_space<vmem_shared>> -> memref<8192x128xf32, #tpu.memory_space<vmem_shared>>
      tpu.enqueue_indirect_dma source(%arg7 : memref<128x128xf32, #tpu.memory_space<vmem>>) target(%dma_start3A_29 : memref<8192x128xf32, #tpu.memory_space<vmem_shared>>) offsets(%dma_start3A_26 : memref<128xi32, #tpu.memory_space<vmem>>) semaphore(%arg9 : memref<!tpu.dma_semaphore, #tpu.memory_space<semaphore_mem>>) {add = true}
    }
    %scan3A_9 = arith.constant 128 : i32
    %scan3A_10 = arith.constant 0 : i32
    %scan3A_11 = arith.constant 0 : i32
    %scan3A_12 = arith.constant 128 : i32
    %scan3A_13 = arith.addi %scan3A_11, %scan3A_12 : i32
    %scan3A_14 = arith.constant 1 : i32
    scf.for %scan3A_24 = %scan3A_11 to %scan3A_13 step %scan3A_14  : i32 {
      %dma_wait3A = arith.constant 0 : i32
      %dma_wait3A_25 = arith.constant 0 : i32
      %dma_wait3A_26 = tpu.memref_slice %arg6[%dma_wait3A, %dma_wait3A_25] : memref<128x128xi32, #tpu.memory_space<vmem>> -> memref<1x128xi32, #tpu.memory_space<vmem>>
      %dma_wait3A_27 = tpu.memref_squeeze %dma_wait3A_26 : memref<1x128xi32, #tpu.memory_space<vmem>> -> memref<128xi32, #tpu.memory_space<vmem>>
      %dma_wait3A_28 = arith.constant 0 : i32
      %dma_wait3A_29 = arith.constant 0 : i32
      %dma_wait3A_30 = tpu.memref_slice %arg8[%dma_wait3A_28, %dma_wait3A_29] : memref<8192x128xf32, #tpu.memory_space<vmem_shared>> -> memref<8192x128xf32, #tpu.memory_space<vmem_shared>>
      tpu.wait_indirect_dma semaphore(%arg9 : memref<!tpu.dma_semaphore, #tpu.memory_space<semaphore_mem>>) src(%arg7 : memref<128x128xf32, #tpu.memory_space<vmem>>) dst(%dma_wait3A_30 : memref<8192x128xf32, #tpu.memory_space<vmem_shared>>)
    }
    %scan3A_15 = arith.constant 128 : i32
    %barrier3A_16 = arith.constant 0 : index
    tpu.barrier barrier_id(%barrier3A_16)
    %eq3A = arith.constant 0 : i32
    %eq3A_17 = arith.cmpi eq, %arg0, %eq3A : i32
    %convert_element_type3A = arith.extui %eq3A_17 : i1 to i32
    %cond3A = arith.constant 0 : i32
    %cond3A_18 = arith.cmpi ne, %convert_element_type3A, %cond3A : i32
    scf.if %cond3A_18 {
      %mul3A_24 = arith.constant 512 : i32
      %mul3A_25 = arith.muli %arg1, %mul3A_24 : i32
      %mul3A_26 = arith.constant 512 : i32
      %mul3A_27 = arith.muli %arg1, %mul3A_26 : i32
      %add3A_28 = arith.constant 4096 : i32
      %add3A_29 = arith.addi %add3A_28, %mul3A_27 : i32
      "tpu.region"() ({
        %run_scoped3A = tpu.sem_alloc : memref<!tpu.dma_semaphore, #tpu.memory_space<semaphore_mem>>
        %dma_start3A = arith.constant 0 : i32
        %dma_start3A_30 = tpu.memref_slice %arg5[%add3A_29, %dma_start3A] : memref<12288x128xf32, #tpu.memory_space<hbm>> -> memref<512x128xf32, #tpu.memory_space<hbm>>
        %dma_start3A_31 = arith.constant 0 : i32
        %dma_start3A_32 = tpu.memref_slice %arg8[%mul3A_25, %dma_start3A_31] : memref<8192x128xf32, #tpu.memory_space<vmem_shared>> -> memref<512x128xf32, #tpu.memory_space<vmem_shared>>
        tpu.enqueue_dma source(%dma_start3A_32 : memref<512x128xf32, #tpu.memory_space<vmem_shared>>) target(%dma_start3A_30 : memref<512x128xf32, #tpu.memory_space<hbm>>) target_semaphore(%run_scoped3A : memref<!tpu.dma_semaphore, #tpu.memory_space<semaphore_mem>>)
        %dma_wait3A = arith.constant 0 : i32
        %dma_wait3A_33 = tpu.memref_slice %arg5[%add3A_29, %dma_wait3A] : memref<12288x128xf32, #tpu.memory_space<hbm>> -> memref<512x128xf32, #tpu.memory_space<hbm>>
        %dma_wait3A_34 = arith.constant 0 : i32
        %dma_wait3A_35 = tpu.memref_slice %arg8[%mul3A_25, %dma_wait3A_34] : memref<8192x128xf32, #tpu.memory_space<vmem_shared>> -> memref<512x128xf32, #tpu.memory_space<vmem_shared>>
        tpu.wait_dma2 semaphore(%run_scoped3A : memref<!tpu.dma_semaphore, #tpu.memory_space<semaphore_mem>>) src(%dma_wait3A_35 : memref<512x128xf32, #tpu.memory_space<vmem_shared>>) dst(%dma_wait3A_33 : memref<512x128xf32, #tpu.memory_space<hbm>>)
        tpu.yield
      }) : () -> ()
    } else {
    }
    %eq3A_19 = arith.constant 1 : i32
    %eq3A_20 = arith.cmpi eq, %arg0, %eq3A_19 : i32
    %convert_element_type3A_21 = arith.extui %eq3A_20 : i1 to i32
    %cond3A_22 = arith.constant 0 : i32
    %cond3A_23 = arith.cmpi ne, %convert_element_type3A_21, %cond3A_22 : i32
    scf.if %cond3A_23 {
      %mul3A_24 = arith.constant 256 : i32
      %mul3A_25 = arith.muli %arg1, %mul3A_24 : i32
      %mul3A_26 = arith.constant 256 : i32
      %mul3A_27 = arith.muli %arg1, %mul3A_26 : i32
      "tpu.region"() ({
        %run_scoped3A = tpu.sem_alloc : memref<!tpu.dma_semaphore, #tpu.memory_space<semaphore_mem>>
        %dma_start3A = arith.constant 0 : i32
        %dma_start3A_28 = tpu.memref_slice %arg5[%mul3A_27, %dma_start3A] : memref<12288x128xf32, #tpu.memory_space<hbm>> -> memref<256x128xf32, #tpu.memory_space<hbm>>
        %dma_start3A_29 = arith.constant 0 : i32
        %dma_start3A_30 = tpu.memref_slice %arg8[%mul3A_25, %dma_start3A_29] : memref<8192x128xf32, #tpu.memory_space<vmem_shared>> -> memref<256x128xf32, #tpu.memory_space<vmem_shared>>
        tpu.enqueue_dma source(%dma_start3A_30 : memref<256x128xf32, #tpu.memory_space<vmem_shared>>) target(%dma_start3A_28 : memref<256x128xf32, #tpu.memory_space<hbm>>) target_semaphore(%run_scoped3A : memref<!tpu.dma_semaphore, #tpu.memory_space<semaphore_mem>>)
        %dma_wait3A = arith.constant 0 : i32
        %dma_wait3A_31 = tpu.memref_slice %arg5[%mul3A_27, %dma_wait3A] : memref<12288x128xf32, #tpu.memory_space<hbm>> -> memref<256x128xf32, #tpu.memory_space<hbm>>
        %dma_wait3A_32 = arith.constant 0 : i32
        %dma_wait3A_33 = tpu.memref_slice %arg8[%mul3A_25, %dma_wait3A_32] : memref<8192x128xf32, #tpu.memory_space<vmem_shared>> -> memref<256x128xf32, #tpu.memory_space<vmem_shared>>
        tpu.wait_dma2 semaphore(%run_scoped3A : memref<!tpu.dma_semaphore, #tpu.memory_space<semaphore_mem>>) src(%dma_wait3A_33 : memref<256x128xf32, #tpu.memory_space<vmem_shared>>) dst(%dma_wait3A_31 : memref<256x128xf32, #tpu.memory_space<hbm>>)
        tpu.yield
      }) : () -> ()
    } else {
    }
    return
  }
}

#map = affine_map<(d0, d1) -> (0, 0)>
module attributes {stable_mosaic.version = 14 : i64} {
  func.func @k(%arg0: i32, %arg1: i32, %arg2: memref<12288x128xf32, #tpu.memory_space<hbm>>, %arg3: memref<4096x128xi32, #tpu.memory_space<hbm>>, %arg4: memref<4096x128xi32, #tpu.memory_space<hbm>>, %arg5: memref<512x128xf32, #tpu.memory_space<hbm>>, %arg6: memref<12288x128xf32, #tpu.memory_space<hbm>>, %arg7: memref<32x128xi32, #tpu.memory_space<vmem>>, %arg8: memref<32x128xi32, #tpu.memory_space<vmem>>, %arg9: memref<128x128xf32, #tpu.memory_space<vmem>>, %arg10: memref<128x128xf32, #tpu.memory_space<vmem>>, %arg11: memref<128x128xf32, #tpu.memory_space<vmem>>, %arg12: memref<8192x128xf32, #tpu.memory_space<vmem_shared>>, %arg13: memref<!tpu.dma_semaphore, #tpu.memory_space<semaphore_mem>>, %arg14: memref<!tpu.dma_semaphore, #tpu.memory_space<semaphore_mem>>, %arg15: memref<!tpu.dma_semaphore, #tpu.memory_space<semaphore_mem>>, %arg16: memref<!tpu.dma_semaphore, #tpu.memory_space<semaphore_mem>>, %arg17: memref<!tpu.dma_semaphore, #tpu.memory_space<semaphore_mem>>, %arg18: memref<!tpu.dma_semaphore, #tpu.memory_space<semaphore_mem>>) attributes {dimension_semantics = [#tpu.dimension_semantics<core_parallel>, #tpu.dimension_semantics<subcore_parallel>], iteration_bounds = array<i64: 2, 16>, scalar_prefetch = 0 : i64, scratch_operands = 12 : i64, tpu.core_type = #tpu.core_type<sc_vector_subcore>, window_params = [{transform_indices = #map}, {transform_indices = #map}, {transform_indices = #map}, {transform_indices = #map}, {transform_indices = #map}]} {
    %mul3A = arith.constant 512 : i32
    %mul3A_0 = arith.muli %arg1, %mul3A : i32
    "tpu.region"() ({
      %run_scoped3A = tpu.sem_alloc : memref<!tpu.dma_semaphore, #tpu.memory_space<semaphore_mem>>
      %dma_start3A_617 = arith.constant 0 : i32
      %dma_start3A_618 = tpu.memref_slice %arg12[%mul3A_0, %dma_start3A_617] : memref<8192x128xf32, #tpu.memory_space<vmem_shared>> -> memref<512x128xf32, #tpu.memory_space<vmem_shared>>
      tpu.enqueue_dma source(%arg5 : memref<512x128xf32, #tpu.memory_space<hbm>>) target(%dma_start3A_618 : memref<512x128xf32, #tpu.memory_space<vmem_shared>>) target_semaphore(%run_scoped3A : memref<!tpu.dma_semaphore, #tpu.memory_space<semaphore_mem>>)
      %dma_wait3A_619 = arith.constant 0 : i32
      %dma_wait3A_620 = tpu.memref_slice %arg12[%mul3A_0, %dma_wait3A_619] : memref<8192x128xf32, #tpu.memory_space<vmem_shared>> -> memref<512x128xf32, #tpu.memory_space<vmem_shared>>
      tpu.wait_dma2 semaphore(%run_scoped3A : memref<!tpu.dma_semaphore, #tpu.memory_space<semaphore_mem>>) src(%arg5 : memref<512x128xf32, #tpu.memory_space<hbm>>) dst(%dma_wait3A_620 : memref<512x128xf32, #tpu.memory_space<vmem_shared>>)
      tpu.yield
    }) : () -> ()
    %barrier3A = arith.constant 0 : index
    tpu.barrier barrier_id(%barrier3A)
    %mul3A_1 = arith.constant 2048 : i32
    %mul3A_2 = arith.muli %arg0, %mul3A_1 : i32
    %mul3A_3 = arith.constant 128 : i32
    %mul3A_4 = arith.muli %arg1, %mul3A_3 : i32
    %add3A = arith.addi %mul3A_2, %mul3A_4 : i32
    %add3A_5 = arith.constant 0 : i32
    %add3A_6 = arith.addi %add3A, %add3A_5 : i32
    "tpu.region"() ({
      %run_scoped3A = tpu.sem_alloc : memref<!tpu.dma_semaphore, #tpu.memory_space<semaphore_mem>>
      %dma_start3A_617 = arith.constant 0 : i32
      %dma_start3A_618 = tpu.memref_slice %arg3[%add3A_6, %dma_start3A_617] : memref<4096x128xi32, #tpu.memory_space<hbm>> -> memref<32x128xi32, #tpu.memory_space<hbm>>
      %dma_start3A_619 = arith.constant 0 : i32
      %dma_start3A_620 = tpu.memref_slice %arg3[%add3A_6, %dma_start3A_619] : memref<4096x128xi32, #tpu.memory_space<hbm>> -> memref<32x128xi32, #tpu.memory_space<hbm>>
      tpu.enqueue_dma source(%dma_start3A_620 : memref<32x128xi32, #tpu.memory_space<hbm>>) target(%arg7 : memref<32x128xi32, #tpu.memory_space<vmem>>) target_semaphore(%run_scoped3A : memref<!tpu.dma_semaphore, #tpu.memory_space<semaphore_mem>>)
      %dma_wait3A_621 = arith.constant 0 : i32
      %dma_wait3A_622 = tpu.memref_slice %arg3[%add3A_6, %dma_wait3A_621] : memref<4096x128xi32, #tpu.memory_space<hbm>> -> memref<32x128xi32, #tpu.memory_space<hbm>>
      %dma_wait3A_623 = arith.constant 0 : i32
      %dma_wait3A_624 = tpu.memref_slice %arg3[%add3A_6, %dma_wait3A_623] : memref<4096x128xi32, #tpu.memory_space<hbm>> -> memref<32x128xi32, #tpu.memory_space<hbm>>
      tpu.wait_dma2 semaphore(%run_scoped3A : memref<!tpu.dma_semaphore, #tpu.memory_space<semaphore_mem>>) src(%dma_wait3A_624 : memref<32x128xi32, #tpu.memory_space<hbm>>) dst(%arg7 : memref<32x128xi32, #tpu.memory_space<vmem>>)
      tpu.yield
    }) : () -> ()
    "tpu.region"() ({
      %run_scoped3A = tpu.sem_alloc : memref<!tpu.dma_semaphore, #tpu.memory_space<semaphore_mem>>
      %dma_start3A_617 = arith.constant 0 : i32
      %dma_start3A_618 = tpu.memref_slice %arg4[%add3A_6, %dma_start3A_617] : memref<4096x128xi32, #tpu.memory_space<hbm>> -> memref<32x128xi32, #tpu.memory_space<hbm>>
      %dma_start3A_619 = arith.constant 0 : i32
      %dma_start3A_620 = tpu.memref_slice %arg4[%add3A_6, %dma_start3A_619] : memref<4096x128xi32, #tpu.memory_space<hbm>> -> memref<32x128xi32, #tpu.memory_space<hbm>>
      tpu.enqueue_dma source(%dma_start3A_620 : memref<32x128xi32, #tpu.memory_space<hbm>>) target(%arg8 : memref<32x128xi32, #tpu.memory_space<vmem>>) target_semaphore(%run_scoped3A : memref<!tpu.dma_semaphore, #tpu.memory_space<semaphore_mem>>)
      %dma_wait3A_621 = arith.constant 0 : i32
      %dma_wait3A_622 = tpu.memref_slice %arg4[%add3A_6, %dma_wait3A_621] : memref<4096x128xi32, #tpu.memory_space<hbm>> -> memref<32x128xi32, #tpu.memory_space<hbm>>
      %dma_wait3A_623 = arith.constant 0 : i32
      %dma_wait3A_624 = tpu.memref_slice %arg4[%add3A_6, %dma_wait3A_623] : memref<4096x128xi32, #tpu.memory_space<hbm>> -> memref<32x128xi32, #tpu.memory_space<hbm>>
      tpu.wait_dma2 semaphore(%run_scoped3A : memref<!tpu.dma_semaphore, #tpu.memory_space<semaphore_mem>>) src(%dma_wait3A_624 : memref<32x128xi32, #tpu.memory_space<hbm>>) dst(%arg8 : memref<32x128xi32, #tpu.memory_space<vmem>>)
      tpu.yield
    }) : () -> ()
    %dma_start3A = arith.constant 0 : i32
    %dma_start3A_7 = arith.constant 0 : i32
    %dma_start3A_8 = tpu.memref_slice %arg7[%dma_start3A, %dma_start3A_7] : memref<32x128xi32, #tpu.memory_space<vmem>> -> memref<1x128xi32, #tpu.memory_space<vmem>>
    %dma_start3A_9 = tpu.memref_squeeze %dma_start3A_8 : memref<1x128xi32, #tpu.memory_space<vmem>> -> memref<128xi32, #tpu.memory_space<vmem>>
    %dma_start3A_10 = arith.constant 0 : i32
    %dma_start3A_11 = arith.constant 0 : i32
    %dma_start3A_12 = tpu.memref_slice %arg2[%dma_start3A_10, %dma_start3A_11] : memref<12288x128xf32, #tpu.memory_space<hbm>> -> memref<12288x128xf32, #tpu.memory_space<hbm>>
    tpu.enqueue_indirect_dma source(%dma_start3A_12 : memref<12288x128xf32, #tpu.memory_space<hbm>>) target(%arg9 : memref<128x128xf32, #tpu.memory_space<vmem>>) offsets(%dma_start3A_9 : memref<128xi32, #tpu.memory_space<vmem>>) semaphore(%arg13 : memref<!tpu.dma_semaphore, #tpu.memory_space<semaphore_mem>>)
    %dma_start3A_13 = arith.constant 1 : i32
    %dma_start3A_14 = arith.constant 0 : i32
    %dma_start3A_15 = tpu.memref_slice %arg7[%dma_start3A_13, %dma_start3A_14] : memref<32x128xi32, #tpu.memory_space<vmem>> -> memref<1x128xi32, #tpu.memory_space<vmem>>
    %dma_start3A_16 = tpu.memref_squeeze %dma_start3A_15 : memref<1x128xi32, #tpu.memory_space<vmem>> -> memref<128xi32, #tpu.memory_space<vmem>>
    %dma_start3A_17 = arith.constant 0 : i32
    %dma_start3A_18 = arith.constant 0 : i32
    %dma_start3A_19 = tpu.memref_slice %arg2[%dma_start3A_17, %dma_start3A_18] : memref<12288x128xf32, #tpu.memory_space<hbm>> -> memref<12288x128xf32, #tpu.memory_space<hbm>>
    tpu.enqueue_indirect_dma source(%dma_start3A_19 : memref<12288x128xf32, #tpu.memory_space<hbm>>) target(%arg10 : memref<128x128xf32, #tpu.memory_space<vmem>>) offsets(%dma_start3A_16 : memref<128xi32, #tpu.memory_space<vmem>>) semaphore(%arg14 : memref<!tpu.dma_semaphore, #tpu.memory_space<semaphore_mem>>)
    %dma_wait3A = arith.constant 0 : i32
    %dma_wait3A_20 = arith.constant 0 : i32
    %dma_wait3A_21 = tpu.memref_slice %arg7[%dma_wait3A, %dma_wait3A_20] : memref<32x128xi32, #tpu.memory_space<vmem>> -> memref<1x128xi32, #tpu.memory_space<vmem>>
    %dma_wait3A_22 = tpu.memref_squeeze %dma_wait3A_21 : memref<1x128xi32, #tpu.memory_space<vmem>> -> memref<128xi32, #tpu.memory_space<vmem>>
    %dma_wait3A_23 = arith.constant 0 : i32
    %dma_wait3A_24 = arith.constant 0 : i32
    %dma_wait3A_25 = tpu.memref_slice %arg2[%dma_wait3A_23, %dma_wait3A_24] : memref<12288x128xf32, #tpu.memory_space<hbm>> -> memref<12288x128xf32, #tpu.memory_space<hbm>>
    tpu.wait_indirect_dma semaphore(%arg13 : memref<!tpu.dma_semaphore, #tpu.memory_space<semaphore_mem>>) src(%dma_wait3A_25 : memref<12288x128xf32, #tpu.memory_space<hbm>>) dst(%arg9 : memref<128x128xf32, #tpu.memory_space<vmem>>)
    %dma_start3A_26 = arith.constant 0 : i32
    %dma_start3A_27 = arith.constant 0 : i32
    %dma_start3A_28 = tpu.memref_slice %arg8[%dma_start3A_26, %dma_start3A_27] : memref<32x128xi32, #tpu.memory_space<vmem>> -> memref<1x128xi32, #tpu.memory_space<vmem>>
    %dma_start3A_29 = tpu.memref_squeeze %dma_start3A_28 : memref<1x128xi32, #tpu.memory_space<vmem>> -> memref<128xi32, #tpu.memory_space<vmem>>
    %dma_start3A_30 = arith.constant 0 : i32
    %dma_start3A_31 = arith.constant 0 : i32
    %dma_start3A_32 = tpu.memref_slice %arg12[%dma_start3A_30, %dma_start3A_31] : memref<8192x128xf32, #tpu.memory_space<vmem_shared>> -> memref<8192x128xf32, #tpu.memory_space<vmem_shared>>
    tpu.enqueue_indirect_dma source(%arg9 : memref<128x128xf32, #tpu.memory_space<vmem>>) target(%dma_start3A_32 : memref<8192x128xf32, #tpu.memory_space<vmem_shared>>) offsets(%dma_start3A_29 : memref<128xi32, #tpu.memory_space<vmem>>) semaphore(%arg16 : memref<!tpu.dma_semaphore, #tpu.memory_space<semaphore_mem>>) {add = true}
    %dma_start3A_33 = arith.constant 2 : i32
    %dma_start3A_34 = arith.constant 0 : i32
    %dma_start3A_35 = tpu.memref_slice %arg7[%dma_start3A_33, %dma_start3A_34] : memref<32x128xi32, #tpu.memory_space<vmem>> -> memref<1x128xi32, #tpu.memory_space<vmem>>
    %dma_start3A_36 = tpu.memref_squeeze %dma_start3A_35 : memref<1x128xi32, #tpu.memory_space<vmem>> -> memref<128xi32, #tpu.memory_space<vmem>>
    %dma_start3A_37 = arith.constant 0 : i32
    %dma_start3A_38 = arith.constant 0 : i32
    %dma_start3A_39 = tpu.memref_slice %arg2[%dma_start3A_37, %dma_start3A_38] : memref<12288x128xf32, #tpu.memory_space<hbm>> -> memref<12288x128xf32, #tpu.memory_space<hbm>>
    tpu.enqueue_indirect_dma source(%dma_start3A_39 : memref<12288x128xf32, #tpu.memory_space<hbm>>) target(%arg11 : memref<128x128xf32, #tpu.memory_space<vmem>>) offsets(%dma_start3A_36 : memref<128xi32, #tpu.memory_space<vmem>>) semaphore(%arg15 : memref<!tpu.dma_semaphore, #tpu.memory_space<semaphore_mem>>)
    %dma_wait3A_40 = arith.constant 1 : i32
    %dma_wait3A_41 = arith.constant 0 : i32
    %dma_wait3A_42 = tpu.memref_slice %arg7[%dma_wait3A_40, %dma_wait3A_41] : memref<32x128xi32, #tpu.memory_space<vmem>> -> memref<1x128xi32, #tpu.memory_space<vmem>>
    %dma_wait3A_43 = tpu.memref_squeeze %dma_wait3A_42 : memref<1x128xi32, #tpu.memory_space<vmem>> -> memref<128xi32, #tpu.memory_space<vmem>>
    %dma_wait3A_44 = arith.constant 0 : i32
    %dma_wait3A_45 = arith.constant 0 : i32
    %dma_wait3A_46 = tpu.memref_slice %arg2[%dma_wait3A_44, %dma_wait3A_45] : memref<12288x128xf32, #tpu.memory_space<hbm>> -> memref<12288x128xf32, #tpu.memory_space<hbm>>
    tpu.wait_indirect_dma semaphore(%arg14 : memref<!tpu.dma_semaphore, #tpu.memory_space<semaphore_mem>>) src(%dma_wait3A_46 : memref<12288x128xf32, #tpu.memory_space<hbm>>) dst(%arg10 : memref<128x128xf32, #tpu.memory_space<vmem>>)
    %dma_start3A_47 = arith.constant 1 : i32
    %dma_start3A_48 = arith.constant 0 : i32
    %dma_start3A_49 = tpu.memref_slice %arg8[%dma_start3A_47, %dma_start3A_48] : memref<32x128xi32, #tpu.memory_space<vmem>> -> memref<1x128xi32, #tpu.memory_space<vmem>>
    %dma_start3A_50 = tpu.memref_squeeze %dma_start3A_49 : memref<1x128xi32, #tpu.memory_space<vmem>> -> memref<128xi32, #tpu.memory_space<vmem>>
    %dma_start3A_51 = arith.constant 0 : i32
    %dma_start3A_52 = arith.constant 0 : i32
    %dma_start3A_53 = tpu.memref_slice %arg12[%dma_start3A_51, %dma_start3A_52] : memref<8192x128xf32, #tpu.memory_space<vmem_shared>> -> memref<8192x128xf32, #tpu.memory_space<vmem_shared>>
    tpu.enqueue_indirect_dma source(%arg10 : memref<128x128xf32, #tpu.memory_space<vmem>>) target(%dma_start3A_53 : memref<8192x128xf32, #tpu.memory_space<vmem_shared>>) offsets(%dma_start3A_50 : memref<128xi32, #tpu.memory_space<vmem>>) semaphore(%arg17 : memref<!tpu.dma_semaphore, #tpu.memory_space<semaphore_mem>>) {add = true}
    %dma_wait3A_54 = arith.constant 0 : i32
    %dma_wait3A_55 = arith.constant 0 : i32
    %dma_wait3A_56 = tpu.memref_slice %arg8[%dma_wait3A_54, %dma_wait3A_55] : memref<32x128xi32, #tpu.memory_space<vmem>> -> memref<1x128xi32, #tpu.memory_space<vmem>>
    %dma_wait3A_57 = tpu.memref_squeeze %dma_wait3A_56 : memref<1x128xi32, #tpu.memory_space<vmem>> -> memref<128xi32, #tpu.memory_space<vmem>>
    %dma_wait3A_58 = arith.constant 0 : i32
    %dma_wait3A_59 = arith.constant 0 : i32
    %dma_wait3A_60 = tpu.memref_slice %arg12[%dma_wait3A_58, %dma_wait3A_59] : memref<8192x128xf32, #tpu.memory_space<vmem_shared>> -> memref<8192x128xf32, #tpu.memory_space<vmem_shared>>
    tpu.wait_indirect_dma semaphore(%arg16 : memref<!tpu.dma_semaphore, #tpu.memory_space<semaphore_mem>>) src(%arg9 : memref<128x128xf32, #tpu.memory_space<vmem>>) dst(%dma_wait3A_60 : memref<8192x128xf32, #tpu.memory_space<vmem_shared>>)
    %dma_start3A_61 = arith.constant 3 : i32
    %dma_start3A_62 = arith.constant 0 : i32
    %dma_start3A_63 = tpu.memref_slice %arg7[%dma_start3A_61, %dma_start3A_62] : memref<32x128xi32, #tpu.memory_space<vmem>> -> memref<1x128xi32, #tpu.memory_space<vmem>>
    %dma_start3A_64 = tpu.memref_squeeze %dma_start3A_63 : memref<1x128xi32, #tpu.memory_space<vmem>> -> memref<128xi32, #tpu.memory_space<vmem>>
    %dma_start3A_65 = arith.constant 0 : i32
    %dma_start3A_66 = arith.constant 0 : i32
    %dma_start3A_67 = tpu.memref_slice %arg2[%dma_start3A_65, %dma_start3A_66] : memref<12288x128xf32, #tpu.memory_space<hbm>> -> memref<12288x128xf32, #tpu.memory_space<hbm>>
    tpu.enqueue_indirect_dma source(%dma_start3A_67 : memref<12288x128xf32, #tpu.memory_space<hbm>>) target(%arg9 : memref<128x128xf32, #tpu.memory_space<vmem>>) offsets(%dma_start3A_64 : memref<128xi32, #tpu.memory_space<vmem>>) semaphore(%arg13 : memref<!tpu.dma_semaphore, #tpu.memory_space<semaphore_mem>>)
    %dma_wait3A_68 = arith.constant 2 : i32
    %dma_wait3A_69 = arith.constant 0 : i32
    %dma_wait3A_70 = tpu.memref_slice %arg7[%dma_wait3A_68, %dma_wait3A_69] : memref<32x128xi32, #tpu.memory_space<vmem>> -> memref<1x128xi32, #tpu.memory_space<vmem>>
    %dma_wait3A_71 = tpu.memref_squeeze %dma_wait3A_70 : memref<1x128xi32, #tpu.memory_space<vmem>> -> memref<128xi32, #tpu.memory_space<vmem>>
    %dma_wait3A_72 = arith.constant 0 : i32
    %dma_wait3A_73 = arith.constant 0 : i32
    %dma_wait3A_74 = tpu.memref_slice %arg2[%dma_wait3A_72, %dma_wait3A_73] : memref<12288x128xf32, #tpu.memory_space<hbm>> -> memref<12288x128xf32, #tpu.memory_space<hbm>>
    tpu.wait_indirect_dma semaphore(%arg15 : memref<!tpu.dma_semaphore, #tpu.memory_space<semaphore_mem>>) src(%dma_wait3A_74 : memref<12288x128xf32, #tpu.memory_space<hbm>>) dst(%arg11 : memref<128x128xf32, #tpu.memory_space<vmem>>)
    %dma_start3A_75 = arith.constant 2 : i32
    %dma_start3A_76 = arith.constant 0 : i32
    %dma_start3A_77 = tpu.memref_slice %arg8[%dma_start3A_75, %dma_start3A_76] : memref<32x128xi32, #tpu.memory_space<vmem>> -> memref<1x128xi32, #tpu.memory_space<vmem>>
    %dma_start3A_78 = tpu.memref_squeeze %dma_start3A_77 : memref<1x128xi32, #tpu.memory_space<vmem>> -> memref<128xi32, #tpu.memory_space<vmem>>
    %dma_start3A_79 = arith.constant 0 : i32
    %dma_start3A_80 = arith.constant 0 : i32
    %dma_start3A_81 = tpu.memref_slice %arg12[%dma_start3A_79, %dma_start3A_80] : memref<8192x128xf32, #tpu.memory_space<vmem_shared>> -> memref<8192x128xf32, #tpu.memory_space<vmem_shared>>
    tpu.enqueue_indirect_dma source(%arg11 : memref<128x128xf32, #tpu.memory_space<vmem>>) target(%dma_start3A_81 : memref<8192x128xf32, #tpu.memory_space<vmem_shared>>) offsets(%dma_start3A_78 : memref<128xi32, #tpu.memory_space<vmem>>) semaphore(%arg18 : memref<!tpu.dma_semaphore, #tpu.memory_space<semaphore_mem>>) {add = true}
    %dma_wait3A_82 = arith.constant 1 : i32
    %dma_wait3A_83 = arith.constant 0 : i32
    %dma_wait3A_84 = tpu.memref_slice %arg8[%dma_wait3A_82, %dma_wait3A_83] : memref<32x128xi32, #tpu.memory_space<vmem>> -> memref<1x128xi32, #tpu.memory_space<vmem>>
    %dma_wait3A_85 = tpu.memref_squeeze %dma_wait3A_84 : memref<1x128xi32, #tpu.memory_space<vmem>> -> memref<128xi32, #tpu.memory_space<vmem>>
    %dma_wait3A_86 = arith.constant 0 : i32
    %dma_wait3A_87 = arith.constant 0 : i32
    %dma_wait3A_88 = tpu.memref_slice %arg12[%dma_wait3A_86, %dma_wait3A_87] : memref<8192x128xf32, #tpu.memory_space<vmem_shared>> -> memref<8192x128xf32, #tpu.memory_space<vmem_shared>>
    tpu.wait_indirect_dma semaphore(%arg17 : memref<!tpu.dma_semaphore, #tpu.memory_space<semaphore_mem>>) src(%arg10 : memref<128x128xf32, #tpu.memory_space<vmem>>) dst(%dma_wait3A_88 : memref<8192x128xf32, #tpu.memory_space<vmem_shared>>)
    %dma_start3A_89 = arith.constant 4 : i32
    %dma_start3A_90 = arith.constant 0 : i32
    %dma_start3A_91 = tpu.memref_slice %arg7[%dma_start3A_89, %dma_start3A_90] : memref<32x128xi32, #tpu.memory_space<vmem>> -> memref<1x128xi32, #tpu.memory_space<vmem>>
    %dma_start3A_92 = tpu.memref_squeeze %dma_start3A_91 : memref<1x128xi32, #tpu.memory_space<vmem>> -> memref<128xi32, #tpu.memory_space<vmem>>
    %dma_start3A_93 = arith.constant 0 : i32
    %dma_start3A_94 = arith.constant 0 : i32
    %dma_start3A_95 = tpu.memref_slice %arg2[%dma_start3A_93, %dma_start3A_94] : memref<12288x128xf32, #tpu.memory_space<hbm>> -> memref<12288x128xf32, #tpu.memory_space<hbm>>
    tpu.enqueue_indirect_dma source(%dma_start3A_95 : memref<12288x128xf32, #tpu.memory_space<hbm>>) target(%arg10 : memref<128x128xf32, #tpu.memory_space<vmem>>) offsets(%dma_start3A_92 : memref<128xi32, #tpu.memory_space<vmem>>) semaphore(%arg14 : memref<!tpu.dma_semaphore, #tpu.memory_space<semaphore_mem>>)
    %scan3A = arith.constant 0 : i32
    %scan3A_96 = arith.constant 0 : i32
    %scan3A_97 = arith.constant 9 : i32
    %scan3A_98 = arith.addi %scan3A_96, %scan3A_97 : i32
    %scan3A_99 = arith.constant 1 : i32
    scf.for %scan3A_617 = %scan3A_96 to %scan3A_98 step %scan3A_99  : i32 {
      %mul3A_618 = arith.constant 3 : i32
      %mul3A_619 = arith.muli %mul3A_618, %scan3A_617 : i32
      %add3A_620 = arith.constant 3 : i32
      %add3A_621 = arith.addi %add3A_620, %mul3A_619 : i32
      %add3A_622 = arith.constant 0 : i32
      %add3A_623 = arith.addi %add3A_621, %add3A_622 : i32
      %dma_wait3A_624 = arith.constant 0 : i32
      %dma_wait3A_625 = tpu.memref_slice %arg7[%add3A_623, %dma_wait3A_624] : memref<32x128xi32, #tpu.memory_space<vmem>> -> memref<1x128xi32, #tpu.memory_space<vmem>>
      %dma_wait3A_626 = tpu.memref_squeeze %dma_wait3A_625 : memref<1x128xi32, #tpu.memory_space<vmem>> -> memref<128xi32, #tpu.memory_space<vmem>>
      %dma_wait3A_627 = arith.constant 0 : i32
      %dma_wait3A_628 = arith.constant 0 : i32
      %dma_wait3A_629 = tpu.memref_slice %arg2[%dma_wait3A_627, %dma_wait3A_628] : memref<12288x128xf32, #tpu.memory_space<hbm>> -> memref<12288x128xf32, #tpu.memory_space<hbm>>
      tpu.wait_indirect_dma semaphore(%arg13 : memref<!tpu.dma_semaphore, #tpu.memory_space<semaphore_mem>>) src(%dma_wait3A_629 : memref<12288x128xf32, #tpu.memory_space<hbm>>) dst(%arg9 : memref<128x128xf32, #tpu.memory_space<vmem>>)
      %dma_start3A_630 = arith.constant 0 : i32
      %dma_start3A_631 = tpu.memref_slice %arg8[%add3A_623, %dma_start3A_630] : memref<32x128xi32, #tpu.memory_space<vmem>> -> memref<1x128xi32, #tpu.memory_space<vmem>>
      %dma_start3A_632 = tpu.memref_squeeze %dma_start3A_631 : memref<1x128xi32, #tpu.memory_space<vmem>> -> memref<128xi32, #tpu.memory_space<vmem>>
      %dma_start3A_633 = arith.constant 0 : i32
      %dma_start3A_634 = arith.constant 0 : i32
      %dma_start3A_635 = tpu.memref_slice %arg12[%dma_start3A_633, %dma_start3A_634] : memref<8192x128xf32, #tpu.memory_space<vmem_shared>> -> memref<8192x128xf32, #tpu.memory_space<vmem_shared>>
      tpu.enqueue_indirect_dma source(%arg9 : memref<128x128xf32, #tpu.memory_space<vmem>>) target(%dma_start3A_635 : memref<8192x128xf32, #tpu.memory_space<vmem_shared>>) offsets(%dma_start3A_632 : memref<128xi32, #tpu.memory_space<vmem>>) semaphore(%arg16 : memref<!tpu.dma_semaphore, #tpu.memory_space<semaphore_mem>>) {add = true}
      %sub3A = arith.constant 1 : i32
      %sub3A_636 = arith.subi %add3A_623, %sub3A : i32
      %dma_wait3A_637 = arith.constant 0 : i32
      %dma_wait3A_638 = tpu.memref_slice %arg8[%sub3A_636, %dma_wait3A_637] : memref<32x128xi32, #tpu.memory_space<vmem>> -> memref<1x128xi32, #tpu.memory_space<vmem>>
      %dma_wait3A_639 = tpu.memref_squeeze %dma_wait3A_638 : memref<1x128xi32, #tpu.memory_space<vmem>> -> memref<128xi32, #tpu.memory_space<vmem>>
      %dma_wait3A_640 = arith.constant 0 : i32
      %dma_wait3A_641 = arith.constant 0 : i32
      %dma_wait3A_642 = tpu.memref_slice %arg12[%dma_wait3A_640, %dma_wait3A_641] : memref<8192x128xf32, #tpu.memory_space<vmem_shared>> -> memref<8192x128xf32, #tpu.memory_space<vmem_shared>>
      tpu.wait_indirect_dma semaphore(%arg18 : memref<!tpu.dma_semaphore, #tpu.memory_space<semaphore_mem>>) src(%arg11 : memref<128x128xf32, #tpu.memory_space<vmem>>) dst(%dma_wait3A_642 : memref<8192x128xf32, #tpu.memory_space<vmem_shared>>)
      %add3A_643 = arith.constant 2 : i32
      %add3A_644 = arith.addi %add3A_623, %add3A_643 : i32
      %dma_start3A_645 = arith.constant 0 : i32
      %dma_start3A_646 = tpu.memref_slice %arg7[%add3A_644, %dma_start3A_645] : memref<32x128xi32, #tpu.memory_space<vmem>> -> memref<1x128xi32, #tpu.memory_space<vmem>>
      %dma_start3A_647 = tpu.memref_squeeze %dma_start3A_646 : memref<1x128xi32, #tpu.memory_space<vmem>> -> memref<128xi32, #tpu.memory_space<vmem>>
      %dma_start3A_648 = arith.constant 0 : i32
      %dma_start3A_649 = arith.constant 0 : i32
      %dma_start3A_650 = tpu.memref_slice %arg2[%dma_start3A_648, %dma_start3A_649] : memref<12288x128xf32, #tpu.memory_space<hbm>> -> memref<12288x128xf32, #tpu.memory_space<hbm>>
      tpu.enqueue_indirect_dma source(%dma_start3A_650 : memref<12288x128xf32, #tpu.memory_space<hbm>>) target(%arg11 : memref<128x128xf32, #tpu.memory_space<vmem>>) offsets(%dma_start3A_647 : memref<128xi32, #tpu.memory_space<vmem>>) semaphore(%arg15 : memref<!tpu.dma_semaphore, #tpu.memory_space<semaphore_mem>>)
      %add3A_651 = arith.constant 1 : i32
      %add3A_652 = arith.addi %add3A_621, %add3A_651 : i32
      %dma_wait3A_653 = arith.constant 0 : i32
      %dma_wait3A_654 = tpu.memref_slice %arg7[%add3A_652, %dma_wait3A_653] : memref<32x128xi32, #tpu.memory_space<vmem>> -> memref<1x128xi32, #tpu.memory_space<vmem>>
      %dma_wait3A_655 = tpu.memref_squeeze %dma_wait3A_654 : memref<1x128xi32, #tpu.memory_space<vmem>> -> memref<128xi32, #tpu.memory_space<vmem>>
      %dma_wait3A_656 = arith.constant 0 : i32
      %dma_wait3A_657 = arith.constant 0 : i32
      %dma_wait3A_658 = tpu.memref_slice %arg2[%dma_wait3A_656, %dma_wait3A_657] : memref<12288x128xf32, #tpu.memory_space<hbm>> -> memref<12288x128xf32, #tpu.memory_space<hbm>>
      tpu.wait_indirect_dma semaphore(%arg14 : memref<!tpu.dma_semaphore, #tpu.memory_space<semaphore_mem>>) src(%dma_wait3A_658 : memref<12288x128xf32, #tpu.memory_space<hbm>>) dst(%arg10 : memref<128x128xf32, #tpu.memory_space<vmem>>)
      %dma_start3A_659 = arith.constant 0 : i32
      %dma_start3A_660 = tpu.memref_slice %arg8[%add3A_652, %dma_start3A_659] : memref<32x128xi32, #tpu.memory_space<vmem>> -> memref<1x128xi32, #tpu.memory_space<vmem>>
      %dma_start3A_661 = tpu.memref_squeeze %dma_start3A_660 : memref<1x128xi32, #tpu.memory_space<vmem>> -> memref<128xi32, #tpu.memory_space<vmem>>
      %dma_start3A_662 = arith.constant 0 : i32
      %dma_start3A_663 = arith.constant 0 : i32
      %dma_start3A_664 = tpu.memref_slice %arg12[%dma_start3A_662, %dma_start3A_663] : memref<8192x128xf32, #tpu.memory_space<vmem_shared>> -> memref<8192x128xf32, #tpu.memory_space<vmem_shared>>
      tpu.enqueue_indirect_dma source(%arg10 : memref<128x128xf32, #tpu.memory_space<vmem>>) target(%dma_start3A_664 : memref<8192x128xf32, #tpu.memory_space<vmem_shared>>) offsets(%dma_start3A_661 : memref<128xi32, #tpu.memory_space<vmem>>) semaphore(%arg17 : memref<!tpu.dma_semaphore, #tpu.memory_space<semaphore_mem>>) {add = true}
      %sub3A_665 = arith.constant 1 : i32
      %sub3A_666 = arith.subi %add3A_652, %sub3A_665 : i32
      %dma_wait3A_667 = arith.constant 0 : i32
      %dma_wait3A_668 = tpu.memref_slice %arg8[%sub3A_666, %dma_wait3A_667] : memref<32x128xi32, #tpu.memory_space<vmem>> -> memref<1x128xi32, #tpu.memory_space<vmem>>
      %dma_wait3A_669 = tpu.memref_squeeze %dma_wait3A_668 : memref<1x128xi32, #tpu.memory_space<vmem>> -> memref<128xi32, #tpu.memory_space<vmem>>
      %dma_wait3A_670 = arith.constant 0 : i32
      %dma_wait3A_671 = arith.constant 0 : i32
      %dma_wait3A_672 = tpu.memref_slice %arg12[%dma_wait3A_670, %dma_wait3A_671] : memref<8192x128xf32, #tpu.memory_space<vmem_shared>> -> memref<8192x128xf32, #tpu.memory_space<vmem_shared>>
      tpu.wait_indirect_dma semaphore(%arg16 : memref<!tpu.dma_semaphore, #tpu.memory_space<semaphore_mem>>) src(%arg9 : memref<128x128xf32, #tpu.memory_space<vmem>>) dst(%dma_wait3A_672 : memref<8192x128xf32, #tpu.memory_space<vmem_shared>>)
      %add3A_673 = arith.constant 2 : i32
      %add3A_674 = arith.addi %add3A_652, %add3A_673 : i32
      %dma_start3A_675 = arith.constant 0 : i32
      %dma_start3A_676 = tpu.memref_slice %arg7[%add3A_674, %dma_start3A_675] : memref<32x128xi32, #tpu.memory_space<vmem>> -> memref<1x128xi32, #tpu.memory_space<vmem>>
      %dma_start3A_677 = tpu.memref_squeeze %dma_start3A_676 : memref<1x128xi32, #tpu.memory_space<vmem>> -> memref<128xi32, #tpu.memory_space<vmem>>
      %dma_start3A_678 = arith.constant 0 : i32
      %dma_start3A_679 = arith.constant 0 : i32
      %dma_start3A_680 = tpu.memref_slice %arg2[%dma_start3A_678, %dma_start3A_679] : memref<12288x128xf32, #tpu.memory_space<hbm>> -> memref<12288x128xf32, #tpu.memory_space<hbm>>
      tpu.enqueue_indirect_dma source(%dma_start3A_680 : memref<12288x128xf32, #tpu.memory_space<hbm>>) target(%arg9 : memref<128x128xf32, #tpu.memory_space<vmem>>) offsets(%dma_start3A_677 : memref<128xi32, #tpu.memory_space<vmem>>) semaphore(%arg13 : memref<!tpu.dma_semaphore, #tpu.memory_space<semaphore_mem>>)
      %add3A_681 = arith.constant 2 : i32
      %add3A_682 = arith.addi %add3A_621, %add3A_681 : i32
      %dma_wait3A_683 = arith.constant 0 : i32
      %dma_wait3A_684 = tpu.memref_slice %arg7[%add3A_682, %dma_wait3A_683] : memref<32x128xi32, #tpu.memory_space<vmem>> -> memref<1x128xi32, #tpu.memory_space<vmem>>
      %dma_wait3A_685 = tpu.memref_squeeze %dma_wait3A_684 : memref<1x128xi32, #tpu.memory_space<vmem>> -> memref<128xi32, #tpu.memory_space<vmem>>
      %dma_wait3A_686 = arith.constant 0 : i32
      %dma_wait3A_687 = arith.constant 0 : i32
      %dma_wait3A_688 = tpu.memref_slice %arg2[%dma_wait3A_686, %dma_wait3A_687] : memref<12288x128xf32, #tpu.memory_space<hbm>> -> memref<12288x128xf32, #tpu.memory_space<hbm>>
      tpu.wait_indirect_dma semaphore(%arg15 : memref<!tpu.dma_semaphore, #tpu.memory_space<semaphore_mem>>) src(%dma_wait3A_688 : memref<12288x128xf32, #tpu.memory_space<hbm>>) dst(%arg11 : memref<128x128xf32, #tpu.memory_space<vmem>>)
      %dma_start3A_689 = arith.constant 0 : i32
      %dma_start3A_690 = tpu.memref_slice %arg8[%add3A_682, %dma_start3A_689] : memref<32x128xi32, #tpu.memory_space<vmem>> -> memref<1x128xi32, #tpu.memory_space<vmem>>
      %dma_start3A_691 = tpu.memref_squeeze %dma_start3A_690 : memref<1x128xi32, #tpu.memory_space<vmem>> -> memref<128xi32, #tpu.memory_space<vmem>>
      %dma_start3A_692 = arith.constant 0 : i32
      %dma_start3A_693 = arith.constant 0 : i32
      %dma_start3A_694 = tpu.memref_slice %arg12[%dma_start3A_692, %dma_start3A_693] : memref<8192x128xf32, #tpu.memory_space<vmem_shared>> -> memref<8192x128xf32, #tpu.memory_space<vmem_shared>>
      tpu.enqueue_indirect_dma source(%arg11 : memref<128x128xf32, #tpu.memory_space<vmem>>) target(%dma_start3A_694 : memref<8192x128xf32, #tpu.memory_space<vmem_shared>>) offsets(%dma_start3A_691 : memref<128xi32, #tpu.memory_space<vmem>>) semaphore(%arg18 : memref<!tpu.dma_semaphore, #tpu.memory_space<semaphore_mem>>) {add = true}
      %sub3A_695 = arith.constant 1 : i32
      %sub3A_696 = arith.subi %add3A_682, %sub3A_695 : i32
      %dma_wait3A_697 = arith.constant 0 : i32
      %dma_wait3A_698 = tpu.memref_slice %arg8[%sub3A_696, %dma_wait3A_697] : memref<32x128xi32, #tpu.memory_space<vmem>> -> memref<1x128xi32, #tpu.memory_space<vmem>>
      %dma_wait3A_699 = tpu.memref_squeeze %dma_wait3A_698 : memref<1x128xi32, #tpu.memory_space<vmem>> -> memref<128xi32, #tpu.memory_space<vmem>>
      %dma_wait3A_700 = arith.constant 0 : i32
      %dma_wait3A_701 = arith.constant 0 : i32
      %dma_wait3A_702 = tpu.memref_slice %arg12[%dma_wait3A_700, %dma_wait3A_701] : memref<8192x128xf32, #tpu.memory_space<vmem_shared>> -> memref<8192x128xf32, #tpu.memory_space<vmem_shared>>
      tpu.wait_indirect_dma semaphore(%arg17 : memref<!tpu.dma_semaphore, #tpu.memory_space<semaphore_mem>>) src(%arg10 : memref<128x128xf32, #tpu.memory_space<vmem>>) dst(%dma_wait3A_702 : memref<8192x128xf32, #tpu.memory_space<vmem_shared>>)
      %add3A_703 = arith.constant 2 : i32
      %add3A_704 = arith.addi %add3A_682, %add3A_703 : i32
      %dma_start3A_705 = arith.constant 0 : i32
      %dma_start3A_706 = tpu.memref_slice %arg7[%add3A_704, %dma_start3A_705] : memref<32x128xi32, #tpu.memory_space<vmem>> -> memref<1x128xi32, #tpu.memory_space<vmem>>
      %dma_start3A_707 = tpu.memref_squeeze %dma_start3A_706 : memref<1x128xi32, #tpu.memory_space<vmem>> -> memref<128xi32, #tpu.memory_space<vmem>>
      %dma_start3A_708 = arith.constant 0 : i32
      %dma_start3A_709 = arith.constant 0 : i32
      %dma_start3A_710 = tpu.memref_slice %arg2[%dma_start3A_708, %dma_start3A_709] : memref<12288x128xf32, #tpu.memory_space<hbm>> -> memref<12288x128xf32, #tpu.memory_space<hbm>>
      tpu.enqueue_indirect_dma source(%dma_start3A_710 : memref<12288x128xf32, #tpu.memory_space<hbm>>) target(%arg10 : memref<128x128xf32, #tpu.memory_space<vmem>>) offsets(%dma_start3A_707 : memref<128xi32, #tpu.memory_space<vmem>>) semaphore(%arg14 : memref<!tpu.dma_semaphore, #tpu.memory_space<semaphore_mem>>)
    }
    %scan3A_100 = arith.constant 9 : i32
    %dma_wait3A_101 = arith.constant 30 : i32
    %dma_wait3A_102 = arith.constant 0 : i32
    %dma_wait3A_103 = tpu.memref_slice %arg7[%dma_wait3A_101, %dma_wait3A_102] : memref<32x128xi32, #tpu.memory_space<vmem>> -> memref<1x128xi32, #tpu.memory_space<vmem>>
    %dma_wait3A_104 = tpu.memref_squeeze %dma_wait3A_103 : memref<1x128xi32, #tpu.memory_space<vmem>> -> memref<128xi32, #tpu.memory_space<vmem>>
    %dma_wait3A_105 = arith.constant 0 : i32
    %dma_wait3A_106 = arith.constant 0 : i32
    %dma_wait3A_107 = tpu.memref_slice %arg2[%dma_wait3A_105, %dma_wait3A_106] : memref<12288x128xf32, #tpu.memory_space<hbm>> -> memref<12288x128xf32, #tpu.memory_space<hbm>>
    tpu.wait_indirect_dma semaphore(%arg13 : memref<!tpu.dma_semaphore, #tpu.memory_space<semaphore_mem>>) src(%dma_wait3A_107 : memref<12288x128xf32, #tpu.memory_space<hbm>>) dst(%arg9 : memref<128x128xf32, #tpu.memory_space<vmem>>)
    %dma_start3A_108 = arith.constant 30 : i32
    %dma_start3A_109 = arith.constant 0 : i32
    %dma_start3A_110 = tpu.memref_slice %arg8[%dma_start3A_108, %dma_start3A_109] : memref<32x128xi32, #tpu.memory_space<vmem>> -> memref<1x128xi32, #tpu.memory_space<vmem>>
    %dma_start3A_111 = tpu.memref_squeeze %dma_start3A_110 : memref<1x128xi32, #tpu.memory_space<vmem>> -> memref<128xi32, #tpu.memory_space<vmem>>
    %dma_start3A_112 = arith.constant 0 : i32
    %dma_start3A_113 = arith.constant 0 : i32
    %dma_start3A_114 = tpu.memref_slice %arg12[%dma_start3A_112, %dma_start3A_113] : memref<8192x128xf32, #tpu.memory_space<vmem_shared>> -> memref<8192x128xf32, #tpu.memory_space<vmem_shared>>
    tpu.enqueue_indirect_dma source(%arg9 : memref<128x128xf32, #tpu.memory_space<vmem>>) target(%dma_start3A_114 : memref<8192x128xf32, #tpu.memory_space<vmem_shared>>) offsets(%dma_start3A_111 : memref<128xi32, #tpu.memory_space<vmem>>) semaphore(%arg16 : memref<!tpu.dma_semaphore, #tpu.memory_space<semaphore_mem>>) {add = true}
    %dma_wait3A_115 = arith.constant 29 : i32
    %dma_wait3A_116 = arith.constant 0 : i32
    %dma_wait3A_117 = tpu.memref_slice %arg8[%dma_wait3A_115, %dma_wait3A_116] : memref<32x128xi32, #tpu.memory_space<vmem>> -> memref<1x128xi32, #tpu.memory_space<vmem>>
    %dma_wait3A_118 = tpu.memref_squeeze %dma_wait3A_117 : memref<1x128xi32, #tpu.memory_space<vmem>> -> memref<128xi32, #tpu.memory_space<vmem>>
    %dma_wait3A_119 = arith.constant 0 : i32
    %dma_wait3A_120 = arith.constant 0 : i32
    %dma_wait3A_121 = tpu.memref_slice %arg12[%dma_wait3A_119, %dma_wait3A_120] : memref<8192x128xf32, #tpu.memory_space<vmem_shared>> -> memref<8192x128xf32, #tpu.memory_space<vmem_shared>>
    tpu.wait_indirect_dma semaphore(%arg18 : memref<!tpu.dma_semaphore, #tpu.memory_space<semaphore_mem>>) src(%arg11 : memref<128x128xf32, #tpu.memory_space<vmem>>) dst(%dma_wait3A_121 : memref<8192x128xf32, #tpu.memory_space<vmem_shared>>)
    %dma_wait3A_122 = arith.constant 31 : i32
    %dma_wait3A_123 = arith.constant 0 : i32
    %dma_wait3A_124 = tpu.memref_slice %arg7[%dma_wait3A_122, %dma_wait3A_123] : memref<32x128xi32, #tpu.memory_space<vmem>> -> memref<1x128xi32, #tpu.memory_space<vmem>>
    %dma_wait3A_125 = tpu.memref_squeeze %dma_wait3A_124 : memref<1x128xi32, #tpu.memory_space<vmem>> -> memref<128xi32, #tpu.memory_space<vmem>>
    %dma_wait3A_126 = arith.constant 0 : i32
    %dma_wait3A_127 = arith.constant 0 : i32
    %dma_wait3A_128 = tpu.memref_slice %arg2[%dma_wait3A_126, %dma_wait3A_127] : memref<12288x128xf32, #tpu.memory_space<hbm>> -> memref<12288x128xf32, #tpu.memory_space<hbm>>
    tpu.wait_indirect_dma semaphore(%arg14 : memref<!tpu.dma_semaphore, #tpu.memory_space<semaphore_mem>>) src(%dma_wait3A_128 : memref<12288x128xf32, #tpu.memory_space<hbm>>) dst(%arg10 : memref<128x128xf32, #tpu.memory_space<vmem>>)
    %dma_start3A_129 = arith.constant 31 : i32
    %dma_start3A_130 = arith.constant 0 : i32
    %dma_start3A_131 = tpu.memref_slice %arg8[%dma_start3A_129, %dma_start3A_130] : memref<32x128xi32, #tpu.memory_space<vmem>> -> memref<1x128xi32, #tpu.memory_space<vmem>>
    %dma_start3A_132 = tpu.memref_squeeze %dma_start3A_131 : memref<1x128xi32, #tpu.memory_space<vmem>> -> memref<128xi32, #tpu.memory_space<vmem>>
    %dma_start3A_133 = arith.constant 0 : i32
    %dma_start3A_134 = arith.constant 0 : i32
    %dma_start3A_135 = tpu.memref_slice %arg12[%dma_start3A_133, %dma_start3A_134] : memref<8192x128xf32, #tpu.memory_space<vmem_shared>> -> memref<8192x128xf32, #tpu.memory_space<vmem_shared>>
    tpu.enqueue_indirect_dma source(%arg10 : memref<128x128xf32, #tpu.memory_space<vmem>>) target(%dma_start3A_135 : memref<8192x128xf32, #tpu.memory_space<vmem_shared>>) offsets(%dma_start3A_132 : memref<128xi32, #tpu.memory_space<vmem>>) semaphore(%arg17 : memref<!tpu.dma_semaphore, #tpu.memory_space<semaphore_mem>>) {add = true}
    %dma_wait3A_136 = arith.constant 30 : i32
    %dma_wait3A_137 = arith.constant 0 : i32
    %dma_wait3A_138 = tpu.memref_slice %arg8[%dma_wait3A_136, %dma_wait3A_137] : memref<32x128xi32, #tpu.memory_space<vmem>> -> memref<1x128xi32, #tpu.memory_space<vmem>>
    %dma_wait3A_139 = tpu.memref_squeeze %dma_wait3A_138 : memref<1x128xi32, #tpu.memory_space<vmem>> -> memref<128xi32, #tpu.memory_space<vmem>>
    %dma_wait3A_140 = arith.constant 0 : i32
    %dma_wait3A_141 = arith.constant 0 : i32
    %dma_wait3A_142 = tpu.memref_slice %arg12[%dma_wait3A_140, %dma_wait3A_141] : memref<8192x128xf32, #tpu.memory_space<vmem_shared>> -> memref<8192x128xf32, #tpu.memory_space<vmem_shared>>
    tpu.wait_indirect_dma semaphore(%arg16 : memref<!tpu.dma_semaphore, #tpu.memory_space<semaphore_mem>>) src(%arg9 : memref<128x128xf32, #tpu.memory_space<vmem>>) dst(%dma_wait3A_142 : memref<8192x128xf32, #tpu.memory_space<vmem_shared>>)
    %dma_wait3A_143 = arith.constant 31 : i32
    %dma_wait3A_144 = arith.constant 0 : i32
    %dma_wait3A_145 = tpu.memref_slice %arg8[%dma_wait3A_143, %dma_wait3A_144] : memref<32x128xi32, #tpu.memory_space<vmem>> -> memref<1x128xi32, #tpu.memory_space<vmem>>
    %dma_wait3A_146 = tpu.memref_squeeze %dma_wait3A_145 : memref<1x128xi32, #tpu.memory_space<vmem>> -> memref<128xi32, #tpu.memory_space<vmem>>
    %dma_wait3A_147 = arith.constant 0 : i32
    %dma_wait3A_148 = arith.constant 0 : i32
    %dma_wait3A_149 = tpu.memref_slice %arg12[%dma_wait3A_147, %dma_wait3A_148] : memref<8192x128xf32, #tpu.memory_space<vmem_shared>> -> memref<8192x128xf32, #tpu.memory_space<vmem_shared>>
    tpu.wait_indirect_dma semaphore(%arg17 : memref<!tpu.dma_semaphore, #tpu.memory_space<semaphore_mem>>) src(%arg10 : memref<128x128xf32, #tpu.memory_space<vmem>>) dst(%dma_wait3A_149 : memref<8192x128xf32, #tpu.memory_space<vmem_shared>>)
    %mul3A_150 = arith.constant 2048 : i32
    %mul3A_151 = arith.muli %arg0, %mul3A_150 : i32
    %mul3A_152 = arith.constant 128 : i32
    %mul3A_153 = arith.muli %arg1, %mul3A_152 : i32
    %add3A_154 = arith.addi %mul3A_151, %mul3A_153 : i32
    %add3A_155 = arith.constant 32 : i32
    %add3A_156 = arith.addi %add3A_154, %add3A_155 : i32
    "tpu.region"() ({
      %run_scoped3A = tpu.sem_alloc : memref<!tpu.dma_semaphore, #tpu.memory_space<semaphore_mem>>
      %dma_start3A_617 = arith.constant 0 : i32
      %dma_start3A_618 = tpu.memref_slice %arg3[%add3A_156, %dma_start3A_617] : memref<4096x128xi32, #tpu.memory_space<hbm>> -> memref<32x128xi32, #tpu.memory_space<hbm>>
      %dma_start3A_619 = arith.constant 0 : i32
      %dma_start3A_620 = tpu.memref_slice %arg3[%add3A_156, %dma_start3A_619] : memref<4096x128xi32, #tpu.memory_space<hbm>> -> memref<32x128xi32, #tpu.memory_space<hbm>>
      tpu.enqueue_dma source(%dma_start3A_620 : memref<32x128xi32, #tpu.memory_space<hbm>>) target(%arg7 : memref<32x128xi32, #tpu.memory_space<vmem>>) target_semaphore(%run_scoped3A : memref<!tpu.dma_semaphore, #tpu.memory_space<semaphore_mem>>)
      %dma_wait3A_621 = arith.constant 0 : i32
      %dma_wait3A_622 = tpu.memref_slice %arg3[%add3A_156, %dma_wait3A_621] : memref<4096x128xi32, #tpu.memory_space<hbm>> -> memref<32x128xi32, #tpu.memory_space<hbm>>
      %dma_wait3A_623 = arith.constant 0 : i32
      %dma_wait3A_624 = tpu.memref_slice %arg3[%add3A_156, %dma_wait3A_623] : memref<4096x128xi32, #tpu.memory_space<hbm>> -> memref<32x128xi32, #tpu.memory_space<hbm>>
      tpu.wait_dma2 semaphore(%run_scoped3A : memref<!tpu.dma_semaphore, #tpu.memory_space<semaphore_mem>>) src(%dma_wait3A_624 : memref<32x128xi32, #tpu.memory_space<hbm>>) dst(%arg7 : memref<32x128xi32, #tpu.memory_space<vmem>>)
      tpu.yield
    }) : () -> ()
    "tpu.region"() ({
      %run_scoped3A = tpu.sem_alloc : memref<!tpu.dma_semaphore, #tpu.memory_space<semaphore_mem>>
      %dma_start3A_617 = arith.constant 0 : i32
      %dma_start3A_618 = tpu.memref_slice %arg4[%add3A_156, %dma_start3A_617] : memref<4096x128xi32, #tpu.memory_space<hbm>> -> memref<32x128xi32, #tpu.memory_space<hbm>>
      %dma_start3A_619 = arith.constant 0 : i32
      %dma_start3A_620 = tpu.memref_slice %arg4[%add3A_156, %dma_start3A_619] : memref<4096x128xi32, #tpu.memory_space<hbm>> -> memref<32x128xi32, #tpu.memory_space<hbm>>
      tpu.enqueue_dma source(%dma_start3A_620 : memref<32x128xi32, #tpu.memory_space<hbm>>) target(%arg8 : memref<32x128xi32, #tpu.memory_space<vmem>>) target_semaphore(%run_scoped3A : memref<!tpu.dma_semaphore, #tpu.memory_space<semaphore_mem>>)
      %dma_wait3A_621 = arith.constant 0 : i32
      %dma_wait3A_622 = tpu.memref_slice %arg4[%add3A_156, %dma_wait3A_621] : memref<4096x128xi32, #tpu.memory_space<hbm>> -> memref<32x128xi32, #tpu.memory_space<hbm>>
      %dma_wait3A_623 = arith.constant 0 : i32
      %dma_wait3A_624 = tpu.memref_slice %arg4[%add3A_156, %dma_wait3A_623] : memref<4096x128xi32, #tpu.memory_space<hbm>> -> memref<32x128xi32, #tpu.memory_space<hbm>>
      tpu.wait_dma2 semaphore(%run_scoped3A : memref<!tpu.dma_semaphore, #tpu.memory_space<semaphore_mem>>) src(%dma_wait3A_624 : memref<32x128xi32, #tpu.memory_space<hbm>>) dst(%arg8 : memref<32x128xi32, #tpu.memory_space<vmem>>)
      tpu.yield
    }) : () -> ()
    %dma_start3A_157 = arith.constant 0 : i32
    %dma_start3A_158 = arith.constant 0 : i32
    %dma_start3A_159 = tpu.memref_slice %arg7[%dma_start3A_157, %dma_start3A_158] : memref<32x128xi32, #tpu.memory_space<vmem>> -> memref<1x128xi32, #tpu.memory_space<vmem>>
    %dma_start3A_160 = tpu.memref_squeeze %dma_start3A_159 : memref<1x128xi32, #tpu.memory_space<vmem>> -> memref<128xi32, #tpu.memory_space<vmem>>
    %dma_start3A_161 = arith.constant 0 : i32
    %dma_start3A_162 = arith.constant 0 : i32
    %dma_start3A_163 = tpu.memref_slice %arg2[%dma_start3A_161, %dma_start3A_162] : memref<12288x128xf32, #tpu.memory_space<hbm>> -> memref<12288x128xf32, #tpu.memory_space<hbm>>
    tpu.enqueue_indirect_dma source(%dma_start3A_163 : memref<12288x128xf32, #tpu.memory_space<hbm>>) target(%arg9 : memref<128x128xf32, #tpu.memory_space<vmem>>) offsets(%dma_start3A_160 : memref<128xi32, #tpu.memory_space<vmem>>) semaphore(%arg13 : memref<!tpu.dma_semaphore, #tpu.memory_space<semaphore_mem>>)
    %dma_start3A_164 = arith.constant 1 : i32
    %dma_start3A_165 = arith.constant 0 : i32
    %dma_start3A_166 = tpu.memref_slice %arg7[%dma_start3A_164, %dma_start3A_165] : memref<32x128xi32, #tpu.memory_space<vmem>> -> memref<1x128xi32, #tpu.memory_space<vmem>>
    %dma_start3A_167 = tpu.memref_squeeze %dma_start3A_166 : memref<1x128xi32, #tpu.memory_space<vmem>> -> memref<128xi32, #tpu.memory_space<vmem>>
    %dma_start3A_168 = arith.constant 0 : i32
    %dma_start3A_169 = arith.constant 0 : i32
    %dma_start3A_170 = tpu.memref_slice %arg2[%dma_start3A_168, %dma_start3A_169] : memref<12288x128xf32, #tpu.memory_space<hbm>> -> memref<12288x128xf32, #tpu.memory_space<hbm>>
    tpu.enqueue_indirect_dma source(%dma_start3A_170 : memref<12288x128xf32, #tpu.memory_space<hbm>>) target(%arg10 : memref<128x128xf32, #tpu.memory_space<vmem>>) offsets(%dma_start3A_167 : memref<128xi32, #tpu.memory_space<vmem>>) semaphore(%arg14 : memref<!tpu.dma_semaphore, #tpu.memory_space<semaphore_mem>>)
    %dma_wait3A_171 = arith.constant 0 : i32
    %dma_wait3A_172 = arith.constant 0 : i32
    %dma_wait3A_173 = tpu.memref_slice %arg7[%dma_wait3A_171, %dma_wait3A_172] : memref<32x128xi32, #tpu.memory_space<vmem>> -> memref<1x128xi32, #tpu.memory_space<vmem>>
    %dma_wait3A_174 = tpu.memref_squeeze %dma_wait3A_173 : memref<1x128xi32, #tpu.memory_space<vmem>> -> memref<128xi32, #tpu.memory_space<vmem>>
    %dma_wait3A_175 = arith.constant 0 : i32
    %dma_wait3A_176 = arith.constant 0 : i32
    %dma_wait3A_177 = tpu.memref_slice %arg2[%dma_wait3A_175, %dma_wait3A_176] : memref<12288x128xf32, #tpu.memory_space<hbm>> -> memref<12288x128xf32, #tpu.memory_space<hbm>>
    tpu.wait_indirect_dma semaphore(%arg13 : memref<!tpu.dma_semaphore, #tpu.memory_space<semaphore_mem>>) src(%dma_wait3A_177 : memref<12288x128xf32, #tpu.memory_space<hbm>>) dst(%arg9 : memref<128x128xf32, #tpu.memory_space<vmem>>)
    %dma_start3A_178 = arith.constant 0 : i32
    %dma_start3A_179 = arith.constant 0 : i32
    %dma_start3A_180 = tpu.memref_slice %arg8[%dma_start3A_178, %dma_start3A_179] : memref<32x128xi32, #tpu.memory_space<vmem>> -> memref<1x128xi32, #tpu.memory_space<vmem>>
    %dma_start3A_181 = tpu.memref_squeeze %dma_start3A_180 : memref<1x128xi32, #tpu.memory_space<vmem>> -> memref<128xi32, #tpu.memory_space<vmem>>
    %dma_start3A_182 = arith.constant 0 : i32
    %dma_start3A_183 = arith.constant 0 : i32
    %dma_start3A_184 = tpu.memref_slice %arg12[%dma_start3A_182, %dma_start3A_183] : memref<8192x128xf32, #tpu.memory_space<vmem_shared>> -> memref<8192x128xf32, #tpu.memory_space<vmem_shared>>
    tpu.enqueue_indirect_dma source(%arg9 : memref<128x128xf32, #tpu.memory_space<vmem>>) target(%dma_start3A_184 : memref<8192x128xf32, #tpu.memory_space<vmem_shared>>) offsets(%dma_start3A_181 : memref<128xi32, #tpu.memory_space<vmem>>) semaphore(%arg16 : memref<!tpu.dma_semaphore, #tpu.memory_space<semaphore_mem>>) {add = true}
    %dma_start3A_185 = arith.constant 2 : i32
    %dma_start3A_186 = arith.constant 0 : i32
    %dma_start3A_187 = tpu.memref_slice %arg7[%dma_start3A_185, %dma_start3A_186] : memref<32x128xi32, #tpu.memory_space<vmem>> -> memref<1x128xi32, #tpu.memory_space<vmem>>
    %dma_start3A_188 = tpu.memref_squeeze %dma_start3A_187 : memref<1x128xi32, #tpu.memory_space<vmem>> -> memref<128xi32, #tpu.memory_space<vmem>>
    %dma_start3A_189 = arith.constant 0 : i32
    %dma_start3A_190 = arith.constant 0 : i32
    %dma_start3A_191 = tpu.memref_slice %arg2[%dma_start3A_189, %dma_start3A_190] : memref<12288x128xf32, #tpu.memory_space<hbm>> -> memref<12288x128xf32, #tpu.memory_space<hbm>>
    tpu.enqueue_indirect_dma source(%dma_start3A_191 : memref<12288x128xf32, #tpu.memory_space<hbm>>) target(%arg11 : memref<128x128xf32, #tpu.memory_space<vmem>>) offsets(%dma_start3A_188 : memref<128xi32, #tpu.memory_space<vmem>>) semaphore(%arg15 : memref<!tpu.dma_semaphore, #tpu.memory_space<semaphore_mem>>)
    %dma_wait3A_192 = arith.constant 1 : i32
    %dma_wait3A_193 = arith.constant 0 : i32
    %dma_wait3A_194 = tpu.memref_slice %arg7[%dma_wait3A_192, %dma_wait3A_193] : memref<32x128xi32, #tpu.memory_space<vmem>> -> memref<1x128xi32, #tpu.memory_space<vmem>>
    %dma_wait3A_195 = tpu.memref_squeeze %dma_wait3A_194 : memref<1x128xi32, #tpu.memory_space<vmem>> -> memref<128xi32, #tpu.memory_space<vmem>>
    %dma_wait3A_196 = arith.constant 0 : i32
    %dma_wait3A_197 = arith.constant 0 : i32
    %dma_wait3A_198 = tpu.memref_slice %arg2[%dma_wait3A_196, %dma_wait3A_197] : memref<12288x128xf32, #tpu.memory_space<hbm>> -> memref<12288x128xf32, #tpu.memory_space<hbm>>
    tpu.wait_indirect_dma semaphore(%arg14 : memref<!tpu.dma_semaphore, #tpu.memory_space<semaphore_mem>>) src(%dma_wait3A_198 : memref<12288x128xf32, #tpu.memory_space<hbm>>) dst(%arg10 : memref<128x128xf32, #tpu.memory_space<vmem>>)
    %dma_start3A_199 = arith.constant 1 : i32
    %dma_start3A_200 = arith.constant 0 : i32
    %dma_start3A_201 = tpu.memref_slice %arg8[%dma_start3A_199, %dma_start3A_200] : memref<32x128xi32, #tpu.memory_space<vmem>> -> memref<1x128xi32, #tpu.memory_space<vmem>>
    %dma_start3A_202 = tpu.memref_squeeze %dma_start3A_201 : memref<1x128xi32, #tpu.memory_space<vmem>> -> memref<128xi32, #tpu.memory_space<vmem>>
    %dma_start3A_203 = arith.constant 0 : i32
    %dma_start3A_204 = arith.constant 0 : i32
    %dma_start3A_205 = tpu.memref_slice %arg12[%dma_start3A_203, %dma_start3A_204] : memref<8192x128xf32, #tpu.memory_space<vmem_shared>> -> memref<8192x128xf32, #tpu.memory_space<vmem_shared>>
    tpu.enqueue_indirect_dma source(%arg10 : memref<128x128xf32, #tpu.memory_space<vmem>>) target(%dma_start3A_205 : memref<8192x128xf32, #tpu.memory_space<vmem_shared>>) offsets(%dma_start3A_202 : memref<128xi32, #tpu.memory_space<vmem>>) semaphore(%arg17 : memref<!tpu.dma_semaphore, #tpu.memory_space<semaphore_mem>>) {add = true}
    %dma_wait3A_206 = arith.constant 0 : i32
    %dma_wait3A_207 = arith.constant 0 : i32
    %dma_wait3A_208 = tpu.memref_slice %arg8[%dma_wait3A_206, %dma_wait3A_207] : memref<32x128xi32, #tpu.memory_space<vmem>> -> memref<1x128xi32, #tpu.memory_space<vmem>>
    %dma_wait3A_209 = tpu.memref_squeeze %dma_wait3A_208 : memref<1x128xi32, #tpu.memory_space<vmem>> -> memref<128xi32, #tpu.memory_space<vmem>>
    %dma_wait3A_210 = arith.constant 0 : i32
    %dma_wait3A_211 = arith.constant 0 : i32
    %dma_wait3A_212 = tpu.memref_slice %arg12[%dma_wait3A_210, %dma_wait3A_211] : memref<8192x128xf32, #tpu.memory_space<vmem_shared>> -> memref<8192x128xf32, #tpu.memory_space<vmem_shared>>
    tpu.wait_indirect_dma semaphore(%arg16 : memref<!tpu.dma_semaphore, #tpu.memory_space<semaphore_mem>>) src(%arg9 : memref<128x128xf32, #tpu.memory_space<vmem>>) dst(%dma_wait3A_212 : memref<8192x128xf32, #tpu.memory_space<vmem_shared>>)
    %dma_start3A_213 = arith.constant 3 : i32
    %dma_start3A_214 = arith.constant 0 : i32
    %dma_start3A_215 = tpu.memref_slice %arg7[%dma_start3A_213, %dma_start3A_214] : memref<32x128xi32, #tpu.memory_space<vmem>> -> memref<1x128xi32, #tpu.memory_space<vmem>>
    %dma_start3A_216 = tpu.memref_squeeze %dma_start3A_215 : memref<1x128xi32, #tpu.memory_space<vmem>> -> memref<128xi32, #tpu.memory_space<vmem>>
    %dma_start3A_217 = arith.constant 0 : i32
    %dma_start3A_218 = arith.constant 0 : i32
    %dma_start3A_219 = tpu.memref_slice %arg2[%dma_start3A_217, %dma_start3A_218] : memref<12288x128xf32, #tpu.memory_space<hbm>> -> memref<12288x128xf32, #tpu.memory_space<hbm>>
    tpu.enqueue_indirect_dma source(%dma_start3A_219 : memref<12288x128xf32, #tpu.memory_space<hbm>>) target(%arg9 : memref<128x128xf32, #tpu.memory_space<vmem>>) offsets(%dma_start3A_216 : memref<128xi32, #tpu.memory_space<vmem>>) semaphore(%arg13 : memref<!tpu.dma_semaphore, #tpu.memory_space<semaphore_mem>>)
    %dma_wait3A_220 = arith.constant 2 : i32
    %dma_wait3A_221 = arith.constant 0 : i32
    %dma_wait3A_222 = tpu.memref_slice %arg7[%dma_wait3A_220, %dma_wait3A_221] : memref<32x128xi32, #tpu.memory_space<vmem>> -> memref<1x128xi32, #tpu.memory_space<vmem>>
    %dma_wait3A_223 = tpu.memref_squeeze %dma_wait3A_222 : memref<1x128xi32, #tpu.memory_space<vmem>> -> memref<128xi32, #tpu.memory_space<vmem>>
    %dma_wait3A_224 = arith.constant 0 : i32
    %dma_wait3A_225 = arith.constant 0 : i32
    %dma_wait3A_226 = tpu.memref_slice %arg2[%dma_wait3A_224, %dma_wait3A_225] : memref<12288x128xf32, #tpu.memory_space<hbm>> -> memref<12288x128xf32, #tpu.memory_space<hbm>>
    tpu.wait_indirect_dma semaphore(%arg15 : memref<!tpu.dma_semaphore, #tpu.memory_space<semaphore_mem>>) src(%dma_wait3A_226 : memref<12288x128xf32, #tpu.memory_space<hbm>>) dst(%arg11 : memref<128x128xf32, #tpu.memory_space<vmem>>)
    %dma_start3A_227 = arith.constant 2 : i32
    %dma_start3A_228 = arith.constant 0 : i32
    %dma_start3A_229 = tpu.memref_slice %arg8[%dma_start3A_227, %dma_start3A_228] : memref<32x128xi32, #tpu.memory_space<vmem>> -> memref<1x128xi32, #tpu.memory_space<vmem>>
    %dma_start3A_230 = tpu.memref_squeeze %dma_start3A_229 : memref<1x128xi32, #tpu.memory_space<vmem>> -> memref<128xi32, #tpu.memory_space<vmem>>
    %dma_start3A_231 = arith.constant 0 : i32
    %dma_start3A_232 = arith.constant 0 : i32
    %dma_start3A_233 = tpu.memref_slice %arg12[%dma_start3A_231, %dma_start3A_232] : memref<8192x128xf32, #tpu.memory_space<vmem_shared>> -> memref<8192x128xf32, #tpu.memory_space<vmem_shared>>
    tpu.enqueue_indirect_dma source(%arg11 : memref<128x128xf32, #tpu.memory_space<vmem>>) target(%dma_start3A_233 : memref<8192x128xf32, #tpu.memory_space<vmem_shared>>) offsets(%dma_start3A_230 : memref<128xi32, #tpu.memory_space<vmem>>) semaphore(%arg18 : memref<!tpu.dma_semaphore, #tpu.memory_space<semaphore_mem>>) {add = true}
    %dma_wait3A_234 = arith.constant 1 : i32
    %dma_wait3A_235 = arith.constant 0 : i32
    %dma_wait3A_236 = tpu.memref_slice %arg8[%dma_wait3A_234, %dma_wait3A_235] : memref<32x128xi32, #tpu.memory_space<vmem>> -> memref<1x128xi32, #tpu.memory_space<vmem>>
    %dma_wait3A_237 = tpu.memref_squeeze %dma_wait3A_236 : memref<1x128xi32, #tpu.memory_space<vmem>> -> memref<128xi32, #tpu.memory_space<vmem>>
    %dma_wait3A_238 = arith.constant 0 : i32
    %dma_wait3A_239 = arith.constant 0 : i32
    %dma_wait3A_240 = tpu.memref_slice %arg12[%dma_wait3A_238, %dma_wait3A_239] : memref<8192x128xf32, #tpu.memory_space<vmem_shared>> -> memref<8192x128xf32, #tpu.memory_space<vmem_shared>>
    tpu.wait_indirect_dma semaphore(%arg17 : memref<!tpu.dma_semaphore, #tpu.memory_space<semaphore_mem>>) src(%arg10 : memref<128x128xf32, #tpu.memory_space<vmem>>) dst(%dma_wait3A_240 : memref<8192x128xf32, #tpu.memory_space<vmem_shared>>)
    %dma_start3A_241 = arith.constant 4 : i32
    %dma_start3A_242 = arith.constant 0 : i32
    %dma_start3A_243 = tpu.memref_slice %arg7[%dma_start3A_241, %dma_start3A_242] : memref<32x128xi32, #tpu.memory_space<vmem>> -> memref<1x128xi32, #tpu.memory_space<vmem>>
    %dma_start3A_244 = tpu.memref_squeeze %dma_start3A_243 : memref<1x128xi32, #tpu.memory_space<vmem>> -> memref<128xi32, #tpu.memory_space<vmem>>
    %dma_start3A_245 = arith.constant 0 : i32
    %dma_start3A_246 = arith.constant 0 : i32
    %dma_start3A_247 = tpu.memref_slice %arg2[%dma_start3A_245, %dma_start3A_246] : memref<12288x128xf32, #tpu.memory_space<hbm>> -> memref<12288x128xf32, #tpu.memory_space<hbm>>
    tpu.enqueue_indirect_dma source(%dma_start3A_247 : memref<12288x128xf32, #tpu.memory_space<hbm>>) target(%arg10 : memref<128x128xf32, #tpu.memory_space<vmem>>) offsets(%dma_start3A_244 : memref<128xi32, #tpu.memory_space<vmem>>) semaphore(%arg14 : memref<!tpu.dma_semaphore, #tpu.memory_space<semaphore_mem>>)
    %scan3A_248 = arith.constant 0 : i32
    %scan3A_249 = arith.constant 0 : i32
    %scan3A_250 = arith.constant 9 : i32
    %scan3A_251 = arith.addi %scan3A_249, %scan3A_250 : i32
    %scan3A_252 = arith.constant 1 : i32
    scf.for %scan3A_617 = %scan3A_249 to %scan3A_251 step %scan3A_252  : i32 {
      %mul3A_618 = arith.constant 3 : i32
      %mul3A_619 = arith.muli %mul3A_618, %scan3A_617 : i32
      %add3A_620 = arith.constant 3 : i32
      %add3A_621 = arith.addi %add3A_620, %mul3A_619 : i32
      %add3A_622 = arith.constant 0 : i32
      %add3A_623 = arith.addi %add3A_621, %add3A_622 : i32
      %dma_wait3A_624 = arith.constant 0 : i32
      %dma_wait3A_625 = tpu.memref_slice %arg7[%add3A_623, %dma_wait3A_624] : memref<32x128xi32, #tpu.memory_space<vmem>> -> memref<1x128xi32, #tpu.memory_space<vmem>>
      %dma_wait3A_626 = tpu.memref_squeeze %dma_wait3A_625 : memref<1x128xi32, #tpu.memory_space<vmem>> -> memref<128xi32, #tpu.memory_space<vmem>>
      %dma_wait3A_627 = arith.constant 0 : i32
      %dma_wait3A_628 = arith.constant 0 : i32
      %dma_wait3A_629 = tpu.memref_slice %arg2[%dma_wait3A_627, %dma_wait3A_628] : memref<12288x128xf32, #tpu.memory_space<hbm>> -> memref<12288x128xf32, #tpu.memory_space<hbm>>
      tpu.wait_indirect_dma semaphore(%arg13 : memref<!tpu.dma_semaphore, #tpu.memory_space<semaphore_mem>>) src(%dma_wait3A_629 : memref<12288x128xf32, #tpu.memory_space<hbm>>) dst(%arg9 : memref<128x128xf32, #tpu.memory_space<vmem>>)
      %dma_start3A_630 = arith.constant 0 : i32
      %dma_start3A_631 = tpu.memref_slice %arg8[%add3A_623, %dma_start3A_630] : memref<32x128xi32, #tpu.memory_space<vmem>> -> memref<1x128xi32, #tpu.memory_space<vmem>>
      %dma_start3A_632 = tpu.memref_squeeze %dma_start3A_631 : memref<1x128xi32, #tpu.memory_space<vmem>> -> memref<128xi32, #tpu.memory_space<vmem>>
      %dma_start3A_633 = arith.constant 0 : i32
      %dma_start3A_634 = arith.constant 0 : i32
      %dma_start3A_635 = tpu.memref_slice %arg12[%dma_start3A_633, %dma_start3A_634] : memref<8192x128xf32, #tpu.memory_space<vmem_shared>> -> memref<8192x128xf32, #tpu.memory_space<vmem_shared>>
      tpu.enqueue_indirect_dma source(%arg9 : memref<128x128xf32, #tpu.memory_space<vmem>>) target(%dma_start3A_635 : memref<8192x128xf32, #tpu.memory_space<vmem_shared>>) offsets(%dma_start3A_632 : memref<128xi32, #tpu.memory_space<vmem>>) semaphore(%arg16 : memref<!tpu.dma_semaphore, #tpu.memory_space<semaphore_mem>>) {add = true}
      %sub3A = arith.constant 1 : i32
      %sub3A_636 = arith.subi %add3A_623, %sub3A : i32
      %dma_wait3A_637 = arith.constant 0 : i32
      %dma_wait3A_638 = tpu.memref_slice %arg8[%sub3A_636, %dma_wait3A_637] : memref<32x128xi32, #tpu.memory_space<vmem>> -> memref<1x128xi32, #tpu.memory_space<vmem>>
      %dma_wait3A_639 = tpu.memref_squeeze %dma_wait3A_638 : memref<1x128xi32, #tpu.memory_space<vmem>> -> memref<128xi32, #tpu.memory_space<vmem>>
      %dma_wait3A_640 = arith.constant 0 : i32
      %dma_wait3A_641 = arith.constant 0 : i32
      %dma_wait3A_642 = tpu.memref_slice %arg12[%dma_wait3A_640, %dma_wait3A_641] : memref<8192x128xf32, #tpu.memory_space<vmem_shared>> -> memref<8192x128xf32, #tpu.memory_space<vmem_shared>>
      tpu.wait_indirect_dma semaphore(%arg18 : memref<!tpu.dma_semaphore, #tpu.memory_space<semaphore_mem>>) src(%arg11 : memref<128x128xf32, #tpu.memory_space<vmem>>) dst(%dma_wait3A_642 : memref<8192x128xf32, #tpu.memory_space<vmem_shared>>)
      %add3A_643 = arith.constant 2 : i32
      %add3A_644 = arith.addi %add3A_623, %add3A_643 : i32
      %dma_start3A_645 = arith.constant 0 : i32
      %dma_start3A_646 = tpu.memref_slice %arg7[%add3A_644, %dma_start3A_645] : memref<32x128xi32, #tpu.memory_space<vmem>> -> memref<1x128xi32, #tpu.memory_space<vmem>>
      %dma_start3A_647 = tpu.memref_squeeze %dma_start3A_646 : memref<1x128xi32, #tpu.memory_space<vmem>> -> memref<128xi32, #tpu.memory_space<vmem>>
      %dma_start3A_648 = arith.constant 0 : i32
      %dma_start3A_649 = arith.constant 0 : i32
      %dma_start3A_650 = tpu.memref_slice %arg2[%dma_start3A_648, %dma_start3A_649] : memref<12288x128xf32, #tpu.memory_space<hbm>> -> memref<12288x128xf32, #tpu.memory_space<hbm>>
      tpu.enqueue_indirect_dma source(%dma_start3A_650 : memref<12288x128xf32, #tpu.memory_space<hbm>>) target(%arg11 : memref<128x128xf32, #tpu.memory_space<vmem>>) offsets(%dma_start3A_647 : memref<128xi32, #tpu.memory_space<vmem>>) semaphore(%arg15 : memref<!tpu.dma_semaphore, #tpu.memory_space<semaphore_mem>>)
      %add3A_651 = arith.constant 1 : i32
      %add3A_652 = arith.addi %add3A_621, %add3A_651 : i32
      %dma_wait3A_653 = arith.constant 0 : i32
      %dma_wait3A_654 = tpu.memref_slice %arg7[%add3A_652, %dma_wait3A_653] : memref<32x128xi32, #tpu.memory_space<vmem>> -> memref<1x128xi32, #tpu.memory_space<vmem>>
      %dma_wait3A_655 = tpu.memref_squeeze %dma_wait3A_654 : memref<1x128xi32, #tpu.memory_space<vmem>> -> memref<128xi32, #tpu.memory_space<vmem>>
      %dma_wait3A_656 = arith.constant 0 : i32
      %dma_wait3A_657 = arith.constant 0 : i32
      %dma_wait3A_658 = tpu.memref_slice %arg2[%dma_wait3A_656, %dma_wait3A_657] : memref<12288x128xf32, #tpu.memory_space<hbm>> -> memref<12288x128xf32, #tpu.memory_space<hbm>>
      tpu.wait_indirect_dma semaphore(%arg14 : memref<!tpu.dma_semaphore, #tpu.memory_space<semaphore_mem>>) src(%dma_wait3A_658 : memref<12288x128xf32, #tpu.memory_space<hbm>>) dst(%arg10 : memref<128x128xf32, #tpu.memory_space<vmem>>)
      %dma_start3A_659 = arith.constant 0 : i32
      %dma_start3A_660 = tpu.memref_slice %arg8[%add3A_652, %dma_start3A_659] : memref<32x128xi32, #tpu.memory_space<vmem>> -> memref<1x128xi32, #tpu.memory_space<vmem>>
      %dma_start3A_661 = tpu.memref_squeeze %dma_start3A_660 : memref<1x128xi32, #tpu.memory_space<vmem>> -> memref<128xi32, #tpu.memory_space<vmem>>
      %dma_start3A_662 = arith.constant 0 : i32
      %dma_start3A_663 = arith.constant 0 : i32
      %dma_start3A_664 = tpu.memref_slice %arg12[%dma_start3A_662, %dma_start3A_663] : memref<8192x128xf32, #tpu.memory_space<vmem_shared>> -> memref<8192x128xf32, #tpu.memory_space<vmem_shared>>
      tpu.enqueue_indirect_dma source(%arg10 : memref<128x128xf32, #tpu.memory_space<vmem>>) target(%dma_start3A_664 : memref<8192x128xf32, #tpu.memory_space<vmem_shared>>) offsets(%dma_start3A_661 : memref<128xi32, #tpu.memory_space<vmem>>) semaphore(%arg17 : memref<!tpu.dma_semaphore, #tpu.memory_space<semaphore_mem>>) {add = true}
      %sub3A_665 = arith.constant 1 : i32
      %sub3A_666 = arith.subi %add3A_652, %sub3A_665 : i32
      %dma_wait3A_667 = arith.constant 0 : i32
      %dma_wait3A_668 = tpu.memref_slice %arg8[%sub3A_666, %dma_wait3A_667] : memref<32x128xi32, #tpu.memory_space<vmem>> -> memref<1x128xi32, #tpu.memory_space<vmem>>
      %dma_wait3A_669 = tpu.memref_squeeze %dma_wait3A_668 : memref<1x128xi32, #tpu.memory_space<vmem>> -> memref<128xi32, #tpu.memory_space<vmem>>
      %dma_wait3A_670 = arith.constant 0 : i32
      %dma_wait3A_671 = arith.constant 0 : i32
      %dma_wait3A_672 = tpu.memref_slice %arg12[%dma_wait3A_670, %dma_wait3A_671] : memref<8192x128xf32, #tpu.memory_space<vmem_shared>> -> memref<8192x128xf32, #tpu.memory_space<vmem_shared>>
      tpu.wait_indirect_dma semaphore(%arg16 : memref<!tpu.dma_semaphore, #tpu.memory_space<semaphore_mem>>) src(%arg9 : memref<128x128xf32, #tpu.memory_space<vmem>>) dst(%dma_wait3A_672 : memref<8192x128xf32, #tpu.memory_space<vmem_shared>>)
      %add3A_673 = arith.constant 2 : i32
      %add3A_674 = arith.addi %add3A_652, %add3A_673 : i32
      %dma_start3A_675 = arith.constant 0 : i32
      %dma_start3A_676 = tpu.memref_slice %arg7[%add3A_674, %dma_start3A_675] : memref<32x128xi32, #tpu.memory_space<vmem>> -> memref<1x128xi32, #tpu.memory_space<vmem>>
      %dma_start3A_677 = tpu.memref_squeeze %dma_start3A_676 : memref<1x128xi32, #tpu.memory_space<vmem>> -> memref<128xi32, #tpu.memory_space<vmem>>
      %dma_start3A_678 = arith.constant 0 : i32
      %dma_start3A_679 = arith.constant 0 : i32
      %dma_start3A_680 = tpu.memref_slice %arg2[%dma_start3A_678, %dma_start3A_679] : memref<12288x128xf32, #tpu.memory_space<hbm>> -> memref<12288x128xf32, #tpu.memory_space<hbm>>
      tpu.enqueue_indirect_dma source(%dma_start3A_680 : memref<12288x128xf32, #tpu.memory_space<hbm>>) target(%arg9 : memref<128x128xf32, #tpu.memory_space<vmem>>) offsets(%dma_start3A_677 : memref<128xi32, #tpu.memory_space<vmem>>) semaphore(%arg13 : memref<!tpu.dma_semaphore, #tpu.memory_space<semaphore_mem>>)
      %add3A_681 = arith.constant 2 : i32
      %add3A_682 = arith.addi %add3A_621, %add3A_681 : i32
      %dma_wait3A_683 = arith.constant 0 : i32
      %dma_wait3A_684 = tpu.memref_slice %arg7[%add3A_682, %dma_wait3A_683] : memref<32x128xi32, #tpu.memory_space<vmem>> -> memref<1x128xi32, #tpu.memory_space<vmem>>
      %dma_wait3A_685 = tpu.memref_squeeze %dma_wait3A_684 : memref<1x128xi32, #tpu.memory_space<vmem>> -> memref<128xi32, #tpu.memory_space<vmem>>
      %dma_wait3A_686 = arith.constant 0 : i32
      %dma_wait3A_687 = arith.constant 0 : i32
      %dma_wait3A_688 = tpu.memref_slice %arg2[%dma_wait3A_686, %dma_wait3A_687] : memref<12288x128xf32, #tpu.memory_space<hbm>> -> memref<12288x128xf32, #tpu.memory_space<hbm>>
      tpu.wait_indirect_dma semaphore(%arg15 : memref<!tpu.dma_semaphore, #tpu.memory_space<semaphore_mem>>) src(%dma_wait3A_688 : memref<12288x128xf32, #tpu.memory_space<hbm>>) dst(%arg11 : memref<128x128xf32, #tpu.memory_space<vmem>>)
      %dma_start3A_689 = arith.constant 0 : i32
      %dma_start3A_690 = tpu.memref_slice %arg8[%add3A_682, %dma_start3A_689] : memref<32x128xi32, #tpu.memory_space<vmem>> -> memref<1x128xi32, #tpu.memory_space<vmem>>
      %dma_start3A_691 = tpu.memref_squeeze %dma_start3A_690 : memref<1x128xi32, #tpu.memory_space<vmem>> -> memref<128xi32, #tpu.memory_space<vmem>>
      %dma_start3A_692 = arith.constant 0 : i32
      %dma_start3A_693 = arith.constant 0 : i32
      %dma_start3A_694 = tpu.memref_slice %arg12[%dma_start3A_692, %dma_start3A_693] : memref<8192x128xf32, #tpu.memory_space<vmem_shared>> -> memref<8192x128xf32, #tpu.memory_space<vmem_shared>>
      tpu.enqueue_indirect_dma source(%arg11 : memref<128x128xf32, #tpu.memory_space<vmem>>) target(%dma_start3A_694 : memref<8192x128xf32, #tpu.memory_space<vmem_shared>>) offsets(%dma_start3A_691 : memref<128xi32, #tpu.memory_space<vmem>>) semaphore(%arg18 : memref<!tpu.dma_semaphore, #tpu.memory_space<semaphore_mem>>) {add = true}
      %sub3A_695 = arith.constant 1 : i32
      %sub3A_696 = arith.subi %add3A_682, %sub3A_695 : i32
      %dma_wait3A_697 = arith.constant 0 : i32
      %dma_wait3A_698 = tpu.memref_slice %arg8[%sub3A_696, %dma_wait3A_697] : memref<32x128xi32, #tpu.memory_space<vmem>> -> memref<1x128xi32, #tpu.memory_space<vmem>>
      %dma_wait3A_699 = tpu.memref_squeeze %dma_wait3A_698 : memref<1x128xi32, #tpu.memory_space<vmem>> -> memref<128xi32, #tpu.memory_space<vmem>>
      %dma_wait3A_700 = arith.constant 0 : i32
      %dma_wait3A_701 = arith.constant 0 : i32
      %dma_wait3A_702 = tpu.memref_slice %arg12[%dma_wait3A_700, %dma_wait3A_701] : memref<8192x128xf32, #tpu.memory_space<vmem_shared>> -> memref<8192x128xf32, #tpu.memory_space<vmem_shared>>
      tpu.wait_indirect_dma semaphore(%arg17 : memref<!tpu.dma_semaphore, #tpu.memory_space<semaphore_mem>>) src(%arg10 : memref<128x128xf32, #tpu.memory_space<vmem>>) dst(%dma_wait3A_702 : memref<8192x128xf32, #tpu.memory_space<vmem_shared>>)
      %add3A_703 = arith.constant 2 : i32
      %add3A_704 = arith.addi %add3A_682, %add3A_703 : i32
      %dma_start3A_705 = arith.constant 0 : i32
      %dma_start3A_706 = tpu.memref_slice %arg7[%add3A_704, %dma_start3A_705] : memref<32x128xi32, #tpu.memory_space<vmem>> -> memref<1x128xi32, #tpu.memory_space<vmem>>
      %dma_start3A_707 = tpu.memref_squeeze %dma_start3A_706 : memref<1x128xi32, #tpu.memory_space<vmem>> -> memref<128xi32, #tpu.memory_space<vmem>>
      %dma_start3A_708 = arith.constant 0 : i32
      %dma_start3A_709 = arith.constant 0 : i32
      %dma_start3A_710 = tpu.memref_slice %arg2[%dma_start3A_708, %dma_start3A_709] : memref<12288x128xf32, #tpu.memory_space<hbm>> -> memref<12288x128xf32, #tpu.memory_space<hbm>>
      tpu.enqueue_indirect_dma source(%dma_start3A_710 : memref<12288x128xf32, #tpu.memory_space<hbm>>) target(%arg10 : memref<128x128xf32, #tpu.memory_space<vmem>>) offsets(%dma_start3A_707 : memref<128xi32, #tpu.memory_space<vmem>>) semaphore(%arg14 : memref<!tpu.dma_semaphore, #tpu.memory_space<semaphore_mem>>)
    }
    %scan3A_253 = arith.constant 9 : i32
    %dma_wait3A_254 = arith.constant 30 : i32
    %dma_wait3A_255 = arith.constant 0 : i32
    %dma_wait3A_256 = tpu.memref_slice %arg7[%dma_wait3A_254, %dma_wait3A_255] : memref<32x128xi32, #tpu.memory_space<vmem>> -> memref<1x128xi32, #tpu.memory_space<vmem>>
    %dma_wait3A_257 = tpu.memref_squeeze %dma_wait3A_256 : memref<1x128xi32, #tpu.memory_space<vmem>> -> memref<128xi32, #tpu.memory_space<vmem>>
    %dma_wait3A_258 = arith.constant 0 : i32
    %dma_wait3A_259 = arith.constant 0 : i32
    %dma_wait3A_260 = tpu.memref_slice %arg2[%dma_wait3A_258, %dma_wait3A_259] : memref<12288x128xf32, #tpu.memory_space<hbm>> -> memref<12288x128xf32, #tpu.memory_space<hbm>>
    tpu.wait_indirect_dma semaphore(%arg13 : memref<!tpu.dma_semaphore, #tpu.memory_space<semaphore_mem>>) src(%dma_wait3A_260 : memref<12288x128xf32, #tpu.memory_space<hbm>>) dst(%arg9 : memref<128x128xf32, #tpu.memory_space<vmem>>)
    %dma_start3A_261 = arith.constant 30 : i32
    %dma_start3A_262 = arith.constant 0 : i32
    %dma_start3A_263 = tpu.memref_slice %arg8[%dma_start3A_261, %dma_start3A_262] : memref<32x128xi32, #tpu.memory_space<vmem>> -> memref<1x128xi32, #tpu.memory_space<vmem>>
    %dma_start3A_264 = tpu.memref_squeeze %dma_start3A_263 : memref<1x128xi32, #tpu.memory_space<vmem>> -> memref<128xi32, #tpu.memory_space<vmem>>
    %dma_start3A_265 = arith.constant 0 : i32
    %dma_start3A_266 = arith.constant 0 : i32
    %dma_start3A_267 = tpu.memref_slice %arg12[%dma_start3A_265, %dma_start3A_266] : memref<8192x128xf32, #tpu.memory_space<vmem_shared>> -> memref<8192x128xf32, #tpu.memory_space<vmem_shared>>
    tpu.enqueue_indirect_dma source(%arg9 : memref<128x128xf32, #tpu.memory_space<vmem>>) target(%dma_start3A_267 : memref<8192x128xf32, #tpu.memory_space<vmem_shared>>) offsets(%dma_start3A_264 : memref<128xi32, #tpu.memory_space<vmem>>) semaphore(%arg16 : memref<!tpu.dma_semaphore, #tpu.memory_space<semaphore_mem>>) {add = true}
    %dma_wait3A_268 = arith.constant 29 : i32
    %dma_wait3A_269 = arith.constant 0 : i32
    %dma_wait3A_270 = tpu.memref_slice %arg8[%dma_wait3A_268, %dma_wait3A_269] : memref<32x128xi32, #tpu.memory_space<vmem>> -> memref<1x128xi32, #tpu.memory_space<vmem>>
    %dma_wait3A_271 = tpu.memref_squeeze %dma_wait3A_270 : memref<1x128xi32, #tpu.memory_space<vmem>> -> memref<128xi32, #tpu.memory_space<vmem>>
    %dma_wait3A_272 = arith.constant 0 : i32
    %dma_wait3A_273 = arith.constant 0 : i32
    %dma_wait3A_274 = tpu.memref_slice %arg12[%dma_wait3A_272, %dma_wait3A_273] : memref<8192x128xf32, #tpu.memory_space<vmem_shared>> -> memref<8192x128xf32, #tpu.memory_space<vmem_shared>>
    tpu.wait_indirect_dma semaphore(%arg18 : memref<!tpu.dma_semaphore, #tpu.memory_space<semaphore_mem>>) src(%arg11 : memref<128x128xf32, #tpu.memory_space<vmem>>) dst(%dma_wait3A_274 : memref<8192x128xf32, #tpu.memory_space<vmem_shared>>)
    %dma_wait3A_275 = arith.constant 31 : i32
    %dma_wait3A_276 = arith.constant 0 : i32
    %dma_wait3A_277 = tpu.memref_slice %arg7[%dma_wait3A_275, %dma_wait3A_276] : memref<32x128xi32, #tpu.memory_space<vmem>> -> memref<1x128xi32, #tpu.memory_space<vmem>>
    %dma_wait3A_278 = tpu.memref_squeeze %dma_wait3A_277 : memref<1x128xi32, #tpu.memory_space<vmem>> -> memref<128xi32, #tpu.memory_space<vmem>>
    %dma_wait3A_279 = arith.constant 0 : i32
    %dma_wait3A_280 = arith.constant 0 : i32
    %dma_wait3A_281 = tpu.memref_slice %arg2[%dma_wait3A_279, %dma_wait3A_280] : memref<12288x128xf32, #tpu.memory_space<hbm>> -> memref<12288x128xf32, #tpu.memory_space<hbm>>
    tpu.wait_indirect_dma semaphore(%arg14 : memref<!tpu.dma_semaphore, #tpu.memory_space<semaphore_mem>>) src(%dma_wait3A_281 : memref<12288x128xf32, #tpu.memory_space<hbm>>) dst(%arg10 : memref<128x128xf32, #tpu.memory_space<vmem>>)
    %dma_start3A_282 = arith.constant 31 : i32
    %dma_start3A_283 = arith.constant 0 : i32
    %dma_start3A_284 = tpu.memref_slice %arg8[%dma_start3A_282, %dma_start3A_283] : memref<32x128xi32, #tpu.memory_space<vmem>> -> memref<1x128xi32, #tpu.memory_space<vmem>>
    %dma_start3A_285 = tpu.memref_squeeze %dma_start3A_284 : memref<1x128xi32, #tpu.memory_space<vmem>> -> memref<128xi32, #tpu.memory_space<vmem>>
    %dma_start3A_286 = arith.constant 0 : i32
    %dma_start3A_287 = arith.constant 0 : i32
    %dma_start3A_288 = tpu.memref_slice %arg12[%dma_start3A_286, %dma_start3A_287] : memref<8192x128xf32, #tpu.memory_space<vmem_shared>> -> memref<8192x128xf32, #tpu.memory_space<vmem_shared>>
    tpu.enqueue_indirect_dma source(%arg10 : memref<128x128xf32, #tpu.memory_space<vmem>>) target(%dma_start3A_288 : memref<8192x128xf32, #tpu.memory_space<vmem_shared>>) offsets(%dma_start3A_285 : memref<128xi32, #tpu.memory_space<vmem>>) semaphore(%arg17 : memref<!tpu.dma_semaphore, #tpu.memory_space<semaphore_mem>>) {add = true}
    %dma_wait3A_289 = arith.constant 30 : i32
    %dma_wait3A_290 = arith.constant 0 : i32
    %dma_wait3A_291 = tpu.memref_slice %arg8[%dma_wait3A_289, %dma_wait3A_290] : memref<32x128xi32, #tpu.memory_space<vmem>> -> memref<1x128xi32, #tpu.memory_space<vmem>>
    %dma_wait3A_292 = tpu.memref_squeeze %dma_wait3A_291 : memref<1x128xi32, #tpu.memory_space<vmem>> -> memref<128xi32, #tpu.memory_space<vmem>>
    %dma_wait3A_293 = arith.constant 0 : i32
    %dma_wait3A_294 = arith.constant 0 : i32
    %dma_wait3A_295 = tpu.memref_slice %arg12[%dma_wait3A_293, %dma_wait3A_294] : memref<8192x128xf32, #tpu.memory_space<vmem_shared>> -> memref<8192x128xf32, #tpu.memory_space<vmem_shared>>
    tpu.wait_indirect_dma semaphore(%arg16 : memref<!tpu.dma_semaphore, #tpu.memory_space<semaphore_mem>>) src(%arg9 : memref<128x128xf32, #tpu.memory_space<vmem>>) dst(%dma_wait3A_295 : memref<8192x128xf32, #tpu.memory_space<vmem_shared>>)
    %dma_wait3A_296 = arith.constant 31 : i32
    %dma_wait3A_297 = arith.constant 0 : i32
    %dma_wait3A_298 = tpu.memref_slice %arg8[%dma_wait3A_296, %dma_wait3A_297] : memref<32x128xi32, #tpu.memory_space<vmem>> -> memref<1x128xi32, #tpu.memory_space<vmem>>
    %dma_wait3A_299 = tpu.memref_squeeze %dma_wait3A_298 : memref<1x128xi32, #tpu.memory_space<vmem>> -> memref<128xi32, #tpu.memory_space<vmem>>
    %dma_wait3A_300 = arith.constant 0 : i32
    %dma_wait3A_301 = arith.constant 0 : i32
    %dma_wait3A_302 = tpu.memref_slice %arg12[%dma_wait3A_300, %dma_wait3A_301] : memref<8192x128xf32, #tpu.memory_space<vmem_shared>> -> memref<8192x128xf32, #tpu.memory_space<vmem_shared>>
    tpu.wait_indirect_dma semaphore(%arg17 : memref<!tpu.dma_semaphore, #tpu.memory_space<semaphore_mem>>) src(%arg10 : memref<128x128xf32, #tpu.memory_space<vmem>>) dst(%dma_wait3A_302 : memref<8192x128xf32, #tpu.memory_space<vmem_shared>>)
    %mul3A_303 = arith.constant 2048 : i32
    %mul3A_304 = arith.muli %arg0, %mul3A_303 : i32
    %mul3A_305 = arith.constant 128 : i32
    %mul3A_306 = arith.muli %arg1, %mul3A_305 : i32
    %add3A_307 = arith.addi %mul3A_304, %mul3A_306 : i32
    %add3A_308 = arith.constant 64 : i32
    %add3A_309 = arith.addi %add3A_307, %add3A_308 : i32
    "tpu.region"() ({
      %run_scoped3A = tpu.sem_alloc : memref<!tpu.dma_semaphore, #tpu.memory_space<semaphore_mem>>
      %dma_start3A_617 = arith.constant 0 : i32
      %dma_start3A_618 = tpu.memref_slice %arg3[%add3A_309, %dma_start3A_617] : memref<4096x128xi32, #tpu.memory_space<hbm>> -> memref<32x128xi32, #tpu.memory_space<hbm>>
      %dma_start3A_619 = arith.constant 0 : i32
      %dma_start3A_620 = tpu.memref_slice %arg3[%add3A_309, %dma_start3A_619] : memref<4096x128xi32, #tpu.memory_space<hbm>> -> memref<32x128xi32, #tpu.memory_space<hbm>>
      tpu.enqueue_dma source(%dma_start3A_620 : memref<32x128xi32, #tpu.memory_space<hbm>>) target(%arg7 : memref<32x128xi32, #tpu.memory_space<vmem>>) target_semaphore(%run_scoped3A : memref<!tpu.dma_semaphore, #tpu.memory_space<semaphore_mem>>)
      %dma_wait3A_621 = arith.constant 0 : i32
      %dma_wait3A_622 = tpu.memref_slice %arg3[%add3A_309, %dma_wait3A_621] : memref<4096x128xi32, #tpu.memory_space<hbm>> -> memref<32x128xi32, #tpu.memory_space<hbm>>
      %dma_wait3A_623 = arith.constant 0 : i32
      %dma_wait3A_624 = tpu.memref_slice %arg3[%add3A_309, %dma_wait3A_623] : memref<4096x128xi32, #tpu.memory_space<hbm>> -> memref<32x128xi32, #tpu.memory_space<hbm>>
      tpu.wait_dma2 semaphore(%run_scoped3A : memref<!tpu.dma_semaphore, #tpu.memory_space<semaphore_mem>>) src(%dma_wait3A_624 : memref<32x128xi32, #tpu.memory_space<hbm>>) dst(%arg7 : memref<32x128xi32, #tpu.memory_space<vmem>>)
      tpu.yield
    }) : () -> ()
    "tpu.region"() ({
      %run_scoped3A = tpu.sem_alloc : memref<!tpu.dma_semaphore, #tpu.memory_space<semaphore_mem>>
      %dma_start3A_617 = arith.constant 0 : i32
      %dma_start3A_618 = tpu.memref_slice %arg4[%add3A_309, %dma_start3A_617] : memref<4096x128xi32, #tpu.memory_space<hbm>> -> memref<32x128xi32, #tpu.memory_space<hbm>>
      %dma_start3A_619 = arith.constant 0 : i32
      %dma_start3A_620 = tpu.memref_slice %arg4[%add3A_309, %dma_start3A_619] : memref<4096x128xi32, #tpu.memory_space<hbm>> -> memref<32x128xi32, #tpu.memory_space<hbm>>
      tpu.enqueue_dma source(%dma_start3A_620 : memref<32x128xi32, #tpu.memory_space<hbm>>) target(%arg8 : memref<32x128xi32, #tpu.memory_space<vmem>>) target_semaphore(%run_scoped3A : memref<!tpu.dma_semaphore, #tpu.memory_space<semaphore_mem>>)
      %dma_wait3A_621 = arith.constant 0 : i32
      %dma_wait3A_622 = tpu.memref_slice %arg4[%add3A_309, %dma_wait3A_621] : memref<4096x128xi32, #tpu.memory_space<hbm>> -> memref<32x128xi32, #tpu.memory_space<hbm>>
      %dma_wait3A_623 = arith.constant 0 : i32
      %dma_wait3A_624 = tpu.memref_slice %arg4[%add3A_309, %dma_wait3A_623] : memref<4096x128xi32, #tpu.memory_space<hbm>> -> memref<32x128xi32, #tpu.memory_space<hbm>>
      tpu.wait_dma2 semaphore(%run_scoped3A : memref<!tpu.dma_semaphore, #tpu.memory_space<semaphore_mem>>) src(%dma_wait3A_624 : memref<32x128xi32, #tpu.memory_space<hbm>>) dst(%arg8 : memref<32x128xi32, #tpu.memory_space<vmem>>)
      tpu.yield
    }) : () -> ()
    %dma_start3A_310 = arith.constant 0 : i32
    %dma_start3A_311 = arith.constant 0 : i32
    %dma_start3A_312 = tpu.memref_slice %arg7[%dma_start3A_310, %dma_start3A_311] : memref<32x128xi32, #tpu.memory_space<vmem>> -> memref<1x128xi32, #tpu.memory_space<vmem>>
    %dma_start3A_313 = tpu.memref_squeeze %dma_start3A_312 : memref<1x128xi32, #tpu.memory_space<vmem>> -> memref<128xi32, #tpu.memory_space<vmem>>
    %dma_start3A_314 = arith.constant 0 : i32
    %dma_start3A_315 = arith.constant 0 : i32
    %dma_start3A_316 = tpu.memref_slice %arg2[%dma_start3A_314, %dma_start3A_315] : memref<12288x128xf32, #tpu.memory_space<hbm>> -> memref<12288x128xf32, #tpu.memory_space<hbm>>
    tpu.enqueue_indirect_dma source(%dma_start3A_316 : memref<12288x128xf32, #tpu.memory_space<hbm>>) target(%arg9 : memref<128x128xf32, #tpu.memory_space<vmem>>) offsets(%dma_start3A_313 : memref<128xi32, #tpu.memory_space<vmem>>) semaphore(%arg13 : memref<!tpu.dma_semaphore, #tpu.memory_space<semaphore_mem>>)
    %dma_start3A_317 = arith.constant 1 : i32
    %dma_start3A_318 = arith.constant 0 : i32
    %dma_start3A_319 = tpu.memref_slice %arg7[%dma_start3A_317, %dma_start3A_318] : memref<32x128xi32, #tpu.memory_space<vmem>> -> memref<1x128xi32, #tpu.memory_space<vmem>>
    %dma_start3A_320 = tpu.memref_squeeze %dma_start3A_319 : memref<1x128xi32, #tpu.memory_space<vmem>> -> memref<128xi32, #tpu.memory_space<vmem>>
    %dma_start3A_321 = arith.constant 0 : i32
    %dma_start3A_322 = arith.constant 0 : i32
    %dma_start3A_323 = tpu.memref_slice %arg2[%dma_start3A_321, %dma_start3A_322] : memref<12288x128xf32, #tpu.memory_space<hbm>> -> memref<12288x128xf32, #tpu.memory_space<hbm>>
    tpu.enqueue_indirect_dma source(%dma_start3A_323 : memref<12288x128xf32, #tpu.memory_space<hbm>>) target(%arg10 : memref<128x128xf32, #tpu.memory_space<vmem>>) offsets(%dma_start3A_320 : memref<128xi32, #tpu.memory_space<vmem>>) semaphore(%arg14 : memref<!tpu.dma_semaphore, #tpu.memory_space<semaphore_mem>>)
    %dma_wait3A_324 = arith.constant 0 : i32
    %dma_wait3A_325 = arith.constant 0 : i32
    %dma_wait3A_326 = tpu.memref_slice %arg7[%dma_wait3A_324, %dma_wait3A_325] : memref<32x128xi32, #tpu.memory_space<vmem>> -> memref<1x128xi32, #tpu.memory_space<vmem>>
    %dma_wait3A_327 = tpu.memref_squeeze %dma_wait3A_326 : memref<1x128xi32, #tpu.memory_space<vmem>> -> memref<128xi32, #tpu.memory_space<vmem>>
    %dma_wait3A_328 = arith.constant 0 : i32
    %dma_wait3A_329 = arith.constant 0 : i32
    %dma_wait3A_330 = tpu.memref_slice %arg2[%dma_wait3A_328, %dma_wait3A_329] : memref<12288x128xf32, #tpu.memory_space<hbm>> -> memref<12288x128xf32, #tpu.memory_space<hbm>>
    tpu.wait_indirect_dma semaphore(%arg13 : memref<!tpu.dma_semaphore, #tpu.memory_space<semaphore_mem>>) src(%dma_wait3A_330 : memref<12288x128xf32, #tpu.memory_space<hbm>>) dst(%arg9 : memref<128x128xf32, #tpu.memory_space<vmem>>)
    %dma_start3A_331 = arith.constant 0 : i32
    %dma_start3A_332 = arith.constant 0 : i32
    %dma_start3A_333 = tpu.memref_slice %arg8[%dma_start3A_331, %dma_start3A_332] : memref<32x128xi32, #tpu.memory_space<vmem>> -> memref<1x128xi32, #tpu.memory_space<vmem>>
    %dma_start3A_334 = tpu.memref_squeeze %dma_start3A_333 : memref<1x128xi32, #tpu.memory_space<vmem>> -> memref<128xi32, #tpu.memory_space<vmem>>
    %dma_start3A_335 = arith.constant 0 : i32
    %dma_start3A_336 = arith.constant 0 : i32
    %dma_start3A_337 = tpu.memref_slice %arg12[%dma_start3A_335, %dma_start3A_336] : memref<8192x128xf32, #tpu.memory_space<vmem_shared>> -> memref<8192x128xf32, #tpu.memory_space<vmem_shared>>
    tpu.enqueue_indirect_dma source(%arg9 : memref<128x128xf32, #tpu.memory_space<vmem>>) target(%dma_start3A_337 : memref<8192x128xf32, #tpu.memory_space<vmem_shared>>) offsets(%dma_start3A_334 : memref<128xi32, #tpu.memory_space<vmem>>) semaphore(%arg16 : memref<!tpu.dma_semaphore, #tpu.memory_space<semaphore_mem>>) {add = true}
    %dma_start3A_338 = arith.constant 2 : i32
    %dma_start3A_339 = arith.constant 0 : i32
    %dma_start3A_340 = tpu.memref_slice %arg7[%dma_start3A_338, %dma_start3A_339] : memref<32x128xi32, #tpu.memory_space<vmem>> -> memref<1x128xi32, #tpu.memory_space<vmem>>
    %dma_start3A_341 = tpu.memref_squeeze %dma_start3A_340 : memref<1x128xi32, #tpu.memory_space<vmem>> -> memref<128xi32, #tpu.memory_space<vmem>>
    %dma_start3A_342 = arith.constant 0 : i32
    %dma_start3A_343 = arith.constant 0 : i32
    %dma_start3A_344 = tpu.memref_slice %arg2[%dma_start3A_342, %dma_start3A_343] : memref<12288x128xf32, #tpu.memory_space<hbm>> -> memref<12288x128xf32, #tpu.memory_space<hbm>>
    tpu.enqueue_indirect_dma source(%dma_start3A_344 : memref<12288x128xf32, #tpu.memory_space<hbm>>) target(%arg11 : memref<128x128xf32, #tpu.memory_space<vmem>>) offsets(%dma_start3A_341 : memref<128xi32, #tpu.memory_space<vmem>>) semaphore(%arg15 : memref<!tpu.dma_semaphore, #tpu.memory_space<semaphore_mem>>)
    %dma_wait3A_345 = arith.constant 1 : i32
    %dma_wait3A_346 = arith.constant 0 : i32
    %dma_wait3A_347 = tpu.memref_slice %arg7[%dma_wait3A_345, %dma_wait3A_346] : memref<32x128xi32, #tpu.memory_space<vmem>> -> memref<1x128xi32, #tpu.memory_space<vmem>>
    %dma_wait3A_348 = tpu.memref_squeeze %dma_wait3A_347 : memref<1x128xi32, #tpu.memory_space<vmem>> -> memref<128xi32, #tpu.memory_space<vmem>>
    %dma_wait3A_349 = arith.constant 0 : i32
    %dma_wait3A_350 = arith.constant 0 : i32
    %dma_wait3A_351 = tpu.memref_slice %arg2[%dma_wait3A_349, %dma_wait3A_350] : memref<12288x128xf32, #tpu.memory_space<hbm>> -> memref<12288x128xf32, #tpu.memory_space<hbm>>
    tpu.wait_indirect_dma semaphore(%arg14 : memref<!tpu.dma_semaphore, #tpu.memory_space<semaphore_mem>>) src(%dma_wait3A_351 : memref<12288x128xf32, #tpu.memory_space<hbm>>) dst(%arg10 : memref<128x128xf32, #tpu.memory_space<vmem>>)
    %dma_start3A_352 = arith.constant 1 : i32
    %dma_start3A_353 = arith.constant 0 : i32
    %dma_start3A_354 = tpu.memref_slice %arg8[%dma_start3A_352, %dma_start3A_353] : memref<32x128xi32, #tpu.memory_space<vmem>> -> memref<1x128xi32, #tpu.memory_space<vmem>>
    %dma_start3A_355 = tpu.memref_squeeze %dma_start3A_354 : memref<1x128xi32, #tpu.memory_space<vmem>> -> memref<128xi32, #tpu.memory_space<vmem>>
    %dma_start3A_356 = arith.constant 0 : i32
    %dma_start3A_357 = arith.constant 0 : i32
    %dma_start3A_358 = tpu.memref_slice %arg12[%dma_start3A_356, %dma_start3A_357] : memref<8192x128xf32, #tpu.memory_space<vmem_shared>> -> memref<8192x128xf32, #tpu.memory_space<vmem_shared>>
    tpu.enqueue_indirect_dma source(%arg10 : memref<128x128xf32, #tpu.memory_space<vmem>>) target(%dma_start3A_358 : memref<8192x128xf32, #tpu.memory_space<vmem_shared>>) offsets(%dma_start3A_355 : memref<128xi32, #tpu.memory_space<vmem>>) semaphore(%arg17 : memref<!tpu.dma_semaphore, #tpu.memory_space<semaphore_mem>>) {add = true}
    %dma_wait3A_359 = arith.constant 0 : i32
    %dma_wait3A_360 = arith.constant 0 : i32
    %dma_wait3A_361 = tpu.memref_slice %arg8[%dma_wait3A_359, %dma_wait3A_360] : memref<32x128xi32, #tpu.memory_space<vmem>> -> memref<1x128xi32, #tpu.memory_space<vmem>>
    %dma_wait3A_362 = tpu.memref_squeeze %dma_wait3A_361 : memref<1x128xi32, #tpu.memory_space<vmem>> -> memref<128xi32, #tpu.memory_space<vmem>>
    %dma_wait3A_363 = arith.constant 0 : i32
    %dma_wait3A_364 = arith.constant 0 : i32
    %dma_wait3A_365 = tpu.memref_slice %arg12[%dma_wait3A_363, %dma_wait3A_364] : memref<8192x128xf32, #tpu.memory_space<vmem_shared>> -> memref<8192x128xf32, #tpu.memory_space<vmem_shared>>
    tpu.wait_indirect_dma semaphore(%arg16 : memref<!tpu.dma_semaphore, #tpu.memory_space<semaphore_mem>>) src(%arg9 : memref<128x128xf32, #tpu.memory_space<vmem>>) dst(%dma_wait3A_365 : memref<8192x128xf32, #tpu.memory_space<vmem_shared>>)
    %dma_start3A_366 = arith.constant 3 : i32
    %dma_start3A_367 = arith.constant 0 : i32
    %dma_start3A_368 = tpu.memref_slice %arg7[%dma_start3A_366, %dma_start3A_367] : memref<32x128xi32, #tpu.memory_space<vmem>> -> memref<1x128xi32, #tpu.memory_space<vmem>>
    %dma_start3A_369 = tpu.memref_squeeze %dma_start3A_368 : memref<1x128xi32, #tpu.memory_space<vmem>> -> memref<128xi32, #tpu.memory_space<vmem>>
    %dma_start3A_370 = arith.constant 0 : i32
    %dma_start3A_371 = arith.constant 0 : i32
    %dma_start3A_372 = tpu.memref_slice %arg2[%dma_start3A_370, %dma_start3A_371] : memref<12288x128xf32, #tpu.memory_space<hbm>> -> memref<12288x128xf32, #tpu.memory_space<hbm>>
    tpu.enqueue_indirect_dma source(%dma_start3A_372 : memref<12288x128xf32, #tpu.memory_space<hbm>>) target(%arg9 : memref<128x128xf32, #tpu.memory_space<vmem>>) offsets(%dma_start3A_369 : memref<128xi32, #tpu.memory_space<vmem>>) semaphore(%arg13 : memref<!tpu.dma_semaphore, #tpu.memory_space<semaphore_mem>>)
    %dma_wait3A_373 = arith.constant 2 : i32
    %dma_wait3A_374 = arith.constant 0 : i32
    %dma_wait3A_375 = tpu.memref_slice %arg7[%dma_wait3A_373, %dma_wait3A_374] : memref<32x128xi32, #tpu.memory_space<vmem>> -> memref<1x128xi32, #tpu.memory_space<vmem>>
    %dma_wait3A_376 = tpu.memref_squeeze %dma_wait3A_375 : memref<1x128xi32, #tpu.memory_space<vmem>> -> memref<128xi32, #tpu.memory_space<vmem>>
    %dma_wait3A_377 = arith.constant 0 : i32
    %dma_wait3A_378 = arith.constant 0 : i32
    %dma_wait3A_379 = tpu.memref_slice %arg2[%dma_wait3A_377, %dma_wait3A_378] : memref<12288x128xf32, #tpu.memory_space<hbm>> -> memref<12288x128xf32, #tpu.memory_space<hbm>>
    tpu.wait_indirect_dma semaphore(%arg15 : memref<!tpu.dma_semaphore, #tpu.memory_space<semaphore_mem>>) src(%dma_wait3A_379 : memref<12288x128xf32, #tpu.memory_space<hbm>>) dst(%arg11 : memref<128x128xf32, #tpu.memory_space<vmem>>)
    %dma_start3A_380 = arith.constant 2 : i32
    %dma_start3A_381 = arith.constant 0 : i32
    %dma_start3A_382 = tpu.memref_slice %arg8[%dma_start3A_380, %dma_start3A_381] : memref<32x128xi32, #tpu.memory_space<vmem>> -> memref<1x128xi32, #tpu.memory_space<vmem>>
    %dma_start3A_383 = tpu.memref_squeeze %dma_start3A_382 : memref<1x128xi32, #tpu.memory_space<vmem>> -> memref<128xi32, #tpu.memory_space<vmem>>
    %dma_start3A_384 = arith.constant 0 : i32
    %dma_start3A_385 = arith.constant 0 : i32
    %dma_start3A_386 = tpu.memref_slice %arg12[%dma_start3A_384, %dma_start3A_385] : memref<8192x128xf32, #tpu.memory_space<vmem_shared>> -> memref<8192x128xf32, #tpu.memory_space<vmem_shared>>
    tpu.enqueue_indirect_dma source(%arg11 : memref<128x128xf32, #tpu.memory_space<vmem>>) target(%dma_start3A_386 : memref<8192x128xf32, #tpu.memory_space<vmem_shared>>) offsets(%dma_start3A_383 : memref<128xi32, #tpu.memory_space<vmem>>) semaphore(%arg18 : memref<!tpu.dma_semaphore, #tpu.memory_space<semaphore_mem>>) {add = true}
    %dma_wait3A_387 = arith.constant 1 : i32
    %dma_wait3A_388 = arith.constant 0 : i32
    %dma_wait3A_389 = tpu.memref_slice %arg8[%dma_wait3A_387, %dma_wait3A_388] : memref<32x128xi32, #tpu.memory_space<vmem>> -> memref<1x128xi32, #tpu.memory_space<vmem>>
    %dma_wait3A_390 = tpu.memref_squeeze %dma_wait3A_389 : memref<1x128xi32, #tpu.memory_space<vmem>> -> memref<128xi32, #tpu.memory_space<vmem>>
    %dma_wait3A_391 = arith.constant 0 : i32
    %dma_wait3A_392 = arith.constant 0 : i32
    %dma_wait3A_393 = tpu.memref_slice %arg12[%dma_wait3A_391, %dma_wait3A_392] : memref<8192x128xf32, #tpu.memory_space<vmem_shared>> -> memref<8192x128xf32, #tpu.memory_space<vmem_shared>>
    tpu.wait_indirect_dma semaphore(%arg17 : memref<!tpu.dma_semaphore, #tpu.memory_space<semaphore_mem>>) src(%arg10 : memref<128x128xf32, #tpu.memory_space<vmem>>) dst(%dma_wait3A_393 : memref<8192x128xf32, #tpu.memory_space<vmem_shared>>)
    %dma_start3A_394 = arith.constant 4 : i32
    %dma_start3A_395 = arith.constant 0 : i32
    %dma_start3A_396 = tpu.memref_slice %arg7[%dma_start3A_394, %dma_start3A_395] : memref<32x128xi32, #tpu.memory_space<vmem>> -> memref<1x128xi32, #tpu.memory_space<vmem>>
    %dma_start3A_397 = tpu.memref_squeeze %dma_start3A_396 : memref<1x128xi32, #tpu.memory_space<vmem>> -> memref<128xi32, #tpu.memory_space<vmem>>
    %dma_start3A_398 = arith.constant 0 : i32
    %dma_start3A_399 = arith.constant 0 : i32
    %dma_start3A_400 = tpu.memref_slice %arg2[%dma_start3A_398, %dma_start3A_399] : memref<12288x128xf32, #tpu.memory_space<hbm>> -> memref<12288x128xf32, #tpu.memory_space<hbm>>
    tpu.enqueue_indirect_dma source(%dma_start3A_400 : memref<12288x128xf32, #tpu.memory_space<hbm>>) target(%arg10 : memref<128x128xf32, #tpu.memory_space<vmem>>) offsets(%dma_start3A_397 : memref<128xi32, #tpu.memory_space<vmem>>) semaphore(%arg14 : memref<!tpu.dma_semaphore, #tpu.memory_space<semaphore_mem>>)
    %scan3A_401 = arith.constant 0 : i32
    %scan3A_402 = arith.constant 0 : i32
    %scan3A_403 = arith.constant 9 : i32
    %scan3A_404 = arith.addi %scan3A_402, %scan3A_403 : i32
    %scan3A_405 = arith.constant 1 : i32
    scf.for %scan3A_617 = %scan3A_402 to %scan3A_404 step %scan3A_405  : i32 {
      %mul3A_618 = arith.constant 3 : i32
      %mul3A_619 = arith.muli %mul3A_618, %scan3A_617 : i32
      %add3A_620 = arith.constant 3 : i32
      %add3A_621 = arith.addi %add3A_620, %mul3A_619 : i32
      %add3A_622 = arith.constant 0 : i32
      %add3A_623 = arith.addi %add3A_621, %add3A_622 : i32
      %dma_wait3A_624 = arith.constant 0 : i32
      %dma_wait3A_625 = tpu.memref_slice %arg7[%add3A_623, %dma_wait3A_624] : memref<32x128xi32, #tpu.memory_space<vmem>> -> memref<1x128xi32, #tpu.memory_space<vmem>>
      %dma_wait3A_626 = tpu.memref_squeeze %dma_wait3A_625 : memref<1x128xi32, #tpu.memory_space<vmem>> -> memref<128xi32, #tpu.memory_space<vmem>>
      %dma_wait3A_627 = arith.constant 0 : i32
      %dma_wait3A_628 = arith.constant 0 : i32
      %dma_wait3A_629 = tpu.memref_slice %arg2[%dma_wait3A_627, %dma_wait3A_628] : memref<12288x128xf32, #tpu.memory_space<hbm>> -> memref<12288x128xf32, #tpu.memory_space<hbm>>
      tpu.wait_indirect_dma semaphore(%arg13 : memref<!tpu.dma_semaphore, #tpu.memory_space<semaphore_mem>>) src(%dma_wait3A_629 : memref<12288x128xf32, #tpu.memory_space<hbm>>) dst(%arg9 : memref<128x128xf32, #tpu.memory_space<vmem>>)
      %dma_start3A_630 = arith.constant 0 : i32
      %dma_start3A_631 = tpu.memref_slice %arg8[%add3A_623, %dma_start3A_630] : memref<32x128xi32, #tpu.memory_space<vmem>> -> memref<1x128xi32, #tpu.memory_space<vmem>>
      %dma_start3A_632 = tpu.memref_squeeze %dma_start3A_631 : memref<1x128xi32, #tpu.memory_space<vmem>> -> memref<128xi32, #tpu.memory_space<vmem>>
      %dma_start3A_633 = arith.constant 0 : i32
      %dma_start3A_634 = arith.constant 0 : i32
      %dma_start3A_635 = tpu.memref_slice %arg12[%dma_start3A_633, %dma_start3A_634] : memref<8192x128xf32, #tpu.memory_space<vmem_shared>> -> memref<8192x128xf32, #tpu.memory_space<vmem_shared>>
      tpu.enqueue_indirect_dma source(%arg9 : memref<128x128xf32, #tpu.memory_space<vmem>>) target(%dma_start3A_635 : memref<8192x128xf32, #tpu.memory_space<vmem_shared>>) offsets(%dma_start3A_632 : memref<128xi32, #tpu.memory_space<vmem>>) semaphore(%arg16 : memref<!tpu.dma_semaphore, #tpu.memory_space<semaphore_mem>>) {add = true}
      %sub3A = arith.constant 1 : i32
      %sub3A_636 = arith.subi %add3A_623, %sub3A : i32
      %dma_wait3A_637 = arith.constant 0 : i32
      %dma_wait3A_638 = tpu.memref_slice %arg8[%sub3A_636, %dma_wait3A_637] : memref<32x128xi32, #tpu.memory_space<vmem>> -> memref<1x128xi32, #tpu.memory_space<vmem>>
      %dma_wait3A_639 = tpu.memref_squeeze %dma_wait3A_638 : memref<1x128xi32, #tpu.memory_space<vmem>> -> memref<128xi32, #tpu.memory_space<vmem>>
      %dma_wait3A_640 = arith.constant 0 : i32
      %dma_wait3A_641 = arith.constant 0 : i32
      %dma_wait3A_642 = tpu.memref_slice %arg12[%dma_wait3A_640, %dma_wait3A_641] : memref<8192x128xf32, #tpu.memory_space<vmem_shared>> -> memref<8192x128xf32, #tpu.memory_space<vmem_shared>>
      tpu.wait_indirect_dma semaphore(%arg18 : memref<!tpu.dma_semaphore, #tpu.memory_space<semaphore_mem>>) src(%arg11 : memref<128x128xf32, #tpu.memory_space<vmem>>) dst(%dma_wait3A_642 : memref<8192x128xf32, #tpu.memory_space<vmem_shared>>)
      %add3A_643 = arith.constant 2 : i32
      %add3A_644 = arith.addi %add3A_623, %add3A_643 : i32
      %dma_start3A_645 = arith.constant 0 : i32
      %dma_start3A_646 = tpu.memref_slice %arg7[%add3A_644, %dma_start3A_645] : memref<32x128xi32, #tpu.memory_space<vmem>> -> memref<1x128xi32, #tpu.memory_space<vmem>>
      %dma_start3A_647 = tpu.memref_squeeze %dma_start3A_646 : memref<1x128xi32, #tpu.memory_space<vmem>> -> memref<128xi32, #tpu.memory_space<vmem>>
      %dma_start3A_648 = arith.constant 0 : i32
      %dma_start3A_649 = arith.constant 0 : i32
      %dma_start3A_650 = tpu.memref_slice %arg2[%dma_start3A_648, %dma_start3A_649] : memref<12288x128xf32, #tpu.memory_space<hbm>> -> memref<12288x128xf32, #tpu.memory_space<hbm>>
      tpu.enqueue_indirect_dma source(%dma_start3A_650 : memref<12288x128xf32, #tpu.memory_space<hbm>>) target(%arg11 : memref<128x128xf32, #tpu.memory_space<vmem>>) offsets(%dma_start3A_647 : memref<128xi32, #tpu.memory_space<vmem>>) semaphore(%arg15 : memref<!tpu.dma_semaphore, #tpu.memory_space<semaphore_mem>>)
      %add3A_651 = arith.constant 1 : i32
      %add3A_652 = arith.addi %add3A_621, %add3A_651 : i32
      %dma_wait3A_653 = arith.constant 0 : i32
      %dma_wait3A_654 = tpu.memref_slice %arg7[%add3A_652, %dma_wait3A_653] : memref<32x128xi32, #tpu.memory_space<vmem>> -> memref<1x128xi32, #tpu.memory_space<vmem>>
      %dma_wait3A_655 = tpu.memref_squeeze %dma_wait3A_654 : memref<1x128xi32, #tpu.memory_space<vmem>> -> memref<128xi32, #tpu.memory_space<vmem>>
      %dma_wait3A_656 = arith.constant 0 : i32
      %dma_wait3A_657 = arith.constant 0 : i32
      %dma_wait3A_658 = tpu.memref_slice %arg2[%dma_wait3A_656, %dma_wait3A_657] : memref<12288x128xf32, #tpu.memory_space<hbm>> -> memref<12288x128xf32, #tpu.memory_space<hbm>>
      tpu.wait_indirect_dma semaphore(%arg14 : memref<!tpu.dma_semaphore, #tpu.memory_space<semaphore_mem>>) src(%dma_wait3A_658 : memref<12288x128xf32, #tpu.memory_space<hbm>>) dst(%arg10 : memref<128x128xf32, #tpu.memory_space<vmem>>)
      %dma_start3A_659 = arith.constant 0 : i32
      %dma_start3A_660 = tpu.memref_slice %arg8[%add3A_652, %dma_start3A_659] : memref<32x128xi32, #tpu.memory_space<vmem>> -> memref<1x128xi32, #tpu.memory_space<vmem>>
      %dma_start3A_661 = tpu.memref_squeeze %dma_start3A_660 : memref<1x128xi32, #tpu.memory_space<vmem>> -> memref<128xi32, #tpu.memory_space<vmem>>
      %dma_start3A_662 = arith.constant 0 : i32
      %dma_start3A_663 = arith.constant 0 : i32
      %dma_start3A_664 = tpu.memref_slice %arg12[%dma_start3A_662, %dma_start3A_663] : memref<8192x128xf32, #tpu.memory_space<vmem_shared>> -> memref<8192x128xf32, #tpu.memory_space<vmem_shared>>
      tpu.enqueue_indirect_dma source(%arg10 : memref<128x128xf32, #tpu.memory_space<vmem>>) target(%dma_start3A_664 : memref<8192x128xf32, #tpu.memory_space<vmem_shared>>) offsets(%dma_start3A_661 : memref<128xi32, #tpu.memory_space<vmem>>) semaphore(%arg17 : memref<!tpu.dma_semaphore, #tpu.memory_space<semaphore_mem>>) {add = true}
      %sub3A_665 = arith.constant 1 : i32
      %sub3A_666 = arith.subi %add3A_652, %sub3A_665 : i32
      %dma_wait3A_667 = arith.constant 0 : i32
      %dma_wait3A_668 = tpu.memref_slice %arg8[%sub3A_666, %dma_wait3A_667] : memref<32x128xi32, #tpu.memory_space<vmem>> -> memref<1x128xi32, #tpu.memory_space<vmem>>
      %dma_wait3A_669 = tpu.memref_squeeze %dma_wait3A_668 : memref<1x128xi32, #tpu.memory_space<vmem>> -> memref<128xi32, #tpu.memory_space<vmem>>
      %dma_wait3A_670 = arith.constant 0 : i32
      %dma_wait3A_671 = arith.constant 0 : i32
      %dma_wait3A_672 = tpu.memref_slice %arg12[%dma_wait3A_670, %dma_wait3A_671] : memref<8192x128xf32, #tpu.memory_space<vmem_shared>> -> memref<8192x128xf32, #tpu.memory_space<vmem_shared>>
      tpu.wait_indirect_dma semaphore(%arg16 : memref<!tpu.dma_semaphore, #tpu.memory_space<semaphore_mem>>) src(%arg9 : memref<128x128xf32, #tpu.memory_space<vmem>>) dst(%dma_wait3A_672 : memref<8192x128xf32, #tpu.memory_space<vmem_shared>>)
      %add3A_673 = arith.constant 2 : i32
      %add3A_674 = arith.addi %add3A_652, %add3A_673 : i32
      %dma_start3A_675 = arith.constant 0 : i32
      %dma_start3A_676 = tpu.memref_slice %arg7[%add3A_674, %dma_start3A_675] : memref<32x128xi32, #tpu.memory_space<vmem>> -> memref<1x128xi32, #tpu.memory_space<vmem>>
      %dma_start3A_677 = tpu.memref_squeeze %dma_start3A_676 : memref<1x128xi32, #tpu.memory_space<vmem>> -> memref<128xi32, #tpu.memory_space<vmem>>
      %dma_start3A_678 = arith.constant 0 : i32
      %dma_start3A_679 = arith.constant 0 : i32
      %dma_start3A_680 = tpu.memref_slice %arg2[%dma_start3A_678, %dma_start3A_679] : memref<12288x128xf32, #tpu.memory_space<hbm>> -> memref<12288x128xf32, #tpu.memory_space<hbm>>
      tpu.enqueue_indirect_dma source(%dma_start3A_680 : memref<12288x128xf32, #tpu.memory_space<hbm>>) target(%arg9 : memref<128x128xf32, #tpu.memory_space<vmem>>) offsets(%dma_start3A_677 : memref<128xi32, #tpu.memory_space<vmem>>) semaphore(%arg13 : memref<!tpu.dma_semaphore, #tpu.memory_space<semaphore_mem>>)
      %add3A_681 = arith.constant 2 : i32
      %add3A_682 = arith.addi %add3A_621, %add3A_681 : i32
      %dma_wait3A_683 = arith.constant 0 : i32
      %dma_wait3A_684 = tpu.memref_slice %arg7[%add3A_682, %dma_wait3A_683] : memref<32x128xi32, #tpu.memory_space<vmem>> -> memref<1x128xi32, #tpu.memory_space<vmem>>
      %dma_wait3A_685 = tpu.memref_squeeze %dma_wait3A_684 : memref<1x128xi32, #tpu.memory_space<vmem>> -> memref<128xi32, #tpu.memory_space<vmem>>
      %dma_wait3A_686 = arith.constant 0 : i32
      %dma_wait3A_687 = arith.constant 0 : i32
      %dma_wait3A_688 = tpu.memref_slice %arg2[%dma_wait3A_686, %dma_wait3A_687] : memref<12288x128xf32, #tpu.memory_space<hbm>> -> memref<12288x128xf32, #tpu.memory_space<hbm>>
      tpu.wait_indirect_dma semaphore(%arg15 : memref<!tpu.dma_semaphore, #tpu.memory_space<semaphore_mem>>) src(%dma_wait3A_688 : memref<12288x128xf32, #tpu.memory_space<hbm>>) dst(%arg11 : memref<128x128xf32, #tpu.memory_space<vmem>>)
      %dma_start3A_689 = arith.constant 0 : i32
      %dma_start3A_690 = tpu.memref_slice %arg8[%add3A_682, %dma_start3A_689] : memref<32x128xi32, #tpu.memory_space<vmem>> -> memref<1x128xi32, #tpu.memory_space<vmem>>
      %dma_start3A_691 = tpu.memref_squeeze %dma_start3A_690 : memref<1x128xi32, #tpu.memory_space<vmem>> -> memref<128xi32, #tpu.memory_space<vmem>>
      %dma_start3A_692 = arith.constant 0 : i32
      %dma_start3A_693 = arith.constant 0 : i32
      %dma_start3A_694 = tpu.memref_slice %arg12[%dma_start3A_692, %dma_start3A_693] : memref<8192x128xf32, #tpu.memory_space<vmem_shared>> -> memref<8192x128xf32, #tpu.memory_space<vmem_shared>>
      tpu.enqueue_indirect_dma source(%arg11 : memref<128x128xf32, #tpu.memory_space<vmem>>) target(%dma_start3A_694 : memref<8192x128xf32, #tpu.memory_space<vmem_shared>>) offsets(%dma_start3A_691 : memref<128xi32, #tpu.memory_space<vmem>>) semaphore(%arg18 : memref<!tpu.dma_semaphore, #tpu.memory_space<semaphore_mem>>) {add = true}
      %sub3A_695 = arith.constant 1 : i32
      %sub3A_696 = arith.subi %add3A_682, %sub3A_695 : i32
      %dma_wait3A_697 = arith.constant 0 : i32
      %dma_wait3A_698 = tpu.memref_slice %arg8[%sub3A_696, %dma_wait3A_697] : memref<32x128xi32, #tpu.memory_space<vmem>> -> memref<1x128xi32, #tpu.memory_space<vmem>>
      %dma_wait3A_699 = tpu.memref_squeeze %dma_wait3A_698 : memref<1x128xi32, #tpu.memory_space<vmem>> -> memref<128xi32, #tpu.memory_space<vmem>>
      %dma_wait3A_700 = arith.constant 0 : i32
      %dma_wait3A_701 = arith.constant 0 : i32
      %dma_wait3A_702 = tpu.memref_slice %arg12[%dma_wait3A_700, %dma_wait3A_701] : memref<8192x128xf32, #tpu.memory_space<vmem_shared>> -> memref<8192x128xf32, #tpu.memory_space<vmem_shared>>
      tpu.wait_indirect_dma semaphore(%arg17 : memref<!tpu.dma_semaphore, #tpu.memory_space<semaphore_mem>>) src(%arg10 : memref<128x128xf32, #tpu.memory_space<vmem>>) dst(%dma_wait3A_702 : memref<8192x128xf32, #tpu.memory_space<vmem_shared>>)
      %add3A_703 = arith.constant 2 : i32
      %add3A_704 = arith.addi %add3A_682, %add3A_703 : i32
      %dma_start3A_705 = arith.constant 0 : i32
      %dma_start3A_706 = tpu.memref_slice %arg7[%add3A_704, %dma_start3A_705] : memref<32x128xi32, #tpu.memory_space<vmem>> -> memref<1x128xi32, #tpu.memory_space<vmem>>
      %dma_start3A_707 = tpu.memref_squeeze %dma_start3A_706 : memref<1x128xi32, #tpu.memory_space<vmem>> -> memref<128xi32, #tpu.memory_space<vmem>>
      %dma_start3A_708 = arith.constant 0 : i32
      %dma_start3A_709 = arith.constant 0 : i32
      %dma_start3A_710 = tpu.memref_slice %arg2[%dma_start3A_708, %dma_start3A_709] : memref<12288x128xf32, #tpu.memory_space<hbm>> -> memref<12288x128xf32, #tpu.memory_space<hbm>>
      tpu.enqueue_indirect_dma source(%dma_start3A_710 : memref<12288x128xf32, #tpu.memory_space<hbm>>) target(%arg10 : memref<128x128xf32, #tpu.memory_space<vmem>>) offsets(%dma_start3A_707 : memref<128xi32, #tpu.memory_space<vmem>>) semaphore(%arg14 : memref<!tpu.dma_semaphore, #tpu.memory_space<semaphore_mem>>)
    }
    %scan3A_406 = arith.constant 9 : i32
    %dma_wait3A_407 = arith.constant 30 : i32
    %dma_wait3A_408 = arith.constant 0 : i32
    %dma_wait3A_409 = tpu.memref_slice %arg7[%dma_wait3A_407, %dma_wait3A_408] : memref<32x128xi32, #tpu.memory_space<vmem>> -> memref<1x128xi32, #tpu.memory_space<vmem>>
    %dma_wait3A_410 = tpu.memref_squeeze %dma_wait3A_409 : memref<1x128xi32, #tpu.memory_space<vmem>> -> memref<128xi32, #tpu.memory_space<vmem>>
    %dma_wait3A_411 = arith.constant 0 : i32
    %dma_wait3A_412 = arith.constant 0 : i32
    %dma_wait3A_413 = tpu.memref_slice %arg2[%dma_wait3A_411, %dma_wait3A_412] : memref<12288x128xf32, #tpu.memory_space<hbm>> -> memref<12288x128xf32, #tpu.memory_space<hbm>>
    tpu.wait_indirect_dma semaphore(%arg13 : memref<!tpu.dma_semaphore, #tpu.memory_space<semaphore_mem>>) src(%dma_wait3A_413 : memref<12288x128xf32, #tpu.memory_space<hbm>>) dst(%arg9 : memref<128x128xf32, #tpu.memory_space<vmem>>)
    %dma_start3A_414 = arith.constant 30 : i32
    %dma_start3A_415 = arith.constant 0 : i32
    %dma_start3A_416 = tpu.memref_slice %arg8[%dma_start3A_414, %dma_start3A_415] : memref<32x128xi32, #tpu.memory_space<vmem>> -> memref<1x128xi32, #tpu.memory_space<vmem>>
    %dma_start3A_417 = tpu.memref_squeeze %dma_start3A_416 : memref<1x128xi32, #tpu.memory_space<vmem>> -> memref<128xi32, #tpu.memory_space<vmem>>
    %dma_start3A_418 = arith.constant 0 : i32
    %dma_start3A_419 = arith.constant 0 : i32
    %dma_start3A_420 = tpu.memref_slice %arg12[%dma_start3A_418, %dma_start3A_419] : memref<8192x128xf32, #tpu.memory_space<vmem_shared>> -> memref<8192x128xf32, #tpu.memory_space<vmem_shared>>
    tpu.enqueue_indirect_dma source(%arg9 : memref<128x128xf32, #tpu.memory_space<vmem>>) target(%dma_start3A_420 : memref<8192x128xf32, #tpu.memory_space<vmem_shared>>) offsets(%dma_start3A_417 : memref<128xi32, #tpu.memory_space<vmem>>) semaphore(%arg16 : memref<!tpu.dma_semaphore, #tpu.memory_space<semaphore_mem>>) {add = true}
    %dma_wait3A_421 = arith.constant 29 : i32
    %dma_wait3A_422 = arith.constant 0 : i32
    %dma_wait3A_423 = tpu.memref_slice %arg8[%dma_wait3A_421, %dma_wait3A_422] : memref<32x128xi32, #tpu.memory_space<vmem>> -> memref<1x128xi32, #tpu.memory_space<vmem>>
    %dma_wait3A_424 = tpu.memref_squeeze %dma_wait3A_423 : memref<1x128xi32, #tpu.memory_space<vmem>> -> memref<128xi32, #tpu.memory_space<vmem>>
    %dma_wait3A_425 = arith.constant 0 : i32
    %dma_wait3A_426 = arith.constant 0 : i32
    %dma_wait3A_427 = tpu.memref_slice %arg12[%dma_wait3A_425, %dma_wait3A_426] : memref<8192x128xf32, #tpu.memory_space<vmem_shared>> -> memref<8192x128xf32, #tpu.memory_space<vmem_shared>>
    tpu.wait_indirect_dma semaphore(%arg18 : memref<!tpu.dma_semaphore, #tpu.memory_space<semaphore_mem>>) src(%arg11 : memref<128x128xf32, #tpu.memory_space<vmem>>) dst(%dma_wait3A_427 : memref<8192x128xf32, #tpu.memory_space<vmem_shared>>)
    %dma_wait3A_428 = arith.constant 31 : i32
    %dma_wait3A_429 = arith.constant 0 : i32
    %dma_wait3A_430 = tpu.memref_slice %arg7[%dma_wait3A_428, %dma_wait3A_429] : memref<32x128xi32, #tpu.memory_space<vmem>> -> memref<1x128xi32, #tpu.memory_space<vmem>>
    %dma_wait3A_431 = tpu.memref_squeeze %dma_wait3A_430 : memref<1x128xi32, #tpu.memory_space<vmem>> -> memref<128xi32, #tpu.memory_space<vmem>>
    %dma_wait3A_432 = arith.constant 0 : i32
    %dma_wait3A_433 = arith.constant 0 : i32
    %dma_wait3A_434 = tpu.memref_slice %arg2[%dma_wait3A_432, %dma_wait3A_433] : memref<12288x128xf32, #tpu.memory_space<hbm>> -> memref<12288x128xf32, #tpu.memory_space<hbm>>
    tpu.wait_indirect_dma semaphore(%arg14 : memref<!tpu.dma_semaphore, #tpu.memory_space<semaphore_mem>>) src(%dma_wait3A_434 : memref<12288x128xf32, #tpu.memory_space<hbm>>) dst(%arg10 : memref<128x128xf32, #tpu.memory_space<vmem>>)
    %dma_start3A_435 = arith.constant 31 : i32
    %dma_start3A_436 = arith.constant 0 : i32
    %dma_start3A_437 = tpu.memref_slice %arg8[%dma_start3A_435, %dma_start3A_436] : memref<32x128xi32, #tpu.memory_space<vmem>> -> memref<1x128xi32, #tpu.memory_space<vmem>>
    %dma_start3A_438 = tpu.memref_squeeze %dma_start3A_437 : memref<1x128xi32, #tpu.memory_space<vmem>> -> memref<128xi32, #tpu.memory_space<vmem>>
    %dma_start3A_439 = arith.constant 0 : i32
    %dma_start3A_440 = arith.constant 0 : i32
    %dma_start3A_441 = tpu.memref_slice %arg12[%dma_start3A_439, %dma_start3A_440] : memref<8192x128xf32, #tpu.memory_space<vmem_shared>> -> memref<8192x128xf32, #tpu.memory_space<vmem_shared>>
    tpu.enqueue_indirect_dma source(%arg10 : memref<128x128xf32, #tpu.memory_space<vmem>>) target(%dma_start3A_441 : memref<8192x128xf32, #tpu.memory_space<vmem_shared>>) offsets(%dma_start3A_438 : memref<128xi32, #tpu.memory_space<vmem>>) semaphore(%arg17 : memref<!tpu.dma_semaphore, #tpu.memory_space<semaphore_mem>>) {add = true}
    %dma_wait3A_442 = arith.constant 30 : i32
    %dma_wait3A_443 = arith.constant 0 : i32
    %dma_wait3A_444 = tpu.memref_slice %arg8[%dma_wait3A_442, %dma_wait3A_443] : memref<32x128xi32, #tpu.memory_space<vmem>> -> memref<1x128xi32, #tpu.memory_space<vmem>>
    %dma_wait3A_445 = tpu.memref_squeeze %dma_wait3A_444 : memref<1x128xi32, #tpu.memory_space<vmem>> -> memref<128xi32, #tpu.memory_space<vmem>>
    %dma_wait3A_446 = arith.constant 0 : i32
    %dma_wait3A_447 = arith.constant 0 : i32
    %dma_wait3A_448 = tpu.memref_slice %arg12[%dma_wait3A_446, %dma_wait3A_447] : memref<8192x128xf32, #tpu.memory_space<vmem_shared>> -> memref<8192x128xf32, #tpu.memory_space<vmem_shared>>
    tpu.wait_indirect_dma semaphore(%arg16 : memref<!tpu.dma_semaphore, #tpu.memory_space<semaphore_mem>>) src(%arg9 : memref<128x128xf32, #tpu.memory_space<vmem>>) dst(%dma_wait3A_448 : memref<8192x128xf32, #tpu.memory_space<vmem_shared>>)
    %dma_wait3A_449 = arith.constant 31 : i32
    %dma_wait3A_450 = arith.constant 0 : i32
    %dma_wait3A_451 = tpu.memref_slice %arg8[%dma_wait3A_449, %dma_wait3A_450] : memref<32x128xi32, #tpu.memory_space<vmem>> -> memref<1x128xi32, #tpu.memory_space<vmem>>
    %dma_wait3A_452 = tpu.memref_squeeze %dma_wait3A_451 : memref<1x128xi32, #tpu.memory_space<vmem>> -> memref<128xi32, #tpu.memory_space<vmem>>
    %dma_wait3A_453 = arith.constant 0 : i32
    %dma_wait3A_454 = arith.constant 0 : i32
    %dma_wait3A_455 = tpu.memref_slice %arg12[%dma_wait3A_453, %dma_wait3A_454] : memref<8192x128xf32, #tpu.memory_space<vmem_shared>> -> memref<8192x128xf32, #tpu.memory_space<vmem_shared>>
    tpu.wait_indirect_dma semaphore(%arg17 : memref<!tpu.dma_semaphore, #tpu.memory_space<semaphore_mem>>) src(%arg10 : memref<128x128xf32, #tpu.memory_space<vmem>>) dst(%dma_wait3A_455 : memref<8192x128xf32, #tpu.memory_space<vmem_shared>>)
    %mul3A_456 = arith.constant 2048 : i32
    %mul3A_457 = arith.muli %arg0, %mul3A_456 : i32
    %mul3A_458 = arith.constant 128 : i32
    %mul3A_459 = arith.muli %arg1, %mul3A_458 : i32
    %add3A_460 = arith.addi %mul3A_457, %mul3A_459 : i32
    %add3A_461 = arith.constant 96 : i32
    %add3A_462 = arith.addi %add3A_460, %add3A_461 : i32
    "tpu.region"() ({
      %run_scoped3A = tpu.sem_alloc : memref<!tpu.dma_semaphore, #tpu.memory_space<semaphore_mem>>
      %dma_start3A_617 = arith.constant 0 : i32
      %dma_start3A_618 = tpu.memref_slice %arg3[%add3A_462, %dma_start3A_617] : memref<4096x128xi32, #tpu.memory_space<hbm>> -> memref<32x128xi32, #tpu.memory_space<hbm>>
      %dma_start3A_619 = arith.constant 0 : i32
      %dma_start3A_620 = tpu.memref_slice %arg3[%add3A_462, %dma_start3A_619] : memref<4096x128xi32, #tpu.memory_space<hbm>> -> memref<32x128xi32, #tpu.memory_space<hbm>>
      tpu.enqueue_dma source(%dma_start3A_620 : memref<32x128xi32, #tpu.memory_space<hbm>>) target(%arg7 : memref<32x128xi32, #tpu.memory_space<vmem>>) target_semaphore(%run_scoped3A : memref<!tpu.dma_semaphore, #tpu.memory_space<semaphore_mem>>)
      %dma_wait3A_621 = arith.constant 0 : i32
      %dma_wait3A_622 = tpu.memref_slice %arg3[%add3A_462, %dma_wait3A_621] : memref<4096x128xi32, #tpu.memory_space<hbm>> -> memref<32x128xi32, #tpu.memory_space<hbm>>
      %dma_wait3A_623 = arith.constant 0 : i32
      %dma_wait3A_624 = tpu.memref_slice %arg3[%add3A_462, %dma_wait3A_623] : memref<4096x128xi32, #tpu.memory_space<hbm>> -> memref<32x128xi32, #tpu.memory_space<hbm>>
      tpu.wait_dma2 semaphore(%run_scoped3A : memref<!tpu.dma_semaphore, #tpu.memory_space<semaphore_mem>>) src(%dma_wait3A_624 : memref<32x128xi32, #tpu.memory_space<hbm>>) dst(%arg7 : memref<32x128xi32, #tpu.memory_space<vmem>>)
      tpu.yield
    }) : () -> ()
    "tpu.region"() ({
      %run_scoped3A = tpu.sem_alloc : memref<!tpu.dma_semaphore, #tpu.memory_space<semaphore_mem>>
      %dma_start3A_617 = arith.constant 0 : i32
      %dma_start3A_618 = tpu.memref_slice %arg4[%add3A_462, %dma_start3A_617] : memref<4096x128xi32, #tpu.memory_space<hbm>> -> memref<32x128xi32, #tpu.memory_space<hbm>>
      %dma_start3A_619 = arith.constant 0 : i32
      %dma_start3A_620 = tpu.memref_slice %arg4[%add3A_462, %dma_start3A_619] : memref<4096x128xi32, #tpu.memory_space<hbm>> -> memref<32x128xi32, #tpu.memory_space<hbm>>
      tpu.enqueue_dma source(%dma_start3A_620 : memref<32x128xi32, #tpu.memory_space<hbm>>) target(%arg8 : memref<32x128xi32, #tpu.memory_space<vmem>>) target_semaphore(%run_scoped3A : memref<!tpu.dma_semaphore, #tpu.memory_space<semaphore_mem>>)
      %dma_wait3A_621 = arith.constant 0 : i32
      %dma_wait3A_622 = tpu.memref_slice %arg4[%add3A_462, %dma_wait3A_621] : memref<4096x128xi32, #tpu.memory_space<hbm>> -> memref<32x128xi32, #tpu.memory_space<hbm>>
      %dma_wait3A_623 = arith.constant 0 : i32
      %dma_wait3A_624 = tpu.memref_slice %arg4[%add3A_462, %dma_wait3A_623] : memref<4096x128xi32, #tpu.memory_space<hbm>> -> memref<32x128xi32, #tpu.memory_space<hbm>>
      tpu.wait_dma2 semaphore(%run_scoped3A : memref<!tpu.dma_semaphore, #tpu.memory_space<semaphore_mem>>) src(%dma_wait3A_624 : memref<32x128xi32, #tpu.memory_space<hbm>>) dst(%arg8 : memref<32x128xi32, #tpu.memory_space<vmem>>)
      tpu.yield
    }) : () -> ()
    %dma_start3A_463 = arith.constant 0 : i32
    %dma_start3A_464 = arith.constant 0 : i32
    %dma_start3A_465 = tpu.memref_slice %arg7[%dma_start3A_463, %dma_start3A_464] : memref<32x128xi32, #tpu.memory_space<vmem>> -> memref<1x128xi32, #tpu.memory_space<vmem>>
    %dma_start3A_466 = tpu.memref_squeeze %dma_start3A_465 : memref<1x128xi32, #tpu.memory_space<vmem>> -> memref<128xi32, #tpu.memory_space<vmem>>
    %dma_start3A_467 = arith.constant 0 : i32
    %dma_start3A_468 = arith.constant 0 : i32
    %dma_start3A_469 = tpu.memref_slice %arg2[%dma_start3A_467, %dma_start3A_468] : memref<12288x128xf32, #tpu.memory_space<hbm>> -> memref<12288x128xf32, #tpu.memory_space<hbm>>
    tpu.enqueue_indirect_dma source(%dma_start3A_469 : memref<12288x128xf32, #tpu.memory_space<hbm>>) target(%arg9 : memref<128x128xf32, #tpu.memory_space<vmem>>) offsets(%dma_start3A_466 : memref<128xi32, #tpu.memory_space<vmem>>) semaphore(%arg13 : memref<!tpu.dma_semaphore, #tpu.memory_space<semaphore_mem>>)
    %dma_start3A_470 = arith.constant 1 : i32
    %dma_start3A_471 = arith.constant 0 : i32
    %dma_start3A_472 = tpu.memref_slice %arg7[%dma_start3A_470, %dma_start3A_471] : memref<32x128xi32, #tpu.memory_space<vmem>> -> memref<1x128xi32, #tpu.memory_space<vmem>>
    %dma_start3A_473 = tpu.memref_squeeze %dma_start3A_472 : memref<1x128xi32, #tpu.memory_space<vmem>> -> memref<128xi32, #tpu.memory_space<vmem>>
    %dma_start3A_474 = arith.constant 0 : i32
    %dma_start3A_475 = arith.constant 0 : i32
    %dma_start3A_476 = tpu.memref_slice %arg2[%dma_start3A_474, %dma_start3A_475] : memref<12288x128xf32, #tpu.memory_space<hbm>> -> memref<12288x128xf32, #tpu.memory_space<hbm>>
    tpu.enqueue_indirect_dma source(%dma_start3A_476 : memref<12288x128xf32, #tpu.memory_space<hbm>>) target(%arg10 : memref<128x128xf32, #tpu.memory_space<vmem>>) offsets(%dma_start3A_473 : memref<128xi32, #tpu.memory_space<vmem>>) semaphore(%arg14 : memref<!tpu.dma_semaphore, #tpu.memory_space<semaphore_mem>>)
    %dma_wait3A_477 = arith.constant 0 : i32
    %dma_wait3A_478 = arith.constant 0 : i32
    %dma_wait3A_479 = tpu.memref_slice %arg7[%dma_wait3A_477, %dma_wait3A_478] : memref<32x128xi32, #tpu.memory_space<vmem>> -> memref<1x128xi32, #tpu.memory_space<vmem>>
    %dma_wait3A_480 = tpu.memref_squeeze %dma_wait3A_479 : memref<1x128xi32, #tpu.memory_space<vmem>> -> memref<128xi32, #tpu.memory_space<vmem>>
    %dma_wait3A_481 = arith.constant 0 : i32
    %dma_wait3A_482 = arith.constant 0 : i32
    %dma_wait3A_483 = tpu.memref_slice %arg2[%dma_wait3A_481, %dma_wait3A_482] : memref<12288x128xf32, #tpu.memory_space<hbm>> -> memref<12288x128xf32, #tpu.memory_space<hbm>>
    tpu.wait_indirect_dma semaphore(%arg13 : memref<!tpu.dma_semaphore, #tpu.memory_space<semaphore_mem>>) src(%dma_wait3A_483 : memref<12288x128xf32, #tpu.memory_space<hbm>>) dst(%arg9 : memref<128x128xf32, #tpu.memory_space<vmem>>)
    %dma_start3A_484 = arith.constant 0 : i32
    %dma_start3A_485 = arith.constant 0 : i32
    %dma_start3A_486 = tpu.memref_slice %arg8[%dma_start3A_484, %dma_start3A_485] : memref<32x128xi32, #tpu.memory_space<vmem>> -> memref<1x128xi32, #tpu.memory_space<vmem>>
    %dma_start3A_487 = tpu.memref_squeeze %dma_start3A_486 : memref<1x128xi32, #tpu.memory_space<vmem>> -> memref<128xi32, #tpu.memory_space<vmem>>
    %dma_start3A_488 = arith.constant 0 : i32
    %dma_start3A_489 = arith.constant 0 : i32
    %dma_start3A_490 = tpu.memref_slice %arg12[%dma_start3A_488, %dma_start3A_489] : memref<8192x128xf32, #tpu.memory_space<vmem_shared>> -> memref<8192x128xf32, #tpu.memory_space<vmem_shared>>
    tpu.enqueue_indirect_dma source(%arg9 : memref<128x128xf32, #tpu.memory_space<vmem>>) target(%dma_start3A_490 : memref<8192x128xf32, #tpu.memory_space<vmem_shared>>) offsets(%dma_start3A_487 : memref<128xi32, #tpu.memory_space<vmem>>) semaphore(%arg16 : memref<!tpu.dma_semaphore, #tpu.memory_space<semaphore_mem>>) {add = true}
    %dma_start3A_491 = arith.constant 2 : i32
    %dma_start3A_492 = arith.constant 0 : i32
    %dma_start3A_493 = tpu.memref_slice %arg7[%dma_start3A_491, %dma_start3A_492] : memref<32x128xi32, #tpu.memory_space<vmem>> -> memref<1x128xi32, #tpu.memory_space<vmem>>
    %dma_start3A_494 = tpu.memref_squeeze %dma_start3A_493 : memref<1x128xi32, #tpu.memory_space<vmem>> -> memref<128xi32, #tpu.memory_space<vmem>>
    %dma_start3A_495 = arith.constant 0 : i32
    %dma_start3A_496 = arith.constant 0 : i32
    %dma_start3A_497 = tpu.memref_slice %arg2[%dma_start3A_495, %dma_start3A_496] : memref<12288x128xf32, #tpu.memory_space<hbm>> -> memref<12288x128xf32, #tpu.memory_space<hbm>>
    tpu.enqueue_indirect_dma source(%dma_start3A_497 : memref<12288x128xf32, #tpu.memory_space<hbm>>) target(%arg11 : memref<128x128xf32, #tpu.memory_space<vmem>>) offsets(%dma_start3A_494 : memref<128xi32, #tpu.memory_space<vmem>>) semaphore(%arg15 : memref<!tpu.dma_semaphore, #tpu.memory_space<semaphore_mem>>)
    %dma_wait3A_498 = arith.constant 1 : i32
    %dma_wait3A_499 = arith.constant 0 : i32
    %dma_wait3A_500 = tpu.memref_slice %arg7[%dma_wait3A_498, %dma_wait3A_499] : memref<32x128xi32, #tpu.memory_space<vmem>> -> memref<1x128xi32, #tpu.memory_space<vmem>>
    %dma_wait3A_501 = tpu.memref_squeeze %dma_wait3A_500 : memref<1x128xi32, #tpu.memory_space<vmem>> -> memref<128xi32, #tpu.memory_space<vmem>>
    %dma_wait3A_502 = arith.constant 0 : i32
    %dma_wait3A_503 = arith.constant 0 : i32
    %dma_wait3A_504 = tpu.memref_slice %arg2[%dma_wait3A_502, %dma_wait3A_503] : memref<12288x128xf32, #tpu.memory_space<hbm>> -> memref<12288x128xf32, #tpu.memory_space<hbm>>
    tpu.wait_indirect_dma semaphore(%arg14 : memref<!tpu.dma_semaphore, #tpu.memory_space<semaphore_mem>>) src(%dma_wait3A_504 : memref<12288x128xf32, #tpu.memory_space<hbm>>) dst(%arg10 : memref<128x128xf32, #tpu.memory_space<vmem>>)
    %dma_start3A_505 = arith.constant 1 : i32
    %dma_start3A_506 = arith.constant 0 : i32
    %dma_start3A_507 = tpu.memref_slice %arg8[%dma_start3A_505, %dma_start3A_506] : memref<32x128xi32, #tpu.memory_space<vmem>> -> memref<1x128xi32, #tpu.memory_space<vmem>>
    %dma_start3A_508 = tpu.memref_squeeze %dma_start3A_507 : memref<1x128xi32, #tpu.memory_space<vmem>> -> memref<128xi32, #tpu.memory_space<vmem>>
    %dma_start3A_509 = arith.constant 0 : i32
    %dma_start3A_510 = arith.constant 0 : i32
    %dma_start3A_511 = tpu.memref_slice %arg12[%dma_start3A_509, %dma_start3A_510] : memref<8192x128xf32, #tpu.memory_space<vmem_shared>> -> memref<8192x128xf32, #tpu.memory_space<vmem_shared>>
    tpu.enqueue_indirect_dma source(%arg10 : memref<128x128xf32, #tpu.memory_space<vmem>>) target(%dma_start3A_511 : memref<8192x128xf32, #tpu.memory_space<vmem_shared>>) offsets(%dma_start3A_508 : memref<128xi32, #tpu.memory_space<vmem>>) semaphore(%arg17 : memref<!tpu.dma_semaphore, #tpu.memory_space<semaphore_mem>>) {add = true}
    %dma_wait3A_512 = arith.constant 0 : i32
    %dma_wait3A_513 = arith.constant 0 : i32
    %dma_wait3A_514 = tpu.memref_slice %arg8[%dma_wait3A_512, %dma_wait3A_513] : memref<32x128xi32, #tpu.memory_space<vmem>> -> memref<1x128xi32, #tpu.memory_space<vmem>>
    %dma_wait3A_515 = tpu.memref_squeeze %dma_wait3A_514 : memref<1x128xi32, #tpu.memory_space<vmem>> -> memref<128xi32, #tpu.memory_space<vmem>>
    %dma_wait3A_516 = arith.constant 0 : i32
    %dma_wait3A_517 = arith.constant 0 : i32
    %dma_wait3A_518 = tpu.memref_slice %arg12[%dma_wait3A_516, %dma_wait3A_517] : memref<8192x128xf32, #tpu.memory_space<vmem_shared>> -> memref<8192x128xf32, #tpu.memory_space<vmem_shared>>
    tpu.wait_indirect_dma semaphore(%arg16 : memref<!tpu.dma_semaphore, #tpu.memory_space<semaphore_mem>>) src(%arg9 : memref<128x128xf32, #tpu.memory_space<vmem>>) dst(%dma_wait3A_518 : memref<8192x128xf32, #tpu.memory_space<vmem_shared>>)
    %dma_start3A_519 = arith.constant 3 : i32
    %dma_start3A_520 = arith.constant 0 : i32
    %dma_start3A_521 = tpu.memref_slice %arg7[%dma_start3A_519, %dma_start3A_520] : memref<32x128xi32, #tpu.memory_space<vmem>> -> memref<1x128xi32, #tpu.memory_space<vmem>>
    %dma_start3A_522 = tpu.memref_squeeze %dma_start3A_521 : memref<1x128xi32, #tpu.memory_space<vmem>> -> memref<128xi32, #tpu.memory_space<vmem>>
    %dma_start3A_523 = arith.constant 0 : i32
    %dma_start3A_524 = arith.constant 0 : i32
    %dma_start3A_525 = tpu.memref_slice %arg2[%dma_start3A_523, %dma_start3A_524] : memref<12288x128xf32, #tpu.memory_space<hbm>> -> memref<12288x128xf32, #tpu.memory_space<hbm>>
    tpu.enqueue_indirect_dma source(%dma_start3A_525 : memref<12288x128xf32, #tpu.memory_space<hbm>>) target(%arg9 : memref<128x128xf32, #tpu.memory_space<vmem>>) offsets(%dma_start3A_522 : memref<128xi32, #tpu.memory_space<vmem>>) semaphore(%arg13 : memref<!tpu.dma_semaphore, #tpu.memory_space<semaphore_mem>>)
    %dma_wait3A_526 = arith.constant 2 : i32
    %dma_wait3A_527 = arith.constant 0 : i32
    %dma_wait3A_528 = tpu.memref_slice %arg7[%dma_wait3A_526, %dma_wait3A_527] : memref<32x128xi32, #tpu.memory_space<vmem>> -> memref<1x128xi32, #tpu.memory_space<vmem>>
    %dma_wait3A_529 = tpu.memref_squeeze %dma_wait3A_528 : memref<1x128xi32, #tpu.memory_space<vmem>> -> memref<128xi32, #tpu.memory_space<vmem>>
    %dma_wait3A_530 = arith.constant 0 : i32
    %dma_wait3A_531 = arith.constant 0 : i32
    %dma_wait3A_532 = tpu.memref_slice %arg2[%dma_wait3A_530, %dma_wait3A_531] : memref<12288x128xf32, #tpu.memory_space<hbm>> -> memref<12288x128xf32, #tpu.memory_space<hbm>>
    tpu.wait_indirect_dma semaphore(%arg15 : memref<!tpu.dma_semaphore, #tpu.memory_space<semaphore_mem>>) src(%dma_wait3A_532 : memref<12288x128xf32, #tpu.memory_space<hbm>>) dst(%arg11 : memref<128x128xf32, #tpu.memory_space<vmem>>)
    %dma_start3A_533 = arith.constant 2 : i32
    %dma_start3A_534 = arith.constant 0 : i32
    %dma_start3A_535 = tpu.memref_slice %arg8[%dma_start3A_533, %dma_start3A_534] : memref<32x128xi32, #tpu.memory_space<vmem>> -> memref<1x128xi32, #tpu.memory_space<vmem>>
    %dma_start3A_536 = tpu.memref_squeeze %dma_start3A_535 : memref<1x128xi32, #tpu.memory_space<vmem>> -> memref<128xi32, #tpu.memory_space<vmem>>
    %dma_start3A_537 = arith.constant 0 : i32
    %dma_start3A_538 = arith.constant 0 : i32
    %dma_start3A_539 = tpu.memref_slice %arg12[%dma_start3A_537, %dma_start3A_538] : memref<8192x128xf32, #tpu.memory_space<vmem_shared>> -> memref<8192x128xf32, #tpu.memory_space<vmem_shared>>
    tpu.enqueue_indirect_dma source(%arg11 : memref<128x128xf32, #tpu.memory_space<vmem>>) target(%dma_start3A_539 : memref<8192x128xf32, #tpu.memory_space<vmem_shared>>) offsets(%dma_start3A_536 : memref<128xi32, #tpu.memory_space<vmem>>) semaphore(%arg18 : memref<!tpu.dma_semaphore, #tpu.memory_space<semaphore_mem>>) {add = true}
    %dma_wait3A_540 = arith.constant 1 : i32
    %dma_wait3A_541 = arith.constant 0 : i32
    %dma_wait3A_542 = tpu.memref_slice %arg8[%dma_wait3A_540, %dma_wait3A_541] : memref<32x128xi32, #tpu.memory_space<vmem>> -> memref<1x128xi32, #tpu.memory_space<vmem>>
    %dma_wait3A_543 = tpu.memref_squeeze %dma_wait3A_542 : memref<1x128xi32, #tpu.memory_space<vmem>> -> memref<128xi32, #tpu.memory_space<vmem>>
    %dma_wait3A_544 = arith.constant 0 : i32
    %dma_wait3A_545 = arith.constant 0 : i32
    %dma_wait3A_546 = tpu.memref_slice %arg12[%dma_wait3A_544, %dma_wait3A_545] : memref<8192x128xf32, #tpu.memory_space<vmem_shared>> -> memref<8192x128xf32, #tpu.memory_space<vmem_shared>>
    tpu.wait_indirect_dma semaphore(%arg17 : memref<!tpu.dma_semaphore, #tpu.memory_space<semaphore_mem>>) src(%arg10 : memref<128x128xf32, #tpu.memory_space<vmem>>) dst(%dma_wait3A_546 : memref<8192x128xf32, #tpu.memory_space<vmem_shared>>)
    %dma_start3A_547 = arith.constant 4 : i32
    %dma_start3A_548 = arith.constant 0 : i32
    %dma_start3A_549 = tpu.memref_slice %arg7[%dma_start3A_547, %dma_start3A_548] : memref<32x128xi32, #tpu.memory_space<vmem>> -> memref<1x128xi32, #tpu.memory_space<vmem>>
    %dma_start3A_550 = tpu.memref_squeeze %dma_start3A_549 : memref<1x128xi32, #tpu.memory_space<vmem>> -> memref<128xi32, #tpu.memory_space<vmem>>
    %dma_start3A_551 = arith.constant 0 : i32
    %dma_start3A_552 = arith.constant 0 : i32
    %dma_start3A_553 = tpu.memref_slice %arg2[%dma_start3A_551, %dma_start3A_552] : memref<12288x128xf32, #tpu.memory_space<hbm>> -> memref<12288x128xf32, #tpu.memory_space<hbm>>
    tpu.enqueue_indirect_dma source(%dma_start3A_553 : memref<12288x128xf32, #tpu.memory_space<hbm>>) target(%arg10 : memref<128x128xf32, #tpu.memory_space<vmem>>) offsets(%dma_start3A_550 : memref<128xi32, #tpu.memory_space<vmem>>) semaphore(%arg14 : memref<!tpu.dma_semaphore, #tpu.memory_space<semaphore_mem>>)
    %scan3A_554 = arith.constant 0 : i32
    %scan3A_555 = arith.constant 0 : i32
    %scan3A_556 = arith.constant 9 : i32
    %scan3A_557 = arith.addi %scan3A_555, %scan3A_556 : i32
    %scan3A_558 = arith.constant 1 : i32
    scf.for %scan3A_617 = %scan3A_555 to %scan3A_557 step %scan3A_558  : i32 {
      %mul3A_618 = arith.constant 3 : i32
      %mul3A_619 = arith.muli %mul3A_618, %scan3A_617 : i32
      %add3A_620 = arith.constant 3 : i32
      %add3A_621 = arith.addi %add3A_620, %mul3A_619 : i32
      %add3A_622 = arith.constant 0 : i32
      %add3A_623 = arith.addi %add3A_621, %add3A_622 : i32
      %dma_wait3A_624 = arith.constant 0 : i32
      %dma_wait3A_625 = tpu.memref_slice %arg7[%add3A_623, %dma_wait3A_624] : memref<32x128xi32, #tpu.memory_space<vmem>> -> memref<1x128xi32, #tpu.memory_space<vmem>>
      %dma_wait3A_626 = tpu.memref_squeeze %dma_wait3A_625 : memref<1x128xi32, #tpu.memory_space<vmem>> -> memref<128xi32, #tpu.memory_space<vmem>>
      %dma_wait3A_627 = arith.constant 0 : i32
      %dma_wait3A_628 = arith.constant 0 : i32
      %dma_wait3A_629 = tpu.memref_slice %arg2[%dma_wait3A_627, %dma_wait3A_628] : memref<12288x128xf32, #tpu.memory_space<hbm>> -> memref<12288x128xf32, #tpu.memory_space<hbm>>
      tpu.wait_indirect_dma semaphore(%arg13 : memref<!tpu.dma_semaphore, #tpu.memory_space<semaphore_mem>>) src(%dma_wait3A_629 : memref<12288x128xf32, #tpu.memory_space<hbm>>) dst(%arg9 : memref<128x128xf32, #tpu.memory_space<vmem>>)
      %dma_start3A_630 = arith.constant 0 : i32
      %dma_start3A_631 = tpu.memref_slice %arg8[%add3A_623, %dma_start3A_630] : memref<32x128xi32, #tpu.memory_space<vmem>> -> memref<1x128xi32, #tpu.memory_space<vmem>>
      %dma_start3A_632 = tpu.memref_squeeze %dma_start3A_631 : memref<1x128xi32, #tpu.memory_space<vmem>> -> memref<128xi32, #tpu.memory_space<vmem>>
      %dma_start3A_633 = arith.constant 0 : i32
      %dma_start3A_634 = arith.constant 0 : i32
      %dma_start3A_635 = tpu.memref_slice %arg12[%dma_start3A_633, %dma_start3A_634] : memref<8192x128xf32, #tpu.memory_space<vmem_shared>> -> memref<8192x128xf32, #tpu.memory_space<vmem_shared>>
      tpu.enqueue_indirect_dma source(%arg9 : memref<128x128xf32, #tpu.memory_space<vmem>>) target(%dma_start3A_635 : memref<8192x128xf32, #tpu.memory_space<vmem_shared>>) offsets(%dma_start3A_632 : memref<128xi32, #tpu.memory_space<vmem>>) semaphore(%arg16 : memref<!tpu.dma_semaphore, #tpu.memory_space<semaphore_mem>>) {add = true}
      %sub3A = arith.constant 1 : i32
      %sub3A_636 = arith.subi %add3A_623, %sub3A : i32
      %dma_wait3A_637 = arith.constant 0 : i32
      %dma_wait3A_638 = tpu.memref_slice %arg8[%sub3A_636, %dma_wait3A_637] : memref<32x128xi32, #tpu.memory_space<vmem>> -> memref<1x128xi32, #tpu.memory_space<vmem>>
      %dma_wait3A_639 = tpu.memref_squeeze %dma_wait3A_638 : memref<1x128xi32, #tpu.memory_space<vmem>> -> memref<128xi32, #tpu.memory_space<vmem>>
      %dma_wait3A_640 = arith.constant 0 : i32
      %dma_wait3A_641 = arith.constant 0 : i32
      %dma_wait3A_642 = tpu.memref_slice %arg12[%dma_wait3A_640, %dma_wait3A_641] : memref<8192x128xf32, #tpu.memory_space<vmem_shared>> -> memref<8192x128xf32, #tpu.memory_space<vmem_shared>>
      tpu.wait_indirect_dma semaphore(%arg18 : memref<!tpu.dma_semaphore, #tpu.memory_space<semaphore_mem>>) src(%arg11 : memref<128x128xf32, #tpu.memory_space<vmem>>) dst(%dma_wait3A_642 : memref<8192x128xf32, #tpu.memory_space<vmem_shared>>)
      %add3A_643 = arith.constant 2 : i32
      %add3A_644 = arith.addi %add3A_623, %add3A_643 : i32
      %dma_start3A_645 = arith.constant 0 : i32
      %dma_start3A_646 = tpu.memref_slice %arg7[%add3A_644, %dma_start3A_645] : memref<32x128xi32, #tpu.memory_space<vmem>> -> memref<1x128xi32, #tpu.memory_space<vmem>>
      %dma_start3A_647 = tpu.memref_squeeze %dma_start3A_646 : memref<1x128xi32, #tpu.memory_space<vmem>> -> memref<128xi32, #tpu.memory_space<vmem>>
      %dma_start3A_648 = arith.constant 0 : i32
      %dma_start3A_649 = arith.constant 0 : i32
      %dma_start3A_650 = tpu.memref_slice %arg2[%dma_start3A_648, %dma_start3A_649] : memref<12288x128xf32, #tpu.memory_space<hbm>> -> memref<12288x128xf32, #tpu.memory_space<hbm>>
      tpu.enqueue_indirect_dma source(%dma_start3A_650 : memref<12288x128xf32, #tpu.memory_space<hbm>>) target(%arg11 : memref<128x128xf32, #tpu.memory_space<vmem>>) offsets(%dma_start3A_647 : memref<128xi32, #tpu.memory_space<vmem>>) semaphore(%arg15 : memref<!tpu.dma_semaphore, #tpu.memory_space<semaphore_mem>>)
      %add3A_651 = arith.constant 1 : i32
      %add3A_652 = arith.addi %add3A_621, %add3A_651 : i32
      %dma_wait3A_653 = arith.constant 0 : i32
      %dma_wait3A_654 = tpu.memref_slice %arg7[%add3A_652, %dma_wait3A_653] : memref<32x128xi32, #tpu.memory_space<vmem>> -> memref<1x128xi32, #tpu.memory_space<vmem>>
      %dma_wait3A_655 = tpu.memref_squeeze %dma_wait3A_654 : memref<1x128xi32, #tpu.memory_space<vmem>> -> memref<128xi32, #tpu.memory_space<vmem>>
      %dma_wait3A_656 = arith.constant 0 : i32
      %dma_wait3A_657 = arith.constant 0 : i32
      %dma_wait3A_658 = tpu.memref_slice %arg2[%dma_wait3A_656, %dma_wait3A_657] : memref<12288x128xf32, #tpu.memory_space<hbm>> -> memref<12288x128xf32, #tpu.memory_space<hbm>>
      tpu.wait_indirect_dma semaphore(%arg14 : memref<!tpu.dma_semaphore, #tpu.memory_space<semaphore_mem>>) src(%dma_wait3A_658 : memref<12288x128xf32, #tpu.memory_space<hbm>>) dst(%arg10 : memref<128x128xf32, #tpu.memory_space<vmem>>)
      %dma_start3A_659 = arith.constant 0 : i32
      %dma_start3A_660 = tpu.memref_slice %arg8[%add3A_652, %dma_start3A_659] : memref<32x128xi32, #tpu.memory_space<vmem>> -> memref<1x128xi32, #tpu.memory_space<vmem>>
      %dma_start3A_661 = tpu.memref_squeeze %dma_start3A_660 : memref<1x128xi32, #tpu.memory_space<vmem>> -> memref<128xi32, #tpu.memory_space<vmem>>
      %dma_start3A_662 = arith.constant 0 : i32
      %dma_start3A_663 = arith.constant 0 : i32
      %dma_start3A_664 = tpu.memref_slice %arg12[%dma_start3A_662, %dma_start3A_663] : memref<8192x128xf32, #tpu.memory_space<vmem_shared>> -> memref<8192x128xf32, #tpu.memory_space<vmem_shared>>
      tpu.enqueue_indirect_dma source(%arg10 : memref<128x128xf32, #tpu.memory_space<vmem>>) target(%dma_start3A_664 : memref<8192x128xf32, #tpu.memory_space<vmem_shared>>) offsets(%dma_start3A_661 : memref<128xi32, #tpu.memory_space<vmem>>) semaphore(%arg17 : memref<!tpu.dma_semaphore, #tpu.memory_space<semaphore_mem>>) {add = true}
      %sub3A_665 = arith.constant 1 : i32
      %sub3A_666 = arith.subi %add3A_652, %sub3A_665 : i32
      %dma_wait3A_667 = arith.constant 0 : i32
      %dma_wait3A_668 = tpu.memref_slice %arg8[%sub3A_666, %dma_wait3A_667] : memref<32x128xi32, #tpu.memory_space<vmem>> -> memref<1x128xi32, #tpu.memory_space<vmem>>
      %dma_wait3A_669 = tpu.memref_squeeze %dma_wait3A_668 : memref<1x128xi32, #tpu.memory_space<vmem>> -> memref<128xi32, #tpu.memory_space<vmem>>
      %dma_wait3A_670 = arith.constant 0 : i32
      %dma_wait3A_671 = arith.constant 0 : i32
      %dma_wait3A_672 = tpu.memref_slice %arg12[%dma_wait3A_670, %dma_wait3A_671] : memref<8192x128xf32, #tpu.memory_space<vmem_shared>> -> memref<8192x128xf32, #tpu.memory_space<vmem_shared>>
      tpu.wait_indirect_dma semaphore(%arg16 : memref<!tpu.dma_semaphore, #tpu.memory_space<semaphore_mem>>) src(%arg9 : memref<128x128xf32, #tpu.memory_space<vmem>>) dst(%dma_wait3A_672 : memref<8192x128xf32, #tpu.memory_space<vmem_shared>>)
      %add3A_673 = arith.constant 2 : i32
      %add3A_674 = arith.addi %add3A_652, %add3A_673 : i32
      %dma_start3A_675 = arith.constant 0 : i32
      %dma_start3A_676 = tpu.memref_slice %arg7[%add3A_674, %dma_start3A_675] : memref<32x128xi32, #tpu.memory_space<vmem>> -> memref<1x128xi32, #tpu.memory_space<vmem>>
      %dma_start3A_677 = tpu.memref_squeeze %dma_start3A_676 : memref<1x128xi32, #tpu.memory_space<vmem>> -> memref<128xi32, #tpu.memory_space<vmem>>
      %dma_start3A_678 = arith.constant 0 : i32
      %dma_start3A_679 = arith.constant 0 : i32
      %dma_start3A_680 = tpu.memref_slice %arg2[%dma_start3A_678, %dma_start3A_679] : memref<12288x128xf32, #tpu.memory_space<hbm>> -> memref<12288x128xf32, #tpu.memory_space<hbm>>
      tpu.enqueue_indirect_dma source(%dma_start3A_680 : memref<12288x128xf32, #tpu.memory_space<hbm>>) target(%arg9 : memref<128x128xf32, #tpu.memory_space<vmem>>) offsets(%dma_start3A_677 : memref<128xi32, #tpu.memory_space<vmem>>) semaphore(%arg13 : memref<!tpu.dma_semaphore, #tpu.memory_space<semaphore_mem>>)
      %add3A_681 = arith.constant 2 : i32
      %add3A_682 = arith.addi %add3A_621, %add3A_681 : i32
      %dma_wait3A_683 = arith.constant 0 : i32
      %dma_wait3A_684 = tpu.memref_slice %arg7[%add3A_682, %dma_wait3A_683] : memref<32x128xi32, #tpu.memory_space<vmem>> -> memref<1x128xi32, #tpu.memory_space<vmem>>
      %dma_wait3A_685 = tpu.memref_squeeze %dma_wait3A_684 : memref<1x128xi32, #tpu.memory_space<vmem>> -> memref<128xi32, #tpu.memory_space<vmem>>
      %dma_wait3A_686 = arith.constant 0 : i32
      %dma_wait3A_687 = arith.constant 0 : i32
      %dma_wait3A_688 = tpu.memref_slice %arg2[%dma_wait3A_686, %dma_wait3A_687] : memref<12288x128xf32, #tpu.memory_space<hbm>> -> memref<12288x128xf32, #tpu.memory_space<hbm>>
      tpu.wait_indirect_dma semaphore(%arg15 : memref<!tpu.dma_semaphore, #tpu.memory_space<semaphore_mem>>) src(%dma_wait3A_688 : memref<12288x128xf32, #tpu.memory_space<hbm>>) dst(%arg11 : memref<128x128xf32, #tpu.memory_space<vmem>>)
      %dma_start3A_689 = arith.constant 0 : i32
      %dma_start3A_690 = tpu.memref_slice %arg8[%add3A_682, %dma_start3A_689] : memref<32x128xi32, #tpu.memory_space<vmem>> -> memref<1x128xi32, #tpu.memory_space<vmem>>
      %dma_start3A_691 = tpu.memref_squeeze %dma_start3A_690 : memref<1x128xi32, #tpu.memory_space<vmem>> -> memref<128xi32, #tpu.memory_space<vmem>>
      %dma_start3A_692 = arith.constant 0 : i32
      %dma_start3A_693 = arith.constant 0 : i32
      %dma_start3A_694 = tpu.memref_slice %arg12[%dma_start3A_692, %dma_start3A_693] : memref<8192x128xf32, #tpu.memory_space<vmem_shared>> -> memref<8192x128xf32, #tpu.memory_space<vmem_shared>>
      tpu.enqueue_indirect_dma source(%arg11 : memref<128x128xf32, #tpu.memory_space<vmem>>) target(%dma_start3A_694 : memref<8192x128xf32, #tpu.memory_space<vmem_shared>>) offsets(%dma_start3A_691 : memref<128xi32, #tpu.memory_space<vmem>>) semaphore(%arg18 : memref<!tpu.dma_semaphore, #tpu.memory_space<semaphore_mem>>) {add = true}
      %sub3A_695 = arith.constant 1 : i32
      %sub3A_696 = arith.subi %add3A_682, %sub3A_695 : i32
      %dma_wait3A_697 = arith.constant 0 : i32
      %dma_wait3A_698 = tpu.memref_slice %arg8[%sub3A_696, %dma_wait3A_697] : memref<32x128xi32, #tpu.memory_space<vmem>> -> memref<1x128xi32, #tpu.memory_space<vmem>>
      %dma_wait3A_699 = tpu.memref_squeeze %dma_wait3A_698 : memref<1x128xi32, #tpu.memory_space<vmem>> -> memref<128xi32, #tpu.memory_space<vmem>>
      %dma_wait3A_700 = arith.constant 0 : i32
      %dma_wait3A_701 = arith.constant 0 : i32
      %dma_wait3A_702 = tpu.memref_slice %arg12[%dma_wait3A_700, %dma_wait3A_701] : memref<8192x128xf32, #tpu.memory_space<vmem_shared>> -> memref<8192x128xf32, #tpu.memory_space<vmem_shared>>
      tpu.wait_indirect_dma semaphore(%arg17 : memref<!tpu.dma_semaphore, #tpu.memory_space<semaphore_mem>>) src(%arg10 : memref<128x128xf32, #tpu.memory_space<vmem>>) dst(%dma_wait3A_702 : memref<8192x128xf32, #tpu.memory_space<vmem_shared>>)
      %add3A_703 = arith.constant 2 : i32
      %add3A_704 = arith.addi %add3A_682, %add3A_703 : i32
      %dma_start3A_705 = arith.constant 0 : i32
      %dma_start3A_706 = tpu.memref_slice %arg7[%add3A_704, %dma_start3A_705] : memref<32x128xi32, #tpu.memory_space<vmem>> -> memref<1x128xi32, #tpu.memory_space<vmem>>
      %dma_start3A_707 = tpu.memref_squeeze %dma_start3A_706 : memref<1x128xi32, #tpu.memory_space<vmem>> -> memref<128xi32, #tpu.memory_space<vmem>>
      %dma_start3A_708 = arith.constant 0 : i32
      %dma_start3A_709 = arith.constant 0 : i32
      %dma_start3A_710 = tpu.memref_slice %arg2[%dma_start3A_708, %dma_start3A_709] : memref<12288x128xf32, #tpu.memory_space<hbm>> -> memref<12288x128xf32, #tpu.memory_space<hbm>>
      tpu.enqueue_indirect_dma source(%dma_start3A_710 : memref<12288x128xf32, #tpu.memory_space<hbm>>) target(%arg10 : memref<128x128xf32, #tpu.memory_space<vmem>>) offsets(%dma_start3A_707 : memref<128xi32, #tpu.memory_space<vmem>>) semaphore(%arg14 : memref<!tpu.dma_semaphore, #tpu.memory_space<semaphore_mem>>)
    }
    %scan3A_559 = arith.constant 9 : i32
    %dma_wait3A_560 = arith.constant 30 : i32
    %dma_wait3A_561 = arith.constant 0 : i32
    %dma_wait3A_562 = tpu.memref_slice %arg7[%dma_wait3A_560, %dma_wait3A_561] : memref<32x128xi32, #tpu.memory_space<vmem>> -> memref<1x128xi32, #tpu.memory_space<vmem>>
    %dma_wait3A_563 = tpu.memref_squeeze %dma_wait3A_562 : memref<1x128xi32, #tpu.memory_space<vmem>> -> memref<128xi32, #tpu.memory_space<vmem>>
    %dma_wait3A_564 = arith.constant 0 : i32
    %dma_wait3A_565 = arith.constant 0 : i32
    %dma_wait3A_566 = tpu.memref_slice %arg2[%dma_wait3A_564, %dma_wait3A_565] : memref<12288x128xf32, #tpu.memory_space<hbm>> -> memref<12288x128xf32, #tpu.memory_space<hbm>>
    tpu.wait_indirect_dma semaphore(%arg13 : memref<!tpu.dma_semaphore, #tpu.memory_space<semaphore_mem>>) src(%dma_wait3A_566 : memref<12288x128xf32, #tpu.memory_space<hbm>>) dst(%arg9 : memref<128x128xf32, #tpu.memory_space<vmem>>)
    %dma_start3A_567 = arith.constant 30 : i32
    %dma_start3A_568 = arith.constant 0 : i32
    %dma_start3A_569 = tpu.memref_slice %arg8[%dma_start3A_567, %dma_start3A_568] : memref<32x128xi32, #tpu.memory_space<vmem>> -> memref<1x128xi32, #tpu.memory_space<vmem>>
    %dma_start3A_570 = tpu.memref_squeeze %dma_start3A_569 : memref<1x128xi32, #tpu.memory_space<vmem>> -> memref<128xi32, #tpu.memory_space<vmem>>
    %dma_start3A_571 = arith.constant 0 : i32
    %dma_start3A_572 = arith.constant 0 : i32
    %dma_start3A_573 = tpu.memref_slice %arg12[%dma_start3A_571, %dma_start3A_572] : memref<8192x128xf32, #tpu.memory_space<vmem_shared>> -> memref<8192x128xf32, #tpu.memory_space<vmem_shared>>
    tpu.enqueue_indirect_dma source(%arg9 : memref<128x128xf32, #tpu.memory_space<vmem>>) target(%dma_start3A_573 : memref<8192x128xf32, #tpu.memory_space<vmem_shared>>) offsets(%dma_start3A_570 : memref<128xi32, #tpu.memory_space<vmem>>) semaphore(%arg16 : memref<!tpu.dma_semaphore, #tpu.memory_space<semaphore_mem>>) {add = true}
    %dma_wait3A_574 = arith.constant 29 : i32
    %dma_wait3A_575 = arith.constant 0 : i32
    %dma_wait3A_576 = tpu.memref_slice %arg8[%dma_wait3A_574, %dma_wait3A_575] : memref<32x128xi32, #tpu.memory_space<vmem>> -> memref<1x128xi32, #tpu.memory_space<vmem>>
    %dma_wait3A_577 = tpu.memref_squeeze %dma_wait3A_576 : memref<1x128xi32, #tpu.memory_space<vmem>> -> memref<128xi32, #tpu.memory_space<vmem>>
    %dma_wait3A_578 = arith.constant 0 : i32
    %dma_wait3A_579 = arith.constant 0 : i32
    %dma_wait3A_580 = tpu.memref_slice %arg12[%dma_wait3A_578, %dma_wait3A_579] : memref<8192x128xf32, #tpu.memory_space<vmem_shared>> -> memref<8192x128xf32, #tpu.memory_space<vmem_shared>>
    tpu.wait_indirect_dma semaphore(%arg18 : memref<!tpu.dma_semaphore, #tpu.memory_space<semaphore_mem>>) src(%arg11 : memref<128x128xf32, #tpu.memory_space<vmem>>) dst(%dma_wait3A_580 : memref<8192x128xf32, #tpu.memory_space<vmem_shared>>)
    %dma_wait3A_581 = arith.constant 31 : i32
    %dma_wait3A_582 = arith.constant 0 : i32
    %dma_wait3A_583 = tpu.memref_slice %arg7[%dma_wait3A_581, %dma_wait3A_582] : memref<32x128xi32, #tpu.memory_space<vmem>> -> memref<1x128xi32, #tpu.memory_space<vmem>>
    %dma_wait3A_584 = tpu.memref_squeeze %dma_wait3A_583 : memref<1x128xi32, #tpu.memory_space<vmem>> -> memref<128xi32, #tpu.memory_space<vmem>>
    %dma_wait3A_585 = arith.constant 0 : i32
    %dma_wait3A_586 = arith.constant 0 : i32
    %dma_wait3A_587 = tpu.memref_slice %arg2[%dma_wait3A_585, %dma_wait3A_586] : memref<12288x128xf32, #tpu.memory_space<hbm>> -> memref<12288x128xf32, #tpu.memory_space<hbm>>
    tpu.wait_indirect_dma semaphore(%arg14 : memref<!tpu.dma_semaphore, #tpu.memory_space<semaphore_mem>>) src(%dma_wait3A_587 : memref<12288x128xf32, #tpu.memory_space<hbm>>) dst(%arg10 : memref<128x128xf32, #tpu.memory_space<vmem>>)
    %dma_start3A_588 = arith.constant 31 : i32
    %dma_start3A_589 = arith.constant 0 : i32
    %dma_start3A_590 = tpu.memref_slice %arg8[%dma_start3A_588, %dma_start3A_589] : memref<32x128xi32, #tpu.memory_space<vmem>> -> memref<1x128xi32, #tpu.memory_space<vmem>>
    %dma_start3A_591 = tpu.memref_squeeze %dma_start3A_590 : memref<1x128xi32, #tpu.memory_space<vmem>> -> memref<128xi32, #tpu.memory_space<vmem>>
    %dma_start3A_592 = arith.constant 0 : i32
    %dma_start3A_593 = arith.constant 0 : i32
    %dma_start3A_594 = tpu.memref_slice %arg12[%dma_start3A_592, %dma_start3A_593] : memref<8192x128xf32, #tpu.memory_space<vmem_shared>> -> memref<8192x128xf32, #tpu.memory_space<vmem_shared>>
    tpu.enqueue_indirect_dma source(%arg10 : memref<128x128xf32, #tpu.memory_space<vmem>>) target(%dma_start3A_594 : memref<8192x128xf32, #tpu.memory_space<vmem_shared>>) offsets(%dma_start3A_591 : memref<128xi32, #tpu.memory_space<vmem>>) semaphore(%arg17 : memref<!tpu.dma_semaphore, #tpu.memory_space<semaphore_mem>>) {add = true}
    %dma_wait3A_595 = arith.constant 30 : i32
    %dma_wait3A_596 = arith.constant 0 : i32
    %dma_wait3A_597 = tpu.memref_slice %arg8[%dma_wait3A_595, %dma_wait3A_596] : memref<32x128xi32, #tpu.memory_space<vmem>> -> memref<1x128xi32, #tpu.memory_space<vmem>>
    %dma_wait3A_598 = tpu.memref_squeeze %dma_wait3A_597 : memref<1x128xi32, #tpu.memory_space<vmem>> -> memref<128xi32, #tpu.memory_space<vmem>>
    %dma_wait3A_599 = arith.constant 0 : i32
    %dma_wait3A_600 = arith.constant 0 : i32
    %dma_wait3A_601 = tpu.memref_slice %arg12[%dma_wait3A_599, %dma_wait3A_600] : memref<8192x128xf32, #tpu.memory_space<vmem_shared>> -> memref<8192x128xf32, #tpu.memory_space<vmem_shared>>
    tpu.wait_indirect_dma semaphore(%arg16 : memref<!tpu.dma_semaphore, #tpu.memory_space<semaphore_mem>>) src(%arg9 : memref<128x128xf32, #tpu.memory_space<vmem>>) dst(%dma_wait3A_601 : memref<8192x128xf32, #tpu.memory_space<vmem_shared>>)
    %dma_wait3A_602 = arith.constant 31 : i32
    %dma_wait3A_603 = arith.constant 0 : i32
    %dma_wait3A_604 = tpu.memref_slice %arg8[%dma_wait3A_602, %dma_wait3A_603] : memref<32x128xi32, #tpu.memory_space<vmem>> -> memref<1x128xi32, #tpu.memory_space<vmem>>
    %dma_wait3A_605 = tpu.memref_squeeze %dma_wait3A_604 : memref<1x128xi32, #tpu.memory_space<vmem>> -> memref<128xi32, #tpu.memory_space<vmem>>
    %dma_wait3A_606 = arith.constant 0 : i32
    %dma_wait3A_607 = arith.constant 0 : i32
    %dma_wait3A_608 = tpu.memref_slice %arg12[%dma_wait3A_606, %dma_wait3A_607] : memref<8192x128xf32, #tpu.memory_space<vmem_shared>> -> memref<8192x128xf32, #tpu.memory_space<vmem_shared>>
    tpu.wait_indirect_dma semaphore(%arg17 : memref<!tpu.dma_semaphore, #tpu.memory_space<semaphore_mem>>) src(%arg10 : memref<128x128xf32, #tpu.memory_space<vmem>>) dst(%dma_wait3A_608 : memref<8192x128xf32, #tpu.memory_space<vmem_shared>>)
    %barrier3A_609 = arith.constant 0 : index
    tpu.barrier barrier_id(%barrier3A_609)
    %eq3A = arith.constant 0 : i32
    %eq3A_610 = arith.cmpi eq, %arg0, %eq3A : i32
    %convert_element_type3A = arith.extui %eq3A_610 : i1 to i32
    %cond3A = arith.constant 0 : i32
    %cond3A_611 = arith.cmpi ne, %convert_element_type3A, %cond3A : i32
    scf.if %cond3A_611 {
      %mul3A_617 = arith.constant 512 : i32
      %mul3A_618 = arith.muli %arg1, %mul3A_617 : i32
      %mul3A_619 = arith.constant 512 : i32
      %mul3A_620 = arith.muli %arg1, %mul3A_619 : i32
      %add3A_621 = arith.constant 4096 : i32
      %add3A_622 = arith.addi %add3A_621, %mul3A_620 : i32
      "tpu.region"() ({
        %run_scoped3A = tpu.sem_alloc : memref<!tpu.dma_semaphore, #tpu.memory_space<semaphore_mem>>
        %dma_start3A_623 = arith.constant 0 : i32
        %dma_start3A_624 = tpu.memref_slice %arg6[%add3A_622, %dma_start3A_623] : memref<12288x128xf32, #tpu.memory_space<hbm>> -> memref<512x128xf32, #tpu.memory_space<hbm>>
        %dma_start3A_625 = arith.constant 0 : i32
        %dma_start3A_626 = tpu.memref_slice %arg12[%mul3A_618, %dma_start3A_625] : memref<8192x128xf32, #tpu.memory_space<vmem_shared>> -> memref<512x128xf32, #tpu.memory_space<vmem_shared>>
        tpu.enqueue_dma source(%dma_start3A_626 : memref<512x128xf32, #tpu.memory_space<vmem_shared>>) target(%dma_start3A_624 : memref<512x128xf32, #tpu.memory_space<hbm>>) target_semaphore(%run_scoped3A : memref<!tpu.dma_semaphore, #tpu.memory_space<semaphore_mem>>)
        %dma_wait3A_627 = arith.constant 0 : i32
        %dma_wait3A_628 = tpu.memref_slice %arg6[%add3A_622, %dma_wait3A_627] : memref<12288x128xf32, #tpu.memory_space<hbm>> -> memref<512x128xf32, #tpu.memory_space<hbm>>
        %dma_wait3A_629 = arith.constant 0 : i32
        %dma_wait3A_630 = tpu.memref_slice %arg12[%mul3A_618, %dma_wait3A_629] : memref<8192x128xf32, #tpu.memory_space<vmem_shared>> -> memref<512x128xf32, #tpu.memory_space<vmem_shared>>
        tpu.wait_dma2 semaphore(%run_scoped3A : memref<!tpu.dma_semaphore, #tpu.memory_space<semaphore_mem>>) src(%dma_wait3A_630 : memref<512x128xf32, #tpu.memory_space<vmem_shared>>) dst(%dma_wait3A_628 : memref<512x128xf32, #tpu.memory_space<hbm>>)
        tpu.yield
      }) : () -> ()
    } else {
    }
    %eq3A_612 = arith.constant 1 : i32
    %eq3A_613 = arith.cmpi eq, %arg0, %eq3A_612 : i32
    %convert_element_type3A_614 = arith.extui %eq3A_613 : i1 to i32
    %cond3A_615 = arith.constant 0 : i32
    %cond3A_616 = arith.cmpi ne, %convert_element_type3A_614, %cond3A_615 : i32
    scf.if %cond3A_616 {
      %mul3A_617 = arith.constant 256 : i32
      %mul3A_618 = arith.muli %arg1, %mul3A_617 : i32
      %mul3A_619 = arith.constant 256 : i32
      %mul3A_620 = arith.muli %arg1, %mul3A_619 : i32
      "tpu.region"() ({
        %run_scoped3A = tpu.sem_alloc : memref<!tpu.dma_semaphore, #tpu.memory_space<semaphore_mem>>
        %dma_start3A_621 = arith.constant 0 : i32
        %dma_start3A_622 = tpu.memref_slice %arg6[%mul3A_620, %dma_start3A_621] : memref<12288x128xf32, #tpu.memory_space<hbm>> -> memref<256x128xf32, #tpu.memory_space<hbm>>
        %dma_start3A_623 = arith.constant 0 : i32
        %dma_start3A_624 = tpu.memref_slice %arg12[%mul3A_618, %dma_start3A_623] : memref<8192x128xf32, #tpu.memory_space<vmem_shared>> -> memref<256x128xf32, #tpu.memory_space<vmem_shared>>
        tpu.enqueue_dma source(%dma_start3A_624 : memref<256x128xf32, #tpu.memory_space<vmem_shared>>) target(%dma_start3A_622 : memref<256x128xf32, #tpu.memory_space<hbm>>) target_semaphore(%run_scoped3A : memref<!tpu.dma_semaphore, #tpu.memory_space<semaphore_mem>>)
        %dma_wait3A_625 = arith.constant 0 : i32
        %dma_wait3A_626 = tpu.memref_slice %arg6[%mul3A_620, %dma_wait3A_625] : memref<12288x128xf32, #tpu.memory_space<hbm>> -> memref<256x128xf32, #tpu.memory_space<hbm>>
        %dma_wait3A_627 = arith.constant 0 : i32
        %dma_wait3A_628 = tpu.memref_slice %arg12[%mul3A_618, %dma_wait3A_627] : memref<8192x128xf32, #tpu.memory_space<vmem_shared>> -> memref<256x128xf32, #tpu.memory_space<vmem_shared>>
        tpu.wait_dma2 semaphore(%run_scoped3A : memref<!tpu.dma_semaphore, #tpu.memory_space<semaphore_mem>>) src(%dma_wait3A_628 : memref<256x128xf32, #tpu.memory_space<vmem_shared>>) dst(%dma_wait3A_626 : memref<256x128xf32, #tpu.memory_space<hbm>>)
        tpu.yield
      }) : () -> ()
    } else {
    }
    return
  }
}

module attributes {stable_mosaic.version = 14 : i64} {
  func.func @_compose_body(%arg0: memref<256x256xf32, #tpu.memory_space<vmem>>, %arg1: memref<256x256xf32, #tpu.memory_space<vmem>>, %arg2: memref<1x256xf32, #tpu.memory_space<vmem>>, %arg3: memref<256x256xf32, #tpu.memory_space<vmem>>, %arg4: memref<256x256xf32, #tpu.memory_space<vmem>>, %arg5: memref<1x256xf32, #tpu.memory_space<vmem>>, %arg6: memref<256x256xf32, #tpu.memory_space<vmem>>, %arg7: memref<256x256xf32, #tpu.memory_space<vmem>>, %arg8: memref<1x256xf32, #tpu.memory_space<vmem>>, %arg9: memref<256x256xf32, #tpu.memory_space<vmem>>, %arg10: memref<256x256xf32, #tpu.memory_space<vmem>>, %arg11: memref<1x256xf32, #tpu.memory_space<vmem>>, %arg12: memref<256x64xf32, #tpu.memory_space<vmem>>, %arg13: memref<1x64xf32, #tpu.memory_space<vmem>>, %arg14: memref<256x64xf32, #tpu.memory_space<vmem>>, %arg15: memref<1x64xf32, #tpu.memory_space<vmem>>, %arg16: memref<256x128xf32, #tpu.memory_space<vmem>>, %arg17: memref<256x128xf32, #tpu.memory_space<vmem>>, %arg18: memref<1x128xf32, #tpu.memory_space<vmem>>, %arg19: memref<256x128xf32, #tpu.memory_space<vmem>>, %arg20: memref<256x128xf32, #tpu.memory_space<vmem>>, %arg21: memref<1x128xf32, #tpu.memory_space<vmem>>) attributes {dimension_semantics = [], scalar_prefetch = 0 : i64, scratch_operands = 0 : i64, tpu.core_type = #tpu.core_type<tc>} {
    %get3A = arith.constant 0 : index
    %get3A_0 = arith.constant 0 : index
    %get3A_1 = vector.load %arg9[%get3A, %get3A_0] : memref<256x256xf32, #tpu.memory_space<vmem>>, vector<256x256xf32>
    %get3A_2 = arith.constant 0 : index
    %get3A_3 = arith.constant 0 : index
    %get3A_4 = vector.load %arg12[%get3A_2, %get3A_3] : memref<256x64xf32, #tpu.memory_space<vmem>>, vector<256x64xf32>
    %dot_general3A = arith.constant dense<0.000000e+00> : vector<256x64xf32>
    %dot_general3A_5 = tpu.matmul %get3A_1, %get3A_4, %dot_general3A {dimension_numbers = #tpu.dot_dimension_numbers<[1], [0], [0], [1], [0, 0, 1, 1], [], []>, transpose_lhs_hint = false} : vector<256x256xf32>, vector<256x64xf32>, vector<256x64xf32> -> vector<256x64xf32>
    %get3A_6 = arith.constant 0 : index
    %get3A_7 = arith.constant 0 : index
    %get3A_8 = vector.load %arg7[%get3A_6, %get3A_7] : memref<256x256xf32, #tpu.memory_space<vmem>>, vector<256x256xf32>
    %get3A_9 = arith.constant 0 : index
    %get3A_10 = arith.constant 0 : index
    %get3A_11 = vector.load %arg14[%get3A_9, %get3A_10] : memref<256x64xf32, #tpu.memory_space<vmem>>, vector<256x64xf32>
    %dot_general3A_12 = arith.constant dense<0.000000e+00> : vector<256x64xf32>
    %dot_general3A_13 = tpu.matmul %get3A_8, %get3A_11, %dot_general3A_12 {dimension_numbers = #tpu.dot_dimension_numbers<[1], [0], [0], [1], [0, 0, 1, 1], [], []>, transpose_lhs_hint = false} : vector<256x256xf32>, vector<256x64xf32>, vector<256x64xf32> -> vector<256x64xf32>
    %get3A_14 = arith.constant 0 : index
    %get3A_15 = arith.constant 0 : index
    %get3A_16 = vector.load %arg8[%get3A_14, %get3A_15] : memref<1x256xf32, #tpu.memory_space<vmem>>, vector<1x256xf32>
    %get3A_17 = arith.constant 0 : index
    %get3A_18 = arith.constant 0 : index
    %get3A_19 = vector.load %arg14[%get3A_17, %get3A_18] : memref<256x64xf32, #tpu.memory_space<vmem>>, vector<256x64xf32>
    %dot_general3A_20 = arith.constant dense<0.000000e+00> : vector<1x64xf32>
    %dot_general3A_21 = tpu.matmul %get3A_16, %get3A_19, %dot_general3A_20 {dimension_numbers = #tpu.dot_dimension_numbers<[1], [0], [0], [1], [0, 0, 1, 1], [], []>, transpose_lhs_hint = false} : vector<1x256xf32>, vector<256x64xf32>, vector<1x64xf32> -> vector<1x64xf32>
    %get3A_22 = arith.constant 0 : index
    %get3A_23 = arith.constant 0 : index
    %get3A_24 = vector.load %arg15[%get3A_22, %get3A_23] : memref<1x64xf32, #tpu.memory_space<vmem>>, vector<1x64xf32>
    %add3A = arith.addf %dot_general3A_21, %get3A_24 : vector<1x64xf32>
    %get3A_25 = arith.constant 0 : index
    %get3A_26 = arith.constant 0 : index
    %get3A_27 = vector.load %arg6[%get3A_25, %get3A_26] : memref<256x256xf32, #tpu.memory_space<vmem>>, vector<256x256xf32>
    %get3A_28 = arith.constant 0 : index
    %get3A_29 = arith.constant 0 : index
    %get3A_30 = vector.load %arg14[%get3A_28, %get3A_29] : memref<256x64xf32, #tpu.memory_space<vmem>>, vector<256x64xf32>
    %dot_general3A_31 = arith.constant dense<0.000000e+00> : vector<256x64xf32>
    %dot_general3A_32 = tpu.matmul %get3A_27, %get3A_30, %dot_general3A_31 {dimension_numbers = #tpu.dot_dimension_numbers<[1], [0], [0], [1], [0, 0, 1, 1], [], []>, transpose_lhs_hint = false} : vector<256x256xf32>, vector<256x64xf32>, vector<256x64xf32> -> vector<256x64xf32>
    %get3A_33 = arith.constant 0 : index
    %get3A_34 = arith.constant 0 : index
    %get3A_35 = vector.load %arg10[%get3A_33, %get3A_34] : memref<256x256xf32, #tpu.memory_space<vmem>>, vector<256x256xf32>
    %get3A_36 = arith.constant 0 : index
    %get3A_37 = arith.constant 0 : index
    %get3A_38 = vector.load %arg12[%get3A_36, %get3A_37] : memref<256x64xf32, #tpu.memory_space<vmem>>, vector<256x64xf32>
    %dot_general3A_39 = arith.constant dense<0.000000e+00> : vector<256x64xf32>
    %dot_general3A_40 = tpu.matmul %get3A_35, %get3A_38, %dot_general3A_39 {dimension_numbers = #tpu.dot_dimension_numbers<[1], [0], [0], [1], [0, 0, 1, 1], [], []>, transpose_lhs_hint = false} : vector<256x256xf32>, vector<256x64xf32>, vector<256x64xf32> -> vector<256x64xf32>
    %get3A_41 = arith.constant 0 : index
    %get3A_42 = arith.constant 0 : index
    %get3A_43 = vector.load %arg11[%get3A_41, %get3A_42] : memref<1x256xf32, #tpu.memory_space<vmem>>, vector<1x256xf32>
    %get3A_44 = arith.constant 0 : index
    %get3A_45 = arith.constant 0 : index
    %get3A_46 = vector.load %arg12[%get3A_44, %get3A_45] : memref<256x64xf32, #tpu.memory_space<vmem>>, vector<256x64xf32>
    %dot_general3A_47 = arith.constant dense<0.000000e+00> : vector<1x64xf32>
    %dot_general3A_48 = tpu.matmul %get3A_43, %get3A_46, %dot_general3A_47 {dimension_numbers = #tpu.dot_dimension_numbers<[1], [0], [0], [1], [0, 0, 1, 1], [], []>, transpose_lhs_hint = false} : vector<1x256xf32>, vector<256x64xf32>, vector<1x64xf32> -> vector<1x64xf32>
    %get3A_49 = arith.constant 0 : index
    %get3A_50 = arith.constant 0 : index
    %get3A_51 = vector.load %arg13[%get3A_49, %get3A_50] : memref<1x64xf32, #tpu.memory_space<vmem>>, vector<1x64xf32>
    %add3A_52 = arith.addf %dot_general3A_48, %get3A_51 : vector<1x64xf32>
    %get3A_53 = arith.constant 0 : index
    %get3A_54 = arith.constant 0 : index
    %get3A_55 = vector.load %arg0[%get3A_53, %get3A_54] : memref<256x256xf32, #tpu.memory_space<vmem>>, vector<256x256xf32>
    %dot_general3A_56 = arith.constant dense<0.000000e+00> : vector<256x64xf32>
    %dot_general3A_57 = tpu.matmul %get3A_55, %dot_general3A_5, %dot_general3A_56 {dimension_numbers = #tpu.dot_dimension_numbers<[1], [0], [0], [1], [0, 0, 1, 1], [], []>, transpose_lhs_hint = false} : vector<256x256xf32>, vector<256x64xf32>, vector<256x64xf32> -> vector<256x64xf32>
    %swap3A = arith.constant 0 : index
    %swap3A_58 = arith.constant 0 : index
    %swap3A_59 = vector.load %arg16[%swap3A, %swap3A_58] : memref<256x128xf32, #tpu.memory_space<vmem>>, vector<256x64xf32>
    tpu.vector_store %arg16[%swap3A, %swap3A_58], %dot_general3A_57 {strides = array<i32>} : memref<256x128xf32, #tpu.memory_space<vmem>>, vector<256x64xf32>,
    %get3A_60 = arith.constant 0 : index
    %get3A_61 = arith.constant 0 : index
    %get3A_62 = vector.load %arg0[%get3A_60, %get3A_61] : memref<256x256xf32, #tpu.memory_space<vmem>>, vector<256x256xf32>
    %dot_general3A_63 = arith.constant dense<0.000000e+00> : vector<256x64xf32>
    %dot_general3A_64 = tpu.matmul %get3A_62, %dot_general3A_13, %dot_general3A_63 {dimension_numbers = #tpu.dot_dimension_numbers<[1], [0], [0], [1], [0, 0, 1, 1], [], []>, transpose_lhs_hint = false} : vector<256x256xf32>, vector<256x64xf32>, vector<256x64xf32> -> vector<256x64xf32>
    %swap3A_65 = arith.constant 0 : index
    %swap3A_66 = arith.constant 64 : index
    %swap3A_67 = vector.load %arg16[%swap3A_65, %swap3A_66] : memref<256x128xf32, #tpu.memory_space<vmem>>, vector<256x64xf32>
    tpu.vector_store %arg16[%swap3A_65, %swap3A_66], %dot_general3A_64 {strides = array<i32>} : memref<256x128xf32, #tpu.memory_space<vmem>>, vector<256x64xf32>,
    %get3A_68 = arith.constant 0 : index
    %get3A_69 = arith.constant 0 : index
    %get3A_70 = vector.load %arg1[%get3A_68, %get3A_69] : memref<256x256xf32, #tpu.memory_space<vmem>>, vector<256x256xf32>
    %dot_general3A_71 = arith.constant dense<0.000000e+00> : vector<256x64xf32>
    %dot_general3A_72 = tpu.matmul %get3A_70, %dot_general3A_5, %dot_general3A_71 {dimension_numbers = #tpu.dot_dimension_numbers<[1], [0], [0], [1], [0, 0, 1, 1], [], []>, transpose_lhs_hint = false} : vector<256x256xf32>, vector<256x64xf32>, vector<256x64xf32> -> vector<256x64xf32>
    %swap3A_73 = arith.constant 0 : index
    %swap3A_74 = arith.constant 0 : index
    %swap3A_75 = vector.load %arg17[%swap3A_73, %swap3A_74] : memref<256x128xf32, #tpu.memory_space<vmem>>, vector<256x64xf32>
    tpu.vector_store %arg17[%swap3A_73, %swap3A_74], %dot_general3A_72 {strides = array<i32>} : memref<256x128xf32, #tpu.memory_space<vmem>>, vector<256x64xf32>,
    %get3A_76 = arith.constant 0 : index
    %get3A_77 = arith.constant 0 : index
    %get3A_78 = vector.load %arg1[%get3A_76, %get3A_77] : memref<256x256xf32, #tpu.memory_space<vmem>>, vector<256x256xf32>
    %dot_general3A_79 = arith.constant dense<0.000000e+00> : vector<256x64xf32>
    %dot_general3A_80 = tpu.matmul %get3A_78, %dot_general3A_13, %dot_general3A_79 {dimension_numbers = #tpu.dot_dimension_numbers<[1], [0], [0], [1], [0, 0, 1, 1], [], []>, transpose_lhs_hint = false} : vector<256x256xf32>, vector<256x64xf32>, vector<256x64xf32> -> vector<256x64xf32>
    %swap3A_81 = arith.constant 0 : index
    %swap3A_82 = arith.constant 64 : index
    %swap3A_83 = vector.load %arg17[%swap3A_81, %swap3A_82] : memref<256x128xf32, #tpu.memory_space<vmem>>, vector<256x64xf32>
    tpu.vector_store %arg17[%swap3A_81, %swap3A_82], %dot_general3A_80 {strides = array<i32>} : memref<256x128xf32, #tpu.memory_space<vmem>>, vector<256x64xf32>,
    %get3A_84 = arith.constant 0 : index
    %get3A_85 = arith.constant 0 : index
    %get3A_86 = vector.load %arg2[%get3A_84, %get3A_85] : memref<1x256xf32, #tpu.memory_space<vmem>>, vector<1x256xf32>
    %dot_general3A_87 = arith.constant dense<0.000000e+00> : vector<1x64xf32>
    %dot_general3A_88 = tpu.matmul %get3A_86, %dot_general3A_5, %dot_general3A_87 {dimension_numbers = #tpu.dot_dimension_numbers<[1], [0], [0], [1], [0, 0, 1, 1], [], []>, transpose_lhs_hint = false} : vector<1x256xf32>, vector<256x64xf32>, vector<1x64xf32> -> vector<1x64xf32>
    %swap3A_89 = arith.constant 0 : index
    %swap3A_90 = arith.constant 0 : index
    %swap3A_91 = vector.load %arg18[%swap3A_89, %swap3A_90] : memref<1x128xf32, #tpu.memory_space<vmem>>, vector<1x64xf32>
    tpu.vector_store %arg18[%swap3A_89, %swap3A_90], %dot_general3A_88 {strides = array<i32>} : memref<1x128xf32, #tpu.memory_space<vmem>>, vector<1x64xf32>,
    %get3A_92 = arith.constant 0 : index
    %get3A_93 = arith.constant 0 : index
    %get3A_94 = vector.load %arg2[%get3A_92, %get3A_93] : memref<1x256xf32, #tpu.memory_space<vmem>>, vector<1x256xf32>
    %dot_general3A_95 = arith.constant dense<0.000000e+00> : vector<1x64xf32>
    %dot_general3A_96 = tpu.matmul %get3A_94, %dot_general3A_13, %dot_general3A_95 {dimension_numbers = #tpu.dot_dimension_numbers<[1], [0], [0], [1], [0, 0, 1, 1], [], []>, transpose_lhs_hint = false} : vector<1x256xf32>, vector<256x64xf32>, vector<1x64xf32> -> vector<1x64xf32>
    %add3A_97 = arith.addf %dot_general3A_96, %add3A : vector<1x64xf32>
    %swap3A_98 = arith.constant 0 : index
    %swap3A_99 = arith.constant 64 : index
    %swap3A_100 = vector.load %arg18[%swap3A_98, %swap3A_99] : memref<1x128xf32, #tpu.memory_space<vmem>>, vector<1x64xf32>
    tpu.vector_store %arg18[%swap3A_98, %swap3A_99], %add3A_97 {strides = array<i32>} : memref<1x128xf32, #tpu.memory_space<vmem>>, vector<1x64xf32>,
    %get3A_101 = arith.constant 0 : index
    %get3A_102 = arith.constant 0 : index
    %get3A_103 = vector.load %arg3[%get3A_101, %get3A_102] : memref<256x256xf32, #tpu.memory_space<vmem>>, vector<256x256xf32>
    %dot_general3A_104 = arith.constant dense<0.000000e+00> : vector<256x64xf32>
    %dot_general3A_105 = tpu.matmul %get3A_103, %dot_general3A_32, %dot_general3A_104 {dimension_numbers = #tpu.dot_dimension_numbers<[1], [0], [0], [1], [0, 0, 1, 1], [], []>, transpose_lhs_hint = false} : vector<256x256xf32>, vector<256x64xf32>, vector<256x64xf32> -> vector<256x64xf32>
    %swap3A_106 = arith.constant 0 : index
    %swap3A_107 = arith.constant 0 : index
    %swap3A_108 = vector.load %arg19[%swap3A_106, %swap3A_107] : memref<256x128xf32, #tpu.memory_space<vmem>>, vector<256x64xf32>
    tpu.vector_store %arg19[%swap3A_106, %swap3A_107], %dot_general3A_105 {strides = array<i32>} : memref<256x128xf32, #tpu.memory_space<vmem>>, vector<256x64xf32>,
    %get3A_109 = arith.constant 0 : index
    %get3A_110 = arith.constant 0 : index
    %get3A_111 = vector.load %arg3[%get3A_109, %get3A_110] : memref<256x256xf32, #tpu.memory_space<vmem>>, vector<256x256xf32>
    %dot_general3A_112 = arith.constant dense<0.000000e+00> : vector<256x64xf32>
    %dot_general3A_113 = tpu.matmul %get3A_111, %dot_general3A_40, %dot_general3A_112 {dimension_numbers = #tpu.dot_dimension_numbers<[1], [0], [0], [1], [0, 0, 1, 1], [], []>, transpose_lhs_hint = false} : vector<256x256xf32>, vector<256x64xf32>, vector<256x64xf32> -> vector<256x64xf32>
    %swap3A_114 = arith.constant 0 : index
    %swap3A_115 = arith.constant 64 : index
    %swap3A_116 = vector.load %arg19[%swap3A_114, %swap3A_115] : memref<256x128xf32, #tpu.memory_space<vmem>>, vector<256x64xf32>
    tpu.vector_store %arg19[%swap3A_114, %swap3A_115], %dot_general3A_113 {strides = array<i32>} : memref<256x128xf32, #tpu.memory_space<vmem>>, vector<256x64xf32>,
    %get3A_117 = arith.constant 0 : index
    %get3A_118 = arith.constant 0 : index
    %get3A_119 = vector.load %arg4[%get3A_117, %get3A_118] : memref<256x256xf32, #tpu.memory_space<vmem>>, vector<256x256xf32>
    %dot_general3A_120 = arith.constant dense<0.000000e+00> : vector<256x64xf32>
    %dot_general3A_121 = tpu.matmul %get3A_119, %dot_general3A_32, %dot_general3A_120 {dimension_numbers = #tpu.dot_dimension_numbers<[1], [0], [0], [1], [0, 0, 1, 1], [], []>, transpose_lhs_hint = false} : vector<256x256xf32>, vector<256x64xf32>, vector<256x64xf32> -> vector<256x64xf32>
    %swap3A_122 = arith.constant 0 : index
    %swap3A_123 = arith.constant 0 : index
    %swap3A_124 = vector.load %arg20[%swap3A_122, %swap3A_123] : memref<256x128xf32, #tpu.memory_space<vmem>>, vector<256x64xf32>
    tpu.vector_store %arg20[%swap3A_122, %swap3A_123], %dot_general3A_121 {strides = array<i32>} : memref<256x128xf32, #tpu.memory_space<vmem>>, vector<256x64xf32>,
    %get3A_125 = arith.constant 0 : index
    %get3A_126 = arith.constant 0 : index
    %get3A_127 = vector.load %arg4[%get3A_125, %get3A_126] : memref<256x256xf32, #tpu.memory_space<vmem>>, vector<256x256xf32>
    %dot_general3A_128 = arith.constant dense<0.000000e+00> : vector<256x64xf32>
    %dot_general3A_129 = tpu.matmul %get3A_127, %dot_general3A_40, %dot_general3A_128 {dimension_numbers = #tpu.dot_dimension_numbers<[1], [0], [0], [1], [0, 0, 1, 1], [], []>, transpose_lhs_hint = false} : vector<256x256xf32>, vector<256x64xf32>, vector<256x64xf32> -> vector<256x64xf32>
    %swap3A_130 = arith.constant 0 : index
    %swap3A_131 = arith.constant 64 : index
    %swap3A_132 = vector.load %arg20[%swap3A_130, %swap3A_131] : memref<256x128xf32, #tpu.memory_space<vmem>>, vector<256x64xf32>
    tpu.vector_store %arg20[%swap3A_130, %swap3A_131], %dot_general3A_129 {strides = array<i32>} : memref<256x128xf32, #tpu.memory_space<vmem>>, vector<256x64xf32>,
    %get3A_133 = arith.constant 0 : index
    %get3A_134 = arith.constant 0 : index
    %get3A_135 = vector.load %arg5[%get3A_133, %get3A_134] : memref<1x256xf32, #tpu.memory_space<vmem>>, vector<1x256xf32>
    %dot_general3A_136 = arith.constant dense<0.000000e+00> : vector<1x64xf32>
    %dot_general3A_137 = tpu.matmul %get3A_135, %dot_general3A_32, %dot_general3A_136 {dimension_numbers = #tpu.dot_dimension_numbers<[1], [0], [0], [1], [0, 0, 1, 1], [], []>, transpose_lhs_hint = false} : vector<1x256xf32>, vector<256x64xf32>, vector<1x64xf32> -> vector<1x64xf32>
    %swap3A_138 = arith.constant 0 : index
    %swap3A_139 = arith.constant 0 : index
    %swap3A_140 = vector.load %arg21[%swap3A_138, %swap3A_139] : memref<1x128xf32, #tpu.memory_space<vmem>>, vector<1x64xf32>
    tpu.vector_store %arg21[%swap3A_138, %swap3A_139], %dot_general3A_137 {strides = array<i32>} : memref<1x128xf32, #tpu.memory_space<vmem>>, vector<1x64xf32>,
    %get3A_141 = arith.constant 0 : index
    %get3A_142 = arith.constant 0 : index
    %get3A_143 = vector.load %arg5[%get3A_141, %get3A_142] : memref<1x256xf32, #tpu.memory_space<vmem>>, vector<1x256xf32>
    %dot_general3A_144 = arith.constant dense<0.000000e+00> : vector<1x64xf32>
    %dot_general3A_145 = tpu.matmul %get3A_143, %dot_general3A_40, %dot_general3A_144 {dimension_numbers = #tpu.dot_dimension_numbers<[1], [0], [0], [1], [0, 0, 1, 1], [], []>, transpose_lhs_hint = false} : vector<1x256xf32>, vector<256x64xf32>, vector<1x64xf32> -> vector<1x64xf32>
    %add3A_146 = arith.addf %dot_general3A_145, %add3A_52 : vector<1x64xf32>
    %swap3A_147 = arith.constant 0 : index
    %swap3A_148 = arith.constant 64 : index
    %swap3A_149 = vector.load %arg21[%swap3A_147, %swap3A_148] : memref<1x128xf32, #tpu.memory_space<vmem>>, vector<1x64xf32>
    tpu.vector_store %arg21[%swap3A_147, %swap3A_148], %add3A_146 {strides = array<i32>} : memref<1x128xf32, #tpu.memory_space<vmem>>, vector<1x64xf32>,
    return
  }
}

module attributes {stable_mosaic.version = 14 : i64} {
  func.func @_proj_body(%arg0: i32, %arg1: memref<256x256xf32, #tpu.memory_space<vmem>>, %arg2: memref<256x128xf32, #tpu.memory_space<vmem>>, %arg3: memref<256x128xf32, #tpu.memory_space<vmem>>, %arg4: memref<1x128xf32, #tpu.memory_space<vmem>>, %arg5: memref<256x128xf32, #tpu.memory_space<vmem>>, %arg6: memref<256x128xf32, #tpu.memory_space<vmem>>) attributes {dimension_semantics = [#tpu.dimension_semantics<arbitrary>], iteration_bounds = array<i64: 16>, scalar_prefetch = 0 : i64, scratch_operands = 0 : i64, tpu.core_type = #tpu.core_type<tc>, window_params = [{transform_indices = @transform_0, window_bounds = array<i64: 256, 256>}, {pipeline_mode = #tpu.pipeline_mode<synchronous>, transform_indices = @transform_1, window_bounds = array<i64: 256, 128>}, {pipeline_mode = #tpu.pipeline_mode<synchronous>, transform_indices = @transform_2, window_bounds = array<i64: 256, 128>}, {pipeline_mode = #tpu.pipeline_mode<synchronous>, transform_indices = @transform_3, window_bounds = array<i64: 1, 128>}, {transform_indices = @transform_4, window_bounds = array<i64: 256, 128>}, {transform_indices = @transform_5, window_bounds = array<i64: 256, 128>}]} {
    %get3A = arith.constant 0 : index
    %get3A_0 = arith.constant 0 : index
    %get3A_1 = vector.load %arg1[%get3A, %get3A_0] : memref<256x256xf32, #tpu.memory_space<vmem>>, vector<256x256xf32>
    %get3A_2 = arith.constant 0 : index
    %get3A_3 = arith.constant 0 : index
    %get3A_4 = vector.load %arg2[%get3A_2, %get3A_3] : memref<256x128xf32, #tpu.memory_space<vmem>>, vector<256x128xf32>
    %dot_general3A = arith.constant dense<0.000000e+00> : vector<256x128xf32>
    %dot_general3A_5 = tpu.matmul %get3A_1, %get3A_4, %dot_general3A {dimension_numbers = #tpu.dot_dimension_numbers<[1], [0], [0], [1], [0, 0, 1, 1], [], []>, transpose_lhs_hint = false} : vector<256x256xf32>, vector<256x128xf32>, vector<256x128xf32> -> vector<256x128xf32>
    %swap3A = arith.constant 0 : index
    %swap3A_6 = arith.constant 0 : index
    %swap3A_7 = vector.load %arg5[%swap3A, %swap3A_6] : memref<256x128xf32, #tpu.memory_space<vmem>>, vector<256x128xf32>
    tpu.vector_store %arg5[%swap3A, %swap3A_6], %dot_general3A_5 {strides = array<i32>} : memref<256x128xf32, #tpu.memory_space<vmem>>, vector<256x128xf32>,
    %get3A_8 = arith.constant 0 : index
    %get3A_9 = arith.constant 0 : index
    %get3A_10 = vector.load %arg1[%get3A_8, %get3A_9] : memref<256x256xf32, #tpu.memory_space<vmem>>, vector<256x256xf32>
    %get3A_11 = arith.constant 0 : index
    %get3A_12 = arith.constant 0 : index
    %get3A_13 = vector.load %arg3[%get3A_11, %get3A_12] : memref<256x128xf32, #tpu.memory_space<vmem>>, vector<256x128xf32>
    %dot_general3A_14 = arith.constant dense<0.000000e+00> : vector<256x128xf32>
    %dot_general3A_15 = tpu.matmul %get3A_10, %get3A_13, %dot_general3A_14 {dimension_numbers = #tpu.dot_dimension_numbers<[1], [0], [0], [1], [0, 0, 1, 1], [], []>, transpose_lhs_hint = false} : vector<256x256xf32>, vector<256x128xf32>, vector<256x128xf32> -> vector<256x128xf32>
    %get3A_16 = arith.constant 0 : index
    %get3A_17 = arith.constant 0 : index
    %get3A_18 = vector.load %arg4[%get3A_16, %get3A_17] : memref<1x128xf32, #tpu.memory_space<vmem>>, vector<1x128xf32>
    %add3A = vector.broadcast %get3A_18 : vector<1x128xf32> to vector<256x128xf32>
    %add3A_19 = arith.addf %dot_general3A_15, %add3A : vector<256x128xf32>
    %swap3A_20 = arith.constant 0 : index
    %swap3A_21 = arith.constant 0 : index
    %swap3A_22 = vector.load %arg6[%swap3A_20, %swap3A_21] : memref<256x128xf32, #tpu.memory_space<vmem>>, vector<256x128xf32>
    tpu.vector_store %arg6[%swap3A_20, %swap3A_21], %add3A_19 {strides = array<i32>} : memref<256x128xf32, #tpu.memory_space<vmem>>, vector<256x128xf32>,
    return
  }
  func.func @transform_0(%arg0: i32) -> (i32, i32) {
    %c0_i32 = arith.constant 0 : i32
    %c0_i32_0 = arith.constant 0 : i32
    return %arg0, %c0_i32 : i32, i32
  }
  func.func @transform_1(%arg0: i32) -> (i32, i32) {
    %c0_i32 = arith.constant 0 : i32
    %c0_i32_0 = arith.constant 0 : i32
    %c0_i32_1 = arith.constant 0 : i32
    return %c0_i32, %c0_i32_0 : i32, i32
  }
  func.func @transform_2(%arg0: i32) -> (i32, i32) {
    %c0_i32 = arith.constant 0 : i32
    %c0_i32_0 = arith.constant 0 : i32
    %c0_i32_1 = arith.constant 0 : i32
    return %c0_i32, %c0_i32_0 : i32, i32
  }
  func.func @transform_3(%arg0: i32) -> (i32, i32) {
    %c0_i32 = arith.constant 0 : i32
    %c0_i32_0 = arith.constant 0 : i32
    %c0_i32_1 = arith.constant 0 : i32
    return %c0_i32, %c0_i32_0 : i32, i32
  }
  func.func @transform_4(%arg0: i32) -> (i32, i32) {
    %c0_i32 = arith.constant 0 : i32
    %c0_i32_0 = arith.constant 0 : i32
    return %arg0, %c0_i32 : i32, i32
  }
  func.func @transform_5(%arg0: i32) -> (i32, i32) {
    %c0_i32 = arith.constant 0 : i32
    %c0_i32_0 = arith.constant 0 : i32
    return %arg0, %c0_i32 : i32, i32
  }
}

module attributes {stable_mosaic.version = 14 : i64} {
  func.func @_proj_body(%arg0: i32, %arg1: memref<256x256xf32, #tpu.memory_space<vmem>>, %arg2: memref<256x128xf32, #tpu.memory_space<vmem>>, %arg3: memref<256x128xf32, #tpu.memory_space<vmem>>, %arg4: memref<1x128xf32, #tpu.memory_space<vmem>>, %arg5: memref<256x128xf32, #tpu.memory_space<vmem>>, %arg6: memref<256x128xf32, #tpu.memory_space<vmem>>) attributes {dimension_semantics = [#tpu.dimension_semantics<arbitrary>], iteration_bounds = array<i64: 32>, scalar_prefetch = 0 : i64, scratch_operands = 0 : i64, tpu.core_type = #tpu.core_type<tc>, window_params = [{transform_indices = @transform_0, window_bounds = array<i64: 256, 256>}, {pipeline_mode = #tpu.pipeline_mode<synchronous>, transform_indices = @transform_1, window_bounds = array<i64: 256, 128>}, {pipeline_mode = #tpu.pipeline_mode<synchronous>, transform_indices = @transform_2, window_bounds = array<i64: 256, 128>}, {pipeline_mode = #tpu.pipeline_mode<synchronous>, transform_indices = @transform_3, window_bounds = array<i64: 1, 128>}, {transform_indices = @transform_4, window_bounds = array<i64: 256, 128>}, {transform_indices = @transform_5, window_bounds = array<i64: 256, 128>}]} {
    %get3A = arith.constant 0 : index
    %get3A_0 = arith.constant 0 : index
    %get3A_1 = vector.load %arg1[%get3A, %get3A_0] : memref<256x256xf32, #tpu.memory_space<vmem>>, vector<256x256xf32>
    %get3A_2 = arith.constant 0 : index
    %get3A_3 = arith.constant 0 : index
    %get3A_4 = vector.load %arg2[%get3A_2, %get3A_3] : memref<256x128xf32, #tpu.memory_space<vmem>>, vector<256x128xf32>
    %dot_general3A = arith.constant dense<0.000000e+00> : vector<256x128xf32>
    %dot_general3A_5 = tpu.matmul %get3A_1, %get3A_4, %dot_general3A {dimension_numbers = #tpu.dot_dimension_numbers<[1], [0], [0], [1], [0, 0, 1, 1], [], []>, transpose_lhs_hint = false} : vector<256x256xf32>, vector<256x128xf32>, vector<256x128xf32> -> vector<256x128xf32>
    %swap3A = arith.constant 0 : index
    %swap3A_6 = arith.constant 0 : index
    %swap3A_7 = vector.load %arg5[%swap3A, %swap3A_6] : memref<256x128xf32, #tpu.memory_space<vmem>>, vector<256x128xf32>
    tpu.vector_store %arg5[%swap3A, %swap3A_6], %dot_general3A_5 {strides = array<i32>} : memref<256x128xf32, #tpu.memory_space<vmem>>, vector<256x128xf32>,
    %get3A_8 = arith.constant 0 : index
    %get3A_9 = arith.constant 0 : index
    %get3A_10 = vector.load %arg1[%get3A_8, %get3A_9] : memref<256x256xf32, #tpu.memory_space<vmem>>, vector<256x256xf32>
    %get3A_11 = arith.constant 0 : index
    %get3A_12 = arith.constant 0 : index
    %get3A_13 = vector.load %arg3[%get3A_11, %get3A_12] : memref<256x128xf32, #tpu.memory_space<vmem>>, vector<256x128xf32>
    %dot_general3A_14 = arith.constant dense<0.000000e+00> : vector<256x128xf32>
    %dot_general3A_15 = tpu.matmul %get3A_10, %get3A_13, %dot_general3A_14 {dimension_numbers = #tpu.dot_dimension_numbers<[1], [0], [0], [1], [0, 0, 1, 1], [], []>, transpose_lhs_hint = false} : vector<256x256xf32>, vector<256x128xf32>, vector<256x128xf32> -> vector<256x128xf32>
    %get3A_16 = arith.constant 0 : index
    %get3A_17 = arith.constant 0 : index
    %get3A_18 = vector.load %arg4[%get3A_16, %get3A_17] : memref<1x128xf32, #tpu.memory_space<vmem>>, vector<1x128xf32>
    %add3A = vector.broadcast %get3A_18 : vector<1x128xf32> to vector<256x128xf32>
    %add3A_19 = arith.addf %dot_general3A_15, %add3A : vector<256x128xf32>
    %swap3A_20 = arith.constant 0 : index
    %swap3A_21 = arith.constant 0 : index
    %swap3A_22 = vector.load %arg6[%swap3A_20, %swap3A_21] : memref<256x128xf32, #tpu.memory_space<vmem>>, vector<256x128xf32>
    tpu.vector_store %arg6[%swap3A_20, %swap3A_21], %add3A_19 {strides = array<i32>} : memref<256x128xf32, #tpu.memory_space<vmem>>, vector<256x128xf32>,
    return
  }
  func.func @transform_0(%arg0: i32) -> (i32, i32) {
    %c0_i32 = arith.constant 0 : i32
    %c0_i32_0 = arith.constant 0 : i32
    return %arg0, %c0_i32 : i32, i32
  }
  func.func @transform_1(%arg0: i32) -> (i32, i32) {
    %c0_i32 = arith.constant 0 : i32
    %c0_i32_0 = arith.constant 0 : i32
    %c0_i32_1 = arith.constant 0 : i32
    return %c0_i32, %c0_i32_0 : i32, i32
  }
  func.func @transform_2(%arg0: i32) -> (i32, i32) {
    %c0_i32 = arith.constant 0 : i32
    %c0_i32_0 = arith.constant 0 : i32
    %c0_i32_1 = arith.constant 0 : i32
    return %c0_i32, %c0_i32_0 : i32, i32
  }
  func.func @transform_3(%arg0: i32) -> (i32, i32) {
    %c0_i32 = arith.constant 0 : i32
    %c0_i32_0 = arith.constant 0 : i32
    %c0_i32_1 = arith.constant 0 : i32
    return %c0_i32, %c0_i32_0 : i32, i32
  }
  func.func @transform_4(%arg0: i32) -> (i32, i32) {
    %c0_i32 = arith.constant 0 : i32
    %c0_i32_0 = arith.constant 0 : i32
    return %arg0, %c0_i32 : i32, i32
  }
  func.func @transform_5(%arg0: i32) -> (i32, i32) {
    %c0_i32 = arith.constant 0 : i32
    %c0_i32_0 = arith.constant 0 : i32
    return %arg0, %c0_i32 : i32, i32
  }
}

module attributes {stable_mosaic.version = 14 : i64} {
  func.func @_tu_body(%arg0: i32, %arg1: memref<256x128xf32, #tpu.memory_space<vmem>>, %arg2: memref<256x128xf32, #tpu.memory_space<vmem>>, %arg3: memref<256x128xf32, #tpu.memory_space<vmem>>, %arg4: memref<256x128xf32, #tpu.memory_space<vmem>>) attributes {dimension_semantics = [#tpu.dimension_semantics<arbitrary>], iteration_bounds = array<i64: 48>, scalar_prefetch = 0 : i64, scratch_operands = 0 : i64, tpu.core_type = #tpu.core_type<tc>, window_params = [{transform_indices = @transform_0, window_bounds = array<i64: 256, 128>}, {transform_indices = @transform_1, window_bounds = array<i64: 256, 128>}, {transform_indices = @transform_2, window_bounds = array<i64: 256, 128>}, {transform_indices = @transform_3, window_bounds = array<i64: 256, 128>}]} {
    %get3A = arith.constant 0 : index
    %get3A_0 = arith.constant 0 : index
    %get3A_1 = vector.load %arg2[%get3A, %get3A_0] : memref<256x128xf32, #tpu.memory_space<vmem>>, vector<256x128xf32>
    %max3A = arith.constant 1.000000e+00 : f32
    %max3A_2 = vector.broadcast %max3A : f32 to vector<256x128xf32>
    %max3A_3 = arith.maximumf %get3A_1, %max3A_2 : vector<256x128xf32>
    %div3A = arith.constant 1.000000e+00 : f32
    %div3A_4 = vector.broadcast %div3A : f32 to vector<256x128xf32>
    %div3A_5 = arith.divf %div3A_4, %max3A_3 : vector<256x128xf32>
    %get3A_6 = arith.constant 0 : index
    %get3A_7 = arith.constant 0 : index
    %get3A_8 = vector.load %arg1[%get3A_6, %get3A_7] : memref<256x128xf32, #tpu.memory_space<vmem>>, vector<256x128xf32>
    %mul3A = arith.mulf %get3A_8, %div3A_5 : vector<256x128xf32>
    %get3A_9 = arith.constant 0 : index
    %get3A_10 = arith.constant 0 : index
    %get3A_11 = vector.load %arg3[%get3A_9, %get3A_10] : memref<256x128xf32, #tpu.memory_space<vmem>>, vector<256x128xf32>
    %add3A = arith.addf %mul3A, %get3A_11 : vector<256x128xf32>
    %swap3A = arith.constant 0 : index
    %swap3A_12 = arith.constant 0 : index
    %swap3A_13 = vector.load %arg4[%swap3A, %swap3A_12] : memref<256x128xf32, #tpu.memory_space<vmem>>, vector<256x128xf32>
    tpu.vector_store %arg4[%swap3A, %swap3A_12], %add3A {strides = array<i32>} : memref<256x128xf32, #tpu.memory_space<vmem>>, vector<256x128xf32>,
    return
  }
  func.func @transform_0(%arg0: i32) -> (i32, i32) {
    %c0_i32 = arith.constant 0 : i32
    %c0_i32_0 = arith.constant 0 : i32
    return %arg0, %c0_i32 : i32, i32
  }
  func.func @transform_1(%arg0: i32) -> (i32, i32) {
    %c0_i32 = arith.constant 0 : i32
    %c0_i32_0 = arith.constant 0 : i32
    return %arg0, %c0_i32 : i32, i32
  }
  func.func @transform_2(%arg0: i32) -> (i32, i32) {
    %c0_i32 = arith.constant 0 : i32
    %c0_i32_0 = arith.constant 0 : i32
    return %arg0, %c0_i32 : i32, i32
  }
  func.func @transform_3(%arg0: i32) -> (i32, i32) {
    %c0_i32 = arith.constant 0 : i32
    %c0_i32_0 = arith.constant 0 : i32
    return %arg0, %c0_i32 : i32, i32
  }
}

module attributes {stable_mosaic.version = 14 : i64} {
  func.func @_decoder_body(%arg0: i32, %arg1: i32, %arg2: memref<512x128xf32, #tpu.memory_space<vmem>>, %arg3: memref<512x128xf32, #tpu.memory_space<vmem>>, %arg4: memref<512x128xf32, #tpu.memory_space<vmem>>, %arg5: memref<1024x128xf32, #tpu.memory_space<vmem>>, %arg6: memref<1024x128xf32, #tpu.memory_space<vmem>>, %arg7: memref<1024x128xf32, #tpu.memory_space<vmem>>, %arg8: memref<512x1024xf32, #tpu.memory_space<vmem>>) attributes {dimension_semantics = [#tpu.dimension_semantics<arbitrary>, #tpu.dimension_semantics<arbitrary>], iteration_bounds = array<i64: 8, 8>, scalar_prefetch = 0 : i64, scratch_operands = 0 : i64, tpu.core_type = #tpu.core_type<tc>, window_params = [{transform_indices = @transform_0, window_bounds = array<i64: 512, 128>}, {transform_indices = @transform_1, window_bounds = array<i64: 512, 128>}, {transform_indices = @transform_2, window_bounds = array<i64: 512, 128>}, {transform_indices = @transform_3, window_bounds = array<i64: 1024, 128>}, {transform_indices = @transform_4, window_bounds = array<i64: 1024, 128>}, {transform_indices = @transform_5, window_bounds = array<i64: 1024, 128>}, {transform_indices = @transform_6, window_bounds = array<i64: 512, 1024>}]} {
    %get3A = arith.constant 0 : index
    %get3A_0 = arith.constant 0 : index
    %get3A_1 = vector.load %arg3[%get3A, %get3A_0] : memref<512x128xf32, #tpu.memory_space<vmem>>, vector<512x64xf32>
    %max3A = arith.constant 1.000000e+00 : f32
    %max3A_2 = vector.broadcast %max3A : f32 to vector<512x64xf32>
    %max3A_3 = arith.maximumf %get3A_1, %max3A_2 : vector<512x64xf32>
    %div3A = arith.constant 1.000000e+00 : f32
    %div3A_4 = vector.broadcast %div3A : f32 to vector<512x64xf32>
    %div3A_5 = arith.divf %div3A_4, %max3A_3 : vector<512x64xf32>
    %get3A_6 = arith.constant 0 : index
    %get3A_7 = arith.constant 0 : index
    %get3A_8 = vector.load %arg2[%get3A_6, %get3A_7] : memref<512x128xf32, #tpu.memory_space<vmem>>, vector<512x64xf32>
    %mul3A = arith.mulf %get3A_8, %div3A_5 : vector<512x64xf32>
    %get3A_9 = arith.constant 0 : index
    %get3A_10 = arith.constant 64 : index
    %get3A_11 = vector.load %arg4[%get3A_9, %get3A_10] : memref<512x128xf32, #tpu.memory_space<vmem>>, vector<512x64xf32>
    %add3A = arith.addf %mul3A, %get3A_11 : vector<512x64xf32>
    %get3A_12 = arith.constant 0 : index
    %get3A_13 = arith.constant 0 : index
    %get3A_14 = vector.load %arg6[%get3A_12, %get3A_13] : memref<1024x128xf32, #tpu.memory_space<vmem>>, vector<1024x64xf32>
    %max3A_15 = arith.constant 1.000000e+00 : f32
    %max3A_16 = vector.broadcast %max3A_15 : f32 to vector<1024x64xf32>
    %max3A_17 = arith.maximumf %get3A_14, %max3A_16 : vector<1024x64xf32>
    %div3A_18 = arith.constant 1.000000e+00 : f32
    %div3A_19 = vector.broadcast %div3A_18 : f32 to vector<1024x64xf32>
    %div3A_20 = arith.divf %div3A_19, %max3A_17 : vector<1024x64xf32>
    %get3A_21 = arith.constant 0 : index
    %get3A_22 = arith.constant 0 : index
    %get3A_23 = vector.load %arg5[%get3A_21, %get3A_22] : memref<1024x128xf32, #tpu.memory_space<vmem>>, vector<1024x64xf32>
    %mul3A_24 = arith.mulf %get3A_23, %div3A_20 : vector<1024x64xf32>
    %get3A_25 = arith.constant 0 : index
    %get3A_26 = arith.constant 64 : index
    %get3A_27 = vector.load %arg7[%get3A_25, %get3A_26] : memref<1024x128xf32, #tpu.memory_space<vmem>>, vector<1024x64xf32>
    %add3A_28 = arith.addf %mul3A_24, %get3A_27 : vector<1024x64xf32>
    %dot_general3A = arith.constant dense<0.000000e+00> : vector<512x1024xf32>
    %dot_general3A_29 = tpu.matmul %add3A, %add3A_28, %dot_general3A {dimension_numbers = #tpu.dot_dimension_numbers<[1], [1], [0], [0], [0, 0, 1, 0], [], []>, transpose_lhs_hint = false} : vector<512x64xf32>, vector<1024x64xf32>, vector<512x1024xf32> -> vector<512x1024xf32>
    %swap3A = arith.constant 0 : index
    %swap3A_30 = arith.constant 0 : index
    %swap3A_31 = vector.load %arg8[%swap3A, %swap3A_30] : memref<512x1024xf32, #tpu.memory_space<vmem>>, vector<512x1024xf32>
    tpu.vector_store %arg8[%swap3A, %swap3A_30], %dot_general3A_29 {strides = array<i32>} : memref<512x1024xf32, #tpu.memory_space<vmem>>, vector<512x1024xf32>,
    return
  }
  func.func @transform_0(%arg0: i32, %arg1: i32) -> (i32, i32) {
    %c0_i32 = arith.constant 0 : i32
    %c0_i32_0 = arith.constant 0 : i32
    return %arg0, %c0_i32 : i32, i32
  }
  func.func @transform_1(%arg0: i32, %arg1: i32) -> (i32, i32) {
    %c0_i32 = arith.constant 0 : i32
    %c0_i32_0 = arith.constant 0 : i32
    return %arg0, %c0_i32 : i32, i32
  }
  func.func @transform_2(%arg0: i32, %arg1: i32) -> (i32, i32) {
    %c0_i32 = arith.constant 0 : i32
    %c0_i32_0 = arith.constant 0 : i32
    return %arg0, %c0_i32 : i32, i32
  }
  func.func @transform_3(%arg0: i32, %arg1: i32) -> (i32, i32) {
    %add3A = arith.constant 4 : i32
    %add3A_0 = arith.addi %add3A, %arg1 : i32
    %c0_i32 = arith.constant 0 : i32
    %c0_i32_1 = arith.constant 0 : i32
    return %add3A_0, %c0_i32 : i32, i32
  }
  func.func @transform_4(%arg0: i32, %arg1: i32) -> (i32, i32) {
    %add3A = arith.constant 4 : i32
    %add3A_0 = arith.addi %add3A, %arg1 : i32
    %c0_i32 = arith.constant 0 : i32
    %c0_i32_1 = arith.constant 0 : i32
    return %add3A_0, %c0_i32 : i32, i32
  }
  func.func @transform_5(%arg0: i32, %arg1: i32) -> (i32, i32) {
    %add3A = arith.constant 4 : i32
    %add3A_0 = arith.addi %add3A, %arg1 : i32
    %c0_i32 = arith.constant 0 : i32
    %c0_i32_1 = arith.constant 0 : i32
    return %add3A_0, %c0_i32 : i32, i32
  }
  func.func @transform_6(%arg0: i32, %arg1: i32) -> (i32, i32) {
    %c0_i32 = arith.constant 0 : i32
    return %arg0, %arg1 : i32, i32
  }
}

</mosaic_0001>

<sc_bundles>
// kernel: kernel.10.cloned.1.call-start
scs
__scs_entry_jumppad:
0x0: {  	(pc) =	sbr.rel $0x88, $3  }
0x1: {  	(tag) =	ssettag $0x0;
	lr =	simm.s32 $0x1  }
0x2: {  	[smem:$0x3F8D] =	sst lr;
	_ =	strace $0xD0000000  }
0x3: {  	_ = 	snop  }
0x4: {  	_ = 	snop  }
0x5: {  	_ = 	snop  }
0x6: {  	_ = 	snop  }
0x7: {  	_ = 	snop  }
__scs_overlays_trampoline_lowered:
0x8: {  	[smem:$0x3F9C] =	sst s0  }
0x9: {  	[smem:$0x3F9D] =	sst s1  }
0xa: {  	[smem:$0x3F9E] =	sst s2  }
0xb: {  	[smem:$0x3F9F] =	sst s3  }
0xc: {  	[smem:$0x3FA0] =	sst s4  }
0xd: {  	[smem:$0x3FA1] =	sst s5  }
0xe: {  	[smem:$0x3FA2] =	sst s6  }
0xf: {  	[smem:$0x3FA3] =	sst s7  }
0x10: {  	[smem:$0x3FA4] =	sst s8  }
0x11: {  	[smem:$0x3FA5] =	sst s9;
	s0 =	simm.s32 @!p0 $0x0  }
0x12: {  	s1 =	sld [smem:$0x3F8B];
	s0 =	simm.s32 @p0 $0x1  }
0x13: {  	[smem:$0x3FA6] =	sst s0;
	s0 =	simm.s32 @!p1 $0x0  }
0x14: {  	s2 =	sld [smem:$0x3F8A];
	s0 =	simm.s32 @p1 $0x1  }
0x15: {  	[smem:$0x3FA7] =	sst s0;
	s0 =	simm.s32 @!p2 $0x0  }
0x16: {  	s3 =	sld [smem:$0x3FDB];
	s0 =	simm.s32 @p2 $0x1  }
0x17: {  	s4 =	simm.s32 $0x1BF5;
	[smem:$0x3FA9] =	sst s0  }
0x18: {  	s0 =	sld [smem:$0x3F8C];
	_ =	swait.ge [sflag:s4], $0x0  }
0x19: {  	s7 =	sld [smem:$0x3F8D]  }
0x1a: {  	s8 =	sadd.s32 $0xFFFFE003, lr  }
0x1b: {  	s9 =	sadd.s32 $0xFFFFFEF7, lr;
	s5 =	simm.s32 $0xFFFFFFFF;
	p2 =	slt.u32 s8, $0xFFFFF086  }
0x1c: {  	p1 =	slt.u32 s9, $0xF7A;
	s5 =	simm.s32 @!p2 $0x0  }
0x1d: {  	s5 =	simm.s32 @p1 $0x1;
	p0 =	seq.s32 s7, s2  }
0x1e: {  	s7 =	smul.u32 @!p0 $0xF7A, s2;
	p2 =	seq.s32 @!p0 s5, $0x0  }
0x1f: {  	s9 =	smul.u32 $0xF7A, s1;
	s8 =	simm.s32 @!p0 $0x1BF5;
	p2 =	por !p2, p0  }
0x20: {  	[sflag:s8] =	ssyncset.s32 @!p0 $0xFFFFF086;
	s6 =	sadd.s32 @!p0 s3, s7;
	s7 =	simm.s32 @!p0 $0x108  }
0x21: {  	s3 =	sadd.s32 s3, s9;
	s6 =	sadd.s32 @!p0 $0x88, s6;
	s7 =	simm.s32 @p2 $0x1082  }
0x22: {  	[simem:s7], [sflag:s8] =	dma.local @!p0 [hbm:s6], $0xF7A  }
0x23: {  	s9 =	sor.u32 $0xD0000000, s2;
	s6 =	simm.s32 $0x108;
	_ =	swait.ge @!p0 [sflag:s8], $0x0  }
0x24: {  	s3 =	sadd.s32 $0x88, s3;
	s6 =	simm.s32 @!p1 $0x1082;
	[sflag:s4] =	ssyncset.s32 $0xFFFFF086  }
0x25: {  	[simem:s6], [sflag:s4] =	dma.local [hbm:s3], $0xF7A  }
0x26: {  	[smem:$0x3F8D] =	sst s1;
	(tag) =	ssettag s2;
	_ =	strace s9  }
0x27: {  	s1 =	sld [smem:$0x3F9D]  }
0x28: {  	s2 =	sld [smem:$0x3F9E]  }
0x29: {  	s4 =	sld [smem:$0x3FA0]  }
0x2a: {  	p0 =	seq.s32 s5, $0x0;
	s5 =	sld [smem:$0x3FA1]  }
0x2b: {  	s6 =	sld [smem:$0x3FA2]  }
0x2c: {  	s7 =	sld [smem:$0x3FA3]  }
0x2d: {  	s3 =	simm.s32 $0x108;
	s8 =	sld [smem:$0x3FA4]  }
0x2e: {  	s3 =	simm.s32 @!p0 $0x1082;
	s9 =	sld [smem:$0x3FA5]  }
0x2f: {  	lr =	sadd.s32 s0, s3;
	s0 =	sld [smem:$0x3F9C]  }
0x30: {  	s3 =	sld [smem:$0x3F9F]  }
0x31: {  	[smem:$0x3FA8] =	sst s10  }
0x32: {  	s10 =	sld [smem:$0x3FA6];
	_ =	sdelay $0x3  }
0x33: {  	p0 =	seq.s32 s10, $0x1;
	s10 =	sld [smem:$0x3FA8];
	_ =	sdelay $0x3  }
0x34: {  	[smem:$0x3FA8] =	sst s10  }
0x35: {  	s10 =	sld [smem:$0x3FA7];
	_ =	sdelay $0x3  }
0x36: {  	p1 =	seq.s32 s10, $0x1;
	s10 =	sld [smem:$0x3FA8];
	_ =	sdelay $0x3  }
0x37: {  	[smem:$0x3FA8] =	sst s10  }
0x38: {  	s10 =	sld [smem:$0x3FA9]  }
0x39: {  	_ = 	snop;
	(pc) =	sbr.ind lr, $3  }
0x3a: {  	_ = 	snop  }
0x3b: {  	_ = 	snop  }
0x3c: {  	p2 =	seq.s32 s10, $0x1;
	s10 =	sld [smem:$0x3FA8]  }
0x3d: {  	_ =	shalt  }
0x3e: {  	_ =	shalt  }
0x3f: {  	_ =	shalt  }
0x40: {  	_ =	shalt  }
0x41: {  	_ =	shalt  }
0x42: {  	_ =	shalt  }
0x43: {  	_ =	shalt  }
0x44: {  	_ =	shalt  }
0x45: {  	_ =	shalt  }
0x46: {  	_ =	shalt  }
0x47: {  	_ =	shalt  }
0x48: {  	_ =	shalt  }
0x49: {  	_ =	shalt  }
0x4a: {  	_ =	shalt  }
0x4b: {  	_ =	shalt  }
0x4c: {  	_ =	shalt  }
0x4d: {  	_ =	shalt  }
0x4e: {  	_ =	shalt  }
0x4f: {  	_ =	shalt  }
0x50: {  	_ =	shalt  }
0x51: {  	_ =	shalt  }
0x52: {  	_ =	shalt  }
0x53: {  	_ =	shalt  }
0x54: {  	_ =	shalt  }
0x55: {  	_ =	shalt  }
0x56: {  	_ =	shalt  }
0x57: {  	_ =	shalt  }
0x58: {  	_ =	shalt  }
0x59: {  	_ =	shalt  }
0x5a: {  	_ =	shalt  }
0x5b: {  	_ =	shalt  }
0x5c: {  	_ =	shalt  }
0x5d: {  	_ =	shalt  }
0x5e: {  	_ =	shalt  }
0x5f: {  	_ =	shalt  }
0x60: {  	_ =	shalt  }
0x61: {  	_ =	shalt  }
0x62: {  	_ =	shalt  }
0x63: {  	_ =	shalt  }
0x64: {  	_ =	shalt  }
0x65: {  	_ =	shalt  }
0x66: {  	_ =	shalt  }
0x67: {  	_ =	shalt  }
0x68: {  	_ =	shalt  }
0x69: {  	_ =	shalt  }
0x6a: {  	_ =	shalt  }
0x6b: {  	_ =	shalt  }
0x6c: {  	_ =	shalt  }
0x6d: {  	_ =	shalt  }
0x6e: {  	_ =	shalt  }
0x6f: {  	_ =	shalt  }
0x70: {  	_ =	shalt  }
0x71: {  	_ =	shalt  }
0x72: {  	_ =	shalt  }
0x73: {  	_ =	shalt  }
0x74: {  	_ =	shalt  }
0x75: {  	_ =	shalt  }
0x76: {  	_ =	shalt  }
0x77: {  	_ =	shalt  }
0x78: {  	_ =	shalt  }
0x79: {  	_ =	shalt  }
0x7a: {  	_ =	shalt  }
0x7b: {  	_ =	shalt  }
0x7c: {  	_ =	shalt  }
0x7d: {  	_ =	shalt  }
0x7e: {  	_ =	shalt  }
0x7f: {  	_ =	shalt  }
0x80: {  	_ =	shalt  }
0x81: {  	_ =	shalt  }
0x82: {  	_ =	shalt  }
0x83: {  	_ =	shalt  }
0x84: {  	_ =	shalt  }
0x85: {  	_ =	shalt  }
0x86: {  	_ =	shalt  }
0x87: {  	_ =	shalt  }
.Lfunc_end0:
.L_simem_size_0:
called_computation_lowered:
.L_overlay_start_0:
0x88: {  	s2 =	sld [smem:$0x3FD9]  }
0x89: {  	s3 =	sld [smem:$0x3FFE];
	_ =	sdelay $0x1  }
0x8a: {  	s1 =	srdreg.scid  }
0x8b: {  	s0 =	sand.u32 $0x1, s1  }
0x8c: {  	s16 =	sshll.u32 s0, $0xA;
	s2 =	sadd.s32 s3, s2  }
0x8d: {  	s2 =	sadd.s32 s2, s16  }
0x8e: {  	[smem:$0x3FB4] =	sst s2  }
0x8f: {  	_ = 	snop  }
0x90: {  	(tm) =	ssettm $0x1  }
0x91: {  	s17 =	sld [smem:$0x3FFB];
	_ =	sdelay $0x3  }
0x92: {  	_ =	strace s17  }
0x93: {  	s2 =	sld [smem:$0x3FFC];
	_ =	sdelay $0x3  }
0x94: {  	_ =	strace s2  }
0x95: {  	s2 =	sld [smem:$0x3FFD];
	_ =	sdelay $0x3  }
0x96: {  	_ =	strace s2  }
0x97: {  	_ =	strace $0x8FFFFFFF  }
0x98: {  	s18 =	sld [smem:$0x3FDB];
	_ =	sdelay $0x1  }
0x99: {  	s19 =	simm.s32 $_scs_section_size  }
0x9a: {  	s4 =	simm.s32 $_size__tile_overlayer_lowered;
	s5 =	simm.s32 $_tile_overlayer_lowered  }
0x9b: {  	s22 =	simm.s32 $0x1BFF;
	s21 =	sshll.u32 s5, $0x1;
	s2 =	sadd.s32 s19, s18  }
0x9c: {  	s6 =	simm.s32 $0x0;
	s20 =	sshll.u32 s4, $0x1;
	s4 =	sadd.s32 s21, s2  }
0x9d: {  	[timem:s6], [sflag:s22] =	dma.local [hbm:s4], s20  }
0x9e: {  	_ =	swait.ge [sflag:s22], s20  }
0x9f: {  	s3 =	ssub.s32 $0x0, s20;
	[sflag:s22] =	ssyncset.done $0x0  }
0xa0: {  	[sflag:s22] =	ssyncadd.s32 s3;
	_ =	sdelay $0x1  }
0xa1: {  	s23 =	simm.s32 $0x1B8B  }
0xa2: {  	_ =	swait.ge [sflag:s23], $0x1  }
0xa3: {  	[sflag:s23] =	ssyncset.done $0x0  }
0xa4: {  	s25 =	simm.s32 $0x1B8E;
	s24 =	sld [smem:$0x3FFE];
	[sflag:s23] =	ssyncadd.s32 $0xFFFFFFFF  }
0xa5: {  	s26 =	simm.s32 $execute0_lowered;
	[smem:$0x3FD2] =	sst s25  }
0xa6: {  	s4 =	sshll.u32 s26, $0x1;
	_ =	strace $0x80000046;
	[dreg:$0x1] =	wrdreg $0xFFFFFFFF  }
0xa7: {  	s28 =	simm.s32 $_size_execute0_lowered;
	s2 =	sadd.s32 s2, s4;
	[dreg:$0x0] =	wrdreg $0x0  }
0xa8: {  	s4 =	sshll.u32 s28, $0x1;
	[dreg:$0x2] =	wrdreg s2  }
0xa9: {  	[dreg:$0x3] =	wrdreg s4  }
0xaa: {  	[dreg:$0x4] =	wrdreg $0xC0  }
0xab: {  	_ =	task [dreg:s6], $0x5FFFF  }
0xac: {  	[dreg:$0x1] =	wrdreg $0xFFFFFFFF  }
0xad: {  	[dreg:$0x0] =	wrdreg $0x60  }
0xae: {  	[dreg:$0x2] =	wrdreg s24  }
0xaf: {  	[dreg:$0x3] =	wrdreg $0x80000  }
0xb0: {  	[dreg:$0x4] =	wrdreg $0x9  }
0xb1: {  	_ =	task.clear_ibuf [dreg:s6], $0x5FFFF;
	_ =	strace $0x90000046  }
0xb2: {  	s29 =	simm.s32 $0x9;
	_ =	strace $0x80000048  }
0xb3: {  	_ =	swait.ge [sflag:s29], $0x1  }
0xb4: {  	[sflag:s29] =	ssyncadd.s32 $0xFFFFFFFF  }
0xb5: {  	_ =	strace $0x90000048  }
0xb6: {  	_ =	sfence  }
0xb7: {  	s30 =	sld [smem:$0x0];
	_ =	sdelay $0x2  }
0xb8: {  	s31 =	sshll.u32 s1, $0xD;
	s1 =	sshrl.u32 s1, $0x2  }
0xb9: {  	s3 =	sand.u32 $0x4000, s31;
	s1 =	sadd.s32 s1, s30  }
0xba: {  	s0 =	sor.u32 s3, s0;
	s1 =	sshll.u32 s1, $0x11  }
0xbb: {  	s0 =	sor.u32 s1, s0  }
0xbc: {  	s0 =	sadd.s32 $0x8F2B, s0  }
0xbd: {  	[sflag:s0] =	ssyncadd.remote.s32 $0x1  }
0xbe: {  	_ =	sfence.sel $0xFFFF  }
0xbf: {  	[dreg:$0x0] =	wrdreg $0xFFFFFFFF;
	(pc) =	sbr.abs _section_cstart, $3  }
0xc0: {  	[dreg:$0x1] =	wrdreg $0xFFFFFFFF  }
0xc1: {  	_ =	task.clear_ibuf [dreg:s6], $0x2FFFF;
	_ =	strace $0x9FFFFFFF  }
0xc2: {  	(tm) =	ssettm $0x7FFFFFFF  }
0xc3: {  	_ =	shalt  }
tec
execute0_lowered:
.L_overlay_start_1:
0x0: {  	(tag) =	ssettag $0x1  }
0x1: {  	s6 =	rddreg [dreg:$0x0]  }
0x2: {  	s2 =	rddreg [dreg:$0x1]  }
0x3: {  	s0 =	rddreg [dreg:$0x2];
	s3 =	simm.s32 $0x0;
	s1 =	stileid.u32  }
0x4: {  	s4 =	srdreg.scid;
	s14 =	simm.s32 $0x1;
	s17 =	simm.s32 $0x0  }
0x5: {  	s19 =	simm.s32 $0x80;
	[smem:$0x7FF] =	sst s3;
	s5 =	sshll.u32 s1, $0xB  }
0x6: {  	s8 =	sand.u32 $0x1, s4;
	s4 =	sadd.s32 $0x25000, s6;
	s10 =	sadd.s32 $0x27800, s6  }
0x7: {  	s26 =	sshll.u32 s1, $0xD;
	s12 =	sshll.u32 s1, $0x10;
	s13 =	sshll.u32 s1, $0x6  }
0x8: {  	s30 =	sshll.u32 s1, $0xF;
	s31 =	sshll.u32 s1, $0xC;
	_ =	strace $0x80000047  }
0x9: {  	s7 =	sadd.s32 s5, s6;
	s9 =	ssub.s32 $0x2, s8;
	s5 =	sadd.s32 $0x25800, s6  }
0xa: {  	s28 =	sshll.u32 s8, $0xF;
	s16 =	sadd.s32 s12, s2;
	s6 =	sor.u32 $0x1C02, s13  }
0xb: {  	p0 =	seq.s32 s8, $0x1;
	s29 =	sadd.s32 s26, s10;
	s15 =	sadd.s32 s30, s2  }
0xc: {  	s12 =	simm.s32 $0x2;
	s13 =	simm.s32 $0x4000;
	s25 =	sshrl.u32 s9, $0x1  }
0xd: {  	s7 =	sadd.s32 s28, s7;
	s8 =	sadd.s32 $0x10000, s29;
	s15 =	sshrl.u32 @p0 s15, $0x3  }
0xe: {  	s11 =	ssub.s32 s9, s25;
	s7 =	sadd.s32 $0x15000, s7;
	s9 =	sadd.s32 s10, s31  }
0xf: {  	s10 =	smax.u32 s11, $0x1;
	s11 =	sshrl.u32 s16, $0x3;
	s16 =	sshrl.u32 @!p0 s16, $0x3  }
.LBB2_1:
0x10: {  	[spmem:s11], [sflag:s6] =	dma.local [hbm:s5], $0x2000  }
0x11: {  	_ =	swait.ge [sflag:s12], $0x2000  }
0x12: {  	[sflag:s12] =	ssyncset.done $0x0  }
0x13: {  	[sflag:s12] =	ssyncadd.s32 $0xFFFFE000  }
0x14: {  	[tilespmem:s13], [sflag:$0x2] =	stream.linear.gather [hbm4b:s4+s3], $0x4000, $0x38;
	[tilespmem:$0x18000] =	vst v63  }
0x15: {  	_ =	swait.ge [sflag:s12], $0x4000  }
0x16: {  	[sflag:s12] =	ssyncset.done $0x0  }
0x17: {  	[sflag:s12] =	ssyncadd.s32 $0xFFFFC000  }
0x18: {  	[tilespmem:s3], [sflag:$0x2] =	stream.linear.gather [hbm4b:s7+s3], $0x4000, $0x38;
	[tilespmem:$0x18000] =	vst v63  }
0x19: {  	_ =	swait.ge [sflag:s12], $0x4000  }
0x1a: {  	[sflag:s12] =	ssyncset.done $0x0  }
0x1b: {  	[sflag:s12] =	ssyncadd.s32 $0xFFFFC000  }
0x1c: {  	s18 =	simm.s32 $0x200;
	s20 =	simm.s32 $0x0;
	[bflag:$0x0] =	sbarrier.arrive $0xFFFF  }
.LBB2_2:
0x1d: {  	[spmem:s2] =	stream.indirect.scatter.add.f32 [tilespmem:s13], [sflag:$0x1], $0x80, s20, s19, $0xb8;
	[tilespmem:$0x18000] =	vst v63  }
0x1e: {  	s20 =	smov.u32 s18;
	p1 =	sne.s32 s18, $0xFE00  }
.Ltmp0:
0x1f: {  	s18 =	sadd.s32 $0x200, s18;
	(pc) =	sbr.rel @p1 .LBB2_2-.Ltmp0, $2  }
0x20: {  	_ =	sdelay $0x2  }
0x21: {  	s20 =	sshra.s32 s20, $0x2  }
0x22: {  	[spmem:s2] =	stream.indirect.scatter.add.f32 [tilespmem:s13], [sflag:$0x1], $0x80, s20, s19, $0xb8;
	[tilespmem:$0x18000] =	vst v63  }
0x23: {  	_ =	swait.ge [sflag:s14], $0x4000  }
0x24: {  	s18 =	simm.s32 $0x7F;
	[sflag:s14] =	ssyncset.done $0x0  }
.LBB2_4:
0x25: {  	p1 =	sne.s32 s18, $0x1;
	s18 =	sadd.s32 $0xFFFFFFFF, s18;
	[sflag:s14] =	ssyncadd.s32 $0xFFFFC000  }
.Ltmp1:
0x26: {  	(pc) =	sbr.rel @p1 .LBB2_4-.Ltmp1, $3  }
0x27: {  	_ =	sdelay $0x1  }
0x28: {  	_ =	swait.ge [sflag:s14], $0x4000  }
0x29: {  	[sflag:s14] =	ssyncset.done $0x0  }
0x2a: {  	[sflag:s14] =	ssyncadd.s32 $0xFFFFC000  }
0x2b: {  	s18 =	simm.s32 @p0 $0x2;
	[bflag:$0x0] =	sbarrier.arrive $0xFFFF  }
0x2c: {  	[hbm:s9], [sflag:s6] =	dma.local @p0 [spmem:s15], $0x1000  }
0x2d: {  	s17 =	sadd.s32 $0x1, s17;
	_ =	swait.ge @p0 [sflag:s18], $0x1000  }
0x2e: {  	p1 =	sne.s32 s17, s10;
	[sflag:s18] =	ssyncset.done @p0 $0x0  }
.Ltmp2:
0x2f: {  	[sflag:s18] =	ssyncadd.s32 @p0 $0xFFFFF000;
	s18 =	simm.s32 @!p0 $0x2;
	(pc) =	sbr.rel @p1 .LBB2_1-.Ltmp2, $4  }
0x30: {  	[hbm:s8], [sflag:s6] =	dma.local @!p0 [spmem:s16], $0x2000  }
0x31: {  	_ =	swait.ge @!p0 [sflag:s18], $0x2000  }
0x32: {  	[sflag:s18] =	ssyncset.done @!p0 $0x0  }
0x33: {  	[sflag:s18] =	ssyncadd.s32 @!p0 $0xFFFFE000  }
0x34: {  	_ =	sfence.sel $0x180000  }
0x35: {  	[bflag:$0x0] =	sbarrier.arrive $0xFFFF  }
0x36: {  	p0 =	sne.s32 s1, $0x0;
	_ =	strace $0x90000047  }
0x37: {  	s0 =	sadd.s32 @!p0 $0x100000, s0;
	[bflag:$0x2] =	sbarrier.arrive $0xFFFF  }
0x38: {  	[sflag:s0] =	ssyncadd.tile.s32 @!p0 $0x1;
	_ =	shalt  }
.Lfunc_end2:
_tile_overlayer_lowered:
.L_overlay_start_2:
0x39: {  	(tag) =	ssettag $0x2  }
0x3a: {  	s0 =	rddreg [dreg:$0x0];
	s2 =	stileid.u32  }
0x3b: {  	s1 =	rddreg [dreg:$0x1];
	p0 =	sne.s32 s2, $0x0  }
0x3c: {  	s3 =	rddreg [dreg:$0x2];
	[bflag:$0x3] =	sbarrier.arrive $0xFFFF;
	s2 =	simm.s32 @!p0 $0x1C02  }
0x3d: {  	[timem:s3], [sflag:s2] =	dma.local @!p0 [hbm:s0], s1  }
0x3e: {  	s0 =	simm.s32 @!p0 $0x2  }
0x3f: {  	_ =	swait.ge @!p0 [sflag:s0], s1  }
0x40: {  	s1 =	ssub.s32 @!p0 $0x0, s1;
	[sflag:s0] =	ssyncset.done @!p0 $0x0  }
0x41: {  	[sflag:s0] =	ssyncadd.s32 @!p0 s1  }
0x42: {  	[bflag:$0x3] =	sbarrier.arrive $0xFFFF  }
0x43: {  	_ =	shalt  }

// kernel: kernel.13.cloned.1.call-start
scs
__scs_entry_jumppad:
0x0: {  	(pc) =	sbr.rel $0x88, $3  }
0x1: {  	(tag) =	ssettag $0x0;
	lr =	simm.s32 $0x1  }
0x2: {  	[smem:$0x3F8D] =	sst lr;
	_ =	strace $0xD0000000  }
0x3: {  	_ = 	snop  }
0x4: {  	_ = 	snop  }
0x5: {  	_ = 	snop  }
0x6: {  	_ = 	snop  }
0x7: {  	_ = 	snop  }
__scs_overlays_trampoline_lowered:
0x8: {  	[smem:$0x3F9C] =	sst s0  }
0x9: {  	[smem:$0x3F9D] =	sst s1  }
0xa: {  	[smem:$0x3F9E] =	sst s2  }
0xb: {  	[smem:$0x3F9F] =	sst s3  }
0xc: {  	[smem:$0x3FA0] =	sst s4  }
0xd: {  	[smem:$0x3FA1] =	sst s5  }
0xe: {  	[smem:$0x3FA2] =	sst s6  }
0xf: {  	[smem:$0x3FA3] =	sst s7  }
0x10: {  	[smem:$0x3FA4] =	sst s8  }
0x11: {  	[smem:$0x3FA5] =	sst s9;
	s0 =	simm.s32 @!p0 $0x0  }
0x12: {  	s1 =	sld [smem:$0x3F8B];
	s0 =	simm.s32 @p0 $0x1  }
0x13: {  	[smem:$0x3FA6] =	sst s0;
	s0 =	simm.s32 @!p1 $0x0  }
0x14: {  	s2 =	sld [smem:$0x3F8A];
	s0 =	simm.s32 @p1 $0x1  }
0x15: {  	[smem:$0x3FA7] =	sst s0;
	s0 =	simm.s32 @!p2 $0x0  }
0x16: {  	s3 =	sld [smem:$0x3FDB];
	s0 =	simm.s32 @p2 $0x1  }
0x17: {  	s4 =	simm.s32 $0x1BF5;
	[smem:$0x3FA9] =	sst s0  }
0x18: {  	s0 =	sld [smem:$0x3F8C];
	_ =	swait.ge [sflag:s4], $0x0  }
0x19: {  	s7 =	sld [smem:$0x3F8D]  }
0x1a: {  	s8 =	sadd.s32 $0xFFFFE003, lr  }
0x1b: {  	s9 =	sadd.s32 $0xFFFFFEF7, lr;
	s5 =	simm.s32 $0xFFFFFFFF;
	p2 =	slt.u32 s8, $0xFFFFF086  }
0x1c: {  	p1 =	slt.u32 s9, $0xF7A;
	s5 =	simm.s32 @!p2 $0x0  }
0x1d: {  	s5 =	simm.s32 @p1 $0x1;
	p0 =	seq.s32 s7, s2  }
0x1e: {  	s7 =	smul.u32 @!p0 $0xF7A, s2;
	p2 =	seq.s32 @!p0 s5, $0x0  }
0x1f: {  	s9 =	smul.u32 $0xF7A, s1;
	s8 =	simm.s32 @!p0 $0x1BF5;
	p2 =	por !p2, p0  }
0x20: {  	[sflag:s8] =	ssyncset.s32 @!p0 $0xFFFFF086;
	s6 =	sadd.s32 @!p0 s3, s7;
	s7 =	simm.s32 @!p0 $0x108  }
0x21: {  	s3 =	sadd.s32 s3, s9;
	s6 =	sadd.s32 @!p0 $0x88, s6;
	s7 =	simm.s32 @p2 $0x1082  }
0x22: {  	[simem:s7], [sflag:s8] =	dma.local @!p0 [hbm:s6], $0xF7A  }
0x23: {  	s9 =	sor.u32 $0xD0000000, s2;
	s6 =	simm.s32 $0x108;
	_ =	swait.ge @!p0 [sflag:s8], $0x0  }
0x24: {  	s3 =	sadd.s32 $0x88, s3;
	s6 =	simm.s32 @!p1 $0x1082;
	[sflag:s4] =	ssyncset.s32 $0xFFFFF086  }
0x25: {  	[simem:s6], [sflag:s4] =	dma.local [hbm:s3], $0xF7A  }
0x26: {  	[smem:$0x3F8D] =	sst s1;
	(tag) =	ssettag s2;
	_ =	strace s9  }
0x27: {  	s1 =	sld [smem:$0x3F9D]  }
0x28: {  	s2 =	sld [smem:$0x3F9E]  }
0x29: {  	s4 =	sld [smem:$0x3FA0]  }
0x2a: {  	p0 =	seq.s32 s5, $0x0;
	s5 =	sld [smem:$0x3FA1]  }
0x2b: {  	s6 =	sld [smem:$0x3FA2]  }
0x2c: {  	s7 =	sld [smem:$0x3FA3]  }
0x2d: {  	s3 =	simm.s32 $0x108;
	s8 =	sld [smem:$0x3FA4]  }
0x2e: {  	s3 =	simm.s32 @!p0 $0x1082;
	s9 =	sld [smem:$0x3FA5]  }
0x2f: {  	lr =	sadd.s32 s0, s3;
	s0 =	sld [smem:$0x3F9C]  }
0x30: {  	s3 =	sld [smem:$0x3F9F]  }
0x31: {  	[smem:$0x3FA8] =	sst s10  }
0x32: {  	s10 =	sld [smem:$0x3FA6];
	_ =	sdelay $0x3  }
0x33: {  	p0 =	seq.s32 s10, $0x1;
	s10 =	sld [smem:$0x3FA8];
	_ =	sdelay $0x3  }
0x34: {  	[smem:$0x3FA8] =	sst s10  }
0x35: {  	s10 =	sld [smem:$0x3FA7];
	_ =	sdelay $0x3  }
0x36: {  	p1 =	seq.s32 s10, $0x1;
	s10 =	sld [smem:$0x3FA8];
	_ =	sdelay $0x3  }
0x37: {  	[smem:$0x3FA8] =	sst s10  }
0x38: {  	s10 =	sld [smem:$0x3FA9]  }
0x39: {  	_ = 	snop;
	(pc) =	sbr.ind lr, $3  }
0x3a: {  	_ = 	snop  }
0x3b: {  	_ = 	snop  }
0x3c: {  	p2 =	seq.s32 s10, $0x1;
	s10 =	sld [smem:$0x3FA8]  }
0x3d: {  	_ =	shalt  }
0x3e: {  	_ =	shalt  }
0x3f: {  	_ =	shalt  }
0x40: {  	_ =	shalt  }
0x41: {  	_ =	shalt  }
0x42: {  	_ =	shalt  }
0x43: {  	_ =	shalt  }
0x44: {  	_ =	shalt  }
0x45: {  	_ =	shalt  }
0x46: {  	_ =	shalt  }
0x47: {  	_ =	shalt  }
0x48: {  	_ =	shalt  }
0x49: {  	_ =	shalt  }
0x4a: {  	_ =	shalt  }
0x4b: {  	_ =	shalt  }
0x4c: {  	_ =	shalt  }
0x4d: {  	_ =	shalt  }
0x4e: {  	_ =	shalt  }
0x4f: {  	_ =	shalt  }
0x50: {  	_ =	shalt  }
0x51: {  	_ =	shalt  }
0x52: {  	_ =	shalt  }
0x53: {  	_ =	shalt  }
0x54: {  	_ =	shalt  }
0x55: {  	_ =	shalt  }
0x56: {  	_ =	shalt  }
0x57: {  	_ =	shalt  }
0x58: {  	_ =	shalt  }
0x59: {  	_ =	shalt  }
0x5a: {  	_ =	shalt  }
0x5b: {  	_ =	shalt  }
0x5c: {  	_ =	shalt  }
0x5d: {  	_ =	shalt  }
0x5e: {  	_ =	shalt  }
0x5f: {  	_ =	shalt  }
0x60: {  	_ =	shalt  }
0x61: {  	_ =	shalt  }
0x62: {  	_ =	shalt  }
0x63: {  	_ =	shalt  }
0x64: {  	_ =	shalt  }
0x65: {  	_ =	shalt  }
0x66: {  	_ =	shalt  }
0x67: {  	_ =	shalt  }
0x68: {  	_ =	shalt  }
0x69: {  	_ =	shalt  }
0x6a: {  	_ =	shalt  }
0x6b: {  	_ =	shalt  }
0x6c: {  	_ =	shalt  }
0x6d: {  	_ =	shalt  }
0x6e: {  	_ =	shalt  }
0x6f: {  	_ =	shalt  }
0x70: {  	_ =	shalt  }
0x71: {  	_ =	shalt  }
0x72: {  	_ =	shalt  }
0x73: {  	_ =	shalt  }
0x74: {  	_ =	shalt  }
0x75: {  	_ =	shalt  }
0x76: {  	_ =	shalt  }
0x77: {  	_ =	shalt  }
0x78: {  	_ =	shalt  }
0x79: {  	_ =	shalt  }
0x7a: {  	_ =	shalt  }
0x7b: {  	_ =	shalt  }
0x7c: {  	_ =	shalt  }
0x7d: {  	_ =	shalt  }
0x7e: {  	_ =	shalt  }
0x7f: {  	_ =	shalt  }
0x80: {  	_ =	shalt  }
0x81: {  	_ =	shalt  }
0x82: {  	_ =	shalt  }
0x83: {  	_ =	shalt  }
0x84: {  	_ =	shalt  }
0x85: {  	_ =	shalt  }
0x86: {  	_ =	shalt  }
0x87: {  	_ =	shalt  }
.Lfunc_end0:
.L_simem_size_0:
called_computation.1_lowered:
.L_overlay_start_0:
0x88: {  	s2 =	sld [smem:$0x3FD9]  }
0x89: {  	s3 =	sld [smem:$0x3FFE];
	_ =	sdelay $0x1  }
0x8a: {  	s1 =	srdreg.scid  }
0x8b: {  	s0 =	sand.u32 $0x1, s1  }
0x8c: {  	s17 =	sshll.u32 s0, $0xA;
	s2 =	sadd.s32 s3, s2  }
0x8d: {  	s2 =	sadd.s32 s2, s17  }
0x8e: {  	[smem:$0x3FB4] =	sst s2  }
0x8f: {  	_ = 	snop  }
0x90: {  	s18 =	sld [smem:$0x3FD0];
	(tm) =	ssettm $0x1  }
0x91: {  	s19 =	sld [smem:$0x3FFB];
	_ =	sdelay $0x3  }
0x92: {  	_ =	strace s19  }
0x93: {  	s2 =	sld [smem:$0x3FFC];
	_ =	sdelay $0x3  }
0x94: {  	_ =	strace s2  }
0x95: {  	s2 =	sld [smem:$0x3FFD];
	_ =	sdelay $0x3  }
0x96: {  	_ =	strace s2  }
0x97: {  	_ =	strace $0x8FFFFFFF  }
0x98: {  	s20 =	sld [smem:$0x3FDB];
	_ =	sdelay $0x1  }
0x99: {  	s4 =	simm.s32 $_scs_section_size  }
0x9a: {  	s5 =	simm.s32 $_size__tile_overlayer_lowered;
	s6 =	simm.s32 $_tile_overlayer_lowered  }
0x9b: {  	s7 =	simm.s32 $0x1BFF;
	s21 =	sshll.u32 s6, $0x1;
	s4 =	sadd.s32 s4, s20  }
0x9c: {  	s22 =	simm.s32 $0x0;
	s5 =	sshll.u32 s5, $0x1;
	s6 =	sadd.s32 s21, s4  }
0x9d: {  	[timem:s22], [sflag:s7] =	dma.local [hbm:s6], s5  }
0x9e: {  	_ =	swait.ge [sflag:s7], s5  }
0x9f: {  	s5 =	ssub.s32 $0x0, s5;
	[sflag:s7] =	ssyncset.done $0x0  }
0xa0: {  	[sflag:s7] =	ssyncadd.s32 s5;
	_ =	sdelay $0x1  }
0xa1: {  	s23 =	simm.s32 $0x1B8B  }
0xa2: {  	_ =	swait.ge [sflag:s23], $0x1  }
0xa3: {  	[sflag:s23] =	ssyncset.done $0x0  }
0xa4: {  	[sflag:s23] =	ssyncadd.s32 $0xFFFFFFFF  }
0xa5: {  	s5 =	sld [smem:$0x0]  }
0xa6: {  	s6 =	sand.u32 $0xFFFFFFFE, s1  }
0xa7: {  	p0 =	sne.s32 s1, s6  }
0xa8: {  	s6 =	sshll.u32 @p0 s6, $0xE  }
0xa9: {  	s6 =	sadd.s32 @p0 $0x11B8D, s6;
	s7 =	sshll.u32 @p0 s5, $0x11  }
0xaa: {  	s6 =	sor.u32 @p0 s7, s6  }
0xab: {  	[sflag:s6] =	ssyncadd.remote.s32 @p0 $0x1;
	_ =	sdelay $0x1  }
0xac: {  	s6 =	simm.s32 @p0 $0x1B8D  }
0xad: {  	_ =	swait.eq @p0 [sflag:s6], $0x1  }
0xae: {  	[sflag:s6] =	ssyncadd.s32 @p0 $0xFFFFFFFF  }
0xaf: {  	s7 =	sshll.u32 @!p0 s1, $0xE  }
0xb0: {  	s7 =	sor.u32 @!p0 $0x4000, s7;
	s6 =	simm.s32 @!p0 $0x1B8D  }
0xb1: {  	s5 =	sshll.u32 @!p0 s5, $0x11;
	s7 =	sadd.s32 @!p0 $0x11B8D, s7;
	_ =	swait.eq @!p0 [sflag:s6], $0x1  }
0xb2: {  	s5 =	sor.u32 @!p0 s5, s7;
	[sflag:s6] =	ssyncadd.s32 @!p0 $0xFFFFFFFF  }
0xb3: {  	s25 =	simm.s32 $0x1B8E;
	s24 =	sld [smem:$0x3FFE];
	[sflag:s5] =	ssyncadd.remote.s32 @!p0 $0x1  }
0xb4: {  	s26 =	simm.s32 $execute0_lowered;
	[smem:$0x3FD2] =	sst s25  }
0xb5: {  	s6 =	sshll.u32 s26, $0x1;
	_ =	strace $0x80000049;
	[dreg:$0x1] =	wrdreg $0xFFFFFFFF  }
0xb6: {  	s28 =	simm.s32 $_size_execute0_lowered;
	s4 =	sadd.s32 s4, s6;
	[dreg:$0x0] =	wrdreg $0x0  }
0xb7: {  	s6 =	sshll.u32 s28, $0x1;
	[dreg:$0x2] =	wrdreg s4  }
0xb8: {  	[dreg:$0x3] =	wrdreg s6  }
0xb9: {  	[dreg:$0x4] =	wrdreg $0xC0  }
0xba: {  	_ =	task [dreg:s22], $0x5FFFF  }
0xbb: {  	[dreg:$0x1] =	wrdreg $0xFFFFFFFF  }
0xbc: {  	[dreg:$0x0] =	wrdreg $0x60  }
0xbd: {  	[dreg:$0x2] =	wrdreg s18  }
0xbe: {  	[dreg:$0x3] =	wrdreg s24  }
0xbf: {  	[dreg:$0x4] =	wrdreg $0xE0000  }
0xc0: {  	[dreg:$0x5] =	wrdreg $0xA  }
0xc1: {  	_ =	task.clear_ibuf [dreg:s22], $0x6FFFF;
	_ =	strace $0x90000049  }
0xc2: {  	s29 =	simm.s32 $0xA;
	_ =	strace $0x8000004B  }
0xc3: {  	_ =	swait.ge [sflag:s29], $0x1  }
0xc4: {  	[sflag:s29] =	ssyncadd.s32 $0xFFFFFFFF  }
0xc5: {  	_ =	strace $0x9000004B  }
0xc6: {  	_ =	sfence  }
0xc7: {  	s30 =	sld [smem:$0x0];
	_ =	sdelay $0x2  }
0xc8: {  	s31 =	sshll.u32 s1, $0xD;
	s1 =	sshrl.u32 s1, $0x2  }
0xc9: {  	s4 =	sand.u32 $0x4000, s31;
	s1 =	sadd.s32 s1, s30  }
0xca: {  	s0 =	sor.u32 s4, s0;
	s1 =	sshll.u32 s1, $0x11  }
0xcb: {  	s0 =	sor.u32 s1, s0  }
0xcc: {  	s0 =	sadd.s32 $0x8F2B, s0  }
0xcd: {  	[sflag:s0] =	ssyncadd.remote.s32 $0x1  }
0xce: {  	_ =	sfence.sel $0xFFFF  }
0xcf: {  	[dreg:$0x0] =	wrdreg $0xFFFFFFFF;
	(pc) =	sbr.abs _section_cstart, $3  }
0xd0: {  	[dreg:$0x1] =	wrdreg $0xFFFFFFFF  }
0xd1: {  	_ =	task.clear_ibuf [dreg:s22], $0x2FFFF;
	_ =	strace $0x9FFFFFFF  }
0xd2: {  	(tm) =	ssettm $0x7FFFFFFF  }
0xd3: {  	_ =	shalt  }
tec
execute0_lowered:
.L_overlay_start_1:
0x0: {  	(tag) =	ssettag $0x1  }
0x1: {  	s1 =	rddreg [dreg:$0x0]  }
0x2: {  	s0 =	rddreg [dreg:$0x1]  }
0x3: {  	s2 =	rddreg [dreg:$0x2];
	s3 =	simm.s32 $0x0;
	s4 =	srdreg.scid  }
0x4: {  	s14 =	stileid.u32;
	s28 =	simm.s32 $0xA000;
	s29 =	simm.s32 $0x2  }
0x5: {  	s30 =	simm.s32 $0x1080;
	s31 =	simm.s32 $0x4;
	[smem:$0x7FF] =	sst s3  }
0x6: {  	s4 =	sand.u32 $0x1, s4;
	s5 =	sadd.s32 $0x5000, s0;
	s8 =	sadd.s32 $0x15000, s0  }
0x7: {  	s7 =	sadd.s32 $0x25800, s0;
	s0 =	sadd.s32 $0x87800, s0;
	s10 =	sshll.u32 s14, $0xD  }
0x8: {  	s15 =	sshll.u32 s14, $0xB;
	s11 =	sshll.u32 s14, $0x10;
	s25 =	sshll.u32 s14, $0xF  }
0x9: {  	s26 =	sshll.u32 s14, $0xC;
	_ =	strace $0x8000004A;
	s6 =	ssub.s32 $0x2, s4  }
0xa: {  	[dreg:$0x4] =	wrdreg s7;
	s13 =	sshll.u32 s4, $0xF;
	p0 =	seq.s32 s4, $0x1  }
0xb: {  	s24 =	sadd.s32 s10, s0;
	s10 =	simm.s32 $0x6;
	s12 =	sshrl.u32 s6, $0x1  }
0xc: {  	s13 =	sor.u32 s15, s13;
	s4 =	sadd.s32 $0x10000, s24;
	s24 =	simm.s32 $0x1  }
0xd: {  	s9 =	ssub.s32 s6, s12;
	s12 =	sshll.u32 s14, $0x6;
	s6 =	sadd.s32 s11, s2  }
0xe: {  	s16 =	sor.u32 $0x200, s13;
	s17 =	sadd.s32 s5, s13;
	s18 =	sadd.s32 s8, s13  }
0xf: {  	s20 =	sor.u32 $0x400, s13;
	s21 =	sor.u32 $0x600, s13;
	[dreg:$0xd] =	wrdreg s4  }
0x10: {  	s4 =	sadd.s32 s25, s2;
	s13 =	simm.s32 $0x0;
	[dreg:$0x5] =	wrdreg s17  }
0x11: {  	s7 =	sor.u32 $0x1C07, s12;
	[dreg:$0x6] =	wrdreg s18;
	s19 =	sadd.s32 s5, s16  }
0x12: {  	s11 =	sadd.s32 s8, s16;
	s22 =	sadd.s32 s5, s20;
	s5 =	sadd.s32 s5, s21  }
0x13: {  	s23 =	sadd.s32 s8, s21;
	s17 =	sadd.s32 s0, s26;
	s18 =	smax.u32 s9, $0x1  }
0x14: {  	s21 =	simm.s32 $0x80;
	s25 =	sshrl.u32 @p0 s4, $0x3;
	[dreg:$0x7] =	wrdreg s19  }
0x15: {  	s26 =	simm.s32 $0x100;
	s0 =	simm.s32 $0x180;
	[dreg:$0x8] =	wrdreg s11  }
0x16: {  	s4 =	simm.s32 $0x3;
	s9 =	simm.s32 $0x200;
	[dreg:$0x9] =	wrdreg s22  }
0x17: {  	s12 =	simm.s32 $0x1F80;
	s11 =	sadd.s32 s8, s20;
	[dreg:$0xb] =	wrdreg s5  }
0x18: {  	[dreg:$0xc] =	wrdreg s23;
	s19 =	simm.s32 $0x7;
	s20 =	simm.s32 $0x1000  }
0x19: {  	s22 =	simm.s32 $0x2000;
	s23 =	simm.s32 $0x6000;
	s5 =	simm.s32 $0x1100  }
0x1a: {  	s8 =	simm.s32 $0x5;
	[dreg:$0xa] =	wrdreg s11;
	s11 =	simm.s32 $0x1F00  }
.LBB2_1:
0x1b: {  	s14 =	sshrl.u32 s6, $0x3;
	s15 =	rddreg [dreg:$0x4]  }
0x1c: {  	[spmem:s14], [sflag:s7] =	dma.local [hbm:s15], $0x2000  }
0x1d: {  	_ =	swait.ge [sflag:s19], $0x2000  }
0x1e: {  	[sflag:s19] =	ssyncset.done $0x0  }
0x1f: {  	[sflag:s19] =	ssyncadd.s32 $0xFFFFE000  }
0x20: {  	[bflag:$0x0] =	sbarrier.arrive $0xFFFF  }
0x21: {  	s16 =	rddreg [dreg:$0x5]  }
0x22: {  	[tilespmem:s3], [sflag:$0x7] =	stream.linear.gather [hbm4b:s16+s3], $0x1000, $0x38;
	[tilespmem:$0x1E000] =	vst v63  }
0x23: {  	_ =	swait.ge [sflag:s19], $0x1000  }
0x24: {  	[sflag:s19] =	ssyncset.done $0x0  }
0x25: {  	s15 =	rddreg [dreg:$0x6];
	[sflag:s19] =	ssyncadd.s32 $0xFFFFF000  }
0x26: {  	[tilespmem:s20], [sflag:$0x7] =	stream.linear.gather [hbm4b:s15+s3], $0x1000, $0x38;
	[tilespmem:$0x1E000] =	vst v63  }
0x27: {  	_ =	swait.ge [sflag:s19], $0x1000  }
0x28: {  	[sflag:s19] =	ssyncset.done $0x0  }
0x29: {  	[sflag:s19] =	ssyncadd.s32 $0xFFFFF000  }
0x2a: {  	[tilespmem:s22], [sflag:$0x1] =	stream.indirect.gather [hbm4b:s1+s21], $0x80, s3, s21, $0xb8;
	[tilespmem:$0x1E000] =	vst v63  }
0x2b: {  	_ = 	snop  }
0x2c: {  	[tilespmem:s23], [sflag:$0x2] =	stream.indirect.gather [hbm4b:s1+s21], $0x80, s21, s21, $0xb8;
	[tilespmem:$0x1E000] =	vst v63  }
0x2d: {  	_ =	swait.ge [sflag:s24], $0x4000  }
0x2e: {  	[sflag:s24] =	ssyncset.done $0x0  }
0x2f: {  	[sflag:s24] =	ssyncadd.s32 $0xFFFFC000  }
0x30: {  	[spmem:s2] =	stream.indirect.scatter.add.f32 [tilespmem:s22], [sflag:$0x4], $0x80, s20, s21, $0xb8;
	[tilespmem:$0x1E000] =	vst v63  }
0x31: {  	_ = 	snop  }
0x32: {  	[tilespmem:s28], [sflag:$0x3] =	stream.indirect.gather [hbm4b:s1+s21], $0x80, s26, s21, $0xb8;
	[tilespmem:$0x1E000] =	vst v63  }
0x33: {  	_ =	swait.ge [sflag:s29], $0x4000  }
0x34: {  	[sflag:s29] =	ssyncset.done $0x0  }
0x35: {  	[sflag:s29] =	ssyncadd.s32 $0xFFFFC000  }
0x36: {  	[spmem:s2] =	stream.indirect.scatter.add.f32 [tilespmem:s23], [sflag:$0x5], $0x80, s30, s21, $0xb8;
	[tilespmem:$0x1E000] =	vst v63  }
0x37: {  	_ =	swait.ge [sflag:s31], $0x4000  }
0x38: {  	[sflag:s31] =	ssyncset.done $0x0  }
0x39: {  	[sflag:s31] =	ssyncadd.s32 $0xFFFFC000  }
0x3a: {  	[tilespmem:s22], [sflag:$0x1] =	stream.indirect.gather [hbm4b:s1+s21], $0x80, s0, s21, $0xb8;
	[tilespmem:$0x1E000] =	vst v63  }
0x3b: {  	_ =	swait.ge [sflag:s4], $0x4000  }
0x3c: {  	[sflag:s4] =	ssyncset.done $0x0  }
0x3d: {  	[sflag:s4] =	ssyncadd.s32 $0xFFFFC000  }
0x3e: {  	[spmem:s2] =	stream.indirect.scatter.add.f32 [tilespmem:s28], [sflag:$0x6], $0x80, s5, s21, $0xb8;
	[tilespmem:$0x1E000] =	vst v63  }
0x3f: {  	_ =	swait.ge [sflag:s8], $0x4000  }
0x40: {  	[sflag:s8] =	ssyncset.done $0x0  }
0x41: {  	[sflag:s8] =	ssyncadd.s32 $0xFFFFC000  }
0x42: {  	[tilespmem:s23], [sflag:$0x2] =	stream.indirect.gather [hbm4b:s1+s21], $0x80, s9, s21, $0xb8;
	[tilespmem:$0x1E000] =	vst v63  }
0x43: {  	_ =	swait.ge [sflag:s24], $0x4000  }
0x44: {  	[sflag:s24] =	ssyncset.done $0x0  }
0x45: {  	s16 =	simm.s32 $0x1180;
	[sflag:s24] =	ssyncadd.s32 $0xFFFFC000  }
0x46: {  	[spmem:s2] =	stream.indirect.scatter.add.f32 [tilespmem:s22], [sflag:$0x4], $0x80, s16, s21, $0xb8;
	[tilespmem:$0x1E000] =	vst v63  }
0x47: {  	_ =	swait.ge [sflag:s10], $0x4000  }
0x48: {  	[sflag:s10] =	ssyncset.done $0x0  }
0x49: {  	s15 =	simm.s32 $0x280;
	[sflag:s10] =	ssyncadd.s32 $0xFFFFC000  }
0x4a: {  	[tilespmem:s28], [sflag:$0x3] =	stream.indirect.gather [hbm4b:s1+s21], $0x80, s15, s21, $0xb8;
	[tilespmem:$0x1E000] =	vst v63  }
0x4b: {  	_ =	swait.ge [sflag:s29], $0x4000  }
0x4c: {  	[sflag:s29] =	ssyncset.done $0x0  }
0x4d: {  	s16 =	simm.s32 $0x1200;
	[sflag:s29] =	ssyncadd.s32 $0xFFFFC000  }
0x4e: {  	[spmem:s2] =	stream.indirect.scatter.add.f32 [tilespmem:s23], [sflag:$0x5], $0x80, s16, s21, $0xb8;
	[tilespmem:$0x1E000] =	vst v63  }
0x4f: {  	_ =	swait.ge [sflag:s31], $0x4000  }
0x50: {  	[sflag:s31] =	ssyncset.done $0x0  }
0x51: {  	s15 =	simm.s32 $0x300;
	[sflag:s31] =	ssyncadd.s32 $0xFFFFC000  }
0x52: {  	[tilespmem:s22], [sflag:$0x1] =	stream.indirect.gather [hbm4b:s1+s21], $0x80, s15, s21, $0xb8;
	[tilespmem:$0x1E000] =	vst v63  }
0x53: {  	_ =	swait.ge [sflag:s4], $0x4000  }
0x54: {  	[sflag:s4] =	ssyncset.done $0x0  }
0x55: {  	s16 =	simm.s32 $0x1280;
	[sflag:s4] =	ssyncadd.s32 $0xFFFFC000  }
0x56: {  	[spmem:s2] =	stream.indirect.scatter.add.f32 [tilespmem:s28], [sflag:$0x6], $0x80, s16, s21, $0xb8;
	[tilespmem:$0x1E000] =	vst v63  }
0x57: {  	_ =	swait.ge [sflag:s8], $0x4000  }
0x58: {  	[sflag:s8] =	ssyncset.done $0x0  }
0x59: {  	s14 =	simm.s32 $0x600;
	s15 =	simm.s32 $0x380;
	[sflag:s8] =	ssyncadd.s32 $0xFFFFC000  }
.LBB2_2:
0x5a: {  	[tilespmem:s23], [sflag:$0x2] =	stream.indirect.gather [hbm4b:s1+s21], $0x80, s15, s21, $0xb8;
	[tilespmem:$0x1E000] =	vst v63  }
0x5b: {  	s15 =	smov.u32 s14  }
0x5c: {  	p1 =	sne.s32 s14, $0x3000;
	s14 =	sadd.s32 $0x600, s14;
	_ =	swait.ge [sflag:s24], $0x4000  }
0x5d: {  	s15 =	sshra.s32 s15, $0x2;
	[sflag:s24] =	ssyncset.done $0x0  }
0x5e: {  	s16 =	sadd.s32 $0x1180, s15;
	[sflag:s24] =	ssyncadd.s32 $0xFFFFC000  }
0x5f: {  	[spmem:s2] =	stream.indirect.scatter.add.f32 [tilespmem:s22], [sflag:$0x4], $0x80, s16, s21, $0xb8;
	[tilespmem:$0x1E000] =	vst v63  }
0x60: {  	_ =	swait.ge [sflag:s10], $0x4000  }
0x61: {  	[sflag:s10] =	ssyncset.done $0x0  }
0x62: {  	s16 =	sadd.s32 $0x280, s15;
	[sflag:s10] =	ssyncadd.s32 $0xFFFFC000  }
0x63: {  	[tilespmem:s28], [sflag:$0x3] =	stream.indirect.gather [hbm4b:s1+s21], $0x80, s16, s21, $0xb8;
	[tilespmem:$0x1E000] =	vst v63  }
0x64: {  	_ =	swait.ge [sflag:s29], $0x4000  }
0x65: {  	[sflag:s29] =	ssyncset.done $0x0  }
0x66: {  	s16 =	sadd.s32 $0x1200, s15;
	[sflag:s29] =	ssyncadd.s32 $0xFFFFC000  }
0x67: {  	[spmem:s2] =	stream.indirect.scatter.add.f32 [tilespmem:s23], [sflag:$0x5], $0x80, s16, s21, $0xb8;
	[tilespmem:$0x1E000] =	vst v63  }
0x68: {  	_ =	swait.ge [sflag:s31], $0x4000  }
0x69: {  	[sflag:s31] =	ssyncset.done $0x0  }
0x6a: {  	s16 =	sadd.s32 $0x300, s15;
	[sflag:s31] =	ssyncadd.s32 $0xFFFFC000  }
0x6b: {  	[tilespmem:s22], [sflag:$0x1] =	stream.indirect.gather [hbm4b:s1+s21], $0x80, s16, s21, $0xb8;
	[tilespmem:$0x1E000] =	vst v63  }
0x6c: {  	_ =	swait.ge [sflag:s4], $0x4000  }
0x6d: {  	[sflag:s4] =	ssyncset.done $0x0  }
.Ltmp0:
0x6e: {  	s16 =	sadd.s32 $0x1280, s15;
	[sflag:s4] =	ssyncadd.s32 $0xFFFFC000;
	(pc) =	sbr.rel @p1 .LBB2_2-.Ltmp0, $4  }
0x6f: {  	[spmem:s2] =	stream.indirect.scatter.add.f32 [tilespmem:s28], [sflag:$0x6], $0x80, s16, s21, $0xb8;
	[tilespmem:$0x1E000] =	vst v63  }
0x70: {  	_ =	swait.ge [sflag:s8], $0x4000  }
0x71: {  	[sflag:s8] =	ssyncset.done $0x0  }
0x72: {  	s15 =	sadd.s32 $0x380, s15;
	[sflag:s8] =	ssyncadd.s32 $0xFFFFC000  }
0x73: {  	[tilespmem:s23], [sflag:$0x2] =	stream.indirect.gather [hbm4b:s1+s21], $0x80, s15, s21, $0xb8;
	[tilespmem:$0x1E000] =	vst v63  }
0x74: {  	_ =	swait.ge [sflag:s24], $0x4000  }
0x75: {  	[sflag:s24] =	ssyncset.done $0x0  }
0x76: {  	[sflag:s24] =	ssyncadd.s32 $0xFFFFC000  }
0x77: {  	[spmem:s2] =	stream.indirect.scatter.add.f32 [tilespmem:s22], [sflag:$0x4], $0x80, s11, s21, $0xb8;
	[tilespmem:$0x1E000] =	vst v63  }
0x78: {  	_ =	swait.ge [sflag:s10], $0x4000  }
0x79: {  	[sflag:s10] =	ssyncset.done $0x0  }
0x7a: {  	[sflag:s10] =	ssyncadd.s32 $0xFFFFC000  }
0x7b: {  	_ =	swait.ge [sflag:s29], $0x4000  }
0x7c: {  	[sflag:s29] =	ssyncset.done $0x0  }
0x7d: {  	[sflag:s29] =	ssyncadd.s32 $0xFFFFC000  }
0x7e: {  	[spmem:s2] =	stream.indirect.scatter.add.f32 [tilespmem:s23], [sflag:$0x5], $0x80, s12, s21, $0xb8;
	[tilespmem:$0x1E000] =	vst v63  }
0x7f: {  	_ =	swait.ge [sflag:s31], $0x4000  }
0x80: {  	[sflag:s31] =	ssyncset.done $0x0  }
0x81: {  	[sflag:s31] =	ssyncadd.s32 $0xFFFFC000  }
0x82: {  	_ =	swait.ge [sflag:s8], $0x4000  }
0x83: {  	[sflag:s8] =	ssyncset.done $0x0  }
0x84: {  	s14 =	simm.s32 $0x0;
	s16 =	rddreg [dreg:$0x7];
	[sflag:s8] =	ssyncadd.s32 $0xFFFFC000  }
0x85: {  	[tilespmem:s14], [sflag:$0x7] =	stream.linear.gather [hbm4b:s16+s14], $0x1000, $0x38;
	[tilespmem:$0x1E000] =	vst v63  }
0x86: {  	_ =	swait.ge [sflag:s19], $0x1000  }
0x87: {  	[sflag:s19] =	ssyncset.done $0x0  }
0x88: {  	s16 =	rddreg [dreg:$0x8];
	[sflag:s19] =	ssyncadd.s32 $0xFFFFF000  }
0x89: {  	[tilespmem:s20], [sflag:$0x7] =	stream.linear.gather [hbm4b:s16+s14], $0x1000, $0x38;
	[tilespmem:$0x1E000] =	vst v63  }
0x8a: {  	_ =	swait.ge [sflag:s19], $0x1000  }
0x8b: {  	[sflag:s19] =	ssyncset.done $0x0  }
0x8c: {  	[sflag:s19] =	ssyncadd.s32 $0xFFFFF000  }
0x8d: {  	[tilespmem:s22], [sflag:$0x1] =	stream.indirect.gather [hbm4b:s1+s21], $0x80, s14, s21, $0xb8;
	[tilespmem:$0x1E000] =	vst v63  }
0x8e: {  	_ = 	snop  }
0x8f: {  	[tilespmem:s23], [sflag:$0x2] =	stream.indirect.gather [hbm4b:s1+s21], $0x80, s21, s21, $0xb8;
	[tilespmem:$0x1E000] =	vst v63  }
0x90: {  	_ =	swait.ge [sflag:s24], $0x4000  }
0x91: {  	[sflag:s24] =	ssyncset.done $0x0  }
0x92: {  	[sflag:s24] =	ssyncadd.s32 $0xFFFFC000  }
0x93: {  	[spmem:s2] =	stream.indirect.scatter.add.f32 [tilespmem:s22], [sflag:$0x4], $0x80, s20, s21, $0xb8;
	[tilespmem:$0x1E000] =	vst v63  }
0x94: {  	_ = 	snop  }
0x95: {  	[tilespmem:s28], [sflag:$0x3] =	stream.indirect.gather [hbm4b:s1+s21], $0x80, s26, s21, $0xb8;
	[tilespmem:$0x1E000] =	vst v63  }
0x96: {  	_ =	swait.ge [sflag:s29], $0x4000  }
0x97: {  	[sflag:s29] =	ssyncset.done $0x0  }
0x98: {  	[sflag:s29] =	ssyncadd.s32 $0xFFFFC000  }
0x99: {  	[spmem:s2] =	stream.indirect.scatter.add.f32 [tilespmem:s23], [sflag:$0x5], $0x80, s30, s21, $0xb8;
	[tilespmem:$0x1E000] =	vst v63  }
0x9a: {  	_ =	swait.ge [sflag:s31], $0x4000  }
0x9b: {  	[sflag:s31] =	ssyncset.done $0x0  }
0x9c: {  	[sflag:s31] =	ssyncadd.s32 $0xFFFFC000  }
0x9d: {  	[tilespmem:s22], [sflag:$0x1] =	stream.indirect.gather [hbm4b:s1+s21], $0x80, s0, s21, $0xb8;
	[tilespmem:$0x1E000] =	vst v63  }
0x9e: {  	_ =	swait.ge [sflag:s4], $0x4000  }
0x9f: {  	[sflag:s4] =	ssyncset.done $0x0  }
0xa0: {  	[sflag:s4] =	ssyncadd.s32 $0xFFFFC000  }
0xa1: {  	[spmem:s2] =	stream.indirect.scatter.add.f32 [tilespmem:s28], [sflag:$0x6], $0x80, s5, s21, $0xb8;
	[tilespmem:$0x1E000] =	vst v63  }
0xa2: {  	_ =	swait.ge [sflag:s8], $0x4000  }
0xa3: {  	[sflag:s8] =	ssyncset.done $0x0  }
0xa4: {  	[sflag:s8] =	ssyncadd.s32 $0xFFFFC000  }
0xa5: {  	[tilespmem:s23], [sflag:$0x2] =	stream.indirect.gather [hbm4b:s1+s21], $0x80, s9, s21, $0xb8;
	[tilespmem:$0x1E000] =	vst v63  }
0xa6: {  	_ =	swait.ge [sflag:s24], $0x4000  }
0xa7: {  	[sflag:s24] =	ssyncset.done $0x0  }
0xa8: {  	s16 =	simm.s32 $0x1180;
	[sflag:s24] =	ssyncadd.s32 $0xFFFFC000  }
0xa9: {  	[spmem:s2] =	stream.indirect.scatter.add.f32 [tilespmem:s22], [sflag:$0x4], $0x80, s16, s21, $0xb8;
	[tilespmem:$0x1E000] =	vst v63  }
0xaa: {  	_ =	swait.ge [sflag:s10], $0x4000  }
0xab: {  	[sflag:s10] =	ssyncset.done $0x0  }
0xac: {  	s15 =	simm.s32 $0x280;
	[sflag:s10] =	ssyncadd.s32 $0xFFFFC000  }
0xad: {  	[tilespmem:s28], [sflag:$0x3] =	stream.indirect.gather [hbm4b:s1+s21], $0x80, s15, s21, $0xb8;
	[tilespmem:$0x1E000] =	vst v63  }
0xae: {  	_ =	swait.ge [sflag:s29], $0x4000  }
0xaf: {  	[sflag:s29] =	ssyncset.done $0x0  }
0xb0: {  	s16 =	simm.s32 $0x1200;
	[sflag:s29] =	ssyncadd.s32 $0xFFFFC000  }
0xb1: {  	[spmem:s2] =	stream.indirect.scatter.add.f32 [tilespmem:s23], [sflag:$0x5], $0x80, s16, s21, $0xb8;
	[tilespmem:$0x1E000] =	vst v63  }
0xb2: {  	_ =	swait.ge [sflag:s31], $0x4000  }
0xb3: {  	[sflag:s31] =	ssyncset.done $0x0  }
0xb4: {  	s15 =	simm.s32 $0x300;
	[sflag:s31] =	ssyncadd.s32 $0xFFFFC000  }
0xb5: {  	[tilespmem:s22], [sflag:$0x1] =	stream.indirect.gather [hbm4b:s1+s21], $0x80, s15, s21, $0xb8;
	[tilespmem:$0x1E000] =	vst v63  }
0xb6: {  	_ =	swait.ge [sflag:s4], $0x4000  }
0xb7: {  	[sflag:s4] =	ssyncset.done $0x0  }
0xb8: {  	s16 =	simm.s32 $0x1280;
	[sflag:s4] =	ssyncadd.s32 $0xFFFFC000  }
0xb9: {  	[spmem:s2] =	stream.indirect.scatter.add.f32 [tilespmem:s28], [sflag:$0x6], $0x80, s16, s21, $0xb8;
	[tilespmem:$0x1E000] =	vst v63  }
0xba: {  	_ =	swait.ge [sflag:s8], $0x4000  }
0xbb: {  	[sflag:s8] =	ssyncset.done $0x0  }
0xbc: {  	s14 =	simm.s32 $0x600;
	s15 =	simm.s32 $0x380;
	[sflag:s8] =	ssyncadd.s32 $0xFFFFC000  }
.LBB2_4:
0xbd: {  	[tilespmem:s23], [sflag:$0x2] =	stream.indirect.gather [hbm4b:s1+s21], $0x80, s15, s21, $0xb8;
	[tilespmem:$0x1E000] =	vst v63  }
0xbe: {  	s15 =	smov.u32 s14  }
0xbf: {  	p1 =	sne.s32 s14, $0x3000;
	s14 =	sadd.s32 $0x600, s14;
	_ =	swait.ge [sflag:s24], $0x4000  }
0xc0: {  	s15 =	sshra.s32 s15, $0x2;
	[sflag:s24] =	ssyncset.done $0x0  }
0xc1: {  	s16 =	sadd.s32 $0x1180, s15;
	[sflag:s24] =	ssyncadd.s32 $0xFFFFC000  }
0xc2: {  	[spmem:s2] =	stream.indirect.scatter.add.f32 [tilespmem:s22], [sflag:$0x4], $0x80, s16, s21, $0xb8;
	[tilespmem:$0x1E000] =	vst v63  }
0xc3: {  	_ =	swait.ge [sflag:s10], $0x4000  }
0xc4: {  	[sflag:s10] =	ssyncset.done $0x0  }
0xc5: {  	s16 =	sadd.s32 $0x280, s15;
	[sflag:s10] =	ssyncadd.s32 $0xFFFFC000  }
0xc6: {  	[tilespmem:s28], [sflag:$0x3] =	stream.indirect.gather [hbm4b:s1+s21], $0x80, s16, s21, $0xb8;
	[tilespmem:$0x1E000] =	vst v63  }
0xc7: {  	_ =	swait.ge [sflag:s29], $0x4000  }
0xc8: {  	[sflag:s29] =	ssyncset.done $0x0  }
0xc9: {  	s16 =	sadd.s32 $0x1200, s15;
	[sflag:s29] =	ssyncadd.s32 $0xFFFFC000  }
0xca: {  	[spmem:s2] =	stream.indirect.scatter.add.f32 [tilespmem:s23], [sflag:$0x5], $0x80, s16, s21, $0xb8;
	[tilespmem:$0x1E000] =	vst v63  }
0xcb: {  	_ =	swait.ge [sflag:s31], $0x4000  }
0xcc: {  	[sflag:s31] =	ssyncset.done $0x0  }
0xcd: {  	s16 =	sadd.s32 $0x300, s15;
	[sflag:s31] =	ssyncadd.s32 $0xFFFFC000  }
0xce: {  	[tilespmem:s22], [sflag:$0x1] =	stream.indirect.gather [hbm4b:s1+s21], $0x80, s16, s21, $0xb8;
	[tilespmem:$0x1E000] =	vst v63  }
0xcf: {  	_ =	swait.ge [sflag:s4], $0x4000  }
0xd0: {  	[sflag:s4] =	ssyncset.done $0x0  }
.Ltmp1:
0xd1: {  	s16 =	sadd.s32 $0x1280, s15;
	[sflag:s4] =	ssyncadd.s32 $0xFFFFC000;
	(pc) =	sbr.rel @p1 .LBB2_4-.Ltmp1, $4  }
0xd2: {  	[spmem:s2] =	stream.indirect.scatter.add.f32 [tilespmem:s28], [sflag:$0x6], $0x80, s16, s21, $0xb8;
	[tilespmem:$0x1E000] =	vst v63  }
0xd3: {  	_ =	swait.ge [sflag:s8], $0x4000  }
0xd4: {  	[sflag:s8] =	ssyncset.done $0x0  }
0xd5: {  	s15 =	sadd.s32 $0x380, s15;
	[sflag:s8] =	ssyncadd.s32 $0xFFFFC000  }
0xd6: {  	[tilespmem:s23], [sflag:$0x2] =	stream.indirect.gather [hbm4b:s1+s21], $0x80, s15, s21, $0xb8;
	[tilespmem:$0x1E000] =	vst v63  }
0xd7: {  	_ =	swait.ge [sflag:s24], $0x4000  }
0xd8: {  	[sflag:s24] =	ssyncset.done $0x0  }
0xd9: {  	[sflag:s24] =	ssyncadd.s32 $0xFFFFC000  }
0xda: {  	[spmem:s2] =	stream.indirect.scatter.add.f32 [tilespmem:s22], [sflag:$0x4], $0x80, s11, s21, $0xb8;
	[tilespmem:$0x1E000] =	vst v63  }
0xdb: {  	_ =	swait.ge [sflag:s10], $0x4000  }
0xdc: {  	[sflag:s10] =	ssyncset.done $0x0  }
0xdd: {  	[sflag:s10] =	ssyncadd.s32 $0xFFFFC000  }
0xde: {  	_ =	swait.ge [sflag:s29], $0x4000  }
0xdf: {  	[sflag:s29] =	ssyncset.done $0x0  }
0xe0: {  	[sflag:s29] =	ssyncadd.s32 $0xFFFFC000  }
0xe1: {  	[spmem:s2] =	stream.indirect.scatter.add.f32 [tilespmem:s23], [sflag:$0x5], $0x80, s12, s21, $0xb8;
	[tilespmem:$0x1E000] =	vst v63  }
0xe2: {  	_ =	swait.ge [sflag:s31], $0x4000  }
0xe3: {  	[sflag:s31] =	ssyncset.done $0x0  }
0xe4: {  	[sflag:s31] =	ssyncadd.s32 $0xFFFFC000  }
0xe5: {  	_ =	swait.ge [sflag:s8], $0x4000  }
0xe6: {  	[sflag:s8] =	ssyncset.done $0x0  }
0xe7: {  	s14 =	simm.s32 $0x0;
	s16 =	rddreg [dreg:$0x9];
	[sflag:s8] =	ssyncadd.s32 $0xFFFFC000  }
0xe8: {  	[tilespmem:s14], [sflag:$0x7] =	stream.linear.gather [hbm4b:s16+s14], $0x1000, $0x38;
	[tilespmem:$0x1E000] =	vst v63  }
0xe9: {  	_ =	swait.ge [sflag:s19], $0x1000  }
0xea: {  	[sflag:s19] =	ssyncset.done $0x0  }
0xeb: {  	s16 =	rddreg [dreg:$0xa];
	[sflag:s19] =	ssyncadd.s32 $0xFFFFF000  }
0xec: {  	[tilespmem:s20], [sflag:$0x7] =	stream.linear.gather [hbm4b:s16+s14], $0x1000, $0x38;
	[tilespmem:$0x1E000] =	vst v63  }
0xed: {  	_ =	swait.ge [sflag:s19], $0x1000  }
0xee: {  	[sflag:s19] =	ssyncset.done $0x0  }
0xef: {  	[sflag:s19] =	ssyncadd.s32 $0xFFFFF000  }
0xf0: {  	[tilespmem:s22], [sflag:$0x1] =	stream.indirect.gather [hbm4b:s1+s21], $0x80, s14, s21, $0xb8;
	[tilespmem:$0x1E000] =	vst v63  }
0xf1: {  	_ = 	snop  }
0xf2: {  	[tilespmem:s23], [sflag:$0x2] =	stream.indirect.gather [hbm4b:s1+s21], $0x80, s21, s21, $0xb8;
	[tilespmem:$0x1E000] =	vst v63  }
0xf3: {  	_ =	swait.ge [sflag:s24], $0x4000  }
0xf4: {  	[sflag:s24] =	ssyncset.done $0x0  }
0xf5: {  	[sflag:s24] =	ssyncadd.s32 $0xFFFFC000  }
0xf6: {  	[spmem:s2] =	stream.indirect.scatter.add.f32 [tilespmem:s22], [sflag:$0x4], $0x80, s20, s21, $0xb8;
	[tilespmem:$0x1E000] =	vst v63  }
0xf7: {  	_ = 	snop  }
0xf8: {  	[tilespmem:s28], [sflag:$0x3] =	stream.indirect.gather [hbm4b:s1+s21], $0x80, s26, s21, $0xb8;
	[tilespmem:$0x1E000] =	vst v63  }
0xf9: {  	_ =	swait.ge [sflag:s29], $0x4000  }
0xfa: {  	[sflag:s29] =	ssyncset.done $0x0  }
0xfb: {  	[sflag:s29] =	ssyncadd.s32 $0xFFFFC000  }
0xfc: {  	[spmem:s2] =	stream.indirect.scatter.add.f32 [tilespmem:s23], [sflag:$0x5], $0x80, s30, s21, $0xb8;
	[tilespmem:$0x1E000] =	vst v63  }
0xfd: {  	_ =	swait.ge [sflag:s31], $0x4000  }
0xfe: {  	[sflag:s31] =	ssyncset.done $0x0  }
0xff: {  	[sflag:s31] =	ssyncadd.s32 $0xFFFFC000  }
0x100: {  	[tilespmem:s22], [sflag:$0x1] =	stream.indirect.gather [hbm4b:s1+s21], $0x80, s0, s21, $0xb8;
	[tilespmem:$0x1E000] =	vst v63  }
0x101: {  	_ =	swait.ge [sflag:s4], $0x4000  }
0x102: {  	[sflag:s4] =	ssyncset.done $0x0  }
0x103: {  	[sflag:s4] =	ssyncadd.s32 $0xFFFFC000  }
0x104: {  	[spmem:s2] =	stream.indirect.scatter.add.f32 [tilespmem:s28], [sflag:$0x6], $0x80, s5, s21, $0xb8;
	[tilespmem:$0x1E000] =	vst v63  }
0x105: {  	_ =	swait.ge [sflag:s8], $0x4000  }
0x106: {  	[sflag:s8] =	ssyncset.done $0x0  }
0x107: {  	[sflag:s8] =	ssyncadd.s32 $0xFFFFC000  }
0x108: {  	[tilespmem:s23], [sflag:$0x2] =	stream.indirect.gather [hbm4b:s1+s21], $0x80, s9, s21, $0xb8;
	[tilespmem:$0x1E000] =	vst v63  }
0x109: {  	_ =	swait.ge [sflag:s24], $0x4000  }
0x10a: {  	[sflag:s24] =	ssyncset.done $0x0  }
0x10b: {  	s16 =	simm.s32 $0x1180;
	[sflag:s24] =	ssyncadd.s32 $0xFFFFC000  }
0x10c: {  	[spmem:s2] =	stream.indirect.scatter.add.f32 [tilespmem:s22], [sflag:$0x4], $0x80, s16, s21, $0xb8;
	[tilespmem:$0x1E000] =	vst v63  }
0x10d: {  	_ =	swait.ge [sflag:s10], $0x4000  }
0x10e: {  	[sflag:s10] =	ssyncset.done $0x0  }
0x10f: {  	s15 =	simm.s32 $0x280;
	[sflag:s10] =	ssyncadd.s32 $0xFFFFC000  }
0x110: {  	[tilespmem:s28], [sflag:$0x3] =	stream.indirect.gather [hbm4b:s1+s21], $0x80, s15, s21, $0xb8;
	[tilespmem:$0x1E000] =	vst v63  }
0x111: {  	_ =	swait.ge [sflag:s29], $0x4000  }
0x112: {  	[sflag:s29] =	ssyncset.done $0x0  }
0x113: {  	s16 =	simm.s32 $0x1200;
	[sflag:s29] =	ssyncadd.s32 $0xFFFFC000  }
0x114: {  	[spmem:s2] =	stream.indirect.scatter.add.f32 [tilespmem:s23], [sflag:$0x5], $0x80, s16, s21, $0xb8;
	[tilespmem:$0x1E000] =	vst v63  }
0x115: {  	_ =	swait.ge [sflag:s31], $0x4000  }
0x116: {  	[sflag:s31] =	ssyncset.done $0x0  }
0x117: {  	s15 =	simm.s32 $0x300;
	[sflag:s31] =	ssyncadd.s32 $0xFFFFC000  }
0x118: {  	[tilespmem:s22], [sflag:$0x1] =	stream.indirect.gather [hbm4b:s1+s21], $0x80, s15, s21, $0xb8;
	[tilespmem:$0x1E000] =	vst v63  }
0x119: {  	_ =	swait.ge [sflag:s4], $0x4000  }
0x11a: {  	[sflag:s4] =	ssyncset.done $0x0  }
0x11b: {  	s16 =	simm.s32 $0x1280;
	[sflag:s4] =	ssyncadd.s32 $0xFFFFC000  }
0x11c: {  	[spmem:s2] =	stream.indirect.scatter.add.f32 [tilespmem:s28], [sflag:$0x6], $0x80, s16, s21, $0xb8;
	[tilespmem:$0x1E000] =	vst v63  }
0x11d: {  	_ =	swait.ge [sflag:s8], $0x4000  }
0x11e: {  	[sflag:s8] =	ssyncset.done $0x0  }
0x11f: {  	s14 =	simm.s32 $0x600;
	s15 =	simm.s32 $0x380;
	[sflag:s8] =	ssyncadd.s32 $0xFFFFC000  }
.LBB2_6:
0x120: {  	[tilespmem:s23], [sflag:$0x2] =	stream.indirect.gather [hbm4b:s1+s21], $0x80, s15, s21, $0xb8;
	[tilespmem:$0x1E000] =	vst v63  }
0x121: {  	s15 =	smov.u32 s14  }
0x122: {  	p1 =	sne.s32 s14, $0x3000;
	s14 =	sadd.s32 $0x600, s14;
	_ =	swait.ge [sflag:s24], $0x4000  }
0x123: {  	s15 =	sshra.s32 s15, $0x2;
	[sflag:s24] =	ssyncset.done $0x0  }
0x124: {  	s16 =	sadd.s32 $0x1180, s15;
	[sflag:s24] =	ssyncadd.s32 $0xFFFFC000  }
0x125: {  	[spmem:s2] =	stream.indirect.scatter.add.f32 [tilespmem:s22], [sflag:$0x4], $0x80, s16, s21, $0xb8;
	[tilespmem:$0x1E000] =	vst v63  }
0x126: {  	_ =	swait.ge [sflag:s10], $0x4000  }
0x127: {  	[sflag:s10] =	ssyncset.done $0x0  }
0x128: {  	s16 =	sadd.s32 $0x280, s15;
	[sflag:s10] =	ssyncadd.s32 $0xFFFFC000  }
0x129: {  	[tilespmem:s28], [sflag:$0x3] =	stream.indirect.gather [hbm4b:s1+s21], $0x80, s16, s21, $0xb8;
	[tilespmem:$0x1E000] =	vst v63  }
0x12a: {  	_ =	swait.ge [sflag:s29], $0x4000  }
0x12b: {  	[sflag:s29] =	ssyncset.done $0x0  }
0x12c: {  	s16 =	sadd.s32 $0x1200, s15;
	[sflag:s29] =	ssyncadd.s32 $0xFFFFC000  }
0x12d: {  	[spmem:s2] =	stream.indirect.scatter.add.f32 [tilespmem:s23], [sflag:$0x5], $0x80, s16, s21, $0xb8;
	[tilespmem:$0x1E000] =	vst v63  }
0x12e: {  	_ =	swait.ge [sflag:s31], $0x4000  }
0x12f: {  	[sflag:s31] =	ssyncset.done $0x0  }
0x130: {  	s16 =	sadd.s32 $0x300, s15;
	[sflag:s31] =	ssyncadd.s32 $0xFFFFC000  }
0x131: {  	[tilespmem:s22], [sflag:$0x1] =	stream.indirect.gather [hbm4b:s1+s21], $0x80, s16, s21, $0xb8;
	[tilespmem:$0x1E000] =	vst v63  }
0x132: {  	_ =	swait.ge [sflag:s4], $0x4000  }
0x133: {  	[sflag:s4] =	ssyncset.done $0x0  }
.Ltmp2:
0x134: {  	s16 =	sadd.s32 $0x1280, s15;
	[sflag:s4] =	ssyncadd.s32 $0xFFFFC000;
	(pc) =	sbr.rel @p1 .LBB2_6-.Ltmp2, $4  }
0x135: {  	[spmem:s2] =	stream.indirect.scatter.add.f32 [tilespmem:s28], [sflag:$0x6], $0x80, s16, s21, $0xb8;
	[tilespmem:$0x1E000] =	vst v63  }
0x136: {  	_ =	swait.ge [sflag:s8], $0x4000  }
0x137: {  	[sflag:s8] =	ssyncset.done $0x0  }
0x138: {  	s15 =	sadd.s32 $0x380, s15;
	[sflag:s8] =	ssyncadd.s32 $0xFFFFC000  }
0x139: {  	[tilespmem:s23], [sflag:$0x2] =	stream.indirect.gather [hbm4b:s1+s21], $0x80, s15, s21, $0xb8;
	[tilespmem:$0x1E000] =	vst v63  }
0x13a: {  	_ =	swait.ge [sflag:s24], $0x4000  }
0x13b: {  	[sflag:s24] =	ssyncset.done $0x0  }
0x13c: {  	[sflag:s24] =	ssyncadd.s32 $0xFFFFC000  }
0x13d: {  	[spmem:s2] =	stream.indirect.scatter.add.f32 [tilespmem:s22], [sflag:$0x4], $0x80, s11, s21, $0xb8;
	[tilespmem:$0x1E000] =	vst v63  }
0x13e: {  	_ =	swait.ge [sflag:s10], $0x4000  }
0x13f: {  	[sflag:s10] =	ssyncset.done $0x0  }
0x140: {  	[sflag:s10] =	ssyncadd.s32 $0xFFFFC000  }
0x141: {  	_ =	swait.ge [sflag:s29], $0x4000  }
0x142: {  	[sflag:s29] =	ssyncset.done $0x0  }
0x143: {  	[sflag:s29] =	ssyncadd.s32 $0xFFFFC000  }
0x144: {  	[spmem:s2] =	stream.indirect.scatter.add.f32 [tilespmem:s23], [sflag:$0x5], $0x80, s12, s21, $0xb8;
	[tilespmem:$0x1E000] =	vst v63  }
0x145: {  	_ =	swait.ge [sflag:s31], $0x4000  }
0x146: {  	[sflag:s31] =	ssyncset.done $0x0  }
0x147: {  	[sflag:s31] =	ssyncadd.s32 $0xFFFFC000  }
0x148: {  	_ =	swait.ge [sflag:s8], $0x4000  }
0x149: {  	[sflag:s8] =	ssyncset.done $0x0  }
0x14a: {  	s14 =	simm.s32 $0x0;
	s16 =	rddreg [dreg:$0xb];
	[sflag:s8] =	ssyncadd.s32 $0xFFFFC000  }
0x14b: {  	[tilespmem:s14], [sflag:$0x7] =	stream.linear.gather [hbm4b:s16+s14], $0x1000, $0x38;
	[tilespmem:$0x1E000] =	vst v63  }
0x14c: {  	_ =	swait.ge [sflag:s19], $0x1000  }
0x14d: {  	[sflag:s19] =	ssyncset.done $0x0  }
0x14e: {  	s16 =	rddreg [dreg:$0xc];
	[sflag:s19] =	ssyncadd.s32 $0xFFFFF000  }
0x14f: {  	[tilespmem:s20], [sflag:$0x7] =	stream.linear.gather [hbm4b:s16+s14], $0x1000, $0x38;
	[tilespmem:$0x1E000] =	vst v63  }
0x150: {  	_ =	swait.ge [sflag:s19], $0x1000  }
0x151: {  	[sflag:s19] =	ssyncset.done $0x0  }
0x152: {  	[sflag:s19] =	ssyncadd.s32 $0xFFFFF000  }
0x153: {  	[tilespmem:s22], [sflag:$0x1] =	stream.indirect.gather [hbm4b:s1+s21], $0x80, s14, s21, $0xb8;
	[tilespmem:$0x1E000] =	vst v63  }
0x154: {  	_ = 	snop  }
0x155: {  	[tilespmem:s23], [sflag:$0x2] =	stream.indirect.gather [hbm4b:s1+s21], $0x80, s21, s21, $0xb8;
	[tilespmem:$0x1E000] =	vst v63  }
0x156: {  	_ =	swait.ge [sflag:s24], $0x4000  }
0x157: {  	[sflag:s24] =	ssyncset.done $0x0  }
0x158: {  	[sflag:s24] =	ssyncadd.s32 $0xFFFFC000  }
0x159: {  	[spmem:s2] =	stream.indirect.scatter.add.f32 [tilespmem:s22], [sflag:$0x4], $0x80, s20, s21, $0xb8;
	[tilespmem:$0x1E000] =	vst v63  }
0x15a: {  	_ = 	snop  }
0x15b: {  	[tilespmem:s28], [sflag:$0x3] =	stream.indirect.gather [hbm4b:s1+s21], $0x80, s26, s21, $0xb8;
	[tilespmem:$0x1E000] =	vst v63  }
0x15c: {  	_ =	swait.ge [sflag:s29], $0x4000  }
0x15d: {  	[sflag:s29] =	ssyncset.done $0x0  }
0x15e: {  	[sflag:s29] =	ssyncadd.s32 $0xFFFFC000  }
0x15f: {  	[spmem:s2] =	stream.indirect.scatter.add.f32 [tilespmem:s23], [sflag:$0x5], $0x80, s30, s21, $0xb8;
	[tilespmem:$0x1E000] =	vst v63  }
0x160: {  	_ =	swait.ge [sflag:s31], $0x4000  }
0x161: {  	[sflag:s31] =	ssyncset.done $0x0  }
0x162: {  	[sflag:s31] =	ssyncadd.s32 $0xFFFFC000  }
0x163: {  	[tilespmem:s22], [sflag:$0x1] =	stream.indirect.gather [hbm4b:s1+s21], $0x80, s0, s21, $0xb8;
	[tilespmem:$0x1E000] =	vst v63  }
0x164: {  	_ =	swait.ge [sflag:s4], $0x4000  }
0x165: {  	[sflag:s4] =	ssyncset.done $0x0  }
0x166: {  	[sflag:s4] =	ssyncadd.s32 $0xFFFFC000  }
0x167: {  	[spmem:s2] =	stream.indirect.scatter.add.f32 [tilespmem:s28], [sflag:$0x6], $0x80, s5, s21, $0xb8;
	[tilespmem:$0x1E000] =	vst v63  }
0x168: {  	_ =	swait.ge [sflag:s8], $0x4000  }
0x169: {  	[sflag:s8] =	ssyncset.done $0x0  }
0x16a: {  	[sflag:s8] =	ssyncadd.s32 $0xFFFFC000  }
0x16b: {  	[tilespmem:s23], [sflag:$0x2] =	stream.indirect.gather [hbm4b:s1+s21], $0x80, s9, s21, $0xb8;
	[tilespmem:$0x1E000] =	vst v63  }
0x16c: {  	_ =	swait.ge [sflag:s24], $0x4000  }
0x16d: {  	[sflag:s24] =	ssyncset.done $0x0  }
0x16e: {  	s16 =	simm.s32 $0x1180;
	[sflag:s24] =	ssyncadd.s32 $0xFFFFC000  }
0x16f: {  	[spmem:s2] =	stream.indirect.scatter.add.f32 [tilespmem:s22], [sflag:$0x4], $0x80, s16, s21, $0xb8;
	[tilespmem:$0x1E000] =	vst v63  }
0x170: {  	_ =	swait.ge [sflag:s10], $0x4000  }
0x171: {  	[sflag:s10] =	ssyncset.done $0x0  }
0x172: {  	s15 =	simm.s32 $0x280;
	[sflag:s10] =	ssyncadd.s32 $0xFFFFC000  }
0x173: {  	[tilespmem:s28], [sflag:$0x3] =	stream.indirect.gather [hbm4b:s1+s21], $0x80, s15, s21, $0xb8;
	[tilespmem:$0x1E000] =	vst v63  }
0x174: {  	_ =	swait.ge [sflag:s29], $0x4000  }
0x175: {  	[sflag:s29] =	ssyncset.done $0x0  }
0x176: {  	s16 =	simm.s32 $0x1200;
	[sflag:s29] =	ssyncadd.s32 $0xFFFFC000  }
0x177: {  	[spmem:s2] =	stream.indirect.scatter.add.f32 [tilespmem:s23], [sflag:$0x5], $0x80, s16, s21, $0xb8;
	[tilespmem:$0x1E000] =	vst v63  }
0x178: {  	_ =	swait.ge [sflag:s31], $0x4000  }
0x179: {  	[sflag:s31] =	ssyncset.done $0x0  }
0x17a: {  	s15 =	simm.s32 $0x300;
	[sflag:s31] =	ssyncadd.s32 $0xFFFFC000  }
0x17b: {  	[tilespmem:s22], [sflag:$0x1] =	stream.indirect.gather [hbm4b:s1+s21], $0x80, s15, s21, $0xb8;
	[tilespmem:$0x1E000] =	vst v63  }
0x17c: {  	_ =	swait.ge [sflag:s4], $0x4000  }
0x17d: {  	[sflag:s4] =	ssyncset.done $0x0  }
0x17e: {  	s16 =	simm.s32 $0x1280;
	[sflag:s4] =	ssyncadd.s32 $0xFFFFC000  }
0x17f: {  	[spmem:s2] =	stream.indirect.scatter.add.f32 [tilespmem:s28], [sflag:$0x6], $0x80, s16, s21, $0xb8;
	[tilespmem:$0x1E000] =	vst v63  }
0x180: {  	_ =	swait.ge [sflag:s8], $0x4000  }
0x181: {  	[sflag:s8] =	ssyncset.done $0x0  }
0x182: {  	s14 =	simm.s32 $0x600;
	s15 =	simm.s32 $0x380;
	[sflag:s8] =	ssyncadd.s32 $0xFFFFC000  }
.LBB2_8:
0x183: {  	[tilespmem:s23], [sflag:$0x2] =	stream.indirect.gather [hbm4b:s1+s21], $0x80, s15, s21, $0xb8;
	[tilespmem:$0x1E000] =	vst v63  }
0x184: {  	s15 =	smov.u32 s14  }
0x185: {  	p1 =	sne.s32 s14, $0x3000;
	s14 =	sadd.s32 $0x600, s14;
	_ =	swait.ge [sflag:s24], $0x4000  }
0x186: {  	s15 =	sshra.s32 s15, $0x2;
	[sflag:s24] =	ssyncset.done $0x0  }
0x187: {  	s16 =	sadd.s32 $0x1180, s15;
	[sflag:s24] =	ssyncadd.s32 $0xFFFFC000  }
0x188: {  	[spmem:s2] =	stream.indirect.scatter.add.f32 [tilespmem:s22], [sflag:$0x4], $0x80, s16, s21, $0xb8;
	[tilespmem:$0x1E000] =	vst v63  }
0x189: {  	_ =	swait.ge [sflag:s10], $0x4000  }
0x18a: {  	[sflag:s10] =	ssyncset.done $0x0  }
0x18b: {  	s16 =	sadd.s32 $0x280, s15;
	[sflag:s10] =	ssyncadd.s32 $0xFFFFC000  }
0x18c: {  	[tilespmem:s28], [sflag:$0x3] =	stream.indirect.gather [hbm4b:s1+s21], $0x80, s16, s21, $0xb8;
	[tilespmem:$0x1E000] =	vst v63  }
0x18d: {  	_ =	swait.ge [sflag:s29], $0x4000  }
0x18e: {  	[sflag:s29] =	ssyncset.done $0x0  }
0x18f: {  	s16 =	sadd.s32 $0x1200, s15;
	[sflag:s29] =	ssyncadd.s32 $0xFFFFC000  }
0x190: {  	[spmem:s2] =	stream.indirect.scatter.add.f32 [tilespmem:s23], [sflag:$0x5], $0x80, s16, s21, $0xb8;
	[tilespmem:$0x1E000] =	vst v63  }
0x191: {  	_ =	swait.ge [sflag:s31], $0x4000  }
0x192: {  	[sflag:s31] =	ssyncset.done $0x0  }
0x193: {  	s16 =	sadd.s32 $0x300, s15;
	[sflag:s31] =	ssyncadd.s32 $0xFFFFC000  }
0x194: {  	[tilespmem:s22], [sflag:$0x1] =	stream.indirect.gather [hbm4b:s1+s21], $0x80, s16, s21, $0xb8;
	[tilespmem:$0x1E000] =	vst v63  }
0x195: {  	_ =	swait.ge [sflag:s4], $0x4000  }
0x196: {  	[sflag:s4] =	ssyncset.done $0x0  }
.Ltmp3:
0x197: {  	s16 =	sadd.s32 $0x1280, s15;
	[sflag:s4] =	ssyncadd.s32 $0xFFFFC000;
	(pc) =	sbr.rel @p1 .LBB2_8-.Ltmp3, $4  }
0x198: {  	[spmem:s2] =	stream.indirect.scatter.add.f32 [tilespmem:s28], [sflag:$0x6], $0x80, s16, s21, $0xb8;
	[tilespmem:$0x1E000] =	vst v63  }
0x199: {  	_ =	swait.ge [sflag:s8], $0x4000  }
0x19a: {  	[sflag:s8] =	ssyncset.done $0x0  }
0x19b: {  	s15 =	sadd.s32 $0x380, s15;
	[sflag:s8] =	ssyncadd.s32 $0xFFFFC000  }
0x19c: {  	[tilespmem:s23], [sflag:$0x2] =	stream.indirect.gather [hbm4b:s1+s21], $0x80, s15, s21, $0xb8;
	[tilespmem:$0x1E000] =	vst v63  }
0x19d: {  	_ =	swait.ge [sflag:s24], $0x4000  }
0x19e: {  	[sflag:s24] =	ssyncset.done $0x0  }
0x19f: {  	[sflag:s24] =	ssyncadd.s32 $0xFFFFC000  }
0x1a0: {  	[spmem:s2] =	stream.indirect.scatter.add.f32 [tilespmem:s22], [sflag:$0x4], $0x80, s11, s21, $0xb8;
	[tilespmem:$0x1E000] =	vst v63  }
0x1a1: {  	_ =	swait.ge [sflag:s10], $0x4000  }
0x1a2: {  	[sflag:s10] =	ssyncset.done $0x0  }
0x1a3: {  	[sflag:s10] =	ssyncadd.s32 $0xFFFFC000  }
0x1a4: {  	_ =	swait.ge [sflag:s29], $0x4000  }
0x1a5: {  	[sflag:s29] =	ssyncset.done $0x0  }
0x1a6: {  	[sflag:s29] =	ssyncadd.s32 $0xFFFFC000  }
0x1a7: {  	[spmem:s2] =	stream.indirect.scatter.add.f32 [tilespmem:s23], [sflag:$0x5], $0x80, s12, s21, $0xb8;
	[tilespmem:$0x1E000] =	vst v63  }
0x1a8: {  	_ =	swait.ge [sflag:s31], $0x4000  }
0x1a9: {  	[sflag:s31] =	ssyncset.done $0x0  }
0x1aa: {  	[sflag:s31] =	ssyncadd.s32 $0xFFFFC000  }
0x1ab: {  	_ =	swait.ge [sflag:s8], $0x4000  }
0x1ac: {  	[sflag:s8] =	ssyncset.done $0x0  }
0x1ad: {  	[sflag:s8] =	ssyncadd.s32 $0xFFFFC000  }
0x1ae: {  	s14 =	simm.s32 @p0 $0x7;
	[bflag:$0x0] =	sbarrier.arrive $0xFFFF  }
0x1af: {  	[hbm:s17], [sflag:s7] =	dma.local @p0 [spmem:s25], $0x1000  }
0x1b0: {  	s13 =	sadd.s32 $0x1, s13;
	_ =	swait.ge @p0 [sflag:s14], $0x1000  }
0x1b1: {  	p1 =	sne.s32 s13, s18;
	[sflag:s14] =	ssyncset.done @p0 $0x0  }
0x1b2: {  	s15 =	rddreg [dreg:$0xd];
	[sflag:s14] =	ssyncadd.s32 @p0 $0xFFFFF000;
	s14 =	sshrl.u32 @!p0 s6, $0x3  }
0x1b3: {  	[hbm:s15], [sflag:s7] =	dma.local @!p0 [spmem:s14], $0x2000  }
.Ltmp4:
0x1b4: {  	_ = 	snop;
	(pc) =	sbr.rel @p1 .LBB2_1-.Ltmp4, $4  }
0x1b5: {  	s14 =	simm.s32 @!p0 $0x7  }
0x1b6: {  	_ =	swait.ge @!p0 [sflag:s14], $0x2000  }
0x1b7: {  	[sflag:s14] =	ssyncset.done @!p0 $0x0  }
0x1b8: {  	[sflag:s14] =	ssyncadd.s32 @!p0 $0xFFFFE000  }
0x1b9: {  	_ =	sfence.sel $0x180000  }
0x1ba: {  	[bflag:$0x0] =	sbarrier.arrive $0xFFFF  }
0x1bb: {  	_ =	strace $0x9000004A  }
0x1bc: {  	s0 =	stileid.u32;
	[bflag:$0x2] =	sbarrier.arrive $0xFFFF  }
0x1bd: {  	p0 =	sne.s32 s0, $0x0;
	s0 =	rddreg [dreg:$0x3]  }
0x1be: {  	s0 =	sadd.s32 @!p0 $0x100000, s0  }
0x1bf: {  	[sflag:s0] =	ssyncadd.tile.s32 @!p0 $0x1;
	_ =	shalt  }
.Lfunc_end2:
_tile_overlayer_lowered:
.L_overlay_start_2:
0x1c0: {  	(tag) =	ssettag $0x2  }
0x1c1: {  	s0 =	rddreg [dreg:$0x0];
	s2 =	stileid.u32  }
0x1c2: {  	s1 =	rddreg [dreg:$0x1];
	p0 =	sne.s32 s2, $0x0  }
0x1c3: {  	s3 =	rddreg [dreg:$0x2];
	[bflag:$0x3] =	sbarrier.arrive $0xFFFF;
	s2 =	simm.s32 @!p0 $0x1C07  }
0x1c4: {  	[timem:s3], [sflag:s2] =	dma.local @!p0 [hbm:s0], s1  }
0x1c5: {  	s0 =	simm.s32 @!p0 $0x7  }
0x1c6: {  	_ =	swait.ge @!p0 [sflag:s0], s1  }
0x1c7: {  	s1 =	ssub.s32 @!p0 $0x0, s1;
	[sflag:s0] =	ssyncset.done @!p0 $0x0  }
0x1c8: {  	[sflag:s0] =	ssyncadd.s32 @!p0 s1  }
0x1c9: {  	[bflag:$0x3] =	sbarrier.arrive $0xFFFF  }
0x1ca: {  	_ =	shalt  }

// kernel: kernel.16.cloned.1.call-start
scs
__scs_entry_jumppad:
0x0: {  	(pc) =	sbr.rel $0x88, $3  }
0x1: {  	(tag) =	ssettag $0x0;
	lr =	simm.s32 $0x1  }
0x2: {  	[smem:$0x3F8D] =	sst lr;
	_ =	strace $0xD0000000  }
0x3: {  	_ = 	snop  }
0x4: {  	_ = 	snop  }
0x5: {  	_ = 	snop  }
0x6: {  	_ = 	snop  }
0x7: {  	_ = 	snop  }
__scs_overlays_trampoline_lowered:
0x8: {  	[smem:$0x3F9C] =	sst s0  }
0x9: {  	[smem:$0x3F9D] =	sst s1  }
0xa: {  	[smem:$0x3F9E] =	sst s2  }
0xb: {  	[smem:$0x3F9F] =	sst s3  }
0xc: {  	[smem:$0x3FA0] =	sst s4  }
0xd: {  	[smem:$0x3FA1] =	sst s5  }
0xe: {  	[smem:$0x3FA2] =	sst s6  }
0xf: {  	[smem:$0x3FA3] =	sst s7  }
0x10: {  	[smem:$0x3FA4] =	sst s8  }
0x11: {  	[smem:$0x3FA5] =	sst s9;
	s0 =	simm.s32 @!p0 $0x0  }
0x12: {  	s1 =	sld [smem:$0x3F8B];
	s0 =	simm.s32 @p0 $0x1  }
0x13: {  	[smem:$0x3FA6] =	sst s0;
	s0 =	simm.s32 @!p1 $0x0  }
0x14: {  	s2 =	sld [smem:$0x3F8A];
	s0 =	simm.s32 @p1 $0x1  }
0x15: {  	[smem:$0x3FA7] =	sst s0;
	s0 =	simm.s32 @!p2 $0x0  }
0x16: {  	s3 =	sld [smem:$0x3FDB];
	s0 =	simm.s32 @p2 $0x1  }
0x17: {  	s4 =	simm.s32 $0x1BF5;
	[smem:$0x3FA9] =	sst s0  }
0x18: {  	s0 =	sld [smem:$0x3F8C];
	_ =	swait.ge [sflag:s4], $0x0  }
0x19: {  	s7 =	sld [smem:$0x3F8D]  }
0x1a: {  	s8 =	sadd.s32 $0xFFFFE003, lr  }
0x1b: {  	s9 =	sadd.s32 $0xFFFFFEF7, lr;
	s5 =	simm.s32 $0xFFFFFFFF;
	p2 =	slt.u32 s8, $0xFFFFF086  }
0x1c: {  	p1 =	slt.u32 s9, $0xF7A;
	s5 =	simm.s32 @!p2 $0x0  }
0x1d: {  	s5 =	simm.s32 @p1 $0x1;
	p0 =	seq.s32 s7, s2  }
0x1e: {  	s7 =	smul.u32 @!p0 $0xF7A, s2;
	p2 =	seq.s32 @!p0 s5, $0x0  }
0x1f: {  	s9 =	smul.u32 $0xF7A, s1;
	s8 =	simm.s32 @!p0 $0x1BF5;
	p2 =	por !p2, p0  }
0x20: {  	[sflag:s8] =	ssyncset.s32 @!p0 $0xFFFFF086;
	s6 =	sadd.s32 @!p0 s3, s7;
	s7 =	simm.s32 @!p0 $0x108  }
0x21: {  	s3 =	sadd.s32 s3, s9;
	s6 =	sadd.s32 @!p0 $0x88, s6;
	s7 =	simm.s32 @p2 $0x1082  }
0x22: {  	[simem:s7], [sflag:s8] =	dma.local @!p0 [hbm:s6], $0xF7A  }
0x23: {  	s9 =	sor.u32 $0xD0000000, s2;
	s6 =	simm.s32 $0x108;
	_ =	swait.ge @!p0 [sflag:s8], $0x0  }
0x24: {  	s3 =	sadd.s32 $0x88, s3;
	s6 =	simm.s32 @!p1 $0x1082;
	[sflag:s4] =	ssyncset.s32 $0xFFFFF086  }
0x25: {  	[simem:s6], [sflag:s4] =	dma.local [hbm:s3], $0xF7A  }
0x26: {  	[smem:$0x3F8D] =	sst s1;
	(tag) =	ssettag s2;
	_ =	strace s9  }
0x27: {  	s1 =	sld [smem:$0x3F9D]  }
0x28: {  	s2 =	sld [smem:$0x3F9E]  }
0x29: {  	s4 =	sld [smem:$0x3FA0]  }
0x2a: {  	p0 =	seq.s32 s5, $0x0;
	s5 =	sld [smem:$0x3FA1]  }
0x2b: {  	s6 =	sld [smem:$0x3FA2]  }
0x2c: {  	s7 =	sld [smem:$0x3FA3]  }
0x2d: {  	s3 =	simm.s32 $0x108;
	s8 =	sld [smem:$0x3FA4]  }
0x2e: {  	s3 =	simm.s32 @!p0 $0x1082;
	s9 =	sld [smem:$0x3FA5]  }
0x2f: {  	lr =	sadd.s32 s0, s3;
	s0 =	sld [smem:$0x3F9C]  }
0x30: {  	s3 =	sld [smem:$0x3F9F]  }
0x31: {  	[smem:$0x3FA8] =	sst s10  }
0x32: {  	s10 =	sld [smem:$0x3FA6];
	_ =	sdelay $0x3  }
0x33: {  	p0 =	seq.s32 s10, $0x1;
	s10 =	sld [smem:$0x3FA8];
	_ =	sdelay $0x3  }
0x34: {  	[smem:$0x3FA8] =	sst s10  }
0x35: {  	s10 =	sld [smem:$0x3FA7];
	_ =	sdelay $0x3  }
0x36: {  	p1 =	seq.s32 s10, $0x1;
	s10 =	sld [smem:$0x3FA8];
	_ =	sdelay $0x3  }
0x37: {  	[smem:$0x3FA8] =	sst s10  }
0x38: {  	s10 =	sld [smem:$0x3FA9]  }
0x39: {  	_ = 	snop;
	(pc) =	sbr.ind lr, $3  }
0x3a: {  	_ = 	snop  }
0x3b: {  	_ = 	snop  }
0x3c: {  	p2 =	seq.s32 s10, $0x1;
	s10 =	sld [smem:$0x3FA8]  }
0x3d: {  	_ =	shalt  }
0x3e: {  	_ =	shalt  }
0x3f: {  	_ =	shalt  }
0x40: {  	_ =	shalt  }
0x41: {  	_ =	shalt  }
0x42: {  	_ =	shalt  }
0x43: {  	_ =	shalt  }
0x44: {  	_ =	shalt  }
0x45: {  	_ =	shalt  }
0x46: {  	_ =	shalt  }
0x47: {  	_ =	shalt  }
0x48: {  	_ =	shalt  }
0x49: {  	_ =	shalt  }
0x4a: {  	_ =	shalt  }
0x4b: {  	_ =	shalt  }
0x4c: {  	_ =	shalt  }
0x4d: {  	_ =	shalt  }
0x4e: {  	_ =	shalt  }
0x4f: {  	_ =	shalt  }
0x50: {  	_ =	shalt  }
0x51: {  	_ =	shalt  }
0x52: {  	_ =	shalt  }
0x53: {  	_ =	shalt  }
0x54: {  	_ =	shalt  }
0x55: {  	_ =	shalt  }
0x56: {  	_ =	shalt  }
0x57: {  	_ =	shalt  }
0x58: {  	_ =	shalt  }
0x59: {  	_ =	shalt  }
0x5a: {  	_ =	shalt  }
0x5b: {  	_ =	shalt  }
0x5c: {  	_ =	shalt  }
0x5d: {  	_ =	shalt  }
0x5e: {  	_ =	shalt  }
0x5f: {  	_ =	shalt  }
0x60: {  	_ =	shalt  }
0x61: {  	_ =	shalt  }
0x62: {  	_ =	shalt  }
0x63: {  	_ =	shalt  }
0x64: {  	_ =	shalt  }
0x65: {  	_ =	shalt  }
0x66: {  	_ =	shalt  }
0x67: {  	_ =	shalt  }
0x68: {  	_ =	shalt  }
0x69: {  	_ =	shalt  }
0x6a: {  	_ =	shalt  }
0x6b: {  	_ =	shalt  }
0x6c: {  	_ =	shalt  }
0x6d: {  	_ =	shalt  }
0x6e: {  	_ =	shalt  }
0x6f: {  	_ =	shalt  }
0x70: {  	_ =	shalt  }
0x71: {  	_ =	shalt  }
0x72: {  	_ =	shalt  }
0x73: {  	_ =	shalt  }
0x74: {  	_ =	shalt  }
0x75: {  	_ =	shalt  }
0x76: {  	_ =	shalt  }
0x77: {  	_ =	shalt  }
0x78: {  	_ =	shalt  }
0x79: {  	_ =	shalt  }
0x7a: {  	_ =	shalt  }
0x7b: {  	_ =	shalt  }
0x7c: {  	_ =	shalt  }
0x7d: {  	_ =	shalt  }
0x7e: {  	_ =	shalt  }
0x7f: {  	_ =	shalt  }
0x80: {  	_ =	shalt  }
0x81: {  	_ =	shalt  }
0x82: {  	_ =	shalt  }
0x83: {  	_ =	shalt  }
0x84: {  	_ =	shalt  }
0x85: {  	_ =	shalt  }
0x86: {  	_ =	shalt  }
0x87: {  	_ =	shalt  }
.Lfunc_end0:
.L_simem_size_0:
called_computation.2_lowered:
.L_overlay_start_0:
0x88: {  	s2 =	sld [smem:$0x3FD9]  }
0x89: {  	s3 =	sld [smem:$0x3FFE];
	_ =	sdelay $0x1  }
0x8a: {  	s1 =	srdreg.scid  }
0x8b: {  	s0 =	sand.u32 $0x1, s1  }
0x8c: {  	s17 =	sshll.u32 s0, $0xA;
	s2 =	sadd.s32 s3, s2  }
0x8d: {  	s2 =	sadd.s32 s2, s17  }
0x8e: {  	[smem:$0x3FB4] =	sst s2  }
0x8f: {  	_ = 	snop  }
0x90: {  	s2 =	sld [smem:$0x3FD0];
	(tm) =	ssettm $0x1  }
0x91: {  	s18 =	sld [smem:$0x3FFB];
	_ =	sdelay $0x3  }
0x92: {  	_ =	strace s18  }
0x93: {  	s3 =	sld [smem:$0x3FFC];
	_ =	sdelay $0x3  }
0x94: {  	_ =	strace s3  }
0x95: {  	s3 =	sld [smem:$0x3FFD];
	_ =	sdelay $0x3  }
0x96: {  	_ =	strace s3  }
0x97: {  	_ =	strace $0x8FFFFFFF  }
0x98: {  	s19 =	sld [smem:$0x3FDB];
	_ =	sdelay $0x1  }
0x99: {  	s4 =	simm.s32 $_scs_section_size  }
0x9a: {  	s5 =	simm.s32 $_size__tile_overlayer_lowered;
	s6 =	simm.s32 $_tile_overlayer_lowered  }
0x9b: {  	s22 =	simm.s32 $0x1BFF;
	s21 =	sshll.u32 s6, $0x1;
	s3 =	sadd.s32 s4, s19  }
0x9c: {  	s7 =	simm.s32 $0x0;
	s20 =	sshll.u32 s5, $0x1;
	s5 =	sadd.s32 s21, s3  }
0x9d: {  	[timem:s7], [sflag:s22] =	dma.local [hbm:s5], s20  }
0x9e: {  	_ =	swait.ge [sflag:s22], s20  }
0x9f: {  	s4 =	ssub.s32 $0x0, s20;
	[sflag:s22] =	ssyncset.done $0x0  }
0xa0: {  	[sflag:s22] =	ssyncadd.s32 s4;
	_ =	sdelay $0x1  }
0xa1: {  	s23 =	simm.s32 $0x1B8B  }
0xa2: {  	_ =	swait.ge [sflag:s23], $0x1  }
0xa3: {  	[sflag:s23] =	ssyncset.done $0x0  }
0xa4: {  	s25 =	simm.s32 $0x1B8E;
	s24 =	sld [smem:$0x3FFE];
	[sflag:s23] =	ssyncadd.s32 $0xFFFFFFFF  }
0xa5: {  	s26 =	simm.s32 $execute0_lowered;
	[smem:$0x3FD2] =	sst s25  }
0xa6: {  	s5 =	sshll.u32 s26, $0x1;
	_ =	strace $0x8000004C;
	[dreg:$0x1] =	wrdreg $0xFFFFFFFF  }
0xa7: {  	s28 =	simm.s32 $_size_execute0_lowered;
	s3 =	sadd.s32 s3, s5;
	[dreg:$0x0] =	wrdreg $0x0  }
0xa8: {  	s5 =	sshll.u32 s28, $0x1;
	[dreg:$0x2] =	wrdreg s3  }
0xa9: {  	[dreg:$0x3] =	wrdreg s5  }
0xaa: {  	[dreg:$0x4] =	wrdreg $0xC0  }
0xab: {  	_ =	task [dreg:s7], $0x5FFFF  }
0xac: {  	[dreg:$0x1] =	wrdreg $0xFFFFFFFF  }
0xad: {  	[dreg:$0x0] =	wrdreg $0x60  }
0xae: {  	[dreg:$0x2] =	wrdreg s2  }
0xaf: {  	[dreg:$0x3] =	wrdreg s24  }
0xb0: {  	[dreg:$0x4] =	wrdreg $0xE0000  }
0xb1: {  	[dreg:$0x5] =	wrdreg $0x9  }
0xb2: {  	_ =	task.clear_ibuf [dreg:s7], $0x6FFFF;
	_ =	strace $0x9000004C  }
0xb3: {  	s29 =	simm.s32 $0x9;
	_ =	strace $0x8000004E  }
0xb4: {  	_ =	swait.ge [sflag:s29], $0x1  }
0xb5: {  	[sflag:s29] =	ssyncadd.s32 $0xFFFFFFFF  }
0xb6: {  	_ =	strace $0x9000004E  }
0xb7: {  	_ =	sfence  }
0xb8: {  	s30 =	sld [smem:$0x0];
	_ =	sdelay $0x2  }
0xb9: {  	s31 =	sshll.u32 s1, $0xD;
	s1 =	sshrl.u32 s1, $0x2  }
0xba: {  	s3 =	sand.u32 $0x4000, s31;
	s1 =	sadd.s32 s1, s30  }
0xbb: {  	s0 =	sor.u32 s3, s0;
	s1 =	sshll.u32 s1, $0x11  }
0xbc: {  	s0 =	sor.u32 s1, s0  }
0xbd: {  	s0 =	sadd.s32 $0x8F2B, s0  }
0xbe: {  	[sflag:s0] =	ssyncadd.remote.s32 $0x1  }
0xbf: {  	_ =	sfence.sel $0xFFFF  }
0xc0: {  	[dreg:$0x0] =	wrdreg $0xFFFFFFFF;
	(pc) =	sbr.abs _section_cstart, $3  }
0xc1: {  	[dreg:$0x1] =	wrdreg $0xFFFFFFFF  }
0xc2: {  	_ =	task.clear_ibuf [dreg:s7], $0x2FFFF;
	_ =	strace $0x9FFFFFFF  }
0xc3: {  	(tm) =	ssettm $0x7FFFFFFF  }
tec
execute0_lowered:
.L_overlay_start_1:
0x0: {  	(tag) =	ssettag $0x1  }
0x1: {  	s1 =	rddreg [dreg:$0x0]  }
0x2: {  	s0 =	rddreg [dreg:$0x1]  }
0x3: {  	s2 =	rddreg [dreg:$0x2];
	s3 =	simm.s32 $0x0;
	s4 =	srdreg.scid  }
0x4: {  	s14 =	stileid.u32;
	s28 =	simm.s32 $0xA000;
	s29 =	simm.s32 $0x2  }
0x5: {  	s30 =	simm.s32 $0x1080;
	s31 =	simm.s32 $0x4;
	[smem:$0x7FF] =	sst s3  }
0x6: {  	s4 =	sand.u32 $0x1, s4;
	s5 =	sadd.s32 $0x5000, s0;
	s8 =	sadd.s32 $0x15000, s0  }
0x7: {  	s7 =	sadd.s32 $0x25800, s0;
	s0 =	sadd.s32 $0x27800, s0;
	s10 =	sshll.u32 s14, $0xD  }
0x8: {  	s15 =	sshll.u32 s14, $0xB;
	s11 =	sshll.u32 s14, $0x10;
	s25 =	sshll.u32 s14, $0xF  }
0x9: {  	s26 =	sshll.u32 s14, $0xC;
	_ =	strace $0x8000004D;
	s6 =	ssub.s32 $0x2, s4  }
0xa: {  	[dreg:$0x4] =	wrdreg s7;
	s13 =	sshll.u32 s4, $0xF;
	p0 =	seq.s32 s4, $0x1  }
0xb: {  	s24 =	sadd.s32 s10, s0;
	s10 =	simm.s32 $0x6;
	s12 =	sshrl.u32 s6, $0x1  }
0xc: {  	s13 =	sor.u32 s15, s13;
	s4 =	sadd.s32 $0x10000, s24;
	s24 =	simm.s32 $0x1  }
0xd: {  	s9 =	ssub.s32 s6, s12;
	s12 =	sshll.u32 s14, $0x6;
	s6 =	sadd.s32 s11, s2  }
0xe: {  	s16 =	sor.u32 $0x200, s13;
	s17 =	sadd.s32 s5, s13;
	s18 =	sadd.s32 s8, s13  }
0xf: {  	s20 =	sor.u32 $0x400, s13;
	s21 =	sor.u32 $0x600, s13;
	[dreg:$0xd] =	wrdreg s4  }
0x10: {  	s4 =	sadd.s32 s25, s2;
	s13 =	simm.s32 $0x0;
	[dreg:$0x5] =	wrdreg s17  }
0x11: {  	s7 =	sor.u32 $0x1C07, s12;
	[dreg:$0x6] =	wrdreg s18;
	s19 =	sadd.s32 s5, s16  }
0x12: {  	s11 =	sadd.s32 s8, s16;
	s22 =	sadd.s32 s5, s20;
	s5 =	sadd.s32 s5, s21  }
0x13: {  	s23 =	sadd.s32 s8, s21;
	s17 =	sadd.s32 s0, s26;
	s18 =	smax.u32 s9, $0x1  }
0x14: {  	s21 =	simm.s32 $0x80;
	s25 =	sshrl.u32 @p0 s4, $0x3;
	[dreg:$0x7] =	wrdreg s19  }
0x15: {  	s26 =	simm.s32 $0x100;
	s0 =	simm.s32 $0x180;
	[dreg:$0x8] =	wrdreg s11  }
0x16: {  	s4 =	simm.s32 $0x3;
	s9 =	simm.s32 $0x200;
	[dreg:$0x9] =	wrdreg s22  }
0x17: {  	s12 =	simm.s32 $0x1F80;
	s11 =	sadd.s32 s8, s20;
	[dreg:$0xb] =	wrdreg s5  }
0x18: {  	[dreg:$0xc] =	wrdreg s23;
	s19 =	simm.s32 $0x7;
	s20 =	simm.s32 $0x1000  }
0x19: {  	s22 =	simm.s32 $0x2000;
	s23 =	simm.s32 $0x6000;
	s5 =	simm.s32 $0x1100  }
0x1a: {  	s8 =	simm.s32 $0x5;
	[dreg:$0xa] =	wrdreg s11;
	s11 =	simm.s32 $0x1F00  }
.LBB2_1:
0x1b: {  	s14 =	sshrl.u32 s6, $0x3;
	s15 =	rddreg [dreg:$0x4]  }
0x1c: {  	[spmem:s14], [sflag:s7] =	dma.local [hbm:s15], $0x2000  }
0x1d: {  	_ =	swait.ge [sflag:s19], $0x2000  }
0x1e: {  	[sflag:s19] =	ssyncset.done $0x0  }
0x1f: {  	[sflag:s19] =	ssyncadd.s32 $0xFFFFE000  }
0x20: {  	[bflag:$0x0] =	sbarrier.arrive $0xFFFF  }
0x21: {  	s16 =	rddreg [dreg:$0x5]  }
0x22: {  	[tilespmem:s3], [sflag:$0x7] =	stream.linear.gather [hbm4b:s16+s3], $0x1000, $0x38;
	[tilespmem:$0x1E000] =	vst v63  }
0x23: {  	_ =	swait.ge [sflag:s19], $0x1000  }
0x24: {  	[sflag:s19] =	ssyncset.done $0x0  }
0x25: {  	s15 =	rddreg [dreg:$0x6];
	[sflag:s19] =	ssyncadd.s32 $0xFFFFF000  }
0x26: {  	[tilespmem:s20], [sflag:$0x7] =	stream.linear.gather [hbm4b:s15+s3], $0x1000, $0x38;
	[tilespmem:$0x1E000] =	vst v63  }
0x27: {  	_ =	swait.ge [sflag:s19], $0x1000  }
0x28: {  	[sflag:s19] =	ssyncset.done $0x0  }
0x29: {  	[sflag:s19] =	ssyncadd.s32 $0xFFFFF000  }
0x2a: {  	[tilespmem:s22], [sflag:$0x1] =	stream.indirect.gather [hbm4b:s1+s21], $0x80, s3, s21, $0xb8;
	[tilespmem:$0x1E000] =	vst v63  }
0x2b: {  	_ = 	snop  }
0x2c: {  	[tilespmem:s23], [sflag:$0x2] =	stream.indirect.gather [hbm4b:s1+s21], $0x80, s21, s21, $0xb8;
	[tilespmem:$0x1E000] =	vst v63  }
0x2d: {  	_ =	swait.ge [sflag:s24], $0x4000  }
0x2e: {  	[sflag:s24] =	ssyncset.done $0x0  }
0x2f: {  	[sflag:s24] =	ssyncadd.s32 $0xFFFFC000  }
0x30: {  	[spmem:s2] =	stream.indirect.scatter.add.f32 [tilespmem:s22], [sflag:$0x4], $0x80, s20, s21, $0xb8;
	[tilespmem:$0x1E000] =	vst v63  }
0x31: {  	_ = 	snop  }
0x32: {  	[tilespmem:s28], [sflag:$0x3] =	stream.indirect.gather [hbm4b:s1+s21], $0x80, s26, s21, $0xb8;
	[tilespmem:$0x1E000] =	vst v63  }
0x33: {  	_ =	swait.ge [sflag:s29], $0x4000  }
0x34: {  	[sflag:s29] =	ssyncset.done $0x0  }
0x35: {  	[sflag:s29] =	ssyncadd.s32 $0xFFFFC000  }
0x36: {  	[spmem:s2] =	stream.indirect.scatter.add.f32 [tilespmem:s23], [sflag:$0x5], $0x80, s30, s21, $0xb8;
	[tilespmem:$0x1E000] =	vst v63  }
0x37: {  	_ =	swait.ge [sflag:s31], $0x4000  }
0x38: {  	[sflag:s31] =	ssyncset.done $0x0  }
0x39: {  	[sflag:s31] =	ssyncadd.s32 $0xFFFFC000  }
0x3a: {  	[tilespmem:s22], [sflag:$0x1] =	stream.indirect.gather [hbm4b:s1+s21], $0x80, s0, s21, $0xb8;
	[tilespmem:$0x1E000] =	vst v63  }
0x3b: {  	_ =	swait.ge [sflag:s4], $0x4000  }
0x3c: {  	[sflag:s4] =	ssyncset.done $0x0  }
0x3d: {  	[sflag:s4] =	ssyncadd.s32 $0xFFFFC000  }
0x3e: {  	[spmem:s2] =	stream.indirect.scatter.add.f32 [tilespmem:s28], [sflag:$0x6], $0x80, s5, s21, $0xb8;
	[tilespmem:$0x1E000] =	vst v63  }
0x3f: {  	_ =	swait.ge [sflag:s8], $0x4000  }
0x40: {  	[sflag:s8] =	ssyncset.done $0x0  }
0x41: {  	[sflag:s8] =	ssyncadd.s32 $0xFFFFC000  }
0x42: {  	[tilespmem:s23], [sflag:$0x2] =	stream.indirect.gather [hbm4b:s1+s21], $0x80, s9, s21, $0xb8;
	[tilespmem:$0x1E000] =	vst v63  }
0x43: {  	_ =	swait.ge [sflag:s24], $0x4000  }
0x44: {  	[sflag:s24] =	ssyncset.done $0x0  }
0x45: {  	s16 =	simm.s32 $0x1180;
	[sflag:s24] =	ssyncadd.s32 $0xFFFFC000  }
0x46: {  	[spmem:s2] =	stream.indirect.scatter.add.f32 [tilespmem:s22], [sflag:$0x4], $0x80, s16, s21, $0xb8;
	[tilespmem:$0x1E000] =	vst v63  }
0x47: {  	_ =	swait.ge [sflag:s10], $0x4000  }
0x48: {  	[sflag:s10] =	ssyncset.done $0x0  }
0x49: {  	s15 =	simm.s32 $0x280;
	[sflag:s10] =	ssyncadd.s32 $0xFFFFC000  }
0x4a: {  	[tilespmem:s28], [sflag:$0x3] =	stream.indirect.gather [hbm4b:s1+s21], $0x80, s15, s21, $0xb8;
	[tilespmem:$0x1E000] =	vst v63  }
0x4b: {  	_ =	swait.ge [sflag:s29], $0x4000  }
0x4c: {  	[sflag:s29] =	ssyncset.done $0x0  }
0x4d: {  	s16 =	simm.s32 $0x1200;
	[sflag:s29] =	ssyncadd.s32 $0xFFFFC000  }
0x4e: {  	[spmem:s2] =	stream.indirect.scatter.add.f32 [tilespmem:s23], [sflag:$0x5], $0x80, s16, s21, $0xb8;
	[tilespmem:$0x1E000] =	vst v63  }
0x4f: {  	_ =	swait.ge [sflag:s31], $0x4000  }
0x50: {  	[sflag:s31] =	ssyncset.done $0x0  }
0x51: {  	s15 =	simm.s32 $0x300;
	[sflag:s31] =	ssyncadd.s32 $0xFFFFC000  }
0x52: {  	[tilespmem:s22], [sflag:$0x1] =	stream.indirect.gather [hbm4b:s1+s21], $0x80, s15, s21, $0xb8;
	[tilespmem:$0x1E000] =	vst v63  }
0x53: {  	_ =	swait.ge [sflag:s4], $0x4000  }
0x54: {  	[sflag:s4] =	ssyncset.done $0x0  }
0x55: {  	s16 =	simm.s32 $0x1280;
	[sflag:s4] =	ssyncadd.s32 $0xFFFFC000  }
0x56: {  	[spmem:s2] =	stream.indirect.scatter.add.f32 [tilespmem:s28], [sflag:$0x6], $0x80, s16, s21, $0xb8;
	[tilespmem:$0x1E000] =	vst v63  }
0x57: {  	_ =	swait.ge [sflag:s8], $0x4000  }
0x58: {  	[sflag:s8] =	ssyncset.done $0x0  }
0x59: {  	s14 =	simm.s32 $0x600;
	s15 =	simm.s32 $0x380;
	[sflag:s8] =	ssyncadd.s32 $0xFFFFC000  }
.LBB2_2:
0x5a: {  	[tilespmem:s23], [sflag:$0x2] =	stream.indirect.gather [hbm4b:s1+s21], $0x80, s15, s21, $0xb8;
	[tilespmem:$0x1E000] =	vst v63  }
0x5b: {  	s15 =	smov.u32 s14  }
0x5c: {  	p1 =	sne.s32 s14, $0x3000;
	s14 =	sadd.s32 $0x600, s14;
	_ =	swait.ge [sflag:s24], $0x4000  }
0x5d: {  	s15 =	sshra.s32 s15, $0x2;
	[sflag:s24] =	ssyncset.done $0x0  }
0x5e: {  	s16 =	sadd.s32 $0x1180, s15;
	[sflag:s24] =	ssyncadd.s32 $0xFFFFC000  }
0x5f: {  	[spmem:s2] =	stream.indirect.scatter.add.f32 [tilespmem:s22], [sflag:$0x4], $0x80, s16, s21, $0xb8;
	[tilespmem:$0x1E000] =	vst v63  }
0x60: {  	_ =	swait.ge [sflag:s10], $0x4000  }
0x61: {  	[sflag:s10] =	ssyncset.done $0x0  }
0x62: {  	s16 =	sadd.s32 $0x280, s15;
	[sflag:s10] =	ssyncadd.s32 $0xFFFFC000  }
0x63: {  	[tilespmem:s28], [sflag:$0x3] =	stream.indirect.gather [hbm4b:s1+s21], $0x80, s16, s21, $0xb8;
	[tilespmem:$0x1E000] =	vst v63  }
0x64: {  	_ =	swait.ge [sflag:s29], $0x4000  }
0x65: {  	[sflag:s29] =	ssyncset.done $0x0  }
0x66: {  	s16 =	sadd.s32 $0x1200, s15;
	[sflag:s29] =	ssyncadd.s32 $0xFFFFC000  }
0x67: {  	[spmem:s2] =	stream.indirect.scatter.add.f32 [tilespmem:s23], [sflag:$0x5], $0x80, s16, s21, $0xb8;
	[tilespmem:$0x1E000] =	vst v63  }
0x68: {  	_ =	swait.ge [sflag:s31], $0x4000  }
0x69: {  	[sflag:s31] =	ssyncset.done $0x0  }
0x6a: {  	s16 =	sadd.s32 $0x300, s15;
	[sflag:s31] =	ssyncadd.s32 $0xFFFFC000  }
0x6b: {  	[tilespmem:s22], [sflag:$0x1] =	stream.indirect.gather [hbm4b:s1+s21], $0x80, s16, s21, $0xb8;
	[tilespmem:$0x1E000] =	vst v63  }
0x6c: {  	_ =	swait.ge [sflag:s4], $0x4000  }
0x6d: {  	[sflag:s4] =	ssyncset.done $0x0  }
.Ltmp0:
0x6e: {  	s16 =	sadd.s32 $0x1280, s15;
	[sflag:s4] =	ssyncadd.s32 $0xFFFFC000;
	(pc) =	sbr.rel @p1 .LBB2_2-.Ltmp0, $4  }
0x6f: {  	[spmem:s2] =	stream.indirect.scatter.add.f32 [tilespmem:s28], [sflag:$0x6], $0x80, s16, s21, $0xb8;
	[tilespmem:$0x1E000] =	vst v63  }
0x70: {  	_ =	swait.ge [sflag:s8], $0x4000  }
0x71: {  	[sflag:s8] =	ssyncset.done $0x0  }
0x72: {  	s15 =	sadd.s32 $0x380, s15;
	[sflag:s8] =	ssyncadd.s32 $0xFFFFC000  }
0x73: {  	[tilespmem:s23], [sflag:$0x2] =	stream.indirect.gather [hbm4b:s1+s21], $0x80, s15, s21, $0xb8;
	[tilespmem:$0x1E000] =	vst v63  }
0x74: {  	_ =	swait.ge [sflag:s24], $0x4000  }
0x75: {  	[sflag:s24] =	ssyncset.done $0x0  }
0x76: {  	[sflag:s24] =	ssyncadd.s32 $0xFFFFC000  }
0x77: {  	[spmem:s2] =	stream.indirect.scatter.add.f32 [tilespmem:s22], [sflag:$0x4], $0x80, s11, s21, $0xb8;
	[tilespmem:$0x1E000] =	vst v63  }
0x78: {  	_ =	swait.ge [sflag:s10], $0x4000  }
0x79: {  	[sflag:s10] =	ssyncset.done $0x0  }
0x7a: {  	[sflag:s10] =	ssyncadd.s32 $0xFFFFC000  }
0x7b: {  	_ =	swait.ge [sflag:s29], $0x4000  }
0x7c: {  	[sflag:s29] =	ssyncset.done $0x0  }
0x7d: {  	[sflag:s29] =	ssyncadd.s32 $0xFFFFC000  }
0x7e: {  	[spmem:s2] =	stream.indirect.scatter.add.f32 [tilespmem:s23], [sflag:$0x5], $0x80, s12, s21, $0xb8;
	[tilespmem:$0x1E000] =	vst v63  }
0x7f: {  	_ =	swait.ge [sflag:s31], $0x4000  }
0x80: {  	[sflag:s31] =	ssyncset.done $0x0  }
0x81: {  	[sflag:s31] =	ssyncadd.s32 $0xFFFFC000  }
0x82: {  	_ =	swait.ge [sflag:s8], $0x4000  }
0x83: {  	[sflag:s8] =	ssyncset.done $0x0  }
0x84: {  	s14 =	simm.s32 $0x0;
	s16 =	rddreg [dreg:$0x7];
	[sflag:s8] =	ssyncadd.s32 $0xFFFFC000  }
0x85: {  	[tilespmem:s14], [sflag:$0x7] =	stream.linear.gather [hbm4b:s16+s14], $0x1000, $0x38;
	[tilespmem:$0x1E000] =	vst v63  }
0x86: {  	_ =	swait.ge [sflag:s19], $0x1000  }
0x87: {  	[sflag:s19] =	ssyncset.done $0x0  }
0x88: {  	s16 =	rddreg [dreg:$0x8];
	[sflag:s19] =	ssyncadd.s32 $0xFFFFF000  }
0x89: {  	[tilespmem:s20], [sflag:$0x7] =	stream.linear.gather [hbm4b:s16+s14], $0x1000, $0x38;
	[tilespmem:$0x1E000] =	vst v63  }
0x8a: {  	_ =	swait.ge [sflag:s19], $0x1000  }
0x8b: {  	[sflag:s19] =	ssyncset.done $0x0  }
0x8c: {  	[sflag:s19] =	ssyncadd.s32 $0xFFFFF000  }
0x8d: {  	[tilespmem:s22], [sflag:$0x1] =	stream.indirect.gather [hbm4b:s1+s21], $0x80, s14, s21, $0xb8;
	[tilespmem:$0x1E000] =	vst v63  }
0x8e: {  	_ = 	snop  }
0x8f: {  	[tilespmem:s23], [sflag:$0x2] =	stream.indirect.gather [hbm4b:s1+s21], $0x80, s21, s21, $0xb8;
	[tilespmem:$0x1E000] =	vst v63  }
0x90: {  	_ =	swait.ge [sflag:s24], $0x4000  }
0x91: {  	[sflag:s24] =	ssyncset.done $0x0  }
0x92: {  	[sflag:s24] =	ssyncadd.s32 $0xFFFFC000  }
0x93: {  	[spmem:s2] =	stream.indirect.scatter.add.f32 [tilespmem:s22], [sflag:$0x4], $0x80, s20, s21, $0xb8;
	[tilespmem:$0x1E000] =	vst v63  }
0x94: {  	_ = 	snop  }
0x95: {  	[tilespmem:s28], [sflag:$0x3] =	stream.indirect.gather [hbm4b:s1+s21], $0x80, s26, s21, $0xb8;
	[tilespmem:$0x1E000] =	vst v63  }
0x96: {  	_ =	swait.ge [sflag:s29], $0x4000  }
0x97: {  	[sflag:s29] =	ssyncset.done $0x0  }
0x98: {  	[sflag:s29] =	ssyncadd.s32 $0xFFFFC000  }
0x99: {  	[spmem:s2] =	stream.indirect.scatter.add.f32 [tilespmem:s23], [sflag:$0x5], $0x80, s30, s21, $0xb8;
	[tilespmem:$0x1E000] =	vst v63  }
0x9a: {  	_ =	swait.ge [sflag:s31], $0x4000  }
0x9b: {  	[sflag:s31] =	ssyncset.done $0x0  }
0x9c: {  	[sflag:s31] =	ssyncadd.s32 $0xFFFFC000  }
0x9d: {  	[tilespmem:s22], [sflag:$0x1] =	stream.indirect.gather [hbm4b:s1+s21], $0x80, s0, s21, $0xb8;
	[tilespmem:$0x1E000] =	vst v63  }
0x9e: {  	_ =	swait.ge [sflag:s4], $0x4000  }
0x9f: {  	[sflag:s4] =	ssyncset.done $0x0  }
0xa0: {  	[sflag:s4] =	ssyncadd.s32 $0xFFFFC000  }
0xa1: {  	[spmem:s2] =	stream.indirect.scatter.add.f32 [tilespmem:s28], [sflag:$0x6], $0x80, s5, s21, $0xb8;
	[tilespmem:$0x1E000] =	vst v63  }
0xa2: {  	_ =	swait.ge [sflag:s8], $0x4000  }
0xa3: {  	[sflag:s8] =	ssyncset.done $0x0  }
0xa4: {  	[sflag:s8] =	ssyncadd.s32 $0xFFFFC000  }
0xa5: {  	[tilespmem:s23], [sflag:$0x2] =	stream.indirect.gather [hbm4b:s1+s21], $0x80, s9, s21, $0xb8;
	[tilespmem:$0x1E000] =	vst v63  }
0xa6: {  	_ =	swait.ge [sflag:s24], $0x4000  }
0xa7: {  	[sflag:s24] =	ssyncset.done $0x0  }
0xa8: {  	s16 =	simm.s32 $0x1180;
	[sflag:s24] =	ssyncadd.s32 $0xFFFFC000  }
0xa9: {  	[spmem:s2] =	stream.indirect.scatter.add.f32 [tilespmem:s22], [sflag:$0x4], $0x80, s16, s21, $0xb8;
	[tilespmem:$0x1E000] =	vst v63  }
0xaa: {  	_ =	swait.ge [sflag:s10], $0x4000  }
0xab: {  	[sflag:s10] =	ssyncset.done $0x0  }
0xac: {  	s15 =	simm.s32 $0x280;
	[sflag:s10] =	ssyncadd.s32 $0xFFFFC000  }
0xad: {  	[tilespmem:s28], [sflag:$0x3] =	stream.indirect.gather [hbm4b:s1+s21], $0x80, s15, s21, $0xb8;
	[tilespmem:$0x1E000] =	vst v63  }
0xae: {  	_ =	swait.ge [sflag:s29], $0x4000  }
0xaf: {  	[sflag:s29] =	ssyncset.done $0x0  }
0xb0: {  	s16 =	simm.s32 $0x1200;
	[sflag:s29] =	ssyncadd.s32 $0xFFFFC000  }
0xb1: {  	[spmem:s2] =	stream.indirect.scatter.add.f32 [tilespmem:s23], [sflag:$0x5], $0x80, s16, s21, $0xb8;
	[tilespmem:$0x1E000] =	vst v63  }
0xb2: {  	_ =	swait.ge [sflag:s31], $0x4000  }
0xb3: {  	[sflag:s31] =	ssyncset.done $0x0  }
0xb4: {  	s15 =	simm.s32 $0x300;
	[sflag:s31] =	ssyncadd.s32 $0xFFFFC000  }
0xb5: {  	[tilespmem:s22], [sflag:$0x1] =	stream.indirect.gather [hbm4b:s1+s21], $0x80, s15, s21, $0xb8;
	[tilespmem:$0x1E000] =	vst v63  }
0xb6: {  	_ =	swait.ge [sflag:s4], $0x4000  }
0xb7: {  	[sflag:s4] =	ssyncset.done $0x0  }
0xb8: {  	s16 =	simm.s32 $0x1280;
	[sflag:s4] =	ssyncadd.s32 $0xFFFFC000  }
0xb9: {  	[spmem:s2] =	stream.indirect.scatter.add.f32 [tilespmem:s28], [sflag:$0x6], $0x80, s16, s21, $0xb8;
	[tilespmem:$0x1E000] =	vst v63  }
0xba: {  	_ =	swait.ge [sflag:s8], $0x4000  }
0xbb: {  	[sflag:s8] =	ssyncset.done $0x0  }
0xbc: {  	s14 =	simm.s32 $0x600;
	s15 =	simm.s32 $0x380;
	[sflag:s8] =	ssyncadd.s32 $0xFFFFC000  }
.LBB2_4:
0xbd: {  	[tilespmem:s23], [sflag:$0x2] =	stream.indirect.gather [hbm4b:s1+s21], $0x80, s15, s21, $0xb8;
	[tilespmem:$0x1E000] =	vst v63  }
0xbe: {  	s15 =	smov.u32 s14  }
0xbf: {  	p1 =	sne.s32 s14, $0x3000;
	s14 =	sadd.s32 $0x600, s14;
	_ =	swait.ge [sflag:s24], $0x4000  }
0xc0: {  	s15 =	sshra.s32 s15, $0x2;
	[sflag:s24] =	ssyncset.done $0x0  }
0xc1: {  	s16 =	sadd.s32 $0x1180, s15;
	[sflag:s24] =	ssyncadd.s32 $0xFFFFC000  }
0xc2: {  	[spmem:s2] =	stream.indirect.scatter.add.f32 [tilespmem:s22], [sflag:$0x4], $0x80, s16, s21, $0xb8;
	[tilespmem:$0x1E000] =	vst v63  }
0xc3: {  	_ =	swait.ge [sflag:s10], $0x4000  }
0xc4: {  	[sflag:s10] =	ssyncset.done $0x0  }
0xc5: {  	s16 =	sadd.s32 $0x280, s15;
	[sflag:s10] =	ssyncadd.s32 $0xFFFFC000  }
0xc6: {  	[tilespmem:s28], [sflag:$0x3] =	stream.indirect.gather [hbm4b:s1+s21], $0x80, s16, s21, $0xb8;
	[tilespmem:$0x1E000] =	vst v63  }
0xc7: {  	_ =	swait.ge [sflag:s29], $0x4000  }
0xc8: {  	[sflag:s29] =	ssyncset.done $0x0  }
0xc9: {  	s16 =	sadd.s32 $0x1200, s15;
	[sflag:s29] =	ssyncadd.s32 $0xFFFFC000  }
0xca: {  	[spmem:s2] =	stream.indirect.scatter.add.f32 [tilespmem:s23], [sflag:$0x5], $0x80, s16, s21, $0xb8;
	[tilespmem:$0x1E000] =	vst v63  }
0xcb: {  	_ =	swait.ge [sflag:s31], $0x4000  }
0xcc: {  	[sflag:s31] =	ssyncset.done $0x0  }
0xcd: {  	s16 =	sadd.s32 $0x300, s15;
	[sflag:s31] =	ssyncadd.s32 $0xFFFFC000  }
0xce: {  	[tilespmem:s22], [sflag:$0x1] =	stream.indirect.gather [hbm4b:s1+s21], $0x80, s16, s21, $0xb8;
	[tilespmem:$0x1E000] =	vst v63  }
0xcf: {  	_ =	swait.ge [sflag:s4], $0x4000  }
0xd0: {  	[sflag:s4] =	ssyncset.done $0x0  }
.Ltmp1:
0xd1: {  	s16 =	sadd.s32 $0x1280, s15;
	[sflag:s4] =	ssyncadd.s32 $0xFFFFC000;
	(pc) =	sbr.rel @p1 .LBB2_4-.Ltmp1, $4  }
0xd2: {  	[spmem:s2] =	stream.indirect.scatter.add.f32 [tilespmem:s28], [sflag:$0x6], $0x80, s16, s21, $0xb8;
	[tilespmem:$0x1E000] =	vst v63  }
0xd3: {  	_ =	swait.ge [sflag:s8], $0x4000  }
0xd4: {  	[sflag:s8] =	ssyncset.done $0x0  }
0xd5: {  	s15 =	sadd.s32 $0x380, s15;
	[sflag:s8] =	ssyncadd.s32 $0xFFFFC000  }
0xd6: {  	[tilespmem:s23], [sflag:$0x2] =	stream.indirect.gather [hbm4b:s1+s21], $0x80, s15, s21, $0xb8;
	[tilespmem:$0x1E000] =	vst v63  }
0xd7: {  	_ =	swait.ge [sflag:s24], $0x4000  }
0xd8: {  	[sflag:s24] =	ssyncset.done $0x0  }
0xd9: {  	[sflag:s24] =	ssyncadd.s32 $0xFFFFC000  }
0xda: {  	[spmem:s2] =	stream.indirect.scatter.add.f32 [tilespmem:s22], [sflag:$0x4], $0x80, s11, s21, $0xb8;
	[tilespmem:$0x1E000] =	vst v63  }
0xdb: {  	_ =	swait.ge [sflag:s10], $0x4000  }
0xdc: {  	[sflag:s10] =	ssyncset.done $0x0  }
0xdd: {  	[sflag:s10] =	ssyncadd.s32 $0xFFFFC000  }
0xde: {  	_ =	swait.ge [sflag:s29], $0x4000  }
0xdf: {  	[sflag:s29] =	ssyncset.done $0x0  }
0xe0: {  	[sflag:s29] =	ssyncadd.s32 $0xFFFFC000  }
0xe1: {  	[spmem:s2] =	stream.indirect.scatter.add.f32 [tilespmem:s23], [sflag:$0x5], $0x80, s12, s21, $0xb8;
	[tilespmem:$0x1E000] =	vst v63  }
0xe2: {  	_ =	swait.ge [sflag:s31], $0x4000  }
0xe3: {  	[sflag:s31] =	ssyncset.done $0x0  }
0xe4: {  	[sflag:s31] =	ssyncadd.s32 $0xFFFFC000  }
0xe5: {  	_ =	swait.ge [sflag:s8], $0x4000  }
0xe6: {  	[sflag:s8] =	ssyncset.done $0x0  }
0xe7: {  	s14 =	simm.s32 $0x0;
	s16 =	rddreg [dreg:$0x9];
	[sflag:s8] =	ssyncadd.s32 $0xFFFFC000  }
0xe8: {  	[tilespmem:s14], [sflag:$0x7] =	stream.linear.gather [hbm4b:s16+s14], $0x1000, $0x38;
	[tilespmem:$0x1E000] =	vst v63  }
0xe9: {  	_ =	swait.ge [sflag:s19], $0x1000  }
0xea: {  	[sflag:s19] =	ssyncset.done $0x0  }
0xeb: {  	s16 =	rddreg [dreg:$0xa];
	[sflag:s19] =	ssyncadd.s32 $0xFFFFF000  }
0xec: {  	[tilespmem:s20], [sflag:$0x7] =	stream.linear.gather [hbm4b:s16+s14], $0x1000, $0x38;
	[tilespmem:$0x1E000] =	vst v63  }
0xed: {  	_ =	swait.ge [sflag:s19], $0x1000  }
0xee: {  	[sflag:s19] =	ssyncset.done $0x0  }
0xef: {  	[sflag:s19] =	ssyncadd.s32 $0xFFFFF000  }
0xf0: {  	[tilespmem:s22], [sflag:$0x1] =	stream.indirect.gather [hbm4b:s1+s21], $0x80, s14, s21, $0xb8;
	[tilespmem:$0x1E000] =	vst v63  }
0xf1: {  	_ = 	snop  }
0xf2: {  	[tilespmem:s23], [sflag:$0x2] =	stream.indirect.gather [hbm4b:s1+s21], $0x80, s21, s21, $0xb8;
	[tilespmem:$0x1E000] =	vst v63  }
0xf3: {  	_ =	swait.ge [sflag:s24], $0x4000  }
0xf4: {  	[sflag:s24] =	ssyncset.done $0x0  }
0xf5: {  	[sflag:s24] =	ssyncadd.s32 $0xFFFFC000  }
0xf6: {  	[spmem:s2] =	stream.indirect.scatter.add.f32 [tilespmem:s22], [sflag:$0x4], $0x80, s20, s21, $0xb8;
	[tilespmem:$0x1E000] =	vst v63  }
0xf7: {  	_ = 	snop  }
0xf8: {  	[tilespmem:s28], [sflag:$0x3] =	stream.indirect.gather [hbm4b:s1+s21], $0x80, s26, s21, $0xb8;
	[tilespmem:$0x1E000] =	vst v63  }
0xf9: {  	_ =	swait.ge [sflag:s29], $0x4000  }
0xfa: {  	[sflag:s29] =	ssyncset.done $0x0  }
0xfb: {  	[sflag:s29] =	ssyncadd.s32 $0xFFFFC000  }
0xfc: {  	[spmem:s2] =	stream.indirect.scatter.add.f32 [tilespmem:s23], [sflag:$0x5], $0x80, s30, s21, $0xb8;
	[tilespmem:$0x1E000] =	vst v63  }
0xfd: {  	_ =	swait.ge [sflag:s31], $0x4000  }
0xfe: {  	[sflag:s31] =	ssyncset.done $0x0  }
0xff: {  	[sflag:s31] =	ssyncadd.s32 $0xFFFFC000  }
0x100: {  	[tilespmem:s22], [sflag:$0x1] =	stream.indirect.gather [hbm4b:s1+s21], $0x80, s0, s21, $0xb8;
	[tilespmem:$0x1E000] =	vst v63  }
0x101: {  	_ =	swait.ge [sflag:s4], $0x4000  }
0x102: {  	[sflag:s4] =	ssyncset.done $0x0  }
0x103: {  	[sflag:s4] =	ssyncadd.s32 $0xFFFFC000  }
0x104: {  	[spmem:s2] =	stream.indirect.scatter.add.f32 [tilespmem:s28], [sflag:$0x6], $0x80, s5, s21, $0xb8;
	[tilespmem:$0x1E000] =	vst v63  }
0x105: {  	_ =	swait.ge [sflag:s8], $0x4000  }
0x106: {  	[sflag:s8] =	ssyncset.done $0x0  }
0x107: {  	[sflag:s8] =	ssyncadd.s32 $0xFFFFC000  }
0x108: {  	[tilespmem:s23], [sflag:$0x2] =	stream.indirect.gather [hbm4b:s1+s21], $0x80, s9, s21, $0xb8;
	[tilespmem:$0x1E000] =	vst v63  }
0x109: {  	_ =	swait.ge [sflag:s24], $0x4000  }
0x10a: {  	[sflag:s24] =	ssyncset.done $0x0  }
0x10b: {  	s16 =	simm.s32 $0x1180;
	[sflag:s24] =	ssyncadd.s32 $0xFFFFC000  }
0x10c: {  	[spmem:s2] =	stream.indirect.scatter.add.f32 [tilespmem:s22], [sflag:$0x4], $0x80, s16, s21, $0xb8;
	[tilespmem:$0x1E000] =	vst v63  }
0x10d: {  	_ =	swait.ge [sflag:s10], $0x4000  }
0x10e: {  	[sflag:s10] =	ssyncset.done $0x0  }
0x10f: {  	s15 =	simm.s32 $0x280;
	[sflag:s10] =	ssyncadd.s32 $0xFFFFC000  }
0x110: {  	[tilespmem:s28], [sflag:$0x3] =	stream.indirect.gather [hbm4b:s1+s21], $0x80, s15, s21, $0xb8;
	[tilespmem:$0x1E000] =	vst v63  }
0x111: {  	_ =	swait.ge [sflag:s29], $0x4000  }
0x112: {  	[sflag:s29] =	ssyncset.done $0x0  }
0x113: {  	s16 =	simm.s32 $0x1200;
	[sflag:s29] =	ssyncadd.s32 $0xFFFFC000  }
0x114: {  	[spmem:s2] =	stream.indirect.scatter.add.f32 [tilespmem:s23], [sflag:$0x5], $0x80, s16, s21, $0xb8;
	[tilespmem:$0x1E000] =	vst v63  }
0x115: {  	_ =	swait.ge [sflag:s31], $0x4000  }
0x116: {  	[sflag:s31] =	ssyncset.done $0x0  }
0x117: {  	s15 =	simm.s32 $0x300;
	[sflag:s31] =	ssyncadd.s32 $0xFFFFC000  }
0x118: {  	[tilespmem:s22], [sflag:$0x1] =	stream.indirect.gather [hbm4b:s1+s21], $0x80, s15, s21, $0xb8;
	[tilespmem:$0x1E000] =	vst v63  }
0x119: {  	_ =	swait.ge [sflag:s4], $0x4000  }
0x11a: {  	[sflag:s4] =	ssyncset.done $0x0  }
0x11b: {  	s16 =	simm.s32 $0x1280;
	[sflag:s4] =	ssyncadd.s32 $0xFFFFC000  }
0x11c: {  	[spmem:s2] =	stream.indirect.scatter.add.f32 [tilespmem:s28], [sflag:$0x6], $0x80, s16, s21, $0xb8;
	[tilespmem:$0x1E000] =	vst v63  }
0x11d: {  	_ =	swait.ge [sflag:s8], $0x4000  }
0x11e: {  	[sflag:s8] =	ssyncset.done $0x0  }
0x11f: {  	s14 =	simm.s32 $0x600;
	s15 =	simm.s32 $0x380;
	[sflag:s8] =	ssyncadd.s32 $0xFFFFC000  }
.LBB2_6:
0x120: {  	[tilespmem:s23], [sflag:$0x2] =	stream.indirect.gather [hbm4b:s1+s21], $0x80, s15, s21, $0xb8;
	[tilespmem:$0x1E000] =	vst v63  }
0x121: {  	s15 =	smov.u32 s14  }
0x122: {  	p1 =	sne.s32 s14, $0x3000;
	s14 =	sadd.s32 $0x600, s14;
	_ =	swait.ge [sflag:s24], $0x4000  }
0x123: {  	s15 =	sshra.s32 s15, $0x2;
	[sflag:s24] =	ssyncset.done $0x0  }
0x124: {  	s16 =	sadd.s32 $0x1180, s15;
	[sflag:s24] =	ssyncadd.s32 $0xFFFFC000  }
0x125: {  	[spmem:s2] =	stream.indirect.scatter.add.f32 [tilespmem:s22], [sflag:$0x4], $0x80, s16, s21, $0xb8;
	[tilespmem:$0x1E000] =	vst v63  }
0x126: {  	_ =	swait.ge [sflag:s10], $0x4000  }
0x127: {  	[sflag:s10] =	ssyncset.done $0x0  }
0x128: {  	s16 =	sadd.s32 $0x280, s15;
	[sflag:s10] =	ssyncadd.s32 $0xFFFFC000  }
0x129: {  	[tilespmem:s28], [sflag:$0x3] =	stream.indirect.gather [hbm4b:s1+s21], $0x80, s16, s21, $0xb8;
	[tilespmem:$0x1E000] =	vst v63  }
0x12a: {  	_ =	swait.ge [sflag:s29], $0x4000  }
0x12b: {  	[sflag:s29] =	ssyncset.done $0x0  }
0x12c: {  	s16 =	sadd.s32 $0x1200, s15;
	[sflag:s29] =	ssyncadd.s32 $0xFFFFC000  }
0x12d: {  	[spmem:s2] =	stream.indirect.scatter.add.f32 [tilespmem:s23], [sflag:$0x5], $0x80, s16, s21, $0xb8;
	[tilespmem:$0x1E000] =	vst v63  }
0x12e: {  	_ =	swait.ge [sflag:s31], $0x4000  }
0x12f: {  	[sflag:s31] =	ssyncset.done $0x0  }
0x130: {  	s16 =	sadd.s32 $0x300, s15;
	[sflag:s31] =	ssyncadd.s32 $0xFFFFC000  }
0x131: {  	[tilespmem:s22], [sflag:$0x1] =	stream.indirect.gather [hbm4b:s1+s21], $0x80, s16, s21, $0xb8;
	[tilespmem:$0x1E000] =	vst v63  }
0x132: {  	_ =	swait.ge [sflag:s4], $0x4000  }
0x133: {  	[sflag:s4] =	ssyncset.done $0x0  }
.Ltmp2:
0x134: {  	s16 =	sadd.s32 $0x1280, s15;
	[sflag:s4] =	ssyncadd.s32 $0xFFFFC000;
	(pc) =	sbr.rel @p1 .LBB2_6-.Ltmp2, $4  }
0x135: {  	[spmem:s2] =	stream.indirect.scatter.add.f32 [tilespmem:s28], [sflag:$0x6], $0x80, s16, s21, $0xb8;
	[tilespmem:$0x1E000] =	vst v63  }
0x136: {  	_ =	swait.ge [sflag:s8], $0x4000  }
0x137: {  	[sflag:s8] =	ssyncset.done $0x0  }
0x138: {  	s15 =	sadd.s32 $0x380, s15;
	[sflag:s8] =	ssyncadd.s32 $0xFFFFC000  }
0x139: {  	[tilespmem:s23], [sflag:$0x2] =	stream.indirect.gather [hbm4b:s1+s21], $0x80, s15, s21, $0xb8;
	[tilespmem:$0x1E000] =	vst v63  }
0x13a: {  	_ =	swait.ge [sflag:s24], $0x4000  }
0x13b: {  	[sflag:s24] =	ssyncset.done $0x0  }
0x13c: {  	[sflag:s24] =	ssyncadd.s32 $0xFFFFC000  }
0x13d: {  	[spmem:s2] =	stream.indirect.scatter.add.f32 [tilespmem:s22], [sflag:$0x4], $0x80, s11, s21, $0xb8;
	[tilespmem:$0x1E000] =	vst v63  }
0x13e: {  	_ =	swait.ge [sflag:s10], $0x4000  }
0x13f: {  	[sflag:s10] =	ssyncset.done $0x0  }
0x140: {  	[sflag:s10] =	ssyncadd.s32 $0xFFFFC000  }
0x141: {  	_ =	swait.ge [sflag:s29], $0x4000  }
0x142: {  	[sflag:s29] =	ssyncset.done $0x0  }
0x143: {  	[sflag:s29] =	ssyncadd.s32 $0xFFFFC000  }
0x144: {  	[spmem:s2] =	stream.indirect.scatter.add.f32 [tilespmem:s23], [sflag:$0x5], $0x80, s12, s21, $0xb8;
	[tilespmem:$0x1E000] =	vst v63  }
0x145: {  	_ =	swait.ge [sflag:s31], $0x4000  }
0x146: {  	[sflag:s31] =	ssyncset.done $0x0  }
0x147: {  	[sflag:s31] =	ssyncadd.s32 $0xFFFFC000  }
0x148: {  	_ =	swait.ge [sflag:s8], $0x4000  }
0x149: {  	[sflag:s8] =	ssyncset.done $0x0  }
0x14a: {  	s14 =	simm.s32 $0x0;
	s16 =	rddreg [dreg:$0xb];
	[sflag:s8] =	ssyncadd.s32 $0xFFFFC000  }
0x14b: {  	[tilespmem:s14], [sflag:$0x7] =	stream.linear.gather [hbm4b:s16+s14], $0x1000, $0x38;
	[tilespmem:$0x1E000] =	vst v63  }
0x14c: {  	_ =	swait.ge [sflag:s19], $0x1000  }
0x14d: {  	[sflag:s19] =	ssyncset.done $0x0  }
0x14e: {  	s16 =	rddreg [dreg:$0xc];
	[sflag:s19] =	ssyncadd.s32 $0xFFFFF000  }
0x14f: {  	[tilespmem:s20], [sflag:$0x7] =	stream.linear.gather [hbm4b:s16+s14], $0x1000, $0x38;
	[tilespmem:$0x1E000] =	vst v63  }
0x150: {  	_ =	swait.ge [sflag:s19], $0x1000  }
0x151: {  	[sflag:s19] =	ssyncset.done $0x0  }
0x152: {  	[sflag:s19] =	ssyncadd.s32 $0xFFFFF000  }
0x153: {  	[tilespmem:s22], [sflag:$0x1] =	stream.indirect.gather [hbm4b:s1+s21], $0x80, s14, s21, $0xb8;
	[tilespmem:$0x1E000] =	vst v63  }
0x154: {  	_ = 	snop  }
0x155: {  	[tilespmem:s23], [sflag:$0x2] =	stream.indirect.gather [hbm4b:s1+s21], $0x80, s21, s21, $0xb8;
	[tilespmem:$0x1E000] =	vst v63  }
0x156: {  	_ =	swait.ge [sflag:s24], $0x4000  }
0x157: {  	[sflag:s24] =	ssyncset.done $0x0  }
0x158: {  	[sflag:s24] =	ssyncadd.s32 $0xFFFFC000  }
0x159: {  	[spmem:s2] =	stream.indirect.scatter.add.f32 [tilespmem:s22], [sflag:$0x4], $0x80, s20, s21, $0xb8;
	[tilespmem:$0x1E000] =	vst v63  }
0x15a: {  	_ = 	snop  }
0x15b: {  	[tilespmem:s28], [sflag:$0x3] =	stream.indirect.gather [hbm4b:s1+s21], $0x80, s26, s21, $0xb8;
	[tilespmem:$0x1E000] =	vst v63  }
0x15c: {  	_ =	swait.ge [sflag:s29], $0x4000  }
0x15d: {  	[sflag:s29] =	ssyncset.done $0x0  }
0x15e: {  	[sflag:s29] =	ssyncadd.s32 $0xFFFFC000  }
0x15f: {  	[spmem:s2] =	stream.indirect.scatter.add.f32 [tilespmem:s23], [sflag:$0x5], $0x80, s30, s21, $0xb8;
	[tilespmem:$0x1E000] =	vst v63  }
0x160: {  	_ =	swait.ge [sflag:s31], $0x4000  }
0x161: {  	[sflag:s31] =	ssyncset.done $0x0  }
0x162: {  	[sflag:s31] =	ssyncadd.s32 $0xFFFFC000  }
0x163: {  	[tilespmem:s22], [sflag:$0x1] =	stream.indirect.gather [hbm4b:s1+s21], $0x80, s0, s21, $0xb8;
	[tilespmem:$0x1E000] =	vst v63  }
0x164: {  	_ =	swait.ge [sflag:s4], $0x4000  }
0x165: {  	[sflag:s4] =	ssyncset.done $0x0  }
0x166: {  	[sflag:s4] =	ssyncadd.s32 $0xFFFFC000  }
0x167: {  	[spmem:s2] =	stream.indirect.scatter.add.f32 [tilespmem:s28], [sflag:$0x6], $0x80, s5, s21, $0xb8;
	[tilespmem:$0x1E000] =	vst v63  }
0x168: {  	_ =	swait.ge [sflag:s8], $0x4000  }
0x169: {  	[sflag:s8] =	ssyncset.done $0x0  }
0x16a: {  	[sflag:s8] =	ssyncadd.s32 $0xFFFFC000  }
0x16b: {  	[tilespmem:s23], [sflag:$0x2] =	stream.indirect.gather [hbm4b:s1+s21], $0x80, s9, s21, $0xb8;
	[tilespmem:$0x1E000] =	vst v63  }
0x16c: {  	_ =	swait.ge [sflag:s24], $0x4000  }
0x16d: {  	[sflag:s24] =	ssyncset.done $0x0  }
0x16e: {  	s16 =	simm.s32 $0x1180;
	[sflag:s24] =	ssyncadd.s32 $0xFFFFC000  }
0x16f: {  	[spmem:s2] =	stream.indirect.scatter.add.f32 [tilespmem:s22], [sflag:$0x4], $0x80, s16, s21, $0xb8;
	[tilespmem:$0x1E000] =	vst v63  }
0x170: {  	_ =	swait.ge [sflag:s10], $0x4000  }
0x171: {  	[sflag:s10] =	ssyncset.done $0x0  }
0x172: {  	s15 =	simm.s32 $0x280;
	[sflag:s10] =	ssyncadd.s32 $0xFFFFC000  }
0x173: {  	[tilespmem:s28], [sflag:$0x3] =	stream.indirect.gather [hbm4b:s1+s21], $0x80, s15, s21, $0xb8;
	[tilespmem:$0x1E000] =	vst v63  }
0x174: {  	_ =	swait.ge [sflag:s29], $0x4000  }
0x175: {  	[sflag:s29] =	ssyncset.done $0x0  }
0x176: {  	s16 =	simm.s32 $0x1200;
	[sflag:s29] =	ssyncadd.s32 $0xFFFFC000  }
0x177: {  	[spmem:s2] =	stream.indirect.scatter.add.f32 [tilespmem:s23], [sflag:$0x5], $0x80, s16, s21, $0xb8;
	[tilespmem:$0x1E000] =	vst v63  }
0x178: {  	_ =	swait.ge [sflag:s31], $0x4000  }
0x179: {  	[sflag:s31] =	ssyncset.done $0x0  }
0x17a: {  	s15 =	simm.s32 $0x300;
	[sflag:s31] =	ssyncadd.s32 $0xFFFFC000  }
0x17b: {  	[tilespmem:s22], [sflag:$0x1] =	stream.indirect.gather [hbm4b:s1+s21], $0x80, s15, s21, $0xb8;
	[tilespmem:$0x1E000] =	vst v63  }
0x17c: {  	_ =	swait.ge [sflag:s4], $0x4000  }
0x17d: {  	[sflag:s4] =	ssyncset.done $0x0  }
0x17e: {  	s16 =	simm.s32 $0x1280;
	[sflag:s4] =	ssyncadd.s32 $0xFFFFC000  }
0x17f: {  	[spmem:s2] =	stream.indirect.scatter.add.f32 [tilespmem:s28], [sflag:$0x6], $0x80, s16, s21, $0xb8;
	[tilespmem:$0x1E000] =	vst v63  }
0x180: {  	_ =	swait.ge [sflag:s8], $0x4000  }
0x181: {  	[sflag:s8] =	ssyncset.done $0x0  }
0x182: {  	s14 =	simm.s32 $0x600;
	s15 =	simm.s32 $0x380;
	[sflag:s8] =	ssyncadd.s32 $0xFFFFC000  }
.LBB2_8:
0x183: {  	[tilespmem:s23], [sflag:$0x2] =	stream.indirect.gather [hbm4b:s1+s21], $0x80, s15, s21, $0xb8;
	[tilespmem:$0x1E000] =	vst v63  }
0x184: {  	s15 =	smov.u32 s14  }
0x185: {  	p1 =	sne.s32 s14, $0x3000;
	s14 =	sadd.s32 $0x600, s14;
	_ =	swait.ge [sflag:s24], $0x4000  }
0x186: {  	s15 =	sshra.s32 s15, $0x2;
	[sflag:s24] =	ssyncset.done $0x0  }
0x187: {  	s16 =	sadd.s32 $0x1180, s15;
	[sflag:s24] =	ssyncadd.s32 $0xFFFFC000  }
0x188: {  	[spmem:s2] =	stream.indirect.scatter.add.f32 [tilespmem:s22], [sflag:$0x4], $0x80, s16, s21, $0xb8;
	[tilespmem:$0x1E000] =	vst v63  }
0x189: {  	_ =	swait.ge [sflag:s10], $0x4000  }
0x18a: {  	[sflag:s10] =	ssyncset.done $0x0  }
0x18b: {  	s16 =	sadd.s32 $0x280, s15;
	[sflag:s10] =	ssyncadd.s32 $0xFFFFC000  }
0x18c: {  	[tilespmem:s28], [sflag:$0x3] =	stream.indirect.gather [hbm4b:s1+s21], $0x80, s16, s21, $0xb8;
	[tilespmem:$0x1E000] =	vst v63  }
0x18d: {  	_ =	swait.ge [sflag:s29], $0x4000  }
0x18e: {  	[sflag:s29] =	ssyncset.done $0x0  }
0x18f: {  	s16 =	sadd.s32 $0x1200, s15;
	[sflag:s29] =	ssyncadd.s32 $0xFFFFC000  }
0x190: {  	[spmem:s2] =	stream.indirect.scatter.add.f32 [tilespmem:s23], [sflag:$0x5], $0x80, s16, s21, $0xb8;
	[tilespmem:$0x1E000] =	vst v63  }
0x191: {  	_ =	swait.ge [sflag:s31], $0x4000  }
0x192: {  	[sflag:s31] =	ssyncset.done $0x0  }
0x193: {  	s16 =	sadd.s32 $0x300, s15;
	[sflag:s31] =	ssyncadd.s32 $0xFFFFC000  }
0x194: {  	[tilespmem:s22], [sflag:$0x1] =	stream.indirect.gather [hbm4b:s1+s21], $0x80, s16, s21, $0xb8;
	[tilespmem:$0x1E000] =	vst v63  }
0x195: {  	_ =	swait.ge [sflag:s4], $0x4000  }
0x196: {  	[sflag:s4] =	ssyncset.done $0x0  }
.Ltmp3:
0x197: {  	s16 =	sadd.s32 $0x1280, s15;
	[sflag:s4] =	ssyncadd.s32 $0xFFFFC000;
	(pc) =	sbr.rel @p1 .LBB2_8-.Ltmp3, $4  }
0x198: {  	[spmem:s2] =	stream.indirect.scatter.add.f32 [tilespmem:s28], [sflag:$0x6], $0x80, s16, s21, $0xb8;
	[tilespmem:$0x1E000] =	vst v63  }
0x199: {  	_ =	swait.ge [sflag:s8], $0x4000  }
0x19a: {  	[sflag:s8] =	ssyncset.done $0x0  }
0x19b: {  	s15 =	sadd.s32 $0x380, s15;
	[sflag:s8] =	ssyncadd.s32 $0xFFFFC000  }
0x19c: {  	[tilespmem:s23], [sflag:$0x2] =	stream.indirect.gather [hbm4b:s1+s21], $0x80, s15, s21, $0xb8;
	[tilespmem:$0x1E000] =	vst v63  }
0x19d: {  	_ =	swait.ge [sflag:s24], $0x4000  }
0x19e: {  	[sflag:s24] =	ssyncset.done $0x0  }
0x19f: {  	[sflag:s24] =	ssyncadd.s32 $0xFFFFC000  }
0x1a0: {  	[spmem:s2] =	stream.indirect.scatter.add.f32 [tilespmem:s22], [sflag:$0x4], $0x80, s11, s21, $0xb8;
	[tilespmem:$0x1E000] =	vst v63  }
0x1a1: {  	_ =	swait.ge [sflag:s10], $0x4000  }
0x1a2: {  	[sflag:s10] =	ssyncset.done $0x0  }
0x1a3: {  	[sflag:s10] =	ssyncadd.s32 $0xFFFFC000  }
0x1a4: {  	_ =	swait.ge [sflag:s29], $0x4000  }
0x1a5: {  	[sflag:s29] =	ssyncset.done $0x0  }
0x1a6: {  	[sflag:s29] =	ssyncadd.s32 $0xFFFFC000  }
0x1a7: {  	[spmem:s2] =	stream.indirect.scatter.add.f32 [tilespmem:s23], [sflag:$0x5], $0x80, s12, s21, $0xb8;
	[tilespmem:$0x1E000] =	vst v63  }
0x1a8: {  	_ =	swait.ge [sflag:s31], $0x4000  }
0x1a9: {  	[sflag:s31] =	ssyncset.done $0x0  }
0x1aa: {  	[sflag:s31] =	ssyncadd.s32 $0xFFFFC000  }
0x1ab: {  	_ =	swait.ge [sflag:s8], $0x4000  }
0x1ac: {  	[sflag:s8] =	ssyncset.done $0x0  }
0x1ad: {  	[sflag:s8] =	ssyncadd.s32 $0xFFFFC000  }
0x1ae: {  	s14 =	simm.s32 @p0 $0x7;
	[bflag:$0x0] =	sbarrier.arrive $0xFFFF  }
0x1af: {  	[hbm:s17], [sflag:s7] =	dma.local @p0 [spmem:s25], $0x1000  }
0x1b0: {  	s13 =	sadd.s32 $0x1, s13;
	_ =	swait.ge @p0 [sflag:s14], $0x1000  }
0x1b1: {  	p1 =	sne.s32 s13, s18;
	[sflag:s14] =	ssyncset.done @p0 $0x0  }
0x1b2: {  	s15 =	rddreg [dreg:$0xd];
	[sflag:s14] =	ssyncadd.s32 @p0 $0xFFFFF000;
	s14 =	sshrl.u32 @!p0 s6, $0x3  }
0x1b3: {  	[hbm:s15], [sflag:s7] =	dma.local @!p0 [spmem:s14], $0x2000  }
.Ltmp4:
0x1b4: {  	_ = 	snop;
	(pc) =	sbr.rel @p1 .LBB2_1-.Ltmp4, $4  }
0x1b5: {  	s14 =	simm.s32 @!p0 $0x7  }
0x1b6: {  	_ =	swait.ge @!p0 [sflag:s14], $0x2000  }
0x1b7: {  	[sflag:s14] =	ssyncset.done @!p0 $0x0  }
0x1b8: {  	[sflag:s14] =	ssyncadd.s32 @!p0 $0xFFFFE000  }
0x1b9: {  	_ =	sfence.sel $0x180000  }
0x1ba: {  	[bflag:$0x0] =	sbarrier.arrive $0xFFFF  }
0x1bb: {  	_ =	strace $0x9000004D  }
0x1bc: {  	s0 =	stileid.u32;
	[bflag:$0x2] =	sbarrier.arrive $0xFFFF  }
0x1bd: {  	p0 =	sne.s32 s0, $0x0;
	s0 =	rddreg [dreg:$0x3]  }
0x1be: {  	s0 =	sadd.s32 @!p0 $0x100000, s0  }
0x1bf: {  	[sflag:s0] =	ssyncadd.tile.s32 @!p0 $0x1;
	_ =	shalt  }
.Lfunc_end2:
_tile_overlayer_lowered:
.L_overlay_start_2:
0x1c0: {  	(tag) =	ssettag $0x2  }
0x1c1: {  	s0 =	rddreg [dreg:$0x0];
	s2 =	stileid.u32  }
0x1c2: {  	s1 =	rddreg [dreg:$0x1];
	p0 =	sne.s32 s2, $0x0  }
0x1c3: {  	s3 =	rddreg [dreg:$0x2];
	[bflag:$0x3] =	sbarrier.arrive $0xFFFF;
	s2 =	simm.s32 @!p0 $0x1C07  }
0x1c4: {  	[timem:s3], [sflag:s2] =	dma.local @!p0 [hbm:s0], s1  }
0x1c5: {  	s0 =	simm.s32 @!p0 $0x7  }
0x1c6: {  	_ =	swait.ge @!p0 [sflag:s0], s1  }
0x1c7: {  	s1 =	ssub.s32 @!p0 $0x0, s1;
	[sflag:s0] =	ssyncset.done @!p0 $0x0  }
0x1c8: {  	[sflag:s0] =	ssyncadd.s32 @!p0 s1  }
0x1c9: {  	[bflag:$0x3] =	sbarrier.arrive $0xFFFF  }
0x1ca: {  	_ =	shalt  }

</sc_bundles>
